<compile_context>
chip_gen: v7x
topology: tpu7x:2x2x1
jax: 0.10.2.dev20260603
libtpu: 0.0.44.dev20260713+nightly
codegen_flags: <defaults>
</compile_context>

<pallas_src>
import functools

import jax
import jax.numpy as jnp
from jax import lax
from jax.experimental import pallas as pl
from jax.experimental.pallas import tpu as pltpu
from jax.experimental.pallas import tpu_sc as plsc

N = 10000
E = 320000
F = 128
G = 16
NC = 2
NS = 16
NW = NC * NS
EP = E // NW
K = 128
NCH = EP // K
NCHM = NCH - 2
KT = EP - NCH * K
KA = 80
NCHA = EP // KA
NCHAM = NCHA - 1
RPT = 624
TAIL = N - NS * RPT
RB = 2000
NBLK = N // RB

_mesh = plsc.VectorSubcoreMesh(
    core_axis_name="c", subcore_axis_name="s", num_cores=NC, num_subcores=NS)



@functools.partial(
    pl.kernel,
    out_type=jax.ShapeDtypeStruct((NC, N, 8), jnp.float32),
    mesh=_mesh,
    scratch_types=[
        pltpu.VMEM((4, K), jnp.int32),
        pltpu.VMEM((K, 8), jnp.float32),
        pltpu.VMEM((KT,), jnp.int32),
        pltpu.VMEM_SHARED((N, 8), jnp.float32),
        pltpu.SemaphoreType.DMA,
        pltpu.SemaphoreType.DMA,
        pltpu.SemaphoreType.DMA,
        pltpu.SemaphoreType.DMA,
        pltpu.SemaphoreType.DMA,
        pltpu.SemaphoreType.DMA,
    ],
)
def _sc_degree(dst_hbm, ones_hbm, out_hbm, didx, onesrow, tdidx, sp_deg,
               sdi0, sdi1, sdi2, sdi3, ssc0, ssc1):
    c = lax.axis_index("c")
    s = lax.axis_index("s")
    sdi = (sdi0, sdi1, sdi2, sdi3)
    ssc = (ssc0, ssc1)
    pltpu.sync_copy(ones_hbm.at[pl.ds(s * RPT, RPT)],
                    sp_deg.at[pl.ds(s * RPT, RPT)])

    @pl.when(s == NS - 1)
    def _init_tail():
        pltpu.sync_copy(ones_hbm.at[pl.ds(NS * RPT, TAIL)],
                        sp_deg.at[pl.ds(NS * RPT, TAIL)])

    pltpu.sync_copy(ones_hbm.at[pl.ds(0, K)], onesrow)
    plsc.subcore_barrier()
    base = (c * (E // NC) + s * EP)

    def stage(j, q):
        pltpu.async_copy(dst_hbm.at[pl.ds(base + j * K, K)], didx.at[q],
                         sdi[q])

    def wait_stage(q):
        pltpu.make_async_copy(dst_hbm.at[pl.ds(base, K)], didx.at[q],
                              sdi[q]).wait()

    def scat(q, e):
        pltpu.async_copy(onesrow, sp_deg.at[didx.at[q]], ssc[e], add=True)

    def wait_scat(q, e):
        pltpu.make_async_copy(onesrow, sp_deg.at[didx.at[q]], ssc[e]).wait()

    for q in range(3):
        stage(q, q)

    def body4(g, carry):
        for b in range(4):
            j = 4 * g + b
            wait_stage(b)
            scat(b, b % 2)
            if b == 0:
                @pl.when(j >= 1)
                def _drain_prev():
                    wait_scat(3, 1)
            else:
                wait_scat(b - 1, (b - 1) % 2)
            if b == 3:
                @pl.when(j + 3 < NCH)
                def _stage_next():
                    stage(j + 3, 2)
            else:
                stage(j + 3, (b + 3) % 4)
        return carry

    lax.fori_loop(0, NCHM // 4, body4, 0)
    wait_stage(0)
    scat(0, 0)
    wait_scat(3, 1)
    wait_stage(1)
    scat(1, 1)
    wait_scat(0, 0)
    wait_scat(1, 1)
    pltpu.sync_copy(dst_hbm.at[pl.ds(base + NCH * K, KT)], tdidx)
    pltpu.sync_copy(onesrow.at[pl.ds(0, KT)], sp_deg.at[tdidx], add=True)
    plsc.subcore_barrier()
    pltpu.sync_copy(sp_deg.at[pl.ds(s * RPT, RPT)],
                    out_hbm.at[c, pl.ds(s * RPT, RPT)])

    @pl.when(s == NS - 1)
    def _out_tail():
        pltpu.sync_copy(sp_deg.at[pl.ds(NS * RPT, TAIL)],
                        out_hbm.at[c, pl.ds(NS * RPT, TAIL)])


@functools.partial(
    pl.kernel,
    out_type=jax.ShapeDtypeStruct((NC, N, F), jnp.float32),
    mesh=_mesh,
    scratch_types=[
        pltpu.VMEM((4, KA), jnp.int32),
        pltpu.VMEM((4, KA), jnp.int32),
        pltpu.VMEM((4, KA, F), jnp.float32),
        pltpu.VMEM_SHARED((N, F), jnp.float32),
        pltpu.SemaphoreType.DMA,
        pltpu.SemaphoreType.DMA,
        pltpu.SemaphoreType.DMA,
        pltpu.SemaphoreType.DMA,
        pltpu.SemaphoreType.DMA,
        pltpu.SemaphoreType.DMA,
        pltpu.SemaphoreType.DMA,
        pltpu.SemaphoreType.DMA,
        pltpu.SemaphoreType.DMA,
        pltpu.SemaphoreType.DMA,
        pltpu.SemaphoreType.DMA,
        pltpu.SemaphoreType.DMA,
        pltpu.SemaphoreType.DMA,
        pltpu.SemaphoreType.DMA,
    ],
)
def _sc_aggregate(hs_hbm, src_hbm, dst_hbm, out_hbm, sidx, didx, rows,
                  sp_agg,
                  ssi0, ssi1, ssi2, ssi3, sdi0, sdi1, sdi2, sdi3,
                  sg0, sg1, sg2, sg3, ss0, ss1):
    c = lax.axis_index("c")
    s = lax.axis_index("s")
    ssi = (ssi0, ssi1, ssi2, ssi3)
    sdi = (sdi0, sdi1, sdi2, sdi3)
    sg = (sg0, sg1, sg2, sg3)
    ss = (ss0, ss1)
    pltpu.sync_copy(hs_hbm.at[pl.ds(s * RPT, RPT)],
                    sp_agg.at[pl.ds(s * RPT, RPT)])

    @pl.when(s == NS - 1)
    def _init_tail():
        pltpu.sync_copy(hs_hbm.at[pl.ds(NS * RPT, TAIL)],
                        sp_agg.at[pl.ds(NS * RPT, TAIL)])

    plsc.subcore_barrier()
    base = (c * (E // NC) + s * EP)

    def stage_s(j, p):
        pltpu.async_copy(src_hbm.at[pl.ds(base + j * KA, KA)], sidx.at[p],
                         ssi[p])

    def wait_s(p):
        pltpu.make_async_copy(src_hbm.at[pl.ds(base, KA)], sidx.at[p],
                              ssi[p]).wait()

    def stage_d(j, q):
        pltpu.async_copy(dst_hbm.at[pl.ds(base + j * KA, KA)], didx.at[q],
                         sdi[q])

    def wait_d(q):
        pltpu.make_async_copy(dst_hbm.at[pl.ds(base, KA)], didx.at[q],
                              sdi[q]).wait()

    def gat(p):
        pltpu.async_copy(hs_hbm.at[sidx.at[p]], rows.at[p], sg[p])

    def wait_g(p):
        pltpu.make_async_copy(hs_hbm.at[sidx.at[p]], rows.at[p],
                              sg[p]).wait()

    def scat(p, q, e):
        pltpu.async_copy(rows.at[p], sp_agg.at[didx.at[q]], ss[e], add=True)

    def wait_sc(e):
        pltpu.make_async_copy(rows.at[0], sp_agg.at[didx.at[0]],
                              ss[e]).wait()

    for q in range(4):
        stage_s(q, q)
    for q in range(3):
        stage_d(q, q)
    for q in range(3):
        wait_s(q)
        gat(q)

    def body4(g, carry):
        for b in range(4):
            j = 4 * g + b
            bp = (b + 3) % 4
            e = b % 2
            oe = 1 - e
            wait_g(b)
            wait_d(b)
            scat(b, b, e)
            if b == 0:
                @pl.when(j >= 1)
                def _drain_prev():
                    wait_sc(oe)
            else:
                wait_sc(oe)
            if b >= 1:
                @pl.when(j + 4 < NCHA)
                def _stage_s_next():
                    stage_s(j + 4, b)
            else:
                stage_s(j + 4, b)
            if b >= 2:
                @pl.when(j + 3 < NCHA)
                def _next_gather():
                    stage_d(j + 3, bp)
                    wait_s(bp)
                    gat(bp)
            else:
                stage_d(j + 3, bp)
                wait_s(bp)
                gat(bp)
        return carry

    lax.fori_loop(0, NCHAM // 4, body4, 0)
    wait_g(0)
    wait_d(0)
    scat(0, 0, 0)
    wait_sc(1)
    wait_sc(0)
    plsc.subcore_barrier()
    pltpu.sync_copy(sp_agg.at[pl.ds(s * RPT, RPT)],
                    out_hbm.at[c, pl.ds(s * RPT, RPT)])

    @pl.when(s == NS - 1)
    def _out_tail():
        pltpu.sync_copy(sp_agg.at[pl.ds(NS * RPT, TAIL)],
                        out_hbm.at[c, pl.ds(NS * RPT, TAIL)])



def _dinv_block(d0, d1):
    return lax.rsqrt(d0[:, :1] + d1[:, :1] - 1.0)


def _tc_first_body(x_ref, w_ref, d0_ref, d1_ref, o_ref):
    dv = _dinv_block(d0_ref[...], d1_ref[...])
    h = jnp.dot(x_ref[...], w_ref[...], preferred_element_type=jnp.float32)
    o_ref[...] = h * dv


def _tc_first(x, W1, degf):
    return pl.pallas_call(
        _tc_first_body,
        grid=(NBLK,),
        in_specs=[
            pl.BlockSpec((RB, F), lambda i: (i, 0)),
            pl.BlockSpec((F, F), lambda i: (0, 0)),
            pl.BlockSpec((RB, 8), lambda i: (i, 0)),
            pl.BlockSpec((RB, 8), lambda i: (i + NBLK, 0)),
        ],
        out_specs=pl.BlockSpec((RB, F), lambda i: (i, 0)),
        out_shape=jax.ShapeDtypeStruct((N, F), jnp.float32),
    )(x, W1, degf, degf)


def _tc_mid_body(a0_ref, a1_ref, hs_ref, d0_ref, d1_ref, b_ref, w_ref, o_ref):
    dv = _dinv_block(d0_ref[...], d1_ref[...])
    hs = hs_ref[...]
    z = jax.nn.relu(dv * (a0_ref[...] + a1_ref[...] - hs) + b_ref[...])
    o_ref[...] = jnp.dot(z, w_ref[...], preferred_element_type=jnp.float32) * dv


def _tc_mid(aggf, hs, degf, b, W):
    return pl.pallas_call(
        _tc_mid_body,
        grid=(NBLK,),
        in_specs=[
            pl.BlockSpec((RB, F), lambda i: (i, 0)),
            pl.BlockSpec((RB, F), lambda i: (i + NBLK, 0)),
            pl.BlockSpec((RB, F), lambda i: (i, 0)),
            pl.BlockSpec((RB, 8), lambda i: (i, 0)),
            pl.BlockSpec((RB, 8), lambda i: (i + NBLK, 0)),
            pl.BlockSpec((1, F), lambda i: (0, 0)),
            pl.BlockSpec((F, F), lambda i: (0, 0)),
        ],
        out_specs=pl.BlockSpec((RB, F), lambda i: (i, 0)),
        out_shape=jax.ShapeDtypeStruct((N, F), jnp.float32),
    )(aggf, aggf, hs, degf, degf, b, W)


def _tc_final_body(a0_ref, a1_ref, hs_ref, d0_ref, d1_ref, b_ref, bt_ref,
                   lw_ref, lb_ref, o_ref, acc, cnt):
    i = pl.program_id(0)

    @pl.when(i == 0)
    def _init():
        acc[...] = jnp.zeros_like(acc)
        cnt[...] = jnp.zeros_like(cnt)

    dv = _dinv_block(d0_ref[...], d1_ref[...])
    hs = hs_ref[...]
    z = jax.nn.relu(dv * (a0_ref[...] + a1_ref[...] - hs) + b_ref[...])
    bt = bt_ref[...].reshape(1, RB)
    oh = (lax.broadcasted_iota(jnp.int32, (G, RB), 0) == bt).astype(jnp.float32)
    acc[...] += jnp.dot(oh, z, preferred_element_type=jnp.float32)
    cnt[...] += jnp.broadcast_to(jnp.sum(oh, axis=1, keepdims=True), (G, F))

    @pl.when(i == NBLK - 1)
    def _fin():
        pooled = acc[...] / jnp.maximum(cnt[...], 1.0)
        o_ref[...] = jnp.dot(pooled, lw_ref[...],
                             preferred_element_type=jnp.float32) + lb_ref[...]


def _tc_final(aggf, hs, degf, b, batch2d, linW, linb2d):
    C = linW.shape[1]
    return pl.pallas_call(
        _tc_final_body,
        grid=(NBLK,),
        in_specs=[
            pl.BlockSpec((RB, F), lambda i: (i, 0)),
            pl.BlockSpec((RB, F), lambda i: (i + NBLK, 0)),
            pl.BlockSpec((RB, F), lambda i: (i, 0)),
            pl.BlockSpec((RB, 8), lambda i: (i, 0)),
            pl.BlockSpec((RB, 8), lambda i: (i + NBLK, 0)),
            pl.BlockSpec((1, F), lambda i: (0, 0)),
            pl.BlockSpec((RB, 1), lambda i: (i, 0)),
            pl.BlockSpec((F, C), lambda i: (0, 0)),
            pl.BlockSpec((1, C), lambda i: (0, 0)),
        ],
        out_specs=pl.BlockSpec((G, C), lambda i: (0, 0)),
        out_shape=jax.ShapeDtypeStruct((G, C), jnp.float32),
        scratch_shapes=[
            pltpu.VMEM((G, F), jnp.float32),
            pltpu.VMEM((G, F), jnp.float32),
        ],
    )(aggf, aggf, hs, degf, degf, b, batch2d, linW, linb2d)



def kernel(x, edge_index, batch, W1, b1, W2, b2, linW, linb):
    src = edge_index[0]
    dst = edge_index[1]
    ones = jnp.ones((N, 8), jnp.float32)

    degf = _sc_degree(dst, ones).reshape(NC * N, 8)
    hs1 = _tc_first(x, W1, degf)
    agg1 = _sc_aggregate(hs1, src, dst).reshape(NC * N, F)
    hs2 = _tc_mid(agg1, hs1, degf, b1.reshape(1, F), W2)
    agg2 = _sc_aggregate(hs2, src, dst).reshape(NC * N, F)
    return _tc_final(agg2, hs2, degf, b2.reshape(1, F),
                     batch.reshape(N, 1), linW, linb.reshape(1, linb.shape[0]))

# --- scband reference (transcript-rebuilt; emitter-appended) ---
"""Pipeline reference for scband-block-gnn-85469849190401 (READ-ONLY COPY).

The authoritative reference and input builder live on the scoring server;
editing this copy changes nothing except your own understanding.
"""

import jax, jax.numpy as jnp
import numpy as np

N = 10000
E = 320000
D = 128
H = 128
C = 40
G = 16


def setup_inputs(seed: int = 0) -> dict:
    key = jax.random.key(seed)
    ks = jax.random.split(key, 10)
    x = jax.random.normal(ks[0], (N, D), dtype=jnp.float32)
    edge_index = jax.random.randint(ks[1], (2, E), 0, N, dtype=jnp.int32)
    batch = jnp.sort(jax.random.randint(ks[2], (N,), 0, G, dtype=jnp.int32))
    W1 = jax.random.normal(ks[3], (D, H), dtype=jnp.float32) * 0.05
    b1 = jnp.zeros((H,), dtype=jnp.float32)
    W2 = jax.random.normal(ks[4], (H, H), dtype=jnp.float32) * 0.05
    b2 = jnp.zeros((H,), dtype=jnp.float32)
    linW = jax.random.normal(ks[5], (H, C), dtype=jnp.float32) * 0.05
    linb = jnp.zeros((C,), dtype=jnp.float32)
    return {"x": x, "edge_index": edge_index, "batch": batch,
            "W1": W1, "b1": b1, "W2": W2, "b2": b2,
            "linW": linW, "linb": linb}


def _gcn_conv(x, edge_index, W, b):
    # GCNConv with symmetric normalization and self-loops (PyG default)
    n = x.shape[0]
    loop = jnp.arange(n, dtype=edge_index.dtype)
    src = jnp.concatenate([edge_index[0], loop])
    dst = jnp.concatenate([edge_index[1], loop])
    deg = jnp.zeros((n,), x.dtype).at[dst].add(1.0)
    dinv = jnp.where(deg > 0, jax.lax.rsqrt(jnp.maximum(deg, 1e-12)), 0.0)
    norm = dinv[src] * dinv[dst]
    h = x @ W
    msg = h[src] * norm[:, None]
    out = jnp.zeros((n, W.shape[1]), x.dtype).at[dst].add(msg)
    return out + b


def reference(x, edge_index, batch, W1, b1, W2, b2, linW, linb):
    # to_hidden GCNConv + relu
    h = jax.nn.relu(_gcn_conv(x, edge_index, W1, b1))
    # one hidden-layer GCNConv + relu (hidden_layer=[0])
    h = jax.nn.relu(_gcn_conv(h, edge_index, W2, b2))
    # global_mean_pool over graph ids in `batch`
    sums = jax.ops.segment_sum(h, batch, num_segments=G)
    counts = jax.ops.segment_sum(jnp.ones((h.shape[0],), h.dtype), batch, num_segments=G)
    pooled = sums / jnp.maximum(counts, 1.0)[:, None]
    # dropout is identity in eval mode
    return pooled @ linW + linb

if __name__ == "__main__":
    import jax
    _d = setup_inputs()
    print(jax.jit(kernel)(*tuple(_d.values())))

</pallas_src>

<mosaic_0001>
#map = affine_map<(d0, d1) -> (0)>
#map1 = affine_map<(d0, d1) -> (0, 0)>
#map2 = affine_map<(d0, d1) -> (0, 0, 0)>
module attributes {stable_mosaic.version = 14 : i64} {
  func.func @_sc_degree(%arg0: i32, %arg1: i32, %arg2: memref<320000xi32, #tpu.memory_space<hbm>>, %arg3: memref<10000x8xf32, #tpu.memory_space<hbm>>, %arg4: memref<2x10000x8xf32, #tpu.memory_space<hbm>>, %arg5: memref<4x128xi32, #tpu.memory_space<vmem>>, %arg6: memref<128x8xf32, #tpu.memory_space<vmem>>, %arg7: memref<16xi32, #tpu.memory_space<vmem>>, %arg8: memref<10000x8xf32, #tpu.memory_space<vmem_shared>>, %arg9: memref<!tpu.dma_semaphore, #tpu.memory_space<semaphore_mem>>, %arg10: memref<!tpu.dma_semaphore, #tpu.memory_space<semaphore_mem>>, %arg11: memref<!tpu.dma_semaphore, #tpu.memory_space<semaphore_mem>>, %arg12: memref<!tpu.dma_semaphore, #tpu.memory_space<semaphore_mem>>, %arg13: memref<!tpu.dma_semaphore, #tpu.memory_space<semaphore_mem>>, %arg14: memref<!tpu.dma_semaphore, #tpu.memory_space<semaphore_mem>>) attributes {dimension_semantics = [#tpu.dimension_semantics<core_parallel>, #tpu.dimension_semantics<subcore_parallel>], iteration_bounds = array<i64: 2, 16>, scalar_prefetch = 0 : i64, scratch_operands = 10 : i64, tpu.core_type = #tpu.core_type<sc_vector_subcore>, window_params = [{transform_indices = #map}, {transform_indices = #map1}, {transform_indices = #map2}]} {
    %mul3A = arith.constant 624 : i32
    %mul3A_0 = arith.muli %arg1, %mul3A : i32
    %mul3A_1 = arith.constant 624 : i32
    %mul3A_2 = arith.muli %arg1, %mul3A_1 : i32
    "tpu.region"() ({
      %run_scoped3A = tpu.sem_alloc : memref<!tpu.dma_semaphore, #tpu.memory_space<semaphore_mem>>
      %dma_start3A_110 = arith.constant 0 : i32
      %dma_start3A_111 = tpu.memref_slice %arg8[%mul3A_2, %dma_start3A_110] : memref<10000x8xf32, #tpu.memory_space<vmem_shared>> -> memref<624x8xf32, #tpu.memory_space<vmem_shared>>
      %dma_start3A_112 = arith.constant 0 : i32
      %dma_start3A_113 = tpu.memref_slice %arg3[%mul3A_0, %dma_start3A_112] : memref<10000x8xf32, #tpu.memory_space<hbm>> -> memref<624x8xf32, #tpu.memory_space<hbm>>
      tpu.enqueue_dma source(%dma_start3A_113 : memref<624x8xf32, #tpu.memory_space<hbm>>) target(%dma_start3A_111 : memref<624x8xf32, #tpu.memory_space<vmem_shared>>) target_semaphore(%run_scoped3A : memref<!tpu.dma_semaphore, #tpu.memory_space<semaphore_mem>>)
      %dma_wait3A_114 = arith.constant 0 : i32
      %dma_wait3A_115 = tpu.memref_slice %arg8[%mul3A_2, %dma_wait3A_114] : memref<10000x8xf32, #tpu.memory_space<vmem_shared>> -> memref<624x8xf32, #tpu.memory_space<vmem_shared>>
      %dma_wait3A_116 = arith.constant 0 : i32
      %dma_wait3A_117 = tpu.memref_slice %arg3[%mul3A_0, %dma_wait3A_116] : memref<10000x8xf32, #tpu.memory_space<hbm>> -> memref<624x8xf32, #tpu.memory_space<hbm>>
      tpu.wait_dma2 semaphore(%run_scoped3A : memref<!tpu.dma_semaphore, #tpu.memory_space<semaphore_mem>>) src(%dma_wait3A_117 : memref<624x8xf32, #tpu.memory_space<hbm>>) dst(%dma_wait3A_115 : memref<624x8xf32, #tpu.memory_space<vmem_shared>>)
      tpu.yield
    }) : () -> ()
    %eq3A = arith.constant 15 : i32
    %eq3A_3 = arith.cmpi eq, %arg1, %eq3A : i32
    %convert_element_type3A = arith.extui %eq3A_3 : i1 to i32
    %cond3A = arith.constant 0 : i32
    %cond3A_4 = arith.cmpi ne, %convert_element_type3A, %cond3A : i32
    scf.if %cond3A_4 {
      "tpu.region"() ({
        %run_scoped3A = tpu.sem_alloc : memref<!tpu.dma_semaphore, #tpu.memory_space<semaphore_mem>>
        %dma_start3A_110 = arith.constant 9984 : i32
        %dma_start3A_111 = arith.constant 0 : i32
        %dma_start3A_112 = tpu.memref_slice %arg8[%dma_start3A_110, %dma_start3A_111] : memref<10000x8xf32, #tpu.memory_space<vmem_shared>> -> memref<16x8xf32, #tpu.memory_space<vmem_shared>>
        %dma_start3A_113 = arith.constant 9984 : i32
        %dma_start3A_114 = arith.constant 0 : i32
        %dma_start3A_115 = tpu.memref_slice %arg3[%dma_start3A_113, %dma_start3A_114] : memref<10000x8xf32, #tpu.memory_space<hbm>> -> memref<16x8xf32, #tpu.memory_space<hbm>>
        tpu.enqueue_dma source(%dma_start3A_115 : memref<16x8xf32, #tpu.memory_space<hbm>>) target(%dma_start3A_112 : memref<16x8xf32, #tpu.memory_space<vmem_shared>>) target_semaphore(%run_scoped3A : memref<!tpu.dma_semaphore, #tpu.memory_space<semaphore_mem>>)
        %dma_wait3A_116 = arith.constant 9984 : i32
        %dma_wait3A_117 = arith.constant 0 : i32
        %dma_wait3A_118 = tpu.memref_slice %arg8[%dma_wait3A_116, %dma_wait3A_117] : memref<10000x8xf32, #tpu.memory_space<vmem_shared>> -> memref<16x8xf32, #tpu.memory_space<vmem_shared>>
        %dma_wait3A_119 = arith.constant 9984 : i32
        %dma_wait3A_120 = arith.constant 0 : i32
        %dma_wait3A_121 = tpu.memref_slice %arg3[%dma_wait3A_119, %dma_wait3A_120] : memref<10000x8xf32, #tpu.memory_space<hbm>> -> memref<16x8xf32, #tpu.memory_space<hbm>>
        tpu.wait_dma2 semaphore(%run_scoped3A : memref<!tpu.dma_semaphore, #tpu.memory_space<semaphore_mem>>) src(%dma_wait3A_121 : memref<16x8xf32, #tpu.memory_space<hbm>>) dst(%dma_wait3A_118 : memref<16x8xf32, #tpu.memory_space<vmem_shared>>)
        tpu.yield
      }) : () -> ()
    } else {
    }
    "tpu.region"() ({
      %run_scoped3A = tpu.sem_alloc : memref<!tpu.dma_semaphore, #tpu.memory_space<semaphore_mem>>
      %dma_start3A_110 = arith.constant 0 : i32
      %dma_start3A_111 = arith.constant 0 : i32
      %dma_start3A_112 = tpu.memref_slice %arg3[%dma_start3A_110, %dma_start3A_111] : memref<10000x8xf32, #tpu.memory_space<hbm>> -> memref<128x8xf32, #tpu.memory_space<hbm>>
      %dma_start3A_113 = arith.constant 0 : i32
      %dma_start3A_114 = arith.constant 0 : i32
      %dma_start3A_115 = tpu.memref_slice %arg3[%dma_start3A_113, %dma_start3A_114] : memref<10000x8xf32, #tpu.memory_space<hbm>> -> memref<128x8xf32, #tpu.memory_space<hbm>>
      tpu.enqueue_dma source(%dma_start3A_115 : memref<128x8xf32, #tpu.memory_space<hbm>>) target(%arg6 : memref<128x8xf32, #tpu.memory_space<vmem>>) target_semaphore(%run_scoped3A : memref<!tpu.dma_semaphore, #tpu.memory_space<semaphore_mem>>)
      %dma_wait3A_116 = arith.constant 0 : i32
      %dma_wait3A_117 = arith.constant 0 : i32
      %dma_wait3A_118 = tpu.memref_slice %arg3[%dma_wait3A_116, %dma_wait3A_117] : memref<10000x8xf32, #tpu.memory_space<hbm>> -> memref<128x8xf32, #tpu.memory_space<hbm>>
      %dma_wait3A_119 = arith.constant 0 : i32
      %dma_wait3A_120 = arith.constant 0 : i32
      %dma_wait3A_121 = tpu.memref_slice %arg3[%dma_wait3A_119, %dma_wait3A_120] : memref<10000x8xf32, #tpu.memory_space<hbm>> -> memref<128x8xf32, #tpu.memory_space<hbm>>
      tpu.wait_dma2 semaphore(%run_scoped3A : memref<!tpu.dma_semaphore, #tpu.memory_space<semaphore_mem>>) src(%dma_wait3A_121 : memref<128x8xf32, #tpu.memory_space<hbm>>) dst(%arg6 : memref<128x8xf32, #tpu.memory_space<vmem>>)
      tpu.yield
    }) : () -> ()
    %barrier3A = arith.constant 0 : index
    tpu.barrier barrier_id(%barrier3A)
    %mul3A_5 = arith.constant 160000 : i32
    %mul3A_6 = arith.muli %arg0, %mul3A_5 : i32
    %mul3A_7 = arith.constant 10000 : i32
    %mul3A_8 = arith.muli %arg1, %mul3A_7 : i32
    %add3A = arith.addi %mul3A_6, %mul3A_8 : i32
    %add3A_9 = arith.constant 0 : i32
    %add3A_10 = arith.addi %add3A, %add3A_9 : i32
    %dma_start3A = arith.constant 0 : i32
    %dma_start3A_11 = arith.constant 0 : i32
    %dma_start3A_12 = tpu.memref_slice %arg5[%dma_start3A, %dma_start3A_11] : memref<4x128xi32, #tpu.memory_space<vmem>> -> memref<1x128xi32, #tpu.memory_space<vmem>>
    %dma_start3A_13 = tpu.memref_squeeze %dma_start3A_12 : memref<1x128xi32, #tpu.memory_space<vmem>> -> memref<128xi32, #tpu.memory_space<vmem>>
    %dma_start3A_14 = tpu.memref_slice %arg2[%add3A_10] : memref<320000xi32, #tpu.memory_space<hbm>> -> memref<128xi32, #tpu.memory_space<hbm>>
    %dma_start3A_15 = arith.constant 0 : i32
    %dma_start3A_16 = tpu.memref_slice %arg5[%dma_start3A, %dma_start3A_15] : memref<4x128xi32, #tpu.memory_space<vmem>> -> memref<1x128xi32, #tpu.memory_space<vmem>>
    %dma_start3A_17 = tpu.memref_squeeze %dma_start3A_16 : memref<1x128xi32, #tpu.memory_space<vmem>> -> memref<128xi32, #tpu.memory_space<vmem>>
    %dma_start3A_18 = tpu.memref_slice %arg2[%add3A_10] : memref<320000xi32, #tpu.memory_space<hbm>> -> memref<128xi32, #tpu.memory_space<hbm>>
    tpu.enqueue_dma source(%dma_start3A_18 : memref<128xi32, #tpu.memory_space<hbm>>) target(%dma_start3A_17 : memref<128xi32, #tpu.memory_space<vmem>>) target_semaphore(%arg9 : memref<!tpu.dma_semaphore, #tpu.memory_space<semaphore_mem>>)
    %add3A_19 = arith.constant 128 : i32
    %add3A_20 = arith.addi %add3A, %add3A_19 : i32
    %dma_start3A_21 = arith.constant 1 : i32
    %dma_start3A_22 = arith.constant 0 : i32
    %dma_start3A_23 = tpu.memref_slice %arg5[%dma_start3A_21, %dma_start3A_22] : memref<4x128xi32, #tpu.memory_space<vmem>> -> memref<1x128xi32, #tpu.memory_space<vmem>>
    %dma_start3A_24 = tpu.memref_squeeze %dma_start3A_23 : memref<1x128xi32, #tpu.memory_space<vmem>> -> memref<128xi32, #tpu.memory_space<vmem>>
    %dma_start3A_25 = tpu.memref_slice %arg2[%add3A_20] : memref<320000xi32, #tpu.memory_space<hbm>> -> memref<128xi32, #tpu.memory_space<hbm>>
    %dma_start3A_26 = arith.constant 0 : i32
    %dma_start3A_27 = tpu.memref_slice %arg5[%dma_start3A_21, %dma_start3A_26] : memref<4x128xi32, #tpu.memory_space<vmem>> -> memref<1x128xi32, #tpu.memory_space<vmem>>
    %dma_start3A_28 = tpu.memref_squeeze %dma_start3A_27 : memref<1x128xi32, #tpu.memory_space<vmem>> -> memref<128xi32, #tpu.memory_space<vmem>>
    %dma_start3A_29 = tpu.memref_slice %arg2[%add3A_20] : memref<320000xi32, #tpu.memory_space<hbm>> -> memref<128xi32, #tpu.memory_space<hbm>>
    tpu.enqueue_dma source(%dma_start3A_29 : memref<128xi32, #tpu.memory_space<hbm>>) target(%dma_start3A_28 : memref<128xi32, #tpu.memory_space<vmem>>) target_semaphore(%arg10 : memref<!tpu.dma_semaphore, #tpu.memory_space<semaphore_mem>>)
    %add3A_30 = arith.constant 256 : i32
    %add3A_31 = arith.addi %add3A, %add3A_30 : i32
    %dma_start3A_32 = arith.constant 2 : i32
    %dma_start3A_33 = arith.constant 0 : i32
    %dma_start3A_34 = tpu.memref_slice %arg5[%dma_start3A_32, %dma_start3A_33] : memref<4x128xi32, #tpu.memory_space<vmem>> -> memref<1x128xi32, #tpu.memory_space<vmem>>
    %dma_start3A_35 = tpu.memref_squeeze %dma_start3A_34 : memref<1x128xi32, #tpu.memory_space<vmem>> -> memref<128xi32, #tpu.memory_space<vmem>>
    %dma_start3A_36 = tpu.memref_slice %arg2[%add3A_31] : memref<320000xi32, #tpu.memory_space<hbm>> -> memref<128xi32, #tpu.memory_space<hbm>>
    %dma_start3A_37 = arith.constant 0 : i32
    %dma_start3A_38 = tpu.memref_slice %arg5[%dma_start3A_32, %dma_start3A_37] : memref<4x128xi32, #tpu.memory_space<vmem>> -> memref<1x128xi32, #tpu.memory_space<vmem>>
    %dma_start3A_39 = tpu.memref_squeeze %dma_start3A_38 : memref<1x128xi32, #tpu.memory_space<vmem>> -> memref<128xi32, #tpu.memory_space<vmem>>
    %dma_start3A_40 = tpu.memref_slice %arg2[%add3A_31] : memref<320000xi32, #tpu.memory_space<hbm>> -> memref<128xi32, #tpu.memory_space<hbm>>
    tpu.enqueue_dma source(%dma_start3A_40 : memref<128xi32, #tpu.memory_space<hbm>>) target(%dma_start3A_39 : memref<128xi32, #tpu.memory_space<vmem>>) target_semaphore(%arg11 : memref<!tpu.dma_semaphore, #tpu.memory_space<semaphore_mem>>)
    %scan3A = arith.constant 0 : i32
    %scan3A_41 = arith.constant 0 : i32
    %scan3A_42 = arith.constant 19 : i32
    %scan3A_43 = arith.addi %scan3A_41, %scan3A_42 : i32
    %scan3A_44 = arith.constant 1 : i32
    scf.for %scan3A_110 = %scan3A_41 to %scan3A_43 step %scan3A_44  : i32 {
      %mul3A_111 = arith.constant 4 : i32
      %mul3A_112 = arith.muli %mul3A_111, %scan3A_110 : i32
      %add3A_113 = arith.constant 0 : i32
      %add3A_114 = arith.addi %mul3A_112, %add3A_113 : i32
      %dma_wait3A_115 = arith.constant 0 : i32
      %dma_wait3A_116 = arith.constant 0 : i32
      %dma_wait3A_117 = tpu.memref_slice %arg5[%dma_wait3A_115, %dma_wait3A_116] : memref<4x128xi32, #tpu.memory_space<vmem>> -> memref<1x128xi32, #tpu.memory_space<vmem>>
      %dma_wait3A_118 = tpu.memref_squeeze %dma_wait3A_117 : memref<1x128xi32, #tpu.memory_space<vmem>> -> memref<128xi32, #tpu.memory_space<vmem>>
      %dma_wait3A_119 = tpu.memref_slice %arg2[%add3A] : memref<320000xi32, #tpu.memory_space<hbm>> -> memref<128xi32, #tpu.memory_space<hbm>>
      %dma_wait3A_120 = arith.constant 0 : i32
      %dma_wait3A_121 = tpu.memref_slice %arg5[%dma_wait3A_115, %dma_wait3A_120] : memref<4x128xi32, #tpu.memory_space<vmem>> -> memref<1x128xi32, #tpu.memory_space<vmem>>
      %dma_wait3A_122 = tpu.memref_squeeze %dma_wait3A_121 : memref<1x128xi32, #tpu.memory_space<vmem>> -> memref<128xi32, #tpu.memory_space<vmem>>
      %dma_wait3A_123 = tpu.memref_slice %arg2[%add3A] : memref<320000xi32, #tpu.memory_space<hbm>> -> memref<128xi32, #tpu.memory_space<hbm>>
      tpu.wait_dma2 semaphore(%arg9 : memref<!tpu.dma_semaphore, #tpu.memory_space<semaphore_mem>>) src(%dma_wait3A_123 : memref<128xi32, #tpu.memory_space<hbm>>) dst(%dma_wait3A_122 : memref<128xi32, #tpu.memory_space<vmem>>)
      %dma_start3A_124 = arith.constant 0 : i32
      %dma_start3A_125 = arith.constant 0 : i32
      %dma_start3A_126 = tpu.memref_slice %arg5[%dma_start3A_124, %dma_start3A_125] : memref<4x128xi32, #tpu.memory_space<vmem>> -> memref<1x128xi32, #tpu.memory_space<vmem>>
      %dma_start3A_127 = tpu.memref_squeeze %dma_start3A_126 : memref<1x128xi32, #tpu.memory_space<vmem>> -> memref<128xi32, #tpu.memory_space<vmem>>
      %dma_start3A_128 = arith.constant 0 : i32
      %dma_start3A_129 = arith.constant 0 : i32
      %dma_start3A_130 = tpu.memref_slice %arg8[%dma_start3A_128, %dma_start3A_129] : memref<10000x8xf32, #tpu.memory_space<vmem_shared>> -> memref<10000x8xf32, #tpu.memory_space<vmem_shared>>
      tpu.enqueue_indirect_dma source(%arg6 : memref<128x8xf32, #tpu.memory_space<vmem>>) target(%dma_start3A_130 : memref<10000x8xf32, #tpu.memory_space<vmem_shared>>) offsets(%dma_start3A_127 : memref<128xi32, #tpu.memory_space<vmem>>) semaphore(%arg13 : memref<!tpu.dma_semaphore, #tpu.memory_space<semaphore_mem>>) {add = true}
      %ge3A = arith.constant 1 : i32
      %ge3A_131 = arith.cmpi sge, %add3A_114, %ge3A : i32
      %convert_element_type3A_132 = arith.extui %ge3A_131 : i1 to i32
      %cond3A_133 = arith.constant 0 : i32
      %cond3A_134 = arith.cmpi ne, %convert_element_type3A_132, %cond3A_133 : i32
      scf.if %cond3A_134 {
        %dma_wait3A_264 = arith.constant 3 : i32
        %dma_wait3A_265 = arith.constant 0 : i32
        %dma_wait3A_266 = tpu.memref_slice %arg5[%dma_wait3A_264, %dma_wait3A_265] : memref<4x128xi32, #tpu.memory_space<vmem>> -> memref<1x128xi32, #tpu.memory_space<vmem>>
        %dma_wait3A_267 = tpu.memref_squeeze %dma_wait3A_266 : memref<1x128xi32, #tpu.memory_space<vmem>> -> memref<128xi32, #tpu.memory_space<vmem>>
        %dma_wait3A_268 = arith.constant 0 : i32
        %dma_wait3A_269 = arith.constant 0 : i32
        %dma_wait3A_270 = tpu.memref_slice %arg8[%dma_wait3A_268, %dma_wait3A_269] : memref<10000x8xf32, #tpu.memory_space<vmem_shared>> -> memref<10000x8xf32, #tpu.memory_space<vmem_shared>>
        tpu.wait_indirect_dma semaphore(%arg14 : memref<!tpu.dma_semaphore, #tpu.memory_space<semaphore_mem>>) src(%arg6 : memref<128x8xf32, #tpu.memory_space<vmem>>) dst(%dma_wait3A_270 : memref<10000x8xf32, #tpu.memory_space<vmem_shared>>)
      } else {
      }
      %add3A_135 = arith.constant 3 : i32
      %add3A_136 = arith.addi %add3A_114, %add3A_135 : i32
      %mul3A_137 = arith.constant 128 : i32
      %mul3A_138 = arith.muli %add3A_136, %mul3A_137 : i32
      %add3A_139 = arith.addi %add3A, %mul3A_138 : i32
      %dma_start3A_140 = arith.constant 3 : i32
      %dma_start3A_141 = arith.constant 0 : i32
      %dma_start3A_142 = tpu.memref_slice %arg5[%dma_start3A_140, %dma_start3A_141] : memref<4x128xi32, #tpu.memory_space<vmem>> -> memref<1x128xi32, #tpu.memory_space<vmem>>
      %dma_start3A_143 = tpu.memref_squeeze %dma_start3A_142 : memref<1x128xi32, #tpu.memory_space<vmem>> -> memref<128xi32, #tpu.memory_space<vmem>>
      %dma_start3A_144 = tpu.memref_slice %arg2[%add3A_139] : memref<320000xi32, #tpu.memory_space<hbm>> -> memref<128xi32, #tpu.memory_space<hbm>>
      %dma_start3A_145 = arith.constant 0 : i32
      %dma_start3A_146 = tpu.memref_slice %arg5[%dma_start3A_140, %dma_start3A_145] : memref<4x128xi32, #tpu.memory_space<vmem>> -> memref<1x128xi32, #tpu.memory_space<vmem>>
      %dma_start3A_147 = tpu.memref_squeeze %dma_start3A_146 : memref<1x128xi32, #tpu.memory_space<vmem>> -> memref<128xi32, #tpu.memory_space<vmem>>
      %dma_start3A_148 = tpu.memref_slice %arg2[%add3A_139] : memref<320000xi32, #tpu.memory_space<hbm>> -> memref<128xi32, #tpu.memory_space<hbm>>
      tpu.enqueue_dma source(%dma_start3A_148 : memref<128xi32, #tpu.memory_space<hbm>>) target(%dma_start3A_147 : memref<128xi32, #tpu.memory_space<vmem>>) target_semaphore(%arg12 : memref<!tpu.dma_semaphore, #tpu.memory_space<semaphore_mem>>)
      %mul3A_149 = arith.constant 4 : i32
      %mul3A_150 = arith.muli %mul3A_149, %scan3A_110 : i32
      %add3A_151 = arith.constant 1 : i32
      %add3A_152 = arith.addi %mul3A_150, %add3A_151 : i32
      %dma_wait3A_153 = arith.constant 1 : i32
      %dma_wait3A_154 = arith.constant 0 : i32
      %dma_wait3A_155 = tpu.memref_slice %arg5[%dma_wait3A_153, %dma_wait3A_154] : memref<4x128xi32, #tpu.memory_space<vmem>> -> memref<1x128xi32, #tpu.memory_space<vmem>>
      %dma_wait3A_156 = tpu.memref_squeeze %dma_wait3A_155 : memref<1x128xi32, #tpu.memory_space<vmem>> -> memref<128xi32, #tpu.memory_space<vmem>>
      %dma_wait3A_157 = tpu.memref_slice %arg2[%add3A] : memref<320000xi32, #tpu.memory_space<hbm>> -> memref<128xi32, #tpu.memory_space<hbm>>
      %dma_wait3A_158 = arith.constant 0 : i32
      %dma_wait3A_159 = tpu.memref_slice %arg5[%dma_wait3A_153, %dma_wait3A_158] : memref<4x128xi32, #tpu.memory_space<vmem>> -> memref<1x128xi32, #tpu.memory_space<vmem>>
      %dma_wait3A_160 = tpu.memref_squeeze %dma_wait3A_159 : memref<1x128xi32, #tpu.memory_space<vmem>> -> memref<128xi32, #tpu.memory_space<vmem>>
      %dma_wait3A_161 = tpu.memref_slice %arg2[%add3A] : memref<320000xi32, #tpu.memory_space<hbm>> -> memref<128xi32, #tpu.memory_space<hbm>>
      tpu.wait_dma2 semaphore(%arg10 : memref<!tpu.dma_semaphore, #tpu.memory_space<semaphore_mem>>) src(%dma_wait3A_161 : memref<128xi32, #tpu.memory_space<hbm>>) dst(%dma_wait3A_160 : memref<128xi32, #tpu.memory_space<vmem>>)
      %dma_start3A_162 = arith.constant 1 : i32
      %dma_start3A_163 = arith.constant 0 : i32
      %dma_start3A_164 = tpu.memref_slice %arg5[%dma_start3A_162, %dma_start3A_163] : memref<4x128xi32, #tpu.memory_space<vmem>> -> memref<1x128xi32, #tpu.memory_space<vmem>>
      %dma_start3A_165 = tpu.memref_squeeze %dma_start3A_164 : memref<1x128xi32, #tpu.memory_space<vmem>> -> memref<128xi32, #tpu.memory_space<vmem>>
      %dma_start3A_166 = arith.constant 0 : i32
      %dma_start3A_167 = arith.constant 0 : i32
      %dma_start3A_168 = tpu.memref_slice %arg8[%dma_start3A_166, %dma_start3A_167] : memref<10000x8xf32, #tpu.memory_space<vmem_shared>> -> memref<10000x8xf32, #tpu.memory_space<vmem_shared>>
      tpu.enqueue_indirect_dma source(%arg6 : memref<128x8xf32, #tpu.memory_space<vmem>>) target(%dma_start3A_168 : memref<10000x8xf32, #tpu.memory_space<vmem_shared>>) offsets(%dma_start3A_165 : memref<128xi32, #tpu.memory_space<vmem>>) semaphore(%arg14 : memref<!tpu.dma_semaphore, #tpu.memory_space<semaphore_mem>>) {add = true}
      %dma_wait3A_169 = arith.constant 0 : i32
      %dma_wait3A_170 = arith.constant 0 : i32
      %dma_wait3A_171 = tpu.memref_slice %arg5[%dma_wait3A_169, %dma_wait3A_170] : memref<4x128xi32, #tpu.memory_space<vmem>> -> memref<1x128xi32, #tpu.memory_space<vmem>>
      %dma_wait3A_172 = tpu.memref_squeeze %dma_wait3A_171 : memref<1x128xi32, #tpu.memory_space<vmem>> -> memref<128xi32, #tpu.memory_space<vmem>>
      %dma_wait3A_173 = arith.constant 0 : i32
      %dma_wait3A_174 = arith.constant 0 : i32
      %dma_wait3A_175 = tpu.memref_slice %arg8[%dma_wait3A_173, %dma_wait3A_174] : memref<10000x8xf32, #tpu.memory_space<vmem_shared>> -> memref<10000x8xf32, #tpu.memory_space<vmem_shared>>
      tpu.wait_indirect_dma semaphore(%arg13 : memref<!tpu.dma_semaphore, #tpu.memory_space<semaphore_mem>>) src(%arg6 : memref<128x8xf32, #tpu.memory_space<vmem>>) dst(%dma_wait3A_175 : memref<10000x8xf32, #tpu.memory_space<vmem_shared>>)
      %add3A_176 = arith.constant 3 : i32
      %add3A_177 = arith.addi %add3A_152, %add3A_176 : i32
      %mul3A_178 = arith.constant 128 : i32
      %mul3A_179 = arith.muli %add3A_177, %mul3A_178 : i32
      %add3A_180 = arith.addi %add3A, %mul3A_179 : i32
      %dma_start3A_181 = arith.constant 0 : i32
      %dma_start3A_182 = arith.constant 0 : i32
      %dma_start3A_183 = tpu.memref_slice %arg5[%dma_start3A_181, %dma_start3A_182] : memref<4x128xi32, #tpu.memory_space<vmem>> -> memref<1x128xi32, #tpu.memory_space<vmem>>
      %dma_start3A_184 = tpu.memref_squeeze %dma_start3A_183 : memref<1x128xi32, #tpu.memory_space<vmem>> -> memref<128xi32, #tpu.memory_space<vmem>>
      %dma_start3A_185 = tpu.memref_slice %arg2[%add3A_180] : memref<320000xi32, #tpu.memory_space<hbm>> -> memref<128xi32, #tpu.memory_space<hbm>>
      %dma_start3A_186 = arith.constant 0 : i32
      %dma_start3A_187 = tpu.memref_slice %arg5[%dma_start3A_181, %dma_start3A_186] : memref<4x128xi32, #tpu.memory_space<vmem>> -> memref<1x128xi32, #tpu.memory_space<vmem>>
      %dma_start3A_188 = tpu.memref_squeeze %dma_start3A_187 : memref<1x128xi32, #tpu.memory_space<vmem>> -> memref<128xi32, #tpu.memory_space<vmem>>
      %dma_start3A_189 = tpu.memref_slice %arg2[%add3A_180] : memref<320000xi32, #tpu.memory_space<hbm>> -> memref<128xi32, #tpu.memory_space<hbm>>
      tpu.enqueue_dma source(%dma_start3A_189 : memref<128xi32, #tpu.memory_space<hbm>>) target(%dma_start3A_188 : memref<128xi32, #tpu.memory_space<vmem>>) target_semaphore(%arg9 : memref<!tpu.dma_semaphore, #tpu.memory_space<semaphore_mem>>)
      %mul3A_190 = arith.constant 4 : i32
      %mul3A_191 = arith.muli %mul3A_190, %scan3A_110 : i32
      %add3A_192 = arith.constant 2 : i32
      %add3A_193 = arith.addi %mul3A_191, %add3A_192 : i32
      %dma_wait3A_194 = arith.constant 2 : i32
      %dma_wait3A_195 = arith.constant 0 : i32
      %dma_wait3A_196 = tpu.memref_slice %arg5[%dma_wait3A_194, %dma_wait3A_195] : memref<4x128xi32, #tpu.memory_space<vmem>> -> memref<1x128xi32, #tpu.memory_space<vmem>>
      %dma_wait3A_197 = tpu.memref_squeeze %dma_wait3A_196 : memref<1x128xi32, #tpu.memory_space<vmem>> -> memref<128xi32, #tpu.memory_space<vmem>>
      %dma_wait3A_198 = tpu.memref_slice %arg2[%add3A] : memref<320000xi32, #tpu.memory_space<hbm>> -> memref<128xi32, #tpu.memory_space<hbm>>
      %dma_wait3A_199 = arith.constant 0 : i32
      %dma_wait3A_200 = tpu.memref_slice %arg5[%dma_wait3A_194, %dma_wait3A_199] : memref<4x128xi32, #tpu.memory_space<vmem>> -> memref<1x128xi32, #tpu.memory_space<vmem>>
      %dma_wait3A_201 = tpu.memref_squeeze %dma_wait3A_200 : memref<1x128xi32, #tpu.memory_space<vmem>> -> memref<128xi32, #tpu.memory_space<vmem>>
      %dma_wait3A_202 = tpu.memref_slice %arg2[%add3A] : memref<320000xi32, #tpu.memory_space<hbm>> -> memref<128xi32, #tpu.memory_space<hbm>>
      tpu.wait_dma2 semaphore(%arg11 : memref<!tpu.dma_semaphore, #tpu.memory_space<semaphore_mem>>) src(%dma_wait3A_202 : memref<128xi32, #tpu.memory_space<hbm>>) dst(%dma_wait3A_201 : memref<128xi32, #tpu.memory_space<vmem>>)
      %dma_start3A_203 = arith.constant 2 : i32
      %dma_start3A_204 = arith.constant 0 : i32
      %dma_start3A_205 = tpu.memref_slice %arg5[%dma_start3A_203, %dma_start3A_204] : memref<4x128xi32, #tpu.memory_space<vmem>> -> memref<1x128xi32, #tpu.memory_space<vmem>>
      %dma_start3A_206 = tpu.memref_squeeze %dma_start3A_205 : memref<1x128xi32, #tpu.memory_space<vmem>> -> memref<128xi32, #tpu.memory_space<vmem>>
      %dma_start3A_207 = arith.constant 0 : i32
      %dma_start3A_208 = arith.constant 0 : i32
      %dma_start3A_209 = tpu.memref_slice %arg8[%dma_start3A_207, %dma_start3A_208] : memref<10000x8xf32, #tpu.memory_space<vmem_shared>> -> memref<10000x8xf32, #tpu.memory_space<vmem_shared>>
      tpu.enqueue_indirect_dma source(%arg6 : memref<128x8xf32, #tpu.memory_space<vmem>>) target(%dma_start3A_209 : memref<10000x8xf32, #tpu.memory_space<vmem_shared>>) offsets(%dma_start3A_206 : memref<128xi32, #tpu.memory_space<vmem>>) semaphore(%arg13 : memref<!tpu.dma_semaphore, #tpu.memory_space<semaphore_mem>>) {add = true}
      %dma_wait3A_210 = arith.constant 1 : i32
      %dma_wait3A_211 = arith.constant 0 : i32
      %dma_wait3A_212 = tpu.memref_slice %arg5[%dma_wait3A_210, %dma_wait3A_211] : memref<4x128xi32, #tpu.memory_space<vmem>> -> memref<1x128xi32, #tpu.memory_space<vmem>>
      %dma_wait3A_213 = tpu.memref_squeeze %dma_wait3A_212 : memref<1x128xi32, #tpu.memory_space<vmem>> -> memref<128xi32, #tpu.memory_space<vmem>>
      %dma_wait3A_214 = arith.constant 0 : i32
      %dma_wait3A_215 = arith.constant 0 : i32
      %dma_wait3A_216 = tpu.memref_slice %arg8[%dma_wait3A_214, %dma_wait3A_215] : memref<10000x8xf32, #tpu.memory_space<vmem_shared>> -> memref<10000x8xf32, #tpu.memory_space<vmem_shared>>
      tpu.wait_indirect_dma semaphore(%arg14 : memref<!tpu.dma_semaphore, #tpu.memory_space<semaphore_mem>>) src(%arg6 : memref<128x8xf32, #tpu.memory_space<vmem>>) dst(%dma_wait3A_216 : memref<10000x8xf32, #tpu.memory_space<vmem_shared>>)
      %add3A_217 = arith.constant 3 : i32
      %add3A_218 = arith.addi %add3A_193, %add3A_217 : i32
      %mul3A_219 = arith.constant 128 : i32
      %mul3A_220 = arith.muli %add3A_218, %mul3A_219 : i32
      %add3A_221 = arith.addi %add3A, %mul3A_220 : i32
      %dma_start3A_222 = arith.constant 1 : i32
      %dma_start3A_223 = arith.constant 0 : i32
      %dma_start3A_224 = tpu.memref_slice %arg5[%dma_start3A_222, %dma_start3A_223] : memref<4x128xi32, #tpu.memory_space<vmem>> -> memref<1x128xi32, #tpu.memory_space<vmem>>
      %dma_start3A_225 = tpu.memref_squeeze %dma_start3A_224 : memref<1x128xi32, #tpu.memory_space<vmem>> -> memref<128xi32, #tpu.memory_space<vmem>>
      %dma_start3A_226 = tpu.memref_slice %arg2[%add3A_221] : memref<320000xi32, #tpu.memory_space<hbm>> -> memref<128xi32, #tpu.memory_space<hbm>>
      %dma_start3A_227 = arith.constant 0 : i32
      %dma_start3A_228 = tpu.memref_slice %arg5[%dma_start3A_222, %dma_start3A_227] : memref<4x128xi32, #tpu.memory_space<vmem>> -> memref<1x128xi32, #tpu.memory_space<vmem>>
      %dma_start3A_229 = tpu.memref_squeeze %dma_start3A_228 : memref<1x128xi32, #tpu.memory_space<vmem>> -> memref<128xi32, #tpu.memory_space<vmem>>
      %dma_start3A_230 = tpu.memref_slice %arg2[%add3A_221] : memref<320000xi32, #tpu.memory_space<hbm>> -> memref<128xi32, #tpu.memory_space<hbm>>
      tpu.enqueue_dma source(%dma_start3A_230 : memref<128xi32, #tpu.memory_space<hbm>>) target(%dma_start3A_229 : memref<128xi32, #tpu.memory_space<vmem>>) target_semaphore(%arg10 : memref<!tpu.dma_semaphore, #tpu.memory_space<semaphore_mem>>)
      %mul3A_231 = arith.constant 4 : i32
      %mul3A_232 = arith.muli %mul3A_231, %scan3A_110 : i32
      %add3A_233 = arith.constant 3 : i32
      %add3A_234 = arith.addi %mul3A_232, %add3A_233 : i32
      %dma_wait3A_235 = arith.constant 3 : i32
      %dma_wait3A_236 = arith.constant 0 : i32
      %dma_wait3A_237 = tpu.memref_slice %arg5[%dma_wait3A_235, %dma_wait3A_236] : memref<4x128xi32, #tpu.memory_space<vmem>> -> memref<1x128xi32, #tpu.memory_space<vmem>>
      %dma_wait3A_238 = tpu.memref_squeeze %dma_wait3A_237 : memref<1x128xi32, #tpu.memory_space<vmem>> -> memref<128xi32, #tpu.memory_space<vmem>>
      %dma_wait3A_239 = tpu.memref_slice %arg2[%add3A] : memref<320000xi32, #tpu.memory_space<hbm>> -> memref<128xi32, #tpu.memory_space<hbm>>
      %dma_wait3A_240 = arith.constant 0 : i32
      %dma_wait3A_241 = tpu.memref_slice %arg5[%dma_wait3A_235, %dma_wait3A_240] : memref<4x128xi32, #tpu.memory_space<vmem>> -> memref<1x128xi32, #tpu.memory_space<vmem>>
      %dma_wait3A_242 = tpu.memref_squeeze %dma_wait3A_241 : memref<1x128xi32, #tpu.memory_space<vmem>> -> memref<128xi32, #tpu.memory_space<vmem>>
      %dma_wait3A_243 = tpu.memref_slice %arg2[%add3A] : memref<320000xi32, #tpu.memory_space<hbm>> -> memref<128xi32, #tpu.memory_space<hbm>>
      tpu.wait_dma2 semaphore(%arg12 : memref<!tpu.dma_semaphore, #tpu.memory_space<semaphore_mem>>) src(%dma_wait3A_243 : memref<128xi32, #tpu.memory_space<hbm>>) dst(%dma_wait3A_242 : memref<128xi32, #tpu.memory_space<vmem>>)
      %dma_start3A_244 = arith.constant 3 : i32
      %dma_start3A_245 = arith.constant 0 : i32
      %dma_start3A_246 = tpu.memref_slice %arg5[%dma_start3A_244, %dma_start3A_245] : memref<4x128xi32, #tpu.memory_space<vmem>> -> memref<1x128xi32, #tpu.memory_space<vmem>>
      %dma_start3A_247 = tpu.memref_squeeze %dma_start3A_246 : memref<1x128xi32, #tpu.memory_space<vmem>> -> memref<128xi32, #tpu.memory_space<vmem>>
      %dma_start3A_248 = arith.constant 0 : i32
      %dma_start3A_249 = arith.constant 0 : i32
      %dma_start3A_250 = tpu.memref_slice %arg8[%dma_start3A_248, %dma_start3A_249] : memref<10000x8xf32, #tpu.memory_space<vmem_shared>> -> memref<10000x8xf32, #tpu.memory_space<vmem_shared>>
      tpu.enqueue_indirect_dma source(%arg6 : memref<128x8xf32, #tpu.memory_space<vmem>>) target(%dma_start3A_250 : memref<10000x8xf32, #tpu.memory_space<vmem_shared>>) offsets(%dma_start3A_247 : memref<128xi32, #tpu.memory_space<vmem>>) semaphore(%arg14 : memref<!tpu.dma_semaphore, #tpu.memory_space<semaphore_mem>>) {add = true}
      %dma_wait3A_251 = arith.constant 2 : i32
      %dma_wait3A_252 = arith.constant 0 : i32
      %dma_wait3A_253 = tpu.memref_slice %arg5[%dma_wait3A_251, %dma_wait3A_252] : memref<4x128xi32, #tpu.memory_space<vmem>> -> memref<1x128xi32, #tpu.memory_space<vmem>>
      %dma_wait3A_254 = tpu.memref_squeeze %dma_wait3A_253 : memref<1x128xi32, #tpu.memory_space<vmem>> -> memref<128xi32, #tpu.memory_space<vmem>>
      %dma_wait3A_255 = arith.constant 0 : i32
      %dma_wait3A_256 = arith.constant 0 : i32
      %dma_wait3A_257 = tpu.memref_slice %arg8[%dma_wait3A_255, %dma_wait3A_256] : memref<10000x8xf32, #tpu.memory_space<vmem_shared>> -> memref<10000x8xf32, #tpu.memory_space<vmem_shared>>
      tpu.wait_indirect_dma semaphore(%arg13 : memref<!tpu.dma_semaphore, #tpu.memory_space<semaphore_mem>>) src(%arg6 : memref<128x8xf32, #tpu.memory_space<vmem>>) dst(%dma_wait3A_257 : memref<10000x8xf32, #tpu.memory_space<vmem_shared>>)
      %add3A_258 = arith.constant 3 : i32
      %add3A_259 = arith.addi %add3A_234, %add3A_258 : i32
      %lt3A = arith.constant 78 : i32
      %lt3A_260 = arith.cmpi slt, %add3A_259, %lt3A : i32
      %convert_element_type3A_261 = arith.extui %lt3A_260 : i1 to i32
      %cond3A_262 = arith.constant 0 : i32
      %cond3A_263 = arith.cmpi ne, %convert_element_type3A_261, %cond3A_262 : i32
      scf.if %cond3A_263 {
        %add3A_264 = arith.constant 3 : i32
        %add3A_265 = arith.addi %add3A_234, %add3A_264 : i32
        %mul3A_266 = arith.constant 128 : i32
        %mul3A_267 = arith.muli %add3A_265, %mul3A_266 : i32
        %add3A_268 = arith.addi %add3A, %mul3A_267 : i32
        %dma_start3A_269 = arith.constant 2 : i32
        %dma_start3A_270 = arith.constant 0 : i32
        %dma_start3A_271 = tpu.memref_slice %arg5[%dma_start3A_269, %dma_start3A_270] : memref<4x128xi32, #tpu.memory_space<vmem>> -> memref<1x128xi32, #tpu.memory_space<vmem>>
        %dma_start3A_272 = tpu.memref_squeeze %dma_start3A_271 : memref<1x128xi32, #tpu.memory_space<vmem>> -> memref<128xi32, #tpu.memory_space<vmem>>
        %dma_start3A_273 = tpu.memref_slice %arg2[%add3A_268] : memref<320000xi32, #tpu.memory_space<hbm>> -> memref<128xi32, #tpu.memory_space<hbm>>
        %dma_start3A_274 = arith.constant 0 : i32
        %dma_start3A_275 = tpu.memref_slice %arg5[%dma_start3A_269, %dma_start3A_274] : memref<4x128xi32, #tpu.memory_space<vmem>> -> memref<1x128xi32, #tpu.memory_space<vmem>>
        %dma_start3A_276 = tpu.memref_squeeze %dma_start3A_275 : memref<1x128xi32, #tpu.memory_space<vmem>> -> memref<128xi32, #tpu.memory_space<vmem>>
        %dma_start3A_277 = tpu.memref_slice %arg2[%add3A_268] : memref<320000xi32, #tpu.memory_space<hbm>> -> memref<128xi32, #tpu.memory_space<hbm>>
        tpu.enqueue_dma source(%dma_start3A_277 : memref<128xi32, #tpu.memory_space<hbm>>) target(%dma_start3A_276 : memref<128xi32, #tpu.memory_space<vmem>>) target_semaphore(%arg11 : memref<!tpu.dma_semaphore, #tpu.memory_space<semaphore_mem>>)
      } else {
      }
    }
    %scan3A_45 = arith.constant 19 : i32
    %dma_wait3A = arith.constant 0 : i32
    %dma_wait3A_46 = arith.constant 0 : i32
    %dma_wait3A_47 = tpu.memref_slice %arg5[%dma_wait3A, %dma_wait3A_46] : memref<4x128xi32, #tpu.memory_space<vmem>> -> memref<1x128xi32, #tpu.memory_space<vmem>>
    %dma_wait3A_48 = tpu.memref_squeeze %dma_wait3A_47 : memref<1x128xi32, #tpu.memory_space<vmem>> -> memref<128xi32, #tpu.memory_space<vmem>>
    %dma_wait3A_49 = tpu.memref_slice %arg2[%add3A] : memref<320000xi32, #tpu.memory_space<hbm>> -> memref<128xi32, #tpu.memory_space<hbm>>
    %dma_wait3A_50 = arith.constant 0 : i32
    %dma_wait3A_51 = tpu.memref_slice %arg5[%dma_wait3A, %dma_wait3A_50] : memref<4x128xi32, #tpu.memory_space<vmem>> -> memref<1x128xi32, #tpu.memory_space<vmem>>
    %dma_wait3A_52 = tpu.memref_squeeze %dma_wait3A_51 : memref<1x128xi32, #tpu.memory_space<vmem>> -> memref<128xi32, #tpu.memory_space<vmem>>
    %dma_wait3A_53 = tpu.memref_slice %arg2[%add3A] : memref<320000xi32, #tpu.memory_space<hbm>> -> memref<128xi32, #tpu.memory_space<hbm>>
    tpu.wait_dma2 semaphore(%arg9 : memref<!tpu.dma_semaphore, #tpu.memory_space<semaphore_mem>>) src(%dma_wait3A_53 : memref<128xi32, #tpu.memory_space<hbm>>) dst(%dma_wait3A_52 : memref<128xi32, #tpu.memory_space<vmem>>)
    %dma_start3A_54 = arith.constant 0 : i32
    %dma_start3A_55 = arith.constant 0 : i32
    %dma_start3A_56 = tpu.memref_slice %arg5[%dma_start3A_54, %dma_start3A_55] : memref<4x128xi32, #tpu.memory_space<vmem>> -> memref<1x128xi32, #tpu.memory_space<vmem>>
    %dma_start3A_57 = tpu.memref_squeeze %dma_start3A_56 : memref<1x128xi32, #tpu.memory_space<vmem>> -> memref<128xi32, #tpu.memory_space<vmem>>
    %dma_start3A_58 = arith.constant 0 : i32
    %dma_start3A_59 = arith.constant 0 : i32
    %dma_start3A_60 = tpu.memref_slice %arg8[%dma_start3A_58, %dma_start3A_59] : memref<10000x8xf32, #tpu.memory_space<vmem_shared>> -> memref<10000x8xf32, #tpu.memory_space<vmem_shared>>
    tpu.enqueue_indirect_dma source(%arg6 : memref<128x8xf32, #tpu.memory_space<vmem>>) target(%dma_start3A_60 : memref<10000x8xf32, #tpu.memory_space<vmem_shared>>) offsets(%dma_start3A_57 : memref<128xi32, #tpu.memory_space<vmem>>) semaphore(%arg13 : memref<!tpu.dma_semaphore, #tpu.memory_space<semaphore_mem>>) {add = true}
    %dma_wait3A_61 = arith.constant 3 : i32
    %dma_wait3A_62 = arith.constant 0 : i32
    %dma_wait3A_63 = tpu.memref_slice %arg5[%dma_wait3A_61, %dma_wait3A_62] : memref<4x128xi32, #tpu.memory_space<vmem>> -> memref<1x128xi32, #tpu.memory_space<vmem>>
    %dma_wait3A_64 = tpu.memref_squeeze %dma_wait3A_63 : memref<1x128xi32, #tpu.memory_space<vmem>> -> memref<128xi32, #tpu.memory_space<vmem>>
    %dma_wait3A_65 = arith.constant 0 : i32
    %dma_wait3A_66 = arith.constant 0 : i32
    %dma_wait3A_67 = tpu.memref_slice %arg8[%dma_wait3A_65, %dma_wait3A_66] : memref<10000x8xf32, #tpu.memory_space<vmem_shared>> -> memref<10000x8xf32, #tpu.memory_space<vmem_shared>>
    tpu.wait_indirect_dma semaphore(%arg14 : memref<!tpu.dma_semaphore, #tpu.memory_space<semaphore_mem>>) src(%arg6 : memref<128x8xf32, #tpu.memory_space<vmem>>) dst(%dma_wait3A_67 : memref<10000x8xf32, #tpu.memory_space<vmem_shared>>)
    %dma_wait3A_68 = arith.constant 1 : i32
    %dma_wait3A_69 = arith.constant 0 : i32
    %dma_wait3A_70 = tpu.memref_slice %arg5[%dma_wait3A_68, %dma_wait3A_69] : memref<4x128xi32, #tpu.memory_space<vmem>> -> memref<1x128xi32, #tpu.memory_space<vmem>>
    %dma_wait3A_71 = tpu.memref_squeeze %dma_wait3A_70 : memref<1x128xi32, #tpu.memory_space<vmem>> -> memref<128xi32, #tpu.memory_space<vmem>>
    %dma_wait3A_72 = tpu.memref_slice %arg2[%add3A] : memref<320000xi32, #tpu.memory_space<hbm>> -> memref<128xi32, #tpu.memory_space<hbm>>
    %dma_wait3A_73 = arith.constant 0 : i32
    %dma_wait3A_74 = tpu.memref_slice %arg5[%dma_wait3A_68, %dma_wait3A_73] : memref<4x128xi32, #tpu.memory_space<vmem>> -> memref<1x128xi32, #tpu.memory_space<vmem>>
    %dma_wait3A_75 = tpu.memref_squeeze %dma_wait3A_74 : memref<1x128xi32, #tpu.memory_space<vmem>> -> memref<128xi32, #tpu.memory_space<vmem>>
    %dma_wait3A_76 = tpu.memref_slice %arg2[%add3A] : memref<320000xi32, #tpu.memory_space<hbm>> -> memref<128xi32, #tpu.memory_space<hbm>>
    tpu.wait_dma2 semaphore(%arg10 : memref<!tpu.dma_semaphore, #tpu.memory_space<semaphore_mem>>) src(%dma_wait3A_76 : memref<128xi32, #tpu.memory_space<hbm>>) dst(%dma_wait3A_75 : memref<128xi32, #tpu.memory_space<vmem>>)
    %dma_start3A_77 = arith.constant 1 : i32
    %dma_start3A_78 = arith.constant 0 : i32
    %dma_start3A_79 = tpu.memref_slice %arg5[%dma_start3A_77, %dma_start3A_78] : memref<4x128xi32, #tpu.memory_space<vmem>> -> memref<1x128xi32, #tpu.memory_space<vmem>>
    %dma_start3A_80 = tpu.memref_squeeze %dma_start3A_79 : memref<1x128xi32, #tpu.memory_space<vmem>> -> memref<128xi32, #tpu.memory_space<vmem>>
    %dma_start3A_81 = arith.constant 0 : i32
    %dma_start3A_82 = arith.constant 0 : i32
    %dma_start3A_83 = tpu.memref_slice %arg8[%dma_start3A_81, %dma_start3A_82] : memref<10000x8xf32, #tpu.memory_space<vmem_shared>> -> memref<10000x8xf32, #tpu.memory_space<vmem_shared>>
    tpu.enqueue_indirect_dma source(%arg6 : memref<128x8xf32, #tpu.memory_space<vmem>>) target(%dma_start3A_83 : memref<10000x8xf32, #tpu.memory_space<vmem_shared>>) offsets(%dma_start3A_80 : memref<128xi32, #tpu.memory_space<vmem>>) semaphore(%arg14 : memref<!tpu.dma_semaphore, #tpu.memory_space<semaphore_mem>>) {add = true}
    %dma_wait3A_84 = arith.constant 0 : i32
    %dma_wait3A_85 = arith.constant 0 : i32
    %dma_wait3A_86 = tpu.memref_slice %arg5[%dma_wait3A_84, %dma_wait3A_85] : memref<4x128xi32, #tpu.memory_space<vmem>> -> memref<1x128xi32, #tpu.memory_space<vmem>>
    %dma_wait3A_87 = tpu.memref_squeeze %dma_wait3A_86 : memref<1x128xi32, #tpu.memory_space<vmem>> -> memref<128xi32, #tpu.memory_space<vmem>>
    %dma_wait3A_88 = arith.constant 0 : i32
    %dma_wait3A_89 = arith.constant 0 : i32
    %dma_wait3A_90 = tpu.memref_slice %arg8[%dma_wait3A_88, %dma_wait3A_89] : memref<10000x8xf32, #tpu.memory_space<vmem_shared>> -> memref<10000x8xf32, #tpu.memory_space<vmem_shared>>
    tpu.wait_indirect_dma semaphore(%arg13 : memref<!tpu.dma_semaphore, #tpu.memory_space<semaphore_mem>>) src(%arg6 : memref<128x8xf32, #tpu.memory_space<vmem>>) dst(%dma_wait3A_90 : memref<10000x8xf32, #tpu.memory_space<vmem_shared>>)
    %dma_wait3A_91 = arith.constant 1 : i32
    %dma_wait3A_92 = arith.constant 0 : i32
    %dma_wait3A_93 = tpu.memref_slice %arg5[%dma_wait3A_91, %dma_wait3A_92] : memref<4x128xi32, #tpu.memory_space<vmem>> -> memref<1x128xi32, #tpu.memory_space<vmem>>
    %dma_wait3A_94 = tpu.memref_squeeze %dma_wait3A_93 : memref<1x128xi32, #tpu.memory_space<vmem>> -> memref<128xi32, #tpu.memory_space<vmem>>
    %dma_wait3A_95 = arith.constant 0 : i32
    %dma_wait3A_96 = arith.constant 0 : i32
    %dma_wait3A_97 = tpu.memref_slice %arg8[%dma_wait3A_95, %dma_wait3A_96] : memref<10000x8xf32, #tpu.memory_space<vmem_shared>> -> memref<10000x8xf32, #tpu.memory_space<vmem_shared>>
    tpu.wait_indirect_dma semaphore(%arg14 : memref<!tpu.dma_semaphore, #tpu.memory_space<semaphore_mem>>) src(%arg6 : memref<128x8xf32, #tpu.memory_space<vmem>>) dst(%dma_wait3A_97 : memref<10000x8xf32, #tpu.memory_space<vmem_shared>>)
    %add3A_98 = arith.constant 9984 : i32
    %add3A_99 = arith.addi %add3A, %add3A_98 : i32
    "tpu.region"() ({
      %run_scoped3A = tpu.sem_alloc : memref<!tpu.dma_semaphore, #tpu.memory_space<semaphore_mem>>
      %dma_start3A_110 = tpu.memref_slice %arg2[%add3A_99] : memref<320000xi32, #tpu.memory_space<hbm>> -> memref<16xi32, #tpu.memory_space<hbm>>
      %dma_start3A_111 = tpu.memref_slice %arg2[%add3A_99] : memref<320000xi32, #tpu.memory_space<hbm>> -> memref<16xi32, #tpu.memory_space<hbm>>
      tpu.enqueue_dma source(%dma_start3A_111 : memref<16xi32, #tpu.memory_space<hbm>>) target(%arg7 : memref<16xi32, #tpu.memory_space<vmem>>) target_semaphore(%run_scoped3A : memref<!tpu.dma_semaphore, #tpu.memory_space<semaphore_mem>>)
      %dma_wait3A_112 = tpu.memref_slice %arg2[%add3A_99] : memref<320000xi32, #tpu.memory_space<hbm>> -> memref<16xi32, #tpu.memory_space<hbm>>
      %dma_wait3A_113 = tpu.memref_slice %arg2[%add3A_99] : memref<320000xi32, #tpu.memory_space<hbm>> -> memref<16xi32, #tpu.memory_space<hbm>>
      tpu.wait_dma2 semaphore(%run_scoped3A : memref<!tpu.dma_semaphore, #tpu.memory_space<semaphore_mem>>) src(%dma_wait3A_113 : memref<16xi32, #tpu.memory_space<hbm>>) dst(%arg7 : memref<16xi32, #tpu.memory_space<vmem>>)
      tpu.yield
    }) : () -> ()
    "tpu.region"() ({
      %run_scoped3A = tpu.sem_alloc : memref<!tpu.dma_semaphore, #tpu.memory_space<semaphore_mem>>
      %dma_start3A_110 = arith.constant 0 : i32
      %dma_start3A_111 = arith.constant 0 : i32
      %dma_start3A_112 = tpu.memref_slice %arg6[%dma_start3A_110, %dma_start3A_111] : memref<128x8xf32, #tpu.memory_space<vmem>> -> memref<16x8xf32, #tpu.memory_space<vmem>>
      %dma_start3A_113 = arith.constant 0 : i32
      %dma_start3A_114 = arith.constant 0 : i32
      %dma_start3A_115 = tpu.memref_slice %arg8[%dma_start3A_113, %dma_start3A_114] : memref<10000x8xf32, #tpu.memory_space<vmem_shared>> -> memref<10000x8xf32, #tpu.memory_space<vmem_shared>>
      tpu.enqueue_indirect_dma source(%dma_start3A_112 : memref<16x8xf32, #tpu.memory_space<vmem>>) target(%dma_start3A_115 : memref<10000x8xf32, #tpu.memory_space<vmem_shared>>) offsets(%arg7 : memref<16xi32, #tpu.memory_space<vmem>>) semaphore(%run_scoped3A : memref<!tpu.dma_semaphore, #tpu.memory_space<semaphore_mem>>) {add = true}
      %dma_wait3A_116 = arith.constant 0 : i32
      %dma_wait3A_117 = arith.constant 0 : i32
      %dma_wait3A_118 = tpu.memref_slice %arg6[%dma_wait3A_116, %dma_wait3A_117] : memref<128x8xf32, #tpu.memory_space<vmem>> -> memref<16x8xf32, #tpu.memory_space<vmem>>
      %dma_wait3A_119 = arith.constant 0 : i32
      %dma_wait3A_120 = arith.constant 0 : i32
      %dma_wait3A_121 = tpu.memref_slice %arg8[%dma_wait3A_119, %dma_wait3A_120] : memref<10000x8xf32, #tpu.memory_space<vmem_shared>> -> memref<10000x8xf32, #tpu.memory_space<vmem_shared>>
      tpu.wait_indirect_dma semaphore(%run_scoped3A : memref<!tpu.dma_semaphore, #tpu.memory_space<semaphore_mem>>) src(%dma_wait3A_118 : memref<16x8xf32, #tpu.memory_space<vmem>>) dst(%dma_wait3A_121 : memref<10000x8xf32, #tpu.memory_space<vmem_shared>>)
      tpu.yield
    }) : () -> ()
    %barrier3A_100 = arith.constant 0 : index
    tpu.barrier barrier_id(%barrier3A_100)
    %mul3A_101 = arith.constant 624 : i32
    %mul3A_102 = arith.muli %arg1, %mul3A_101 : i32
    %mul3A_103 = arith.constant 624 : i32
    %mul3A_104 = arith.muli %arg1, %mul3A_103 : i32
    "tpu.region"() ({
      %run_scoped3A = tpu.sem_alloc : memref<!tpu.dma_semaphore, #tpu.memory_space<semaphore_mem>>
      %dma_start3A_110 = arith.constant 0 : i32
      %dma_start3A_111 = tpu.memref_slice %arg4[%arg0, %mul3A_104, %dma_start3A_110] : memref<2x10000x8xf32, #tpu.memory_space<hbm>> -> memref<1x624x8xf32, #tpu.memory_space<hbm>>
      %dma_start3A_112 = tpu.memref_squeeze %dma_start3A_111 : memref<1x624x8xf32, #tpu.memory_space<hbm>> -> memref<624x8xf32, #tpu.memory_space<hbm>>
      %dma_start3A_113 = arith.constant 0 : i32
      %dma_start3A_114 = tpu.memref_slice %arg8[%mul3A_102, %dma_start3A_113] : memref<10000x8xf32, #tpu.memory_space<vmem_shared>> -> memref<624x8xf32, #tpu.memory_space<vmem_shared>>
      tpu.enqueue_dma source(%dma_start3A_114 : memref<624x8xf32, #tpu.memory_space<vmem_shared>>) target(%dma_start3A_112 : memref<624x8xf32, #tpu.memory_space<hbm>>) target_semaphore(%run_scoped3A : memref<!tpu.dma_semaphore, #tpu.memory_space<semaphore_mem>>)
      %dma_wait3A_115 = arith.constant 0 : i32
      %dma_wait3A_116 = tpu.memref_slice %arg4[%arg0, %mul3A_104, %dma_wait3A_115] : memref<2x10000x8xf32, #tpu.memory_space<hbm>> -> memref<1x624x8xf32, #tpu.memory_space<hbm>>
      %dma_wait3A_117 = tpu.memref_squeeze %dma_wait3A_116 : memref<1x624x8xf32, #tpu.memory_space<hbm>> -> memref<624x8xf32, #tpu.memory_space<hbm>>
      %dma_wait3A_118 = arith.constant 0 : i32
      %dma_wait3A_119 = tpu.memref_slice %arg8[%mul3A_102, %dma_wait3A_118] : memref<10000x8xf32, #tpu.memory_space<vmem_shared>> -> memref<624x8xf32, #tpu.memory_space<vmem_shared>>
      tpu.wait_dma2 semaphore(%run_scoped3A : memref<!tpu.dma_semaphore, #tpu.memory_space<semaphore_mem>>) src(%dma_wait3A_119 : memref<624x8xf32, #tpu.memory_space<vmem_shared>>) dst(%dma_wait3A_117 : memref<624x8xf32, #tpu.memory_space<hbm>>)
      tpu.yield
    }) : () -> ()
    %eq3A_105 = arith.constant 15 : i32
    %eq3A_106 = arith.cmpi eq, %arg1, %eq3A_105 : i32
    %convert_element_type3A_107 = arith.extui %eq3A_106 : i1 to i32
    %cond3A_108 = arith.constant 0 : i32
    %cond3A_109 = arith.cmpi ne, %convert_element_type3A_107, %cond3A_108 : i32
    scf.if %cond3A_109 {
      "tpu.region"() ({
        %run_scoped3A = tpu.sem_alloc : memref<!tpu.dma_semaphore, #tpu.memory_space<semaphore_mem>>
        %dma_start3A_110 = arith.constant 9984 : i32
        %dma_start3A_111 = arith.constant 0 : i32
        %dma_start3A_112 = tpu.memref_slice %arg4[%arg0, %dma_start3A_110, %dma_start3A_111] : memref<2x10000x8xf32, #tpu.memory_space<hbm>> -> memref<1x16x8xf32, #tpu.memory_space<hbm>>
        %dma_start3A_113 = tpu.memref_squeeze %dma_start3A_112 : memref<1x16x8xf32, #tpu.memory_space<hbm>> -> memref<16x8xf32, #tpu.memory_space<hbm>>
        %dma_start3A_114 = arith.constant 9984 : i32
        %dma_start3A_115 = arith.constant 0 : i32
        %dma_start3A_116 = tpu.memref_slice %arg8[%dma_start3A_114, %dma_start3A_115] : memref<10000x8xf32, #tpu.memory_space<vmem_shared>> -> memref<16x8xf32, #tpu.memory_space<vmem_shared>>
        tpu.enqueue_dma source(%dma_start3A_116 : memref<16x8xf32, #tpu.memory_space<vmem_shared>>) target(%dma_start3A_113 : memref<16x8xf32, #tpu.memory_space<hbm>>) target_semaphore(%run_scoped3A : memref<!tpu.dma_semaphore, #tpu.memory_space<semaphore_mem>>)
        %dma_wait3A_117 = arith.constant 9984 : i32
        %dma_wait3A_118 = arith.constant 0 : i32
        %dma_wait3A_119 = tpu.memref_slice %arg4[%arg0, %dma_wait3A_117, %dma_wait3A_118] : memref<2x10000x8xf32, #tpu.memory_space<hbm>> -> memref<1x16x8xf32, #tpu.memory_space<hbm>>
        %dma_wait3A_120 = tpu.memref_squeeze %dma_wait3A_119 : memref<1x16x8xf32, #tpu.memory_space<hbm>> -> memref<16x8xf32, #tpu.memory_space<hbm>>
        %dma_wait3A_121 = arith.constant 9984 : i32
        %dma_wait3A_122 = arith.constant 0 : i32
        %dma_wait3A_123 = tpu.memref_slice %arg8[%dma_wait3A_121, %dma_wait3A_122] : memref<10000x8xf32, #tpu.memory_space<vmem_shared>> -> memref<16x8xf32, #tpu.memory_space<vmem_shared>>
        tpu.wait_dma2 semaphore(%run_scoped3A : memref<!tpu.dma_semaphore, #tpu.memory_space<semaphore_mem>>) src(%dma_wait3A_123 : memref<16x8xf32, #tpu.memory_space<vmem_shared>>) dst(%dma_wait3A_120 : memref<16x8xf32, #tpu.memory_space<hbm>>)
        tpu.yield
      }) : () -> ()
    } else {
    }
    return
  }
}

#map = affine_map<(d0, d1) -> (0, 0)>
#map1 = affine_map<(d0, d1) -> (0)>
#map2 = affine_map<(d0, d1) -> (0, 0, 0)>
module attributes {stable_mosaic.version = 14 : i64} {
  func.func @_sc_aggregate(%arg0: i32, %arg1: i32, %arg2: memref<10000x128xf32, #tpu.memory_space<hbm>>, %arg3: memref<320000xi32, #tpu.memory_space<hbm>>, %arg4: memref<320000xi32, #tpu.memory_space<hbm>>, %arg5: memref<2x10000x128xf32, #tpu.memory_space<hbm>>, %arg6: memref<4x80xi32, #tpu.memory_space<vmem>>, %arg7: memref<4x80xi32, #tpu.memory_space<vmem>>, %arg8: memref<4x80x128xf32, #tpu.memory_space<vmem>>, %arg9: memref<10000x128xf32, #tpu.memory_space<vmem_shared>>, %arg10: memref<!tpu.dma_semaphore, #tpu.memory_space<semaphore_mem>>, %arg11: memref<!tpu.dma_semaphore, #tpu.memory_space<semaphore_mem>>, %arg12: memref<!tpu.dma_semaphore, #tpu.memory_space<semaphore_mem>>, %arg13: memref<!tpu.dma_semaphore, #tpu.memory_space<semaphore_mem>>, %arg14: memref<!tpu.dma_semaphore, #tpu.memory_space<semaphore_mem>>, %arg15: memref<!tpu.dma_semaphore, #tpu.memory_space<semaphore_mem>>, %arg16: memref<!tpu.dma_semaphore, #tpu.memory_space<semaphore_mem>>, %arg17: memref<!tpu.dma_semaphore, #tpu.memory_space<semaphore_mem>>, %arg18: memref<!tpu.dma_semaphore, #tpu.memory_space<semaphore_mem>>, %arg19: memref<!tpu.dma_semaphore, #tpu.memory_space<semaphore_mem>>, %arg20: memref<!tpu.dma_semaphore, #tpu.memory_space<semaphore_mem>>, %arg21: memref<!tpu.dma_semaphore, #tpu.memory_space<semaphore_mem>>, %arg22: memref<!tpu.dma_semaphore, #tpu.memory_space<semaphore_mem>>, %arg23: memref<!tpu.dma_semaphore, #tpu.memory_space<semaphore_mem>>) attributes {dimension_semantics = [#tpu.dimension_semantics<core_parallel>, #tpu.dimension_semantics<subcore_parallel>], iteration_bounds = array<i64: 2, 16>, scalar_prefetch = 0 : i64, scratch_operands = 18 : i64, tpu.core_type = #tpu.core_type<sc_vector_subcore>, window_params = [{transform_indices = #map}, {transform_indices = #map1}, {transform_indices = #map1}, {transform_indices = #map2}]} {
    %mul3A = arith.constant 624 : i32
    %mul3A_0 = arith.muli %arg1, %mul3A : i32
    %mul3A_1 = arith.constant 624 : i32
    %mul3A_2 = arith.muli %arg1, %mul3A_1 : i32
    "tpu.region"() ({
      %run_scoped3A = tpu.sem_alloc : memref<!tpu.dma_semaphore, #tpu.memory_space<semaphore_mem>>
      %dma_start3A_219 = arith.constant 0 : i32
      %dma_start3A_220 = tpu.memref_slice %arg9[%mul3A_2, %dma_start3A_219] : memref<10000x128xf32, #tpu.memory_space<vmem_shared>> -> memref<624x128xf32, #tpu.memory_space<vmem_shared>>
      %dma_start3A_221 = arith.constant 0 : i32
      %dma_start3A_222 = tpu.memref_slice %arg2[%mul3A_0, %dma_start3A_221] : memref<10000x128xf32, #tpu.memory_space<hbm>> -> memref<624x128xf32, #tpu.memory_space<hbm>>
      tpu.enqueue_dma source(%dma_start3A_222 : memref<624x128xf32, #tpu.memory_space<hbm>>) target(%dma_start3A_220 : memref<624x128xf32, #tpu.memory_space<vmem_shared>>) target_semaphore(%run_scoped3A : memref<!tpu.dma_semaphore, #tpu.memory_space<semaphore_mem>>)
      %dma_wait3A_223 = arith.constant 0 : i32
      %dma_wait3A_224 = tpu.memref_slice %arg9[%mul3A_2, %dma_wait3A_223] : memref<10000x128xf32, #tpu.memory_space<vmem_shared>> -> memref<624x128xf32, #tpu.memory_space<vmem_shared>>
      %dma_wait3A_225 = arith.constant 0 : i32
      %dma_wait3A_226 = tpu.memref_slice %arg2[%mul3A_0, %dma_wait3A_225] : memref<10000x128xf32, #tpu.memory_space<hbm>> -> memref<624x128xf32, #tpu.memory_space<hbm>>
      tpu.wait_dma2 semaphore(%run_scoped3A : memref<!tpu.dma_semaphore, #tpu.memory_space<semaphore_mem>>) src(%dma_wait3A_226 : memref<624x128xf32, #tpu.memory_space<hbm>>) dst(%dma_wait3A_224 : memref<624x128xf32, #tpu.memory_space<vmem_shared>>)
      tpu.yield
    }) : () -> ()
    %eq3A = arith.constant 15 : i32
    %eq3A_3 = arith.cmpi eq, %arg1, %eq3A : i32
    %convert_element_type3A = arith.extui %eq3A_3 : i1 to i32
    %cond3A = arith.constant 0 : i32
    %cond3A_4 = arith.cmpi ne, %convert_element_type3A, %cond3A : i32
    scf.if %cond3A_4 {
      "tpu.region"() ({
        %run_scoped3A = tpu.sem_alloc : memref<!tpu.dma_semaphore, #tpu.memory_space<semaphore_mem>>
        %dma_start3A_219 = arith.constant 9984 : i32
        %dma_start3A_220 = arith.constant 0 : i32
        %dma_start3A_221 = tpu.memref_slice %arg9[%dma_start3A_219, %dma_start3A_220] : memref<10000x128xf32, #tpu.memory_space<vmem_shared>> -> memref<16x128xf32, #tpu.memory_space<vmem_shared>>
        %dma_start3A_222 = arith.constant 9984 : i32
        %dma_start3A_223 = arith.constant 0 : i32
        %dma_start3A_224 = tpu.memref_slice %arg2[%dma_start3A_222, %dma_start3A_223] : memref<10000x128xf32, #tpu.memory_space<hbm>> -> memref<16x128xf32, #tpu.memory_space<hbm>>
        tpu.enqueue_dma source(%dma_start3A_224 : memref<16x128xf32, #tpu.memory_space<hbm>>) target(%dma_start3A_221 : memref<16x128xf32, #tpu.memory_space<vmem_shared>>) target_semaphore(%run_scoped3A : memref<!tpu.dma_semaphore, #tpu.memory_space<semaphore_mem>>)
        %dma_wait3A_225 = arith.constant 9984 : i32
        %dma_wait3A_226 = arith.constant 0 : i32
        %dma_wait3A_227 = tpu.memref_slice %arg9[%dma_wait3A_225, %dma_wait3A_226] : memref<10000x128xf32, #tpu.memory_space<vmem_shared>> -> memref<16x128xf32, #tpu.memory_space<vmem_shared>>
        %dma_wait3A_228 = arith.constant 9984 : i32
        %dma_wait3A_229 = arith.constant 0 : i32
        %dma_wait3A_230 = tpu.memref_slice %arg2[%dma_wait3A_228, %dma_wait3A_229] : memref<10000x128xf32, #tpu.memory_space<hbm>> -> memref<16x128xf32, #tpu.memory_space<hbm>>
        tpu.wait_dma2 semaphore(%run_scoped3A : memref<!tpu.dma_semaphore, #tpu.memory_space<semaphore_mem>>) src(%dma_wait3A_230 : memref<16x128xf32, #tpu.memory_space<hbm>>) dst(%dma_wait3A_227 : memref<16x128xf32, #tpu.memory_space<vmem_shared>>)
        tpu.yield
      }) : () -> ()
    } else {
    }
    %barrier3A = arith.constant 0 : index
    tpu.barrier barrier_id(%barrier3A)
    %mul3A_5 = arith.constant 160000 : i32
    %mul3A_6 = arith.muli %arg0, %mul3A_5 : i32
    %mul3A_7 = arith.constant 10000 : i32
    %mul3A_8 = arith.muli %arg1, %mul3A_7 : i32
    %add3A = arith.addi %mul3A_6, %mul3A_8 : i32
    %add3A_9 = arith.constant 0 : i32
    %add3A_10 = arith.addi %add3A, %add3A_9 : i32
    %dma_start3A = arith.constant 0 : i32
    %dma_start3A_11 = arith.constant 0 : i32
    %dma_start3A_12 = tpu.memref_slice %arg6[%dma_start3A, %dma_start3A_11] : memref<4x80xi32, #tpu.memory_space<vmem>> -> memref<1x80xi32, #tpu.memory_space<vmem>>
    %dma_start3A_13 = tpu.memref_squeeze %dma_start3A_12 : memref<1x80xi32, #tpu.memory_space<vmem>> -> memref<80xi32, #tpu.memory_space<vmem>>
    %dma_start3A_14 = tpu.memref_slice %arg3[%add3A_10] : memref<320000xi32, #tpu.memory_space<hbm>> -> memref<80xi32, #tpu.memory_space<hbm>>
    %dma_start3A_15 = arith.constant 0 : i32
    %dma_start3A_16 = tpu.memref_slice %arg6[%dma_start3A, %dma_start3A_15] : memref<4x80xi32, #tpu.memory_space<vmem>> -> memref<1x80xi32, #tpu.memory_space<vmem>>
    %dma_start3A_17 = tpu.memref_squeeze %dma_start3A_16 : memref<1x80xi32, #tpu.memory_space<vmem>> -> memref<80xi32, #tpu.memory_space<vmem>>
    %dma_start3A_18 = tpu.memref_slice %arg3[%add3A_10] : memref<320000xi32, #tpu.memory_space<hbm>> -> memref<80xi32, #tpu.memory_space<hbm>>
    tpu.enqueue_dma source(%dma_start3A_18 : memref<80xi32, #tpu.memory_space<hbm>>) target(%dma_start3A_17 : memref<80xi32, #tpu.memory_space<vmem>>) target_semaphore(%arg10 : memref<!tpu.dma_semaphore, #tpu.memory_space<semaphore_mem>>)
    %add3A_19 = arith.constant 80 : i32
    %add3A_20 = arith.addi %add3A, %add3A_19 : i32
    %dma_start3A_21 = arith.constant 1 : i32
    %dma_start3A_22 = arith.constant 0 : i32
    %dma_start3A_23 = tpu.memref_slice %arg6[%dma_start3A_21, %dma_start3A_22] : memref<4x80xi32, #tpu.memory_space<vmem>> -> memref<1x80xi32, #tpu.memory_space<vmem>>
    %dma_start3A_24 = tpu.memref_squeeze %dma_start3A_23 : memref<1x80xi32, #tpu.memory_space<vmem>> -> memref<80xi32, #tpu.memory_space<vmem>>
    %dma_start3A_25 = tpu.memref_slice %arg3[%add3A_20] : memref<320000xi32, #tpu.memory_space<hbm>> -> memref<80xi32, #tpu.memory_space<hbm>>
    %dma_start3A_26 = arith.constant 0 : i32
    %dma_start3A_27 = tpu.memref_slice %arg6[%dma_start3A_21, %dma_start3A_26] : memref<4x80xi32, #tpu.memory_space<vmem>> -> memref<1x80xi32, #tpu.memory_space<vmem>>
    %dma_start3A_28 = tpu.memref_squeeze %dma_start3A_27 : memref<1x80xi32, #tpu.memory_space<vmem>> -> memref<80xi32, #tpu.memory_space<vmem>>
    %dma_start3A_29 = tpu.memref_slice %arg3[%add3A_20] : memref<320000xi32, #tpu.memory_space<hbm>> -> memref<80xi32, #tpu.memory_space<hbm>>
    tpu.enqueue_dma source(%dma_start3A_29 : memref<80xi32, #tpu.memory_space<hbm>>) target(%dma_start3A_28 : memref<80xi32, #tpu.memory_space<vmem>>) target_semaphore(%arg11 : memref<!tpu.dma_semaphore, #tpu.memory_space<semaphore_mem>>)
    %add3A_30 = arith.constant 160 : i32
    %add3A_31 = arith.addi %add3A, %add3A_30 : i32
    %dma_start3A_32 = arith.constant 2 : i32
    %dma_start3A_33 = arith.constant 0 : i32
    %dma_start3A_34 = tpu.memref_slice %arg6[%dma_start3A_32, %dma_start3A_33] : memref<4x80xi32, #tpu.memory_space<vmem>> -> memref<1x80xi32, #tpu.memory_space<vmem>>
    %dma_start3A_35 = tpu.memref_squeeze %dma_start3A_34 : memref<1x80xi32, #tpu.memory_space<vmem>> -> memref<80xi32, #tpu.memory_space<vmem>>
    %dma_start3A_36 = tpu.memref_slice %arg3[%add3A_31] : memref<320000xi32, #tpu.memory_space<hbm>> -> memref<80xi32, #tpu.memory_space<hbm>>
    %dma_start3A_37 = arith.constant 0 : i32
    %dma_start3A_38 = tpu.memref_slice %arg6[%dma_start3A_32, %dma_start3A_37] : memref<4x80xi32, #tpu.memory_space<vmem>> -> memref<1x80xi32, #tpu.memory_space<vmem>>
    %dma_start3A_39 = tpu.memref_squeeze %dma_start3A_38 : memref<1x80xi32, #tpu.memory_space<vmem>> -> memref<80xi32, #tpu.memory_space<vmem>>
    %dma_start3A_40 = tpu.memref_slice %arg3[%add3A_31] : memref<320000xi32, #tpu.memory_space<hbm>> -> memref<80xi32, #tpu.memory_space<hbm>>
    tpu.enqueue_dma source(%dma_start3A_40 : memref<80xi32, #tpu.memory_space<hbm>>) target(%dma_start3A_39 : memref<80xi32, #tpu.memory_space<vmem>>) target_semaphore(%arg12 : memref<!tpu.dma_semaphore, #tpu.memory_space<semaphore_mem>>)
    %add3A_41 = arith.constant 240 : i32
    %add3A_42 = arith.addi %add3A, %add3A_41 : i32
    %dma_start3A_43 = arith.constant 3 : i32
    %dma_start3A_44 = arith.constant 0 : i32
    %dma_start3A_45 = tpu.memref_slice %arg6[%dma_start3A_43, %dma_start3A_44] : memref<4x80xi32, #tpu.memory_space<vmem>> -> memref<1x80xi32, #tpu.memory_space<vmem>>
    %dma_start3A_46 = tpu.memref_squeeze %dma_start3A_45 : memref<1x80xi32, #tpu.memory_space<vmem>> -> memref<80xi32, #tpu.memory_space<vmem>>
    %dma_start3A_47 = tpu.memref_slice %arg3[%add3A_42] : memref<320000xi32, #tpu.memory_space<hbm>> -> memref<80xi32, #tpu.memory_space<hbm>>
    %dma_start3A_48 = arith.constant 0 : i32
    %dma_start3A_49 = tpu.memref_slice %arg6[%dma_start3A_43, %dma_start3A_48] : memref<4x80xi32, #tpu.memory_space<vmem>> -> memref<1x80xi32, #tpu.memory_space<vmem>>
    %dma_start3A_50 = tpu.memref_squeeze %dma_start3A_49 : memref<1x80xi32, #tpu.memory_space<vmem>> -> memref<80xi32, #tpu.memory_space<vmem>>
    %dma_start3A_51 = tpu.memref_slice %arg3[%add3A_42] : memref<320000xi32, #tpu.memory_space<hbm>> -> memref<80xi32, #tpu.memory_space<hbm>>
    tpu.enqueue_dma source(%dma_start3A_51 : memref<80xi32, #tpu.memory_space<hbm>>) target(%dma_start3A_50 : memref<80xi32, #tpu.memory_space<vmem>>) target_semaphore(%arg13 : memref<!tpu.dma_semaphore, #tpu.memory_space<semaphore_mem>>)
    %add3A_52 = arith.constant 0 : i32
    %add3A_53 = arith.addi %add3A, %add3A_52 : i32
    %dma_start3A_54 = arith.constant 0 : i32
    %dma_start3A_55 = arith.constant 0 : i32
    %dma_start3A_56 = tpu.memref_slice %arg7[%dma_start3A_54, %dma_start3A_55] : memref<4x80xi32, #tpu.memory_space<vmem>> -> memref<1x80xi32, #tpu.memory_space<vmem>>
    %dma_start3A_57 = tpu.memref_squeeze %dma_start3A_56 : memref<1x80xi32, #tpu.memory_space<vmem>> -> memref<80xi32, #tpu.memory_space<vmem>>
    %dma_start3A_58 = tpu.memref_slice %arg4[%add3A_53] : memref<320000xi32, #tpu.memory_space<hbm>> -> memref<80xi32, #tpu.memory_space<hbm>>
    %dma_start3A_59 = arith.constant 0 : i32
    %dma_start3A_60 = tpu.memref_slice %arg7[%dma_start3A_54, %dma_start3A_59] : memref<4x80xi32, #tpu.memory_space<vmem>> -> memref<1x80xi32, #tpu.memory_space<vmem>>
    %dma_start3A_61 = tpu.memref_squeeze %dma_start3A_60 : memref<1x80xi32, #tpu.memory_space<vmem>> -> memref<80xi32, #tpu.memory_space<vmem>>
    %dma_start3A_62 = tpu.memref_slice %arg4[%add3A_53] : memref<320000xi32, #tpu.memory_space<hbm>> -> memref<80xi32, #tpu.memory_space<hbm>>
    tpu.enqueue_dma source(%dma_start3A_62 : memref<80xi32, #tpu.memory_space<hbm>>) target(%dma_start3A_61 : memref<80xi32, #tpu.memory_space<vmem>>) target_semaphore(%arg14 : memref<!tpu.dma_semaphore, #tpu.memory_space<semaphore_mem>>)
    %add3A_63 = arith.constant 80 : i32
    %add3A_64 = arith.addi %add3A, %add3A_63 : i32
    %dma_start3A_65 = arith.constant 1 : i32
    %dma_start3A_66 = arith.constant 0 : i32
    %dma_start3A_67 = tpu.memref_slice %arg7[%dma_start3A_65, %dma_start3A_66] : memref<4x80xi32, #tpu.memory_space<vmem>> -> memref<1x80xi32, #tpu.memory_space<vmem>>
    %dma_start3A_68 = tpu.memref_squeeze %dma_start3A_67 : memref<1x80xi32, #tpu.memory_space<vmem>> -> memref<80xi32, #tpu.memory_space<vmem>>
    %dma_start3A_69 = tpu.memref_slice %arg4[%add3A_64] : memref<320000xi32, #tpu.memory_space<hbm>> -> memref<80xi32, #tpu.memory_space<hbm>>
    %dma_start3A_70 = arith.constant 0 : i32
    %dma_start3A_71 = tpu.memref_slice %arg7[%dma_start3A_65, %dma_start3A_70] : memref<4x80xi32, #tpu.memory_space<vmem>> -> memref<1x80xi32, #tpu.memory_space<vmem>>
    %dma_start3A_72 = tpu.memref_squeeze %dma_start3A_71 : memref<1x80xi32, #tpu.memory_space<vmem>> -> memref<80xi32, #tpu.memory_space<vmem>>
    %dma_start3A_73 = tpu.memref_slice %arg4[%add3A_64] : memref<320000xi32, #tpu.memory_space<hbm>> -> memref<80xi32, #tpu.memory_space<hbm>>
    tpu.enqueue_dma source(%dma_start3A_73 : memref<80xi32, #tpu.memory_space<hbm>>) target(%dma_start3A_72 : memref<80xi32, #tpu.memory_space<vmem>>) target_semaphore(%arg15 : memref<!tpu.dma_semaphore, #tpu.memory_space<semaphore_mem>>)
    %add3A_74 = arith.constant 160 : i32
    %add3A_75 = arith.addi %add3A, %add3A_74 : i32
    %dma_start3A_76 = arith.constant 2 : i32
    %dma_start3A_77 = arith.constant 0 : i32
    %dma_start3A_78 = tpu.memref_slice %arg7[%dma_start3A_76, %dma_start3A_77] : memref<4x80xi32, #tpu.memory_space<vmem>> -> memref<1x80xi32, #tpu.memory_space<vmem>>
    %dma_start3A_79 = tpu.memref_squeeze %dma_start3A_78 : memref<1x80xi32, #tpu.memory_space<vmem>> -> memref<80xi32, #tpu.memory_space<vmem>>
    %dma_start3A_80 = tpu.memref_slice %arg4[%add3A_75] : memref<320000xi32, #tpu.memory_space<hbm>> -> memref<80xi32, #tpu.memory_space<hbm>>
    %dma_start3A_81 = arith.constant 0 : i32
    %dma_start3A_82 = tpu.memref_slice %arg7[%dma_start3A_76, %dma_start3A_81] : memref<4x80xi32, #tpu.memory_space<vmem>> -> memref<1x80xi32, #tpu.memory_space<vmem>>
    %dma_start3A_83 = tpu.memref_squeeze %dma_start3A_82 : memref<1x80xi32, #tpu.memory_space<vmem>> -> memref<80xi32, #tpu.memory_space<vmem>>
    %dma_start3A_84 = tpu.memref_slice %arg4[%add3A_75] : memref<320000xi32, #tpu.memory_space<hbm>> -> memref<80xi32, #tpu.memory_space<hbm>>
    tpu.enqueue_dma source(%dma_start3A_84 : memref<80xi32, #tpu.memory_space<hbm>>) target(%dma_start3A_83 : memref<80xi32, #tpu.memory_space<vmem>>) target_semaphore(%arg16 : memref<!tpu.dma_semaphore, #tpu.memory_space<semaphore_mem>>)
    %dma_wait3A = arith.constant 0 : i32
    %dma_wait3A_85 = arith.constant 0 : i32
    %dma_wait3A_86 = tpu.memref_slice %arg6[%dma_wait3A, %dma_wait3A_85] : memref<4x80xi32, #tpu.memory_space<vmem>> -> memref<1x80xi32, #tpu.memory_space<vmem>>
    %dma_wait3A_87 = tpu.memref_squeeze %dma_wait3A_86 : memref<1x80xi32, #tpu.memory_space<vmem>> -> memref<80xi32, #tpu.memory_space<vmem>>
    %dma_wait3A_88 = tpu.memref_slice %arg3[%add3A] : memref<320000xi32, #tpu.memory_space<hbm>> -> memref<80xi32, #tpu.memory_space<hbm>>
    %dma_wait3A_89 = arith.constant 0 : i32
    %dma_wait3A_90 = tpu.memref_slice %arg6[%dma_wait3A, %dma_wait3A_89] : memref<4x80xi32, #tpu.memory_space<vmem>> -> memref<1x80xi32, #tpu.memory_space<vmem>>
    %dma_wait3A_91 = tpu.memref_squeeze %dma_wait3A_90 : memref<1x80xi32, #tpu.memory_space<vmem>> -> memref<80xi32, #tpu.memory_space<vmem>>
    %dma_wait3A_92 = tpu.memref_slice %arg3[%add3A] : memref<320000xi32, #tpu.memory_space<hbm>> -> memref<80xi32, #tpu.memory_space<hbm>>
    tpu.wait_dma2 semaphore(%arg10 : memref<!tpu.dma_semaphore, #tpu.memory_space<semaphore_mem>>) src(%dma_wait3A_92 : memref<80xi32, #tpu.memory_space<hbm>>) dst(%dma_wait3A_91 : memref<80xi32, #tpu.memory_space<vmem>>)
    %dma_start3A_93 = arith.constant 0 : i32
    %dma_start3A_94 = arith.constant 0 : i32
    %dma_start3A_95 = arith.constant 0 : i32
    %dma_start3A_96 = arith.constant 0 : i32
    %dma_start3A_97 = tpu.memref_slice %arg8[%dma_start3A_94, %dma_start3A_95, %dma_start3A_96] : memref<4x80x128xf32, #tpu.memory_space<vmem>> -> memref<1x80x128xf32, #tpu.memory_space<vmem>>
    %dma_start3A_98 = tpu.memref_squeeze %dma_start3A_97 : memref<1x80x128xf32, #tpu.memory_space<vmem>> -> memref<80x128xf32, #tpu.memory_space<vmem>>
    %dma_start3A_99 = arith.constant 0 : i32
    %dma_start3A_100 = tpu.memref_slice %arg6[%dma_start3A_93, %dma_start3A_99] : memref<4x80xi32, #tpu.memory_space<vmem>> -> memref<1x80xi32, #tpu.memory_space<vmem>>
    %dma_start3A_101 = tpu.memref_squeeze %dma_start3A_100 : memref<1x80xi32, #tpu.memory_space<vmem>> -> memref<80xi32, #tpu.memory_space<vmem>>
    %dma_start3A_102 = arith.constant 0 : i32
    %dma_start3A_103 = arith.constant 0 : i32
    %dma_start3A_104 = tpu.memref_slice %arg2[%dma_start3A_102, %dma_start3A_103] : memref<10000x128xf32, #tpu.memory_space<hbm>> -> memref<10000x128xf32, #tpu.memory_space<hbm>>
    tpu.enqueue_indirect_dma source(%dma_start3A_104 : memref<10000x128xf32, #tpu.memory_space<hbm>>) target(%dma_start3A_98 : memref<80x128xf32, #tpu.memory_space<vmem>>) offsets(%dma_start3A_101 : memref<80xi32, #tpu.memory_space<vmem>>) semaphore(%arg18 : memref<!tpu.dma_semaphore, #tpu.memory_space<semaphore_mem>>)
    %dma_wait3A_105 = arith.constant 1 : i32
    %dma_wait3A_106 = arith.constant 0 : i32
    %dma_wait3A_107 = tpu.memref_slice %arg6[%dma_wait3A_105, %dma_wait3A_106] : memref<4x80xi32, #tpu.memory_space<vmem>> -> memref<1x80xi32, #tpu.memory_space<vmem>>
    %dma_wait3A_108 = tpu.memref_squeeze %dma_wait3A_107 : memref<1x80xi32, #tpu.memory_space<vmem>> -> memref<80xi32, #tpu.memory_space<vmem>>
    %dma_wait3A_109 = tpu.memref_slice %arg3[%add3A] : memref<320000xi32, #tpu.memory_space<hbm>> -> memref<80xi32, #tpu.memory_space<hbm>>
    %dma_wait3A_110 = arith.constant 0 : i32
    %dma_wait3A_111 = tpu.memref_slice %arg6[%dma_wait3A_105, %dma_wait3A_110] : memref<4x80xi32, #tpu.memory_space<vmem>> -> memref<1x80xi32, #tpu.memory_space<vmem>>
    %dma_wait3A_112 = tpu.memref_squeeze %dma_wait3A_111 : memref<1x80xi32, #tpu.memory_space<vmem>> -> memref<80xi32, #tpu.memory_space<vmem>>
    %dma_wait3A_113 = tpu.memref_slice %arg3[%add3A] : memref<320000xi32, #tpu.memory_space<hbm>> -> memref<80xi32, #tpu.memory_space<hbm>>
    tpu.wait_dma2 semaphore(%arg11 : memref<!tpu.dma_semaphore, #tpu.memory_space<semaphore_mem>>) src(%dma_wait3A_113 : memref<80xi32, #tpu.memory_space<hbm>>) dst(%dma_wait3A_112 : memref<80xi32, #tpu.memory_space<vmem>>)
    %dma_start3A_114 = arith.constant 1 : i32
    %dma_start3A_115 = arith.constant 1 : i32
    %dma_start3A_116 = arith.constant 0 : i32
    %dma_start3A_117 = arith.constant 0 : i32
    %dma_start3A_118 = tpu.memref_slice %arg8[%dma_start3A_115, %dma_start3A_116, %dma_start3A_117] : memref<4x80x128xf32, #tpu.memory_space<vmem>> -> memref<1x80x128xf32, #tpu.memory_space<vmem>>
    %dma_start3A_119 = tpu.memref_squeeze %dma_start3A_118 : memref<1x80x128xf32, #tpu.memory_space<vmem>> -> memref<80x128xf32, #tpu.memory_space<vmem>>
    %dma_start3A_120 = arith.constant 0 : i32
    %dma_start3A_121 = tpu.memref_slice %arg6[%dma_start3A_114, %dma_start3A_120] : memref<4x80xi32, #tpu.memory_space<vmem>> -> memref<1x80xi32, #tpu.memory_space<vmem>>
    %dma_start3A_122 = tpu.memref_squeeze %dma_start3A_121 : memref<1x80xi32, #tpu.memory_space<vmem>> -> memref<80xi32, #tpu.memory_space<vmem>>
    %dma_start3A_123 = arith.constant 0 : i32
    %dma_start3A_124 = arith.constant 0 : i32
    %dma_start3A_125 = tpu.memref_slice %arg2[%dma_start3A_123, %dma_start3A_124] : memref<10000x128xf32, #tpu.memory_space<hbm>> -> memref<10000x128xf32, #tpu.memory_space<hbm>>
    tpu.enqueue_indirect_dma source(%dma_start3A_125 : memref<10000x128xf32, #tpu.memory_space<hbm>>) target(%dma_start3A_119 : memref<80x128xf32, #tpu.memory_space<vmem>>) offsets(%dma_start3A_122 : memref<80xi32, #tpu.memory_space<vmem>>) semaphore(%arg19 : memref<!tpu.dma_semaphore, #tpu.memory_space<semaphore_mem>>)
    %dma_wait3A_126 = arith.constant 2 : i32
    %dma_wait3A_127 = arith.constant 0 : i32
    %dma_wait3A_128 = tpu.memref_slice %arg6[%dma_wait3A_126, %dma_wait3A_127] : memref<4x80xi32, #tpu.memory_space<vmem>> -> memref<1x80xi32, #tpu.memory_space<vmem>>
    %dma_wait3A_129 = tpu.memref_squeeze %dma_wait3A_128 : memref<1x80xi32, #tpu.memory_space<vmem>> -> memref<80xi32, #tpu.memory_space<vmem>>
    %dma_wait3A_130 = tpu.memref_slice %arg3[%add3A] : memref<320000xi32, #tpu.memory_space<hbm>> -> memref<80xi32, #tpu.memory_space<hbm>>
    %dma_wait3A_131 = arith.constant 0 : i32
    %dma_wait3A_132 = tpu.memref_slice %arg6[%dma_wait3A_126, %dma_wait3A_131] : memref<4x80xi32, #tpu.memory_space<vmem>> -> memref<1x80xi32, #tpu.memory_space<vmem>>
    %dma_wait3A_133 = tpu.memref_squeeze %dma_wait3A_132 : memref<1x80xi32, #tpu.memory_space<vmem>> -> memref<80xi32, #tpu.memory_space<vmem>>
    %dma_wait3A_134 = tpu.memref_slice %arg3[%add3A] : memref<320000xi32, #tpu.memory_space<hbm>> -> memref<80xi32, #tpu.memory_space<hbm>>
    tpu.wait_dma2 semaphore(%arg12 : memref<!tpu.dma_semaphore, #tpu.memory_space<semaphore_mem>>) src(%dma_wait3A_134 : memref<80xi32, #tpu.memory_space<hbm>>) dst(%dma_wait3A_133 : memref<80xi32, #tpu.memory_space<vmem>>)
    %dma_start3A_135 = arith.constant 2 : i32
    %dma_start3A_136 = arith.constant 2 : i32
    %dma_start3A_137 = arith.constant 0 : i32
    %dma_start3A_138 = arith.constant 0 : i32
    %dma_start3A_139 = tpu.memref_slice %arg8[%dma_start3A_136, %dma_start3A_137, %dma_start3A_138] : memref<4x80x128xf32, #tpu.memory_space<vmem>> -> memref<1x80x128xf32, #tpu.memory_space<vmem>>
    %dma_start3A_140 = tpu.memref_squeeze %dma_start3A_139 : memref<1x80x128xf32, #tpu.memory_space<vmem>> -> memref<80x128xf32, #tpu.memory_space<vmem>>
    %dma_start3A_141 = arith.constant 0 : i32
    %dma_start3A_142 = tpu.memref_slice %arg6[%dma_start3A_135, %dma_start3A_141] : memref<4x80xi32, #tpu.memory_space<vmem>> -> memref<1x80xi32, #tpu.memory_space<vmem>>
    %dma_start3A_143 = tpu.memref_squeeze %dma_start3A_142 : memref<1x80xi32, #tpu.memory_space<vmem>> -> memref<80xi32, #tpu.memory_space<vmem>>
    %dma_start3A_144 = arith.constant 0 : i32
    %dma_start3A_145 = arith.constant 0 : i32
    %dma_start3A_146 = tpu.memref_slice %arg2[%dma_start3A_144, %dma_start3A_145] : memref<10000x128xf32, #tpu.memory_space<hbm>> -> memref<10000x128xf32, #tpu.memory_space<hbm>>
    tpu.enqueue_indirect_dma source(%dma_start3A_146 : memref<10000x128xf32, #tpu.memory_space<hbm>>) target(%dma_start3A_140 : memref<80x128xf32, #tpu.memory_space<vmem>>) offsets(%dma_start3A_143 : memref<80xi32, #tpu.memory_space<vmem>>) semaphore(%arg20 : memref<!tpu.dma_semaphore, #tpu.memory_space<semaphore_mem>>)
    %scan3A = arith.constant 0 : i32
    %scan3A_147 = arith.constant 0 : i32
    %scan3A_148 = arith.constant 31 : i32
    %scan3A_149 = arith.addi %scan3A_147, %scan3A_148 : i32
    %scan3A_150 = arith.constant 1 : i32
    scf.for %scan3A_219 = %scan3A_147 to %scan3A_149 step %scan3A_150  : i32 {
      %mul3A_220 = arith.constant 4 : i32
      %mul3A_221 = arith.muli %mul3A_220, %scan3A_219 : i32
      %add3A_222 = arith.constant 0 : i32
      %add3A_223 = arith.addi %mul3A_221, %add3A_222 : i32
      %dma_wait3A_224 = arith.constant 0 : i32
      %dma_wait3A_225 = arith.constant 0 : i32
      %dma_wait3A_226 = arith.constant 0 : i32
      %dma_wait3A_227 = arith.constant 0 : i32
      %dma_wait3A_228 = tpu.memref_slice %arg8[%dma_wait3A_225, %dma_wait3A_226, %dma_wait3A_227] : memref<4x80x128xf32, #tpu.memory_space<vmem>> -> memref<1x80x128xf32, #tpu.memory_space<vmem>>
      %dma_wait3A_229 = tpu.memref_squeeze %dma_wait3A_228 : memref<1x80x128xf32, #tpu.memory_space<vmem>> -> memref<80x128xf32, #tpu.memory_space<vmem>>
      %dma_wait3A_230 = arith.constant 0 : i32
      %dma_wait3A_231 = tpu.memref_slice %arg6[%dma_wait3A_224, %dma_wait3A_230] : memref<4x80xi32, #tpu.memory_space<vmem>> -> memref<1x80xi32, #tpu.memory_space<vmem>>
      %dma_wait3A_232 = tpu.memref_squeeze %dma_wait3A_231 : memref<1x80xi32, #tpu.memory_space<vmem>> -> memref<80xi32, #tpu.memory_space<vmem>>
      %dma_wait3A_233 = arith.constant 0 : i32
      %dma_wait3A_234 = arith.constant 0 : i32
      %dma_wait3A_235 = tpu.memref_slice %arg2[%dma_wait3A_233, %dma_wait3A_234] : memref<10000x128xf32, #tpu.memory_space<hbm>> -> memref<10000x128xf32, #tpu.memory_space<hbm>>
      tpu.wait_indirect_dma semaphore(%arg18 : memref<!tpu.dma_semaphore, #tpu.memory_space<semaphore_mem>>) src(%dma_wait3A_235 : memref<10000x128xf32, #tpu.memory_space<hbm>>) dst(%dma_wait3A_229 : memref<80x128xf32, #tpu.memory_space<vmem>>)
      %dma_wait3A_236 = arith.constant 0 : i32
      %dma_wait3A_237 = arith.constant 0 : i32
      %dma_wait3A_238 = tpu.memref_slice %arg7[%dma_wait3A_236, %dma_wait3A_237] : memref<4x80xi32, #tpu.memory_space<vmem>> -> memref<1x80xi32, #tpu.memory_space<vmem>>
      %dma_wait3A_239 = tpu.memref_squeeze %dma_wait3A_238 : memref<1x80xi32, #tpu.memory_space<vmem>> -> memref<80xi32, #tpu.memory_space<vmem>>
      %dma_wait3A_240 = tpu.memref_slice %arg4[%add3A] : memref<320000xi32, #tpu.memory_space<hbm>> -> memref<80xi32, #tpu.memory_space<hbm>>
      %dma_wait3A_241 = arith.constant 0 : i32
      %dma_wait3A_242 = tpu.memref_slice %arg7[%dma_wait3A_236, %dma_wait3A_241] : memref<4x80xi32, #tpu.memory_space<vmem>> -> memref<1x80xi32, #tpu.memory_space<vmem>>
      %dma_wait3A_243 = tpu.memref_squeeze %dma_wait3A_242 : memref<1x80xi32, #tpu.memory_space<vmem>> -> memref<80xi32, #tpu.memory_space<vmem>>
      %dma_wait3A_244 = tpu.memref_slice %arg4[%add3A] : memref<320000xi32, #tpu.memory_space<hbm>> -> memref<80xi32, #tpu.memory_space<hbm>>
      tpu.wait_dma2 semaphore(%arg14 : memref<!tpu.dma_semaphore, #tpu.memory_space<semaphore_mem>>) src(%dma_wait3A_244 : memref<80xi32, #tpu.memory_space<hbm>>) dst(%dma_wait3A_243 : memref<80xi32, #tpu.memory_space<vmem>>)
      %dma_start3A_245 = arith.constant 0 : i32
      %dma_start3A_246 = arith.constant 0 : i32
      %dma_start3A_247 = arith.constant 0 : i32
      %dma_start3A_248 = arith.constant 0 : i32
      %dma_start3A_249 = tpu.memref_slice %arg8[%dma_start3A_245, %dma_start3A_247, %dma_start3A_248] : memref<4x80x128xf32, #tpu.memory_space<vmem>> -> memref<1x80x128xf32, #tpu.memory_space<vmem>>
      %dma_start3A_250 = tpu.memref_squeeze %dma_start3A_249 : memref<1x80x128xf32, #tpu.memory_space<vmem>> -> memref<80x128xf32, #tpu.memory_space<vmem>>
      %dma_start3A_251 = arith.constant 0 : i32
      %dma_start3A_252 = tpu.memref_slice %arg7[%dma_start3A_246, %dma_start3A_251] : memref<4x80xi32, #tpu.memory_space<vmem>> -> memref<1x80xi32, #tpu.memory_space<vmem>>
      %dma_start3A_253 = tpu.memref_squeeze %dma_start3A_252 : memref<1x80xi32, #tpu.memory_space<vmem>> -> memref<80xi32, #tpu.memory_space<vmem>>
      %dma_start3A_254 = arith.constant 0 : i32
      %dma_start3A_255 = arith.constant 0 : i32
      %dma_start3A_256 = tpu.memref_slice %arg9[%dma_start3A_254, %dma_start3A_255] : memref<10000x128xf32, #tpu.memory_space<vmem_shared>> -> memref<10000x128xf32, #tpu.memory_space<vmem_shared>>
      tpu.enqueue_indirect_dma source(%dma_start3A_250 : memref<80x128xf32, #tpu.memory_space<vmem>>) target(%dma_start3A_256 : memref<10000x128xf32, #tpu.memory_space<vmem_shared>>) offsets(%dma_start3A_253 : memref<80xi32, #tpu.memory_space<vmem>>) semaphore(%arg22 : memref<!tpu.dma_semaphore, #tpu.memory_space<semaphore_mem>>) {add = true}
      %ge3A = arith.constant 1 : i32
      %ge3A_257 = arith.cmpi sge, %add3A_223, %ge3A : i32
      %convert_element_type3A_258 = arith.extui %ge3A_257 : i1 to i32
      %cond3A_259 = arith.constant 0 : i32
      %cond3A_260 = arith.cmpi ne, %convert_element_type3A_258, %cond3A_259 : i32
      scf.if %cond3A_260 {
        %dma_wait3A_526 = arith.constant 0 : i32
        %dma_wait3A_527 = arith.constant 0 : i32
        %dma_wait3A_528 = arith.constant 0 : i32
        %dma_wait3A_529 = arith.constant 0 : i32
        %dma_wait3A_530 = tpu.memref_slice %arg8[%dma_wait3A_526, %dma_wait3A_528, %dma_wait3A_529] : memref<4x80x128xf32, #tpu.memory_space<vmem>> -> memref<1x80x128xf32, #tpu.memory_space<vmem>>
        %dma_wait3A_531 = tpu.memref_squeeze %dma_wait3A_530 : memref<1x80x128xf32, #tpu.memory_space<vmem>> -> memref<80x128xf32, #tpu.memory_space<vmem>>
        %dma_wait3A_532 = arith.constant 0 : i32
        %dma_wait3A_533 = tpu.memref_slice %arg7[%dma_wait3A_527, %dma_wait3A_532] : memref<4x80xi32, #tpu.memory_space<vmem>> -> memref<1x80xi32, #tpu.memory_space<vmem>>
        %dma_wait3A_534 = tpu.memref_squeeze %dma_wait3A_533 : memref<1x80xi32, #tpu.memory_space<vmem>> -> memref<80xi32, #tpu.memory_space<vmem>>
        %dma_wait3A_535 = arith.constant 0 : i32
        %dma_wait3A_536 = arith.constant 0 : i32
        %dma_wait3A_537 = tpu.memref_slice %arg9[%dma_wait3A_535, %dma_wait3A_536] : memref<10000x128xf32, #tpu.memory_space<vmem_shared>> -> memref<10000x128xf32, #tpu.memory_space<vmem_shared>>
        tpu.wait_indirect_dma semaphore(%arg23 : memref<!tpu.dma_semaphore, #tpu.memory_space<semaphore_mem>>) src(%dma_wait3A_531 : memref<80x128xf32, #tpu.memory_space<vmem>>) dst(%dma_wait3A_537 : memref<10000x128xf32, #tpu.memory_space<vmem_shared>>)
      } else {
      }
      %add3A_261 = arith.constant 4 : i32
      %add3A_262 = arith.addi %add3A_223, %add3A_261 : i32
      %mul3A_263 = arith.constant 80 : i32
      %mul3A_264 = arith.muli %add3A_262, %mul3A_263 : i32
      %add3A_265 = arith.addi %add3A, %mul3A_264 : i32
      %dma_start3A_266 = arith.constant 0 : i32
      %dma_start3A_267 = arith.constant 0 : i32
      %dma_start3A_268 = tpu.memref_slice %arg6[%dma_start3A_266, %dma_start3A_267] : memref<4x80xi32, #tpu.memory_space<vmem>> -> memref<1x80xi32, #tpu.memory_space<vmem>>
      %dma_start3A_269 = tpu.memref_squeeze %dma_start3A_268 : memref<1x80xi32, #tpu.memory_space<vmem>> -> memref<80xi32, #tpu.memory_space<vmem>>
      %dma_start3A_270 = tpu.memref_slice %arg3[%add3A_265] : memref<320000xi32, #tpu.memory_space<hbm>> -> memref<80xi32, #tpu.memory_space<hbm>>
      %dma_start3A_271 = arith.constant 0 : i32
      %dma_start3A_272 = tpu.memref_slice %arg6[%dma_start3A_266, %dma_start3A_271] : memref<4x80xi32, #tpu.memory_space<vmem>> -> memref<1x80xi32, #tpu.memory_space<vmem>>
      %dma_start3A_273 = tpu.memref_squeeze %dma_start3A_272 : memref<1x80xi32, #tpu.memory_space<vmem>> -> memref<80xi32, #tpu.memory_space<vmem>>
      %dma_start3A_274 = tpu.memref_slice %arg3[%add3A_265] : memref<320000xi32, #tpu.memory_space<hbm>> -> memref<80xi32, #tpu.memory_space<hbm>>
      tpu.enqueue_dma source(%dma_start3A_274 : memref<80xi32, #tpu.memory_space<hbm>>) target(%dma_start3A_273 : memref<80xi32, #tpu.memory_space<vmem>>) target_semaphore(%arg10 : memref<!tpu.dma_semaphore, #tpu.memory_space<semaphore_mem>>)
      %add3A_275 = arith.constant 3 : i32
      %add3A_276 = arith.addi %add3A_223, %add3A_275 : i32
      %mul3A_277 = arith.constant 80 : i32
      %mul3A_278 = arith.muli %add3A_276, %mul3A_277 : i32
      %add3A_279 = arith.addi %add3A, %mul3A_278 : i32
      %dma_start3A_280 = arith.constant 3 : i32
      %dma_start3A_281 = arith.constant 0 : i32
      %dma_start3A_282 = tpu.memref_slice %arg7[%dma_start3A_280, %dma_start3A_281] : memref<4x80xi32, #tpu.memory_space<vmem>> -> memref<1x80xi32, #tpu.memory_space<vmem>>
      %dma_start3A_283 = tpu.memref_squeeze %dma_start3A_282 : memref<1x80xi32, #tpu.memory_space<vmem>> -> memref<80xi32, #tpu.memory_space<vmem>>
      %dma_start3A_284 = tpu.memref_slice %arg4[%add3A_279] : memref<320000xi32, #tpu.memory_space<hbm>> -> memref<80xi32, #tpu.memory_space<hbm>>
      %dma_start3A_285 = arith.constant 0 : i32
      %dma_start3A_286 = tpu.memref_slice %arg7[%dma_start3A_280, %dma_start3A_285] : memref<4x80xi32, #tpu.memory_space<vmem>> -> memref<1x80xi32, #tpu.memory_space<vmem>>
      %dma_start3A_287 = tpu.memref_squeeze %dma_start3A_286 : memref<1x80xi32, #tpu.memory_space<vmem>> -> memref<80xi32, #tpu.memory_space<vmem>>
      %dma_start3A_288 = tpu.memref_slice %arg4[%add3A_279] : memref<320000xi32, #tpu.memory_space<hbm>> -> memref<80xi32, #tpu.memory_space<hbm>>
      tpu.enqueue_dma source(%dma_start3A_288 : memref<80xi32, #tpu.memory_space<hbm>>) target(%dma_start3A_287 : memref<80xi32, #tpu.memory_space<vmem>>) target_semaphore(%arg17 : memref<!tpu.dma_semaphore, #tpu.memory_space<semaphore_mem>>)
      %dma_wait3A_289 = arith.constant 3 : i32
      %dma_wait3A_290 = arith.constant 0 : i32
      %dma_wait3A_291 = tpu.memref_slice %arg6[%dma_wait3A_289, %dma_wait3A_290] : memref<4x80xi32, #tpu.memory_space<vmem>> -> memref<1x80xi32, #tpu.memory_space<vmem>>
      %dma_wait3A_292 = tpu.memref_squeeze %dma_wait3A_291 : memref<1x80xi32, #tpu.memory_space<vmem>> -> memref<80xi32, #tpu.memory_space<vmem>>
      %dma_wait3A_293 = tpu.memref_slice %arg3[%add3A] : memref<320000xi32, #tpu.memory_space<hbm>> -> memref<80xi32, #tpu.memory_space<hbm>>
      %dma_wait3A_294 = arith.constant 0 : i32
      %dma_wait3A_295 = tpu.memref_slice %arg6[%dma_wait3A_289, %dma_wait3A_294] : memref<4x80xi32, #tpu.memory_space<vmem>> -> memref<1x80xi32, #tpu.memory_space<vmem>>
      %dma_wait3A_296 = tpu.memref_squeeze %dma_wait3A_295 : memref<1x80xi32, #tpu.memory_space<vmem>> -> memref<80xi32, #tpu.memory_space<vmem>>
      %dma_wait3A_297 = tpu.memref_slice %arg3[%add3A] : memref<320000xi32, #tpu.memory_space<hbm>> -> memref<80xi32, #tpu.memory_space<hbm>>
      tpu.wait_dma2 semaphore(%arg13 : memref<!tpu.dma_semaphore, #tpu.memory_space<semaphore_mem>>) src(%dma_wait3A_297 : memref<80xi32, #tpu.memory_space<hbm>>) dst(%dma_wait3A_296 : memref<80xi32, #tpu.memory_space<vmem>>)
      %dma_start3A_298 = arith.constant 3 : i32
      %dma_start3A_299 = arith.constant 3 : i32
      %dma_start3A_300 = arith.constant 0 : i32
      %dma_start3A_301 = arith.constant 0 : i32
      %dma_start3A_302 = tpu.memref_slice %arg8[%dma_start3A_299, %dma_start3A_300, %dma_start3A_301] : memref<4x80x128xf32, #tpu.memory_space<vmem>> -> memref<1x80x128xf32, #tpu.memory_space<vmem>>
      %dma_start3A_303 = tpu.memref_squeeze %dma_start3A_302 : memref<1x80x128xf32, #tpu.memory_space<vmem>> -> memref<80x128xf32, #tpu.memory_space<vmem>>
      %dma_start3A_304 = arith.constant 0 : i32
      %dma_start3A_305 = tpu.memref_slice %arg6[%dma_start3A_298, %dma_start3A_304] : memref<4x80xi32, #tpu.memory_space<vmem>> -> memref<1x80xi32, #tpu.memory_space<vmem>>
      %dma_start3A_306 = tpu.memref_squeeze %dma_start3A_305 : memref<1x80xi32, #tpu.memory_space<vmem>> -> memref<80xi32, #tpu.memory_space<vmem>>
      %dma_start3A_307 = arith.constant 0 : i32
      %dma_start3A_308 = arith.constant 0 : i32
      %dma_start3A_309 = tpu.memref_slice %arg2[%dma_start3A_307, %dma_start3A_308] : memref<10000x128xf32, #tpu.memory_space<hbm>> -> memref<10000x128xf32, #tpu.memory_space<hbm>>
      tpu.enqueue_indirect_dma source(%dma_start3A_309 : memref<10000x128xf32, #tpu.memory_space<hbm>>) target(%dma_start3A_303 : memref<80x128xf32, #tpu.memory_space<vmem>>) offsets(%dma_start3A_306 : memref<80xi32, #tpu.memory_space<vmem>>) semaphore(%arg21 : memref<!tpu.dma_semaphore, #tpu.memory_space<semaphore_mem>>)
      %mul3A_310 = arith.constant 4 : i32
      %mul3A_311 = arith.muli %mul3A_310, %scan3A_219 : i32
      %add3A_312 = arith.constant 1 : i32
      %add3A_313 = arith.addi %mul3A_311, %add3A_312 : i32
      %dma_wait3A_314 = arith.constant 1 : i32
      %dma_wait3A_315 = arith.constant 1 : i32
      %dma_wait3A_316 = arith.constant 0 : i32
      %dma_wait3A_317 = arith.constant 0 : i32
      %dma_wait3A_318 = tpu.memref_slice %arg8[%dma_wait3A_315, %dma_wait3A_316, %dma_wait3A_317] : memref<4x80x128xf32, #tpu.memory_space<vmem>> -> memref<1x80x128xf32, #tpu.memory_space<vmem>>
      %dma_wait3A_319 = tpu.memref_squeeze %dma_wait3A_318 : memref<1x80x128xf32, #tpu.memory_space<vmem>> -> memref<80x128xf32, #tpu.memory_space<vmem>>
      %dma_wait3A_320 = arith.constant 0 : i32
      %dma_wait3A_321 = tpu.memref_slice %arg6[%dma_wait3A_314, %dma_wait3A_320] : memref<4x80xi32, #tpu.memory_space<vmem>> -> memref<1x80xi32, #tpu.memory_space<vmem>>
      %dma_wait3A_322 = tpu.memref_squeeze %dma_wait3A_321 : memref<1x80xi32, #tpu.memory_space<vmem>> -> memref<80xi32, #tpu.memory_space<vmem>>
      %dma_wait3A_323 = arith.constant 0 : i32
      %dma_wait3A_324 = arith.constant 0 : i32
      %dma_wait3A_325 = tpu.memref_slice %arg2[%dma_wait3A_323, %dma_wait3A_324] : memref<10000x128xf32, #tpu.memory_space<hbm>> -> memref<10000x128xf32, #tpu.memory_space<hbm>>
      tpu.wait_indirect_dma semaphore(%arg19 : memref<!tpu.dma_semaphore, #tpu.memory_space<semaphore_mem>>) src(%dma_wait3A_325 : memref<10000x128xf32, #tpu.memory_space<hbm>>) dst(%dma_wait3A_319 : memref<80x128xf32, #tpu.memory_space<vmem>>)
      %dma_wait3A_326 = arith.constant 1 : i32
      %dma_wait3A_327 = arith.constant 0 : i32
      %dma_wait3A_328 = tpu.memref_slice %arg7[%dma_wait3A_326, %dma_wait3A_327] : memref<4x80xi32, #tpu.memory_space<vmem>> -> memref<1x80xi32, #tpu.memory_space<vmem>>
      %dma_wait3A_329 = tpu.memref_squeeze %dma_wait3A_328 : memref<1x80xi32, #tpu.memory_space<vmem>> -> memref<80xi32, #tpu.memory_space<vmem>>
      %dma_wait3A_330 = tpu.memref_slice %arg4[%add3A] : memref<320000xi32, #tpu.memory_space<hbm>> -> memref<80xi32, #tpu.memory_space<hbm>>
      %dma_wait3A_331 = arith.constant 0 : i32
      %dma_wait3A_332 = tpu.memref_slice %arg7[%dma_wait3A_326, %dma_wait3A_331] : memref<4x80xi32, #tpu.memory_space<vmem>> -> memref<1x80xi32, #tpu.memory_space<vmem>>
      %dma_wait3A_333 = tpu.memref_squeeze %dma_wait3A_332 : memref<1x80xi32, #tpu.memory_space<vmem>> -> memref<80xi32, #tpu.memory_space<vmem>>
      %dma_wait3A_334 = tpu.memref_slice %arg4[%add3A] : memref<320000xi32, #tpu.memory_space<hbm>> -> memref<80xi32, #tpu.memory_space<hbm>>
      tpu.wait_dma2 semaphore(%arg15 : memref<!tpu.dma_semaphore, #tpu.memory_space<semaphore_mem>>) src(%dma_wait3A_334 : memref<80xi32, #tpu.memory_space<hbm>>) dst(%dma_wait3A_333 : memref<80xi32, #tpu.memory_space<vmem>>)
      %dma_start3A_335 = arith.constant 1 : i32
      %dma_start3A_336 = arith.constant 1 : i32
      %dma_start3A_337 = arith.constant 0 : i32
      %dma_start3A_338 = arith.constant 0 : i32
      %dma_start3A_339 = tpu.memref_slice %arg8[%dma_start3A_335, %dma_start3A_337, %dma_start3A_338] : memref<4x80x128xf32, #tpu.memory_space<vmem>> -> memref<1x80x128xf32, #tpu.memory_space<vmem>>
      %dma_start3A_340 = tpu.memref_squeeze %dma_start3A_339 : memref<1x80x128xf32, #tpu.memory_space<vmem>> -> memref<80x128xf32, #tpu.memory_space<vmem>>
      %dma_start3A_341 = arith.constant 0 : i32
      %dma_start3A_342 = tpu.memref_slice %arg7[%dma_start3A_336, %dma_start3A_341] : memref<4x80xi32, #tpu.memory_space<vmem>> -> memref<1x80xi32, #tpu.memory_space<vmem>>
      %dma_start3A_343 = tpu.memref_squeeze %dma_start3A_342 : memref<1x80xi32, #tpu.memory_space<vmem>> -> memref<80xi32, #tpu.memory_space<vmem>>
      %dma_start3A_344 = arith.constant 0 : i32
      %dma_start3A_345 = arith.constant 0 : i32
      %dma_start3A_346 = tpu.memref_slice %arg9[%dma_start3A_344, %dma_start3A_345] : memref<10000x128xf32, #tpu.memory_space<vmem_shared>> -> memref<10000x128xf32, #tpu.memory_space<vmem_shared>>
      tpu.enqueue_indirect_dma source(%dma_start3A_340 : memref<80x128xf32, #tpu.memory_space<vmem>>) target(%dma_start3A_346 : memref<10000x128xf32, #tpu.memory_space<vmem_shared>>) offsets(%dma_start3A_343 : memref<80xi32, #tpu.memory_space<vmem>>) semaphore(%arg23 : memref<!tpu.dma_semaphore, #tpu.memory_space<semaphore_mem>>) {add = true}
      %dma_wait3A_347 = arith.constant 0 : i32
      %dma_wait3A_348 = arith.constant 0 : i32
      %dma_wait3A_349 = arith.constant 0 : i32
      %dma_wait3A_350 = arith.constant 0 : i32
      %dma_wait3A_351 = tpu.memref_slice %arg8[%dma_wait3A_347, %dma_wait3A_349, %dma_wait3A_350] : memref<4x80x128xf32, #tpu.memory_space<vmem>> -> memref<1x80x128xf32, #tpu.memory_space<vmem>>
      %dma_wait3A_352 = tpu.memref_squeeze %dma_wait3A_351 : memref<1x80x128xf32, #tpu.memory_space<vmem>> -> memref<80x128xf32, #tpu.memory_space<vmem>>
      %dma_wait3A_353 = arith.constant 0 : i32
      %dma_wait3A_354 = tpu.memref_slice %arg7[%dma_wait3A_348, %dma_wait3A_353] : memref<4x80xi32, #tpu.memory_space<vmem>> -> memref<1x80xi32, #tpu.memory_space<vmem>>
      %dma_wait3A_355 = tpu.memref_squeeze %dma_wait3A_354 : memref<1x80xi32, #tpu.memory_space<vmem>> -> memref<80xi32, #tpu.memory_space<vmem>>
      %dma_wait3A_356 = arith.constant 0 : i32
      %dma_wait3A_357 = arith.constant 0 : i32
      %dma_wait3A_358 = tpu.memref_slice %arg9[%dma_wait3A_356, %dma_wait3A_357] : memref<10000x128xf32, #tpu.memory_space<vmem_shared>> -> memref<10000x128xf32, #tpu.memory_space<vmem_shared>>
      tpu.wait_indirect_dma semaphore(%arg22 : memref<!tpu.dma_semaphore, #tpu.memory_space<semaphore_mem>>) src(%dma_wait3A_352 : memref<80x128xf32, #tpu.memory_space<vmem>>) dst(%dma_wait3A_358 : memref<10000x128xf32, #tpu.memory_space<vmem_shared>>)
      %add3A_359 = arith.constant 4 : i32
      %add3A_360 = arith.addi %add3A_313, %add3A_359 : i32
      %lt3A = arith.constant 125 : i32
      %lt3A_361 = arith.cmpi slt, %add3A_360, %lt3A : i32
      %convert_element_type3A_362 = arith.extui %lt3A_361 : i1 to i32
      %cond3A_363 = arith.constant 0 : i32
      %cond3A_364 = arith.cmpi ne, %convert_element_type3A_362, %cond3A_363 : i32
      scf.if %cond3A_364 {
        %add3A_526 = arith.constant 4 : i32
        %add3A_527 = arith.addi %add3A_313, %add3A_526 : i32
        %mul3A_528 = arith.constant 80 : i32
        %mul3A_529 = arith.muli %add3A_527, %mul3A_528 : i32
        %add3A_530 = arith.addi %add3A, %mul3A_529 : i32
        %dma_start3A_531 = arith.constant 1 : i32
        %dma_start3A_532 = arith.constant 0 : i32
        %dma_start3A_533 = tpu.memref_slice %arg6[%dma_start3A_531, %dma_start3A_532] : memref<4x80xi32, #tpu.memory_space<vmem>> -> memref<1x80xi32, #tpu.memory_space<vmem>>
        %dma_start3A_534 = tpu.memref_squeeze %dma_start3A_533 : memref<1x80xi32, #tpu.memory_space<vmem>> -> memref<80xi32, #tpu.memory_space<vmem>>
        %dma_start3A_535 = tpu.memref_slice %arg3[%add3A_530] : memref<320000xi32, #tpu.memory_space<hbm>> -> memref<80xi32, #tpu.memory_space<hbm>>
        %dma_start3A_536 = arith.constant 0 : i32
        %dma_start3A_537 = tpu.memref_slice %arg6[%dma_start3A_531, %dma_start3A_536] : memref<4x80xi32, #tpu.memory_space<vmem>> -> memref<1x80xi32, #tpu.memory_space<vmem>>
        %dma_start3A_538 = tpu.memref_squeeze %dma_start3A_537 : memref<1x80xi32, #tpu.memory_space<vmem>> -> memref<80xi32, #tpu.memory_space<vmem>>
        %dma_start3A_539 = tpu.memref_slice %arg3[%add3A_530] : memref<320000xi32, #tpu.memory_space<hbm>> -> memref<80xi32, #tpu.memory_space<hbm>>
        tpu.enqueue_dma source(%dma_start3A_539 : memref<80xi32, #tpu.memory_space<hbm>>) target(%dma_start3A_538 : memref<80xi32, #tpu.memory_space<vmem>>) target_semaphore(%arg11 : memref<!tpu.dma_semaphore, #tpu.memory_space<semaphore_mem>>)
      } else {
      }
      %add3A_365 = arith.constant 3 : i32
      %add3A_366 = arith.addi %add3A_313, %add3A_365 : i32
      %mul3A_367 = arith.constant 80 : i32
      %mul3A_368 = arith.muli %add3A_366, %mul3A_367 : i32
      %add3A_369 = arith.addi %add3A, %mul3A_368 : i32
      %dma_start3A_370 = arith.constant 0 : i32
      %dma_start3A_371 = arith.constant 0 : i32
      %dma_start3A_372 = tpu.memref_slice %arg7[%dma_start3A_370, %dma_start3A_371] : memref<4x80xi32, #tpu.memory_space<vmem>> -> memref<1x80xi32, #tpu.memory_space<vmem>>
      %dma_start3A_373 = tpu.memref_squeeze %dma_start3A_372 : memref<1x80xi32, #tpu.memory_space<vmem>> -> memref<80xi32, #tpu.memory_space<vmem>>
      %dma_start3A_374 = tpu.memref_slice %arg4[%add3A_369] : memref<320000xi32, #tpu.memory_space<hbm>> -> memref<80xi32, #tpu.memory_space<hbm>>
      %dma_start3A_375 = arith.constant 0 : i32
      %dma_start3A_376 = tpu.memref_slice %arg7[%dma_start3A_370, %dma_start3A_375] : memref<4x80xi32, #tpu.memory_space<vmem>> -> memref<1x80xi32, #tpu.memory_space<vmem>>
      %dma_start3A_377 = tpu.memref_squeeze %dma_start3A_376 : memref<1x80xi32, #tpu.memory_space<vmem>> -> memref<80xi32, #tpu.memory_space<vmem>>
      %dma_start3A_378 = tpu.memref_slice %arg4[%add3A_369] : memref<320000xi32, #tpu.memory_space<hbm>> -> memref<80xi32, #tpu.memory_space<hbm>>
      tpu.enqueue_dma source(%dma_start3A_378 : memref<80xi32, #tpu.memory_space<hbm>>) target(%dma_start3A_377 : memref<80xi32, #tpu.memory_space<vmem>>) target_semaphore(%arg14 : memref<!tpu.dma_semaphore, #tpu.memory_space<semaphore_mem>>)
      %dma_wait3A_379 = arith.constant 0 : i32
      %dma_wait3A_380 = arith.constant 0 : i32
      %dma_wait3A_381 = tpu.memref_slice %arg6[%dma_wait3A_379, %dma_wait3A_380] : memref<4x80xi32, #tpu.memory_space<vmem>> -> memref<1x80xi32, #tpu.memory_space<vmem>>
      %dma_wait3A_382 = tpu.memref_squeeze %dma_wait3A_381 : memref<1x80xi32, #tpu.memory_space<vmem>> -> memref<80xi32, #tpu.memory_space<vmem>>
      %dma_wait3A_383 = tpu.memref_slice %arg3[%add3A] : memref<320000xi32, #tpu.memory_space<hbm>> -> memref<80xi32, #tpu.memory_space<hbm>>
      %dma_wait3A_384 = arith.constant 0 : i32
      %dma_wait3A_385 = tpu.memref_slice %arg6[%dma_wait3A_379, %dma_wait3A_384] : memref<4x80xi32, #tpu.memory_space<vmem>> -> memref<1x80xi32, #tpu.memory_space<vmem>>
      %dma_wait3A_386 = tpu.memref_squeeze %dma_wait3A_385 : memref<1x80xi32, #tpu.memory_space<vmem>> -> memref<80xi32, #tpu.memory_space<vmem>>
      %dma_wait3A_387 = tpu.memref_slice %arg3[%add3A] : memref<320000xi32, #tpu.memory_space<hbm>> -> memref<80xi32, #tpu.memory_space<hbm>>
      tpu.wait_dma2 semaphore(%arg10 : memref<!tpu.dma_semaphore, #tpu.memory_space<semaphore_mem>>) src(%dma_wait3A_387 : memref<80xi32, #tpu.memory_space<hbm>>) dst(%dma_wait3A_386 : memref<80xi32, #tpu.memory_space<vmem>>)
      %dma_start3A_388 = arith.constant 0 : i32
      %dma_start3A_389 = arith.constant 0 : i32
      %dma_start3A_390 = arith.constant 0 : i32
      %dma_start3A_391 = arith.constant 0 : i32
      %dma_start3A_392 = tpu.memref_slice %arg8[%dma_start3A_389, %dma_start3A_390, %dma_start3A_391] : memref<4x80x128xf32, #tpu.memory_space<vmem>> -> memref<1x80x128xf32, #tpu.memory_space<vmem>>
      %dma_start3A_393 = tpu.memref_squeeze %dma_start3A_392 : memref<1x80x128xf32, #tpu.memory_space<vmem>> -> memref<80x128xf32, #tpu.memory_space<vmem>>
      %dma_start3A_394 = arith.constant 0 : i32
      %dma_start3A_395 = tpu.memref_slice %arg6[%dma_start3A_388, %dma_start3A_394] : memref<4x80xi32, #tpu.memory_space<vmem>> -> memref<1x80xi32, #tpu.memory_space<vmem>>
      %dma_start3A_396 = tpu.memref_squeeze %dma_start3A_395 : memref<1x80xi32, #tpu.memory_space<vmem>> -> memref<80xi32, #tpu.memory_space<vmem>>
      %dma_start3A_397 = arith.constant 0 : i32
      %dma_start3A_398 = arith.constant 0 : i32
      %dma_start3A_399 = tpu.memref_slice %arg2[%dma_start3A_397, %dma_start3A_398] : memref<10000x128xf32, #tpu.memory_space<hbm>> -> memref<10000x128xf32, #tpu.memory_space<hbm>>
      tpu.enqueue_indirect_dma source(%dma_start3A_399 : memref<10000x128xf32, #tpu.memory_space<hbm>>) target(%dma_start3A_393 : memref<80x128xf32, #tpu.memory_space<vmem>>) offsets(%dma_start3A_396 : memref<80xi32, #tpu.memory_space<vmem>>) semaphore(%arg18 : memref<!tpu.dma_semaphore, #tpu.memory_space<semaphore_mem>>)
      %mul3A_400 = arith.constant 4 : i32
      %mul3A_401 = arith.muli %mul3A_400, %scan3A_219 : i32
      %add3A_402 = arith.constant 2 : i32
      %add3A_403 = arith.addi %mul3A_401, %add3A_402 : i32
      %dma_wait3A_404 = arith.constant 2 : i32
      %dma_wait3A_405 = arith.constant 2 : i32
      %dma_wait3A_406 = arith.constant 0 : i32
      %dma_wait3A_407 = arith.constant 0 : i32
      %dma_wait3A_408 = tpu.memref_slice %arg8[%dma_wait3A_405, %dma_wait3A_406, %dma_wait3A_407] : memref<4x80x128xf32, #tpu.memory_space<vmem>> -> memref<1x80x128xf32, #tpu.memory_space<vmem>>
      %dma_wait3A_409 = tpu.memref_squeeze %dma_wait3A_408 : memref<1x80x128xf32, #tpu.memory_space<vmem>> -> memref<80x128xf32, #tpu.memory_space<vmem>>
      %dma_wait3A_410 = arith.constant 0 : i32
      %dma_wait3A_411 = tpu.memref_slice %arg6[%dma_wait3A_404, %dma_wait3A_410] : memref<4x80xi32, #tpu.memory_space<vmem>> -> memref<1x80xi32, #tpu.memory_space<vmem>>
      %dma_wait3A_412 = tpu.memref_squeeze %dma_wait3A_411 : memref<1x80xi32, #tpu.memory_space<vmem>> -> memref<80xi32, #tpu.memory_space<vmem>>
      %dma_wait3A_413 = arith.constant 0 : i32
      %dma_wait3A_414 = arith.constant 0 : i32
      %dma_wait3A_415 = tpu.memref_slice %arg2[%dma_wait3A_413, %dma_wait3A_414] : memref<10000x128xf32, #tpu.memory_space<hbm>> -> memref<10000x128xf32, #tpu.memory_space<hbm>>
      tpu.wait_indirect_dma semaphore(%arg20 : memref<!tpu.dma_semaphore, #tpu.memory_space<semaphore_mem>>) src(%dma_wait3A_415 : memref<10000x128xf32, #tpu.memory_space<hbm>>) dst(%dma_wait3A_409 : memref<80x128xf32, #tpu.memory_space<vmem>>)
      %dma_wait3A_416 = arith.constant 2 : i32
      %dma_wait3A_417 = arith.constant 0 : i32
      %dma_wait3A_418 = tpu.memref_slice %arg7[%dma_wait3A_416, %dma_wait3A_417] : memref<4x80xi32, #tpu.memory_space<vmem>> -> memref<1x80xi32, #tpu.memory_space<vmem>>
      %dma_wait3A_419 = tpu.memref_squeeze %dma_wait3A_418 : memref<1x80xi32, #tpu.memory_space<vmem>> -> memref<80xi32, #tpu.memory_space<vmem>>
      %dma_wait3A_420 = tpu.memref_slice %arg4[%add3A] : memref<320000xi32, #tpu.memory_space<hbm>> -> memref<80xi32, #tpu.memory_space<hbm>>
      %dma_wait3A_421 = arith.constant 0 : i32
      %dma_wait3A_422 = tpu.memref_slice %arg7[%dma_wait3A_416, %dma_wait3A_421] : memref<4x80xi32, #tpu.memory_space<vmem>> -> memref<1x80xi32, #tpu.memory_space<vmem>>
      %dma_wait3A_423 = tpu.memref_squeeze %dma_wait3A_422 : memref<1x80xi32, #tpu.memory_space<vmem>> -> memref<80xi32, #tpu.memory_space<vmem>>
      %dma_wait3A_424 = tpu.memref_slice %arg4[%add3A] : memref<320000xi32, #tpu.memory_space<hbm>> -> memref<80xi32, #tpu.memory_space<hbm>>
      tpu.wait_dma2 semaphore(%arg16 : memref<!tpu.dma_semaphore, #tpu.memory_space<semaphore_mem>>) src(%dma_wait3A_424 : memref<80xi32, #tpu.memory_space<hbm>>) dst(%dma_wait3A_423 : memref<80xi32, #tpu.memory_space<vmem>>)
      %dma_start3A_425 = arith.constant 2 : i32
      %dma_start3A_426 = arith.constant 2 : i32
      %dma_start3A_427 = arith.constant 0 : i32
      %dma_start3A_428 = arith.constant 0 : i32
      %dma_start3A_429 = tpu.memref_slice %arg8[%dma_start3A_425, %dma_start3A_427, %dma_start3A_428] : memref<4x80x128xf32, #tpu.memory_space<vmem>> -> memref<1x80x128xf32, #tpu.memory_space<vmem>>
      %dma_start3A_430 = tpu.memref_squeeze %dma_start3A_429 : memref<1x80x128xf32, #tpu.memory_space<vmem>> -> memref<80x128xf32, #tpu.memory_space<vmem>>
      %dma_start3A_431 = arith.constant 0 : i32
      %dma_start3A_432 = tpu.memref_slice %arg7[%dma_start3A_426, %dma_start3A_431] : memref<4x80xi32, #tpu.memory_space<vmem>> -> memref<1x80xi32, #tpu.memory_space<vmem>>
      %dma_start3A_433 = tpu.memref_squeeze %dma_start3A_432 : memref<1x80xi32, #tpu.memory_space<vmem>> -> memref<80xi32, #tpu.memory_space<vmem>>
      %dma_start3A_434 = arith.constant 0 : i32
      %dma_start3A_435 = arith.constant 0 : i32
      %dma_start3A_436 = tpu.memref_slice %arg9[%dma_start3A_434, %dma_start3A_435] : memref<10000x128xf32, #tpu.memory_space<vmem_shared>> -> memref<10000x128xf32, #tpu.memory_space<vmem_shared>>
      tpu.enqueue_indirect_dma source(%dma_start3A_430 : memref<80x128xf32, #tpu.memory_space<vmem>>) target(%dma_start3A_436 : memref<10000x128xf32, #tpu.memory_space<vmem_shared>>) offsets(%dma_start3A_433 : memref<80xi32, #tpu.memory_space<vmem>>) semaphore(%arg22 : memref<!tpu.dma_semaphore, #tpu.memory_space<semaphore_mem>>) {add = true}
      %dma_wait3A_437 = arith.constant 0 : i32
      %dma_wait3A_438 = arith.constant 0 : i32
      %dma_wait3A_439 = arith.constant 0 : i32
      %dma_wait3A_440 = arith.constant 0 : i32
      %dma_wait3A_441 = tpu.memref_slice %arg8[%dma_wait3A_437, %dma_wait3A_439, %dma_wait3A_440] : memref<4x80x128xf32, #tpu.memory_space<vmem>> -> memref<1x80x128xf32, #tpu.memory_space<vmem>>
      %dma_wait3A_442 = tpu.memref_squeeze %dma_wait3A_441 : memref<1x80x128xf32, #tpu.memory_space<vmem>> -> memref<80x128xf32, #tpu.memory_space<vmem>>
      %dma_wait3A_443 = arith.constant 0 : i32
      %dma_wait3A_444 = tpu.memref_slice %arg7[%dma_wait3A_438, %dma_wait3A_443] : memref<4x80xi32, #tpu.memory_space<vmem>> -> memref<1x80xi32, #tpu.memory_space<vmem>>
      %dma_wait3A_445 = tpu.memref_squeeze %dma_wait3A_444 : memref<1x80xi32, #tpu.memory_space<vmem>> -> memref<80xi32, #tpu.memory_space<vmem>>
      %dma_wait3A_446 = arith.constant 0 : i32
      %dma_wait3A_447 = arith.constant 0 : i32
      %dma_wait3A_448 = tpu.memref_slice %arg9[%dma_wait3A_446, %dma_wait3A_447] : memref<10000x128xf32, #tpu.memory_space<vmem_shared>> -> memref<10000x128xf32, #tpu.memory_space<vmem_shared>>
      tpu.wait_indirect_dma semaphore(%arg23 : memref<!tpu.dma_semaphore, #tpu.memory_space<semaphore_mem>>) src(%dma_wait3A_442 : memref<80x128xf32, #tpu.memory_space<vmem>>) dst(%dma_wait3A_448 : memref<10000x128xf32, #tpu.memory_space<vmem_shared>>)
      %add3A_449 = arith.constant 4 : i32
      %add3A_450 = arith.addi %add3A_403, %add3A_449 : i32
      %lt3A_451 = arith.constant 125 : i32
      %lt3A_452 = arith.cmpi slt, %add3A_450, %lt3A_451 : i32
      %convert_element_type3A_453 = arith.extui %lt3A_452 : i1 to i32
      %cond3A_454 = arith.constant 0 : i32
      %cond3A_455 = arith.cmpi ne, %convert_element_type3A_453, %cond3A_454 : i32
      scf.if %cond3A_455 {
        %add3A_526 = arith.constant 4 : i32
        %add3A_527 = arith.addi %add3A_403, %add3A_526 : i32
        %mul3A_528 = arith.constant 80 : i32
        %mul3A_529 = arith.muli %add3A_527, %mul3A_528 : i32
        %add3A_530 = arith.addi %add3A, %mul3A_529 : i32
        %dma_start3A_531 = arith.constant 2 : i32
        %dma_start3A_532 = arith.constant 0 : i32
        %dma_start3A_533 = tpu.memref_slice %arg6[%dma_start3A_531, %dma_start3A_532] : memref<4x80xi32, #tpu.memory_space<vmem>> -> memref<1x80xi32, #tpu.memory_space<vmem>>
        %dma_start3A_534 = tpu.memref_squeeze %dma_start3A_533 : memref<1x80xi32, #tpu.memory_space<vmem>> -> memref<80xi32, #tpu.memory_space<vmem>>
        %dma_start3A_535 = tpu.memref_slice %arg3[%add3A_530] : memref<320000xi32, #tpu.memory_space<hbm>> -> memref<80xi32, #tpu.memory_space<hbm>>
        %dma_start3A_536 = arith.constant 0 : i32
        %dma_start3A_537 = tpu.memref_slice %arg6[%dma_start3A_531, %dma_start3A_536] : memref<4x80xi32, #tpu.memory_space<vmem>> -> memref<1x80xi32, #tpu.memory_space<vmem>>
        %dma_start3A_538 = tpu.memref_squeeze %dma_start3A_537 : memref<1x80xi32, #tpu.memory_space<vmem>> -> memref<80xi32, #tpu.memory_space<vmem>>
        %dma_start3A_539 = tpu.memref_slice %arg3[%add3A_530] : memref<320000xi32, #tpu.memory_space<hbm>> -> memref<80xi32, #tpu.memory_space<hbm>>
        tpu.enqueue_dma source(%dma_start3A_539 : memref<80xi32, #tpu.memory_space<hbm>>) target(%dma_start3A_538 : memref<80xi32, #tpu.memory_space<vmem>>) target_semaphore(%arg12 : memref<!tpu.dma_semaphore, #tpu.memory_space<semaphore_mem>>)
      } else {
      }
      %add3A_456 = arith.constant 3 : i32
      %add3A_457 = arith.addi %add3A_403, %add3A_456 : i32
      %lt3A_458 = arith.constant 125 : i32
      %lt3A_459 = arith.cmpi slt, %add3A_457, %lt3A_458 : i32
      %convert_element_type3A_460 = arith.extui %lt3A_459 : i1 to i32
      %cond3A_461 = arith.constant 0 : i32
      %cond3A_462 = arith.cmpi ne, %convert_element_type3A_460, %cond3A_461 : i32
      scf.if %cond3A_462 {
        %add3A_526 = arith.constant 3 : i32
        %add3A_527 = arith.addi %add3A_403, %add3A_526 : i32
        %mul3A_528 = arith.constant 80 : i32
        %mul3A_529 = arith.muli %add3A_527, %mul3A_528 : i32
        %add3A_530 = arith.addi %add3A, %mul3A_529 : i32
        %dma_start3A_531 = arith.constant 1 : i32
        %dma_start3A_532 = arith.constant 0 : i32
        %dma_start3A_533 = tpu.memref_slice %arg7[%dma_start3A_531, %dma_start3A_532] : memref<4x80xi32, #tpu.memory_space<vmem>> -> memref<1x80xi32, #tpu.memory_space<vmem>>
        %dma_start3A_534 = tpu.memref_squeeze %dma_start3A_533 : memref<1x80xi32, #tpu.memory_space<vmem>> -> memref<80xi32, #tpu.memory_space<vmem>>
        %dma_start3A_535 = tpu.memref_slice %arg4[%add3A_530] : memref<320000xi32, #tpu.memory_space<hbm>> -> memref<80xi32, #tpu.memory_space<hbm>>
        %dma_start3A_536 = arith.constant 0 : i32
        %dma_start3A_537 = tpu.memref_slice %arg7[%dma_start3A_531, %dma_start3A_536] : memref<4x80xi32, #tpu.memory_space<vmem>> -> memref<1x80xi32, #tpu.memory_space<vmem>>
        %dma_start3A_538 = tpu.memref_squeeze %dma_start3A_537 : memref<1x80xi32, #tpu.memory_space<vmem>> -> memref<80xi32, #tpu.memory_space<vmem>>
        %dma_start3A_539 = tpu.memref_slice %arg4[%add3A_530] : memref<320000xi32, #tpu.memory_space<hbm>> -> memref<80xi32, #tpu.memory_space<hbm>>
        tpu.enqueue_dma source(%dma_start3A_539 : memref<80xi32, #tpu.memory_space<hbm>>) target(%dma_start3A_538 : memref<80xi32, #tpu.memory_space<vmem>>) target_semaphore(%arg15 : memref<!tpu.dma_semaphore, #tpu.memory_space<semaphore_mem>>)
        %dma_wait3A_540 = arith.constant 1 : i32
        %dma_wait3A_541 = arith.constant 0 : i32
        %dma_wait3A_542 = tpu.memref_slice %arg6[%dma_wait3A_540, %dma_wait3A_541] : memref<4x80xi32, #tpu.memory_space<vmem>> -> memref<1x80xi32, #tpu.memory_space<vmem>>
        %dma_wait3A_543 = tpu.memref_squeeze %dma_wait3A_542 : memref<1x80xi32, #tpu.memory_space<vmem>> -> memref<80xi32, #tpu.memory_space<vmem>>
        %dma_wait3A_544 = tpu.memref_slice %arg3[%add3A] : memref<320000xi32, #tpu.memory_space<hbm>> -> memref<80xi32, #tpu.memory_space<hbm>>
        %dma_wait3A_545 = arith.constant 0 : i32
        %dma_wait3A_546 = tpu.memref_slice %arg6[%dma_wait3A_540, %dma_wait3A_545] : memref<4x80xi32, #tpu.memory_space<vmem>> -> memref<1x80xi32, #tpu.memory_space<vmem>>
        %dma_wait3A_547 = tpu.memref_squeeze %dma_wait3A_546 : memref<1x80xi32, #tpu.memory_space<vmem>> -> memref<80xi32, #tpu.memory_space<vmem>>
        %dma_wait3A_548 = tpu.memref_slice %arg3[%add3A] : memref<320000xi32, #tpu.memory_space<hbm>> -> memref<80xi32, #tpu.memory_space<hbm>>
        tpu.wait_dma2 semaphore(%arg11 : memref<!tpu.dma_semaphore, #tpu.memory_space<semaphore_mem>>) src(%dma_wait3A_548 : memref<80xi32, #tpu.memory_space<hbm>>) dst(%dma_wait3A_547 : memref<80xi32, #tpu.memory_space<vmem>>)
        %dma_start3A_549 = arith.constant 1 : i32
        %dma_start3A_550 = arith.constant 1 : i32
        %dma_start3A_551 = arith.constant 0 : i32
        %dma_start3A_552 = arith.constant 0 : i32
        %dma_start3A_553 = tpu.memref_slice %arg8[%dma_start3A_550, %dma_start3A_551, %dma_start3A_552] : memref<4x80x128xf32, #tpu.memory_space<vmem>> -> memref<1x80x128xf32, #tpu.memory_space<vmem>>
        %dma_start3A_554 = tpu.memref_squeeze %dma_start3A_553 : memref<1x80x128xf32, #tpu.memory_space<vmem>> -> memref<80x128xf32, #tpu.memory_space<vmem>>
        %dma_start3A_555 = arith.constant 0 : i32
        %dma_start3A_556 = tpu.memref_slice %arg6[%dma_start3A_549, %dma_start3A_555] : memref<4x80xi32, #tpu.memory_space<vmem>> -> memref<1x80xi32, #tpu.memory_space<vmem>>
        %dma_start3A_557 = tpu.memref_squeeze %dma_start3A_556 : memref<1x80xi32, #tpu.memory_space<vmem>> -> memref<80xi32, #tpu.memory_space<vmem>>
        %dma_start3A_558 = arith.constant 0 : i32
        %dma_start3A_559 = arith.constant 0 : i32
        %dma_start3A_560 = tpu.memref_slice %arg2[%dma_start3A_558, %dma_start3A_559] : memref<10000x128xf32, #tpu.memory_space<hbm>> -> memref<10000x128xf32, #tpu.memory_space<hbm>>
        tpu.enqueue_indirect_dma source(%dma_start3A_560 : memref<10000x128xf32, #tpu.memory_space<hbm>>) target(%dma_start3A_554 : memref<80x128xf32, #tpu.memory_space<vmem>>) offsets(%dma_start3A_557 : memref<80xi32, #tpu.memory_space<vmem>>) semaphore(%arg19 : memref<!tpu.dma_semaphore, #tpu.memory_space<semaphore_mem>>)
      } else {
      }
      %mul3A_463 = arith.constant 4 : i32
      %mul3A_464 = arith.muli %mul3A_463, %scan3A_219 : i32
      %add3A_465 = arith.constant 3 : i32
      %add3A_466 = arith.addi %mul3A_464, %add3A_465 : i32
      %dma_wait3A_467 = arith.constant 3 : i32
      %dma_wait3A_468 = arith.constant 3 : i32
      %dma_wait3A_469 = arith.constant 0 : i32
      %dma_wait3A_470 = arith.constant 0 : i32
      %dma_wait3A_471 = tpu.memref_slice %arg8[%dma_wait3A_468, %dma_wait3A_469, %dma_wait3A_470] : memref<4x80x128xf32, #tpu.memory_space<vmem>> -> memref<1x80x128xf32, #tpu.memory_space<vmem>>
      %dma_wait3A_472 = tpu.memref_squeeze %dma_wait3A_471 : memref<1x80x128xf32, #tpu.memory_space<vmem>> -> memref<80x128xf32, #tpu.memory_space<vmem>>
      %dma_wait3A_473 = arith.constant 0 : i32
      %dma_wait3A_474 = tpu.memref_slice %arg6[%dma_wait3A_467, %dma_wait3A_473] : memref<4x80xi32, #tpu.memory_space<vmem>> -> memref<1x80xi32, #tpu.memory_space<vmem>>
      %dma_wait3A_475 = tpu.memref_squeeze %dma_wait3A_474 : memref<1x80xi32, #tpu.memory_space<vmem>> -> memref<80xi32, #tpu.memory_space<vmem>>
      %dma_wait3A_476 = arith.constant 0 : i32
      %dma_wait3A_477 = arith.constant 0 : i32
      %dma_wait3A_478 = tpu.memref_slice %arg2[%dma_wait3A_476, %dma_wait3A_477] : memref<10000x128xf32, #tpu.memory_space<hbm>> -> memref<10000x128xf32, #tpu.memory_space<hbm>>
      tpu.wait_indirect_dma semaphore(%arg21 : memref<!tpu.dma_semaphore, #tpu.memory_space<semaphore_mem>>) src(%dma_wait3A_478 : memref<10000x128xf32, #tpu.memory_space<hbm>>) dst(%dma_wait3A_472 : memref<80x128xf32, #tpu.memory_space<vmem>>)
      %dma_wait3A_479 = arith.constant 3 : i32
      %dma_wait3A_480 = arith.constant 0 : i32
      %dma_wait3A_481 = tpu.memref_slice %arg7[%dma_wait3A_479, %dma_wait3A_480] : memref<4x80xi32, #tpu.memory_space<vmem>> -> memref<1x80xi32, #tpu.memory_space<vmem>>
      %dma_wait3A_482 = tpu.memref_squeeze %dma_wait3A_481 : memref<1x80xi32, #tpu.memory_space<vmem>> -> memref<80xi32, #tpu.memory_space<vmem>>
      %dma_wait3A_483 = tpu.memref_slice %arg4[%add3A] : memref<320000xi32, #tpu.memory_space<hbm>> -> memref<80xi32, #tpu.memory_space<hbm>>
      %dma_wait3A_484 = arith.constant 0 : i32
      %dma_wait3A_485 = tpu.memref_slice %arg7[%dma_wait3A_479, %dma_wait3A_484] : memref<4x80xi32, #tpu.memory_space<vmem>> -> memref<1x80xi32, #tpu.memory_space<vmem>>
      %dma_wait3A_486 = tpu.memref_squeeze %dma_wait3A_485 : memref<1x80xi32, #tpu.memory_space<vmem>> -> memref<80xi32, #tpu.memory_space<vmem>>
      %dma_wait3A_487 = tpu.memref_slice %arg4[%add3A] : memref<320000xi32, #tpu.memory_space<hbm>> -> memref<80xi32, #tpu.memory_space<hbm>>
      tpu.wait_dma2 semaphore(%arg17 : memref<!tpu.dma_semaphore, #tpu.memory_space<semaphore_mem>>) src(%dma_wait3A_487 : memref<80xi32, #tpu.memory_space<hbm>>) dst(%dma_wait3A_486 : memref<80xi32, #tpu.memory_space<vmem>>)
      %dma_start3A_488 = arith.constant 3 : i32
      %dma_start3A_489 = arith.constant 3 : i32
      %dma_start3A_490 = arith.constant 0 : i32
      %dma_start3A_491 = arith.constant 0 : i32
      %dma_start3A_492 = tpu.memref_slice %arg8[%dma_start3A_488, %dma_start3A_490, %dma_start3A_491] : memref<4x80x128xf32, #tpu.memory_space<vmem>> -> memref<1x80x128xf32, #tpu.memory_space<vmem>>
      %dma_start3A_493 = tpu.memref_squeeze %dma_start3A_492 : memref<1x80x128xf32, #tpu.memory_space<vmem>> -> memref<80x128xf32, #tpu.memory_space<vmem>>
      %dma_start3A_494 = arith.constant 0 : i32
      %dma_start3A_495 = tpu.memref_slice %arg7[%dma_start3A_489, %dma_start3A_494] : memref<4x80xi32, #tpu.memory_space<vmem>> -> memref<1x80xi32, #tpu.memory_space<vmem>>
      %dma_start3A_496 = tpu.memref_squeeze %dma_start3A_495 : memref<1x80xi32, #tpu.memory_space<vmem>> -> memref<80xi32, #tpu.memory_space<vmem>>
      %dma_start3A_497 = arith.constant 0 : i32
      %dma_start3A_498 = arith.constant 0 : i32
      %dma_start3A_499 = tpu.memref_slice %arg9[%dma_start3A_497, %dma_start3A_498] : memref<10000x128xf32, #tpu.memory_space<vmem_shared>> -> memref<10000x128xf32, #tpu.memory_space<vmem_shared>>
      tpu.enqueue_indirect_dma source(%dma_start3A_493 : memref<80x128xf32, #tpu.memory_space<vmem>>) target(%dma_start3A_499 : memref<10000x128xf32, #tpu.memory_space<vmem_shared>>) offsets(%dma_start3A_496 : memref<80xi32, #tpu.memory_space<vmem>>) semaphore(%arg23 : memref<!tpu.dma_semaphore, #tpu.memory_space<semaphore_mem>>) {add = true}
      %dma_wait3A_500 = arith.constant 0 : i32
      %dma_wait3A_501 = arith.constant 0 : i32
      %dma_wait3A_502 = arith.constant 0 : i32
      %dma_wait3A_503 = arith.constant 0 : i32
      %dma_wait3A_504 = tpu.memref_slice %arg8[%dma_wait3A_500, %dma_wait3A_502, %dma_wait3A_503] : memref<4x80x128xf32, #tpu.memory_space<vmem>> -> memref<1x80x128xf32, #tpu.memory_space<vmem>>
      %dma_wait3A_505 = tpu.memref_squeeze %dma_wait3A_504 : memref<1x80x128xf32, #tpu.memory_space<vmem>> -> memref<80x128xf32, #tpu.memory_space<vmem>>
      %dma_wait3A_506 = arith.constant 0 : i32
      %dma_wait3A_507 = tpu.memref_slice %arg7[%dma_wait3A_501, %dma_wait3A_506] : memref<4x80xi32, #tpu.memory_space<vmem>> -> memref<1x80xi32, #tpu.memory_space<vmem>>
      %dma_wait3A_508 = tpu.memref_squeeze %dma_wait3A_507 : memref<1x80xi32, #tpu.memory_space<vmem>> -> memref<80xi32, #tpu.memory_space<vmem>>
      %dma_wait3A_509 = arith.constant 0 : i32
      %dma_wait3A_510 = arith.constant 0 : i32
      %dma_wait3A_511 = tpu.memref_slice %arg9[%dma_wait3A_509, %dma_wait3A_510] : memref<10000x128xf32, #tpu.memory_space<vmem_shared>> -> memref<10000x128xf32, #tpu.memory_space<vmem_shared>>
      tpu.wait_indirect_dma semaphore(%arg22 : memref<!tpu.dma_semaphore, #tpu.memory_space<semaphore_mem>>) src(%dma_wait3A_505 : memref<80x128xf32, #tpu.memory_space<vmem>>) dst(%dma_wait3A_511 : memref<10000x128xf32, #tpu.memory_space<vmem_shared>>)
      %add3A_512 = arith.constant 4 : i32
      %add3A_513 = arith.addi %add3A_466, %add3A_512 : i32
      %lt3A_514 = arith.constant 125 : i32
      %lt3A_515 = arith.cmpi slt, %add3A_513, %lt3A_514 : i32
      %convert_element_type3A_516 = arith.extui %lt3A_515 : i1 to i32
      %cond3A_517 = arith.constant 0 : i32
      %cond3A_518 = arith.cmpi ne, %convert_element_type3A_516, %cond3A_517 : i32
      scf.if %cond3A_518 {
        %add3A_526 = arith.constant 4 : i32
        %add3A_527 = arith.addi %add3A_466, %add3A_526 : i32
        %mul3A_528 = arith.constant 80 : i32
        %mul3A_529 = arith.muli %add3A_527, %mul3A_528 : i32
        %add3A_530 = arith.addi %add3A, %mul3A_529 : i32
        %dma_start3A_531 = arith.constant 3 : i32
        %dma_start3A_532 = arith.constant 0 : i32
        %dma_start3A_533 = tpu.memref_slice %arg6[%dma_start3A_531, %dma_start3A_532] : memref<4x80xi32, #tpu.memory_space<vmem>> -> memref<1x80xi32, #tpu.memory_space<vmem>>
        %dma_start3A_534 = tpu.memref_squeeze %dma_start3A_533 : memref<1x80xi32, #tpu.memory_space<vmem>> -> memref<80xi32, #tpu.memory_space<vmem>>
        %dma_start3A_535 = tpu.memref_slice %arg3[%add3A_530] : memref<320000xi32, #tpu.memory_space<hbm>> -> memref<80xi32, #tpu.memory_space<hbm>>
        %dma_start3A_536 = arith.constant 0 : i32
        %dma_start3A_537 = tpu.memref_slice %arg6[%dma_start3A_531, %dma_start3A_536] : memref<4x80xi32, #tpu.memory_space<vmem>> -> memref<1x80xi32, #tpu.memory_space<vmem>>
        %dma_start3A_538 = tpu.memref_squeeze %dma_start3A_537 : memref<1x80xi32, #tpu.memory_space<vmem>> -> memref<80xi32, #tpu.memory_space<vmem>>
        %dma_start3A_539 = tpu.memref_slice %arg3[%add3A_530] : memref<320000xi32, #tpu.memory_space<hbm>> -> memref<80xi32, #tpu.memory_space<hbm>>
        tpu.enqueue_dma source(%dma_start3A_539 : memref<80xi32, #tpu.memory_space<hbm>>) target(%dma_start3A_538 : memref<80xi32, #tpu.memory_space<vmem>>) target_semaphore(%arg13 : memref<!tpu.dma_semaphore, #tpu.memory_space<semaphore_mem>>)
      } else {
      }
      %add3A_519 = arith.constant 3 : i32
      %add3A_520 = arith.addi %add3A_466, %add3A_519 : i32
      %lt3A_521 = arith.constant 125 : i32
      %lt3A_522 = arith.cmpi slt, %add3A_520, %lt3A_521 : i32
      %convert_element_type3A_523 = arith.extui %lt3A_522 : i1 to i32
      %cond3A_524 = arith.constant 0 : i32
      %cond3A_525 = arith.cmpi ne, %convert_element_type3A_523, %cond3A_524 : i32
      scf.if %cond3A_525 {
        %add3A_526 = arith.constant 3 : i32
        %add3A_527 = arith.addi %add3A_466, %add3A_526 : i32
        %mul3A_528 = arith.constant 80 : i32
        %mul3A_529 = arith.muli %add3A_527, %mul3A_528 : i32
        %add3A_530 = arith.addi %add3A, %mul3A_529 : i32
        %dma_start3A_531 = arith.constant 2 : i32
        %dma_start3A_532 = arith.constant 0 : i32
        %dma_start3A_533 = tpu.memref_slice %arg7[%dma_start3A_531, %dma_start3A_532] : memref<4x80xi32, #tpu.memory_space<vmem>> -> memref<1x80xi32, #tpu.memory_space<vmem>>
        %dma_start3A_534 = tpu.memref_squeeze %dma_start3A_533 : memref<1x80xi32, #tpu.memory_space<vmem>> -> memref<80xi32, #tpu.memory_space<vmem>>
        %dma_start3A_535 = tpu.memref_slice %arg4[%add3A_530] : memref<320000xi32, #tpu.memory_space<hbm>> -> memref<80xi32, #tpu.memory_space<hbm>>
        %dma_start3A_536 = arith.constant 0 : i32
        %dma_start3A_537 = tpu.memref_slice %arg7[%dma_start3A_531, %dma_start3A_536] : memref<4x80xi32, #tpu.memory_space<vmem>> -> memref<1x80xi32, #tpu.memory_space<vmem>>
        %dma_start3A_538 = tpu.memref_squeeze %dma_start3A_537 : memref<1x80xi32, #tpu.memory_space<vmem>> -> memref<80xi32, #tpu.memory_space<vmem>>
        %dma_start3A_539 = tpu.memref_slice %arg4[%add3A_530] : memref<320000xi32, #tpu.memory_space<hbm>> -> memref<80xi32, #tpu.memory_space<hbm>>
        tpu.enqueue_dma source(%dma_start3A_539 : memref<80xi32, #tpu.memory_space<hbm>>) target(%dma_start3A_538 : memref<80xi32, #tpu.memory_space<vmem>>) target_semaphore(%arg16 : memref<!tpu.dma_semaphore, #tpu.memory_space<semaphore_mem>>)
        %dma_wait3A_540 = arith.constant 2 : i32
        %dma_wait3A_541 = arith.constant 0 : i32
        %dma_wait3A_542 = tpu.memref_slice %arg6[%dma_wait3A_540, %dma_wait3A_541] : memref<4x80xi32, #tpu.memory_space<vmem>> -> memref<1x80xi32, #tpu.memory_space<vmem>>
        %dma_wait3A_543 = tpu.memref_squeeze %dma_wait3A_542 : memref<1x80xi32, #tpu.memory_space<vmem>> -> memref<80xi32, #tpu.memory_space<vmem>>
        %dma_wait3A_544 = tpu.memref_slice %arg3[%add3A] : memref<320000xi32, #tpu.memory_space<hbm>> -> memref<80xi32, #tpu.memory_space<hbm>>
        %dma_wait3A_545 = arith.constant 0 : i32
        %dma_wait3A_546 = tpu.memref_slice %arg6[%dma_wait3A_540, %dma_wait3A_545] : memref<4x80xi32, #tpu.memory_space<vmem>> -> memref<1x80xi32, #tpu.memory_space<vmem>>
        %dma_wait3A_547 = tpu.memref_squeeze %dma_wait3A_546 : memref<1x80xi32, #tpu.memory_space<vmem>> -> memref<80xi32, #tpu.memory_space<vmem>>
        %dma_wait3A_548 = tpu.memref_slice %arg3[%add3A] : memref<320000xi32, #tpu.memory_space<hbm>> -> memref<80xi32, #tpu.memory_space<hbm>>
        tpu.wait_dma2 semaphore(%arg12 : memref<!tpu.dma_semaphore, #tpu.memory_space<semaphore_mem>>) src(%dma_wait3A_548 : memref<80xi32, #tpu.memory_space<hbm>>) dst(%dma_wait3A_547 : memref<80xi32, #tpu.memory_space<vmem>>)
        %dma_start3A_549 = arith.constant 2 : i32
        %dma_start3A_550 = arith.constant 2 : i32
        %dma_start3A_551 = arith.constant 0 : i32
        %dma_start3A_552 = arith.constant 0 : i32
        %dma_start3A_553 = tpu.memref_slice %arg8[%dma_start3A_550, %dma_start3A_551, %dma_start3A_552] : memref<4x80x128xf32, #tpu.memory_space<vmem>> -> memref<1x80x128xf32, #tpu.memory_space<vmem>>
        %dma_start3A_554 = tpu.memref_squeeze %dma_start3A_553 : memref<1x80x128xf32, #tpu.memory_space<vmem>> -> memref<80x128xf32, #tpu.memory_space<vmem>>
        %dma_start3A_555 = arith.constant 0 : i32
        %dma_start3A_556 = tpu.memref_slice %arg6[%dma_start3A_549, %dma_start3A_555] : memref<4x80xi32, #tpu.memory_space<vmem>> -> memref<1x80xi32, #tpu.memory_space<vmem>>
        %dma_start3A_557 = tpu.memref_squeeze %dma_start3A_556 : memref<1x80xi32, #tpu.memory_space<vmem>> -> memref<80xi32, #tpu.memory_space<vmem>>
        %dma_start3A_558 = arith.constant 0 : i32
        %dma_start3A_559 = arith.constant 0 : i32
        %dma_start3A_560 = tpu.memref_slice %arg2[%dma_start3A_558, %dma_start3A_559] : memref<10000x128xf32, #tpu.memory_space<hbm>> -> memref<10000x128xf32, #tpu.memory_space<hbm>>
        tpu.enqueue_indirect_dma source(%dma_start3A_560 : memref<10000x128xf32, #tpu.memory_space<hbm>>) target(%dma_start3A_554 : memref<80x128xf32, #tpu.memory_space<vmem>>) offsets(%dma_start3A_557 : memref<80xi32, #tpu.memory_space<vmem>>) semaphore(%arg20 : memref<!tpu.dma_semaphore, #tpu.memory_space<semaphore_mem>>)
      } else {
      }
    }
    %scan3A_151 = arith.constant 31 : i32
    %dma_wait3A_152 = arith.constant 0 : i32
    %dma_wait3A_153 = arith.constant 0 : i32
    %dma_wait3A_154 = arith.constant 0 : i32
    %dma_wait3A_155 = arith.constant 0 : i32
    %dma_wait3A_156 = tpu.memref_slice %arg8[%dma_wait3A_153, %dma_wait3A_154, %dma_wait3A_155] : memref<4x80x128xf32, #tpu.memory_space<vmem>> -> memref<1x80x128xf32, #tpu.memory_space<vmem>>
    %dma_wait3A_157 = tpu.memref_squeeze %dma_wait3A_156 : memref<1x80x128xf32, #tpu.memory_space<vmem>> -> memref<80x128xf32, #tpu.memory_space<vmem>>
    %dma_wait3A_158 = arith.constant 0 : i32
    %dma_wait3A_159 = tpu.memref_slice %arg6[%dma_wait3A_152, %dma_wait3A_158] : memref<4x80xi32, #tpu.memory_space<vmem>> -> memref<1x80xi32, #tpu.memory_space<vmem>>
    %dma_wait3A_160 = tpu.memref_squeeze %dma_wait3A_159 : memref<1x80xi32, #tpu.memory_space<vmem>> -> memref<80xi32, #tpu.memory_space<vmem>>
    %dma_wait3A_161 = arith.constant 0 : i32
    %dma_wait3A_162 = arith.constant 0 : i32
    %dma_wait3A_163 = tpu.memref_slice %arg2[%dma_wait3A_161, %dma_wait3A_162] : memref<10000x128xf32, #tpu.memory_space<hbm>> -> memref<10000x128xf32, #tpu.memory_space<hbm>>
    tpu.wait_indirect_dma semaphore(%arg18 : memref<!tpu.dma_semaphore, #tpu.memory_space<semaphore_mem>>) src(%dma_wait3A_163 : memref<10000x128xf32, #tpu.memory_space<hbm>>) dst(%dma_wait3A_157 : memref<80x128xf32, #tpu.memory_space<vmem>>)
    %dma_wait3A_164 = arith.constant 0 : i32
    %dma_wait3A_165 = arith.constant 0 : i32
    %dma_wait3A_166 = tpu.memref_slice %arg7[%dma_wait3A_164, %dma_wait3A_165] : memref<4x80xi32, #tpu.memory_space<vmem>> -> memref<1x80xi32, #tpu.memory_space<vmem>>
    %dma_wait3A_167 = tpu.memref_squeeze %dma_wait3A_166 : memref<1x80xi32, #tpu.memory_space<vmem>> -> memref<80xi32, #tpu.memory_space<vmem>>
    %dma_wait3A_168 = tpu.memref_slice %arg4[%add3A] : memref<320000xi32, #tpu.memory_space<hbm>> -> memref<80xi32, #tpu.memory_space<hbm>>
    %dma_wait3A_169 = arith.constant 0 : i32
    %dma_wait3A_170 = tpu.memref_slice %arg7[%dma_wait3A_164, %dma_wait3A_169] : memref<4x80xi32, #tpu.memory_space<vmem>> -> memref<1x80xi32, #tpu.memory_space<vmem>>
    %dma_wait3A_171 = tpu.memref_squeeze %dma_wait3A_170 : memref<1x80xi32, #tpu.memory_space<vmem>> -> memref<80xi32, #tpu.memory_space<vmem>>
    %dma_wait3A_172 = tpu.memref_slice %arg4[%add3A] : memref<320000xi32, #tpu.memory_space<hbm>> -> memref<80xi32, #tpu.memory_space<hbm>>
    tpu.wait_dma2 semaphore(%arg14 : memref<!tpu.dma_semaphore, #tpu.memory_space<semaphore_mem>>) src(%dma_wait3A_172 : memref<80xi32, #tpu.memory_space<hbm>>) dst(%dma_wait3A_171 : memref<80xi32, #tpu.memory_space<vmem>>)
    %dma_start3A_173 = arith.constant 0 : i32
    %dma_start3A_174 = arith.constant 0 : i32
    %dma_start3A_175 = arith.constant 0 : i32
    %dma_start3A_176 = arith.constant 0 : i32
    %dma_start3A_177 = tpu.memref_slice %arg8[%dma_start3A_173, %dma_start3A_175, %dma_start3A_176] : memref<4x80x128xf32, #tpu.memory_space<vmem>> -> memref<1x80x128xf32, #tpu.memory_space<vmem>>
    %dma_start3A_178 = tpu.memref_squeeze %dma_start3A_177 : memref<1x80x128xf32, #tpu.memory_space<vmem>> -> memref<80x128xf32, #tpu.memory_space<vmem>>
    %dma_start3A_179 = arith.constant 0 : i32
    %dma_start3A_180 = tpu.memref_slice %arg7[%dma_start3A_174, %dma_start3A_179] : memref<4x80xi32, #tpu.memory_space<vmem>> -> memref<1x80xi32, #tpu.memory_space<vmem>>
    %dma_start3A_181 = tpu.memref_squeeze %dma_start3A_180 : memref<1x80xi32, #tpu.memory_space<vmem>> -> memref<80xi32, #tpu.memory_space<vmem>>
    %dma_start3A_182 = arith.constant 0 : i32
    %dma_start3A_183 = arith.constant 0 : i32
    %dma_start3A_184 = tpu.memref_slice %arg9[%dma_start3A_182, %dma_start3A_183] : memref<10000x128xf32, #tpu.memory_space<vmem_shared>> -> memref<10000x128xf32, #tpu.memory_space<vmem_shared>>
    tpu.enqueue_indirect_dma source(%dma_start3A_178 : memref<80x128xf32, #tpu.memory_space<vmem>>) target(%dma_start3A_184 : memref<10000x128xf32, #tpu.memory_space<vmem_shared>>) offsets(%dma_start3A_181 : memref<80xi32, #tpu.memory_space<vmem>>) semaphore(%arg22 : memref<!tpu.dma_semaphore, #tpu.memory_space<semaphore_mem>>) {add = true}
    %dma_wait3A_185 = arith.constant 0 : i32
    %dma_wait3A_186 = arith.constant 0 : i32
    %dma_wait3A_187 = arith.constant 0 : i32
    %dma_wait3A_188 = arith.constant 0 : i32
    %dma_wait3A_189 = tpu.memref_slice %arg8[%dma_wait3A_185, %dma_wait3A_187, %dma_wait3A_188] : memref<4x80x128xf32, #tpu.memory_space<vmem>> -> memref<1x80x128xf32, #tpu.memory_space<vmem>>
    %dma_wait3A_190 = tpu.memref_squeeze %dma_wait3A_189 : memref<1x80x128xf32, #tpu.memory_space<vmem>> -> memref<80x128xf32, #tpu.memory_space<vmem>>
    %dma_wait3A_191 = arith.constant 0 : i32
    %dma_wait3A_192 = tpu.memref_slice %arg7[%dma_wait3A_186, %dma_wait3A_191] : memref<4x80xi32, #tpu.memory_space<vmem>> -> memref<1x80xi32, #tpu.memory_space<vmem>>
    %dma_wait3A_193 = tpu.memref_squeeze %dma_wait3A_192 : memref<1x80xi32, #tpu.memory_space<vmem>> -> memref<80xi32, #tpu.memory_space<vmem>>
    %dma_wait3A_194 = arith.constant 0 : i32
    %dma_wait3A_195 = arith.constant 0 : i32
    %dma_wait3A_196 = tpu.memref_slice %arg9[%dma_wait3A_194, %dma_wait3A_195] : memref<10000x128xf32, #tpu.memory_space<vmem_shared>> -> memref<10000x128xf32, #tpu.memory_space<vmem_shared>>
    tpu.wait_indirect_dma semaphore(%arg23 : memref<!tpu.dma_semaphore, #tpu.memory_space<semaphore_mem>>) src(%dma_wait3A_190 : memref<80x128xf32, #tpu.memory_space<vmem>>) dst(%dma_wait3A_196 : memref<10000x128xf32, #tpu.memory_space<vmem_shared>>)
    %dma_wait3A_197 = arith.constant 0 : i32
    %dma_wait3A_198 = arith.constant 0 : i32
    %dma_wait3A_199 = arith.constant 0 : i32
    %dma_wait3A_200 = arith.constant 0 : i32
    %dma_wait3A_201 = tpu.memref_slice %arg8[%dma_wait3A_197, %dma_wait3A_199, %dma_wait3A_200] : memref<4x80x128xf32, #tpu.memory_space<vmem>> -> memref<1x80x128xf32, #tpu.memory_space<vmem>>
    %dma_wait3A_202 = tpu.memref_squeeze %dma_wait3A_201 : memref<1x80x128xf32, #tpu.memory_space<vmem>> -> memref<80x128xf32, #tpu.memory_space<vmem>>
    %dma_wait3A_203 = arith.constant 0 : i32
    %dma_wait3A_204 = tpu.memref_slice %arg7[%dma_wait3A_198, %dma_wait3A_203] : memref<4x80xi32, #tpu.memory_space<vmem>> -> memref<1x80xi32, #tpu.memory_space<vmem>>
    %dma_wait3A_205 = tpu.memref_squeeze %dma_wait3A_204 : memref<1x80xi32, #tpu.memory_space<vmem>> -> memref<80xi32, #tpu.memory_space<vmem>>
    %dma_wait3A_206 = arith.constant 0 : i32
    %dma_wait3A_207 = arith.constant 0 : i32
    %dma_wait3A_208 = tpu.memref_slice %arg9[%dma_wait3A_206, %dma_wait3A_207] : memref<10000x128xf32, #tpu.memory_space<vmem_shared>> -> memref<10000x128xf32, #tpu.memory_space<vmem_shared>>
    tpu.wait_indirect_dma semaphore(%arg22 : memref<!tpu.dma_semaphore, #tpu.memory_space<semaphore_mem>>) src(%dma_wait3A_202 : memref<80x128xf32, #tpu.memory_space<vmem>>) dst(%dma_wait3A_208 : memref<10000x128xf32, #tpu.memory_space<vmem_shared>>)
    %barrier3A_209 = arith.constant 0 : index
    tpu.barrier barrier_id(%barrier3A_209)
    %mul3A_210 = arith.constant 624 : i32
    %mul3A_211 = arith.muli %arg1, %mul3A_210 : i32
    %mul3A_212 = arith.constant 624 : i32
    %mul3A_213 = arith.muli %arg1, %mul3A_212 : i32
    "tpu.region"() ({
      %run_scoped3A = tpu.sem_alloc : memref<!tpu.dma_semaphore, #tpu.memory_space<semaphore_mem>>
      %dma_start3A_219 = arith.constant 0 : i32
      %dma_start3A_220 = tpu.memref_slice %arg5[%arg0, %mul3A_213, %dma_start3A_219] : memref<2x10000x128xf32, #tpu.memory_space<hbm>> -> memref<1x624x128xf32, #tpu.memory_space<hbm>>
      %dma_start3A_221 = tpu.memref_squeeze %dma_start3A_220 : memref<1x624x128xf32, #tpu.memory_space<hbm>> -> memref<624x128xf32, #tpu.memory_space<hbm>>
      %dma_start3A_222 = arith.constant 0 : i32
      %dma_start3A_223 = tpu.memref_slice %arg9[%mul3A_211, %dma_start3A_222] : memref<10000x128xf32, #tpu.memory_space<vmem_shared>> -> memref<624x128xf32, #tpu.memory_space<vmem_shared>>
      tpu.enqueue_dma source(%dma_start3A_223 : memref<624x128xf32, #tpu.memory_space<vmem_shared>>) target(%dma_start3A_221 : memref<624x128xf32, #tpu.memory_space<hbm>>) target_semaphore(%run_scoped3A : memref<!tpu.dma_semaphore, #tpu.memory_space<semaphore_mem>>)
      %dma_wait3A_224 = arith.constant 0 : i32
      %dma_wait3A_225 = tpu.memref_slice %arg5[%arg0, %mul3A_213, %dma_wait3A_224] : memref<2x10000x128xf32, #tpu.memory_space<hbm>> -> memref<1x624x128xf32, #tpu.memory_space<hbm>>
      %dma_wait3A_226 = tpu.memref_squeeze %dma_wait3A_225 : memref<1x624x128xf32, #tpu.memory_space<hbm>> -> memref<624x128xf32, #tpu.memory_space<hbm>>
      %dma_wait3A_227 = arith.constant 0 : i32
      %dma_wait3A_228 = tpu.memref_slice %arg9[%mul3A_211, %dma_wait3A_227] : memref<10000x128xf32, #tpu.memory_space<vmem_shared>> -> memref<624x128xf32, #tpu.memory_space<vmem_shared>>
      tpu.wait_dma2 semaphore(%run_scoped3A : memref<!tpu.dma_semaphore, #tpu.memory_space<semaphore_mem>>) src(%dma_wait3A_228 : memref<624x128xf32, #tpu.memory_space<vmem_shared>>) dst(%dma_wait3A_226 : memref<624x128xf32, #tpu.memory_space<hbm>>)
      tpu.yield
    }) : () -> ()
    %eq3A_214 = arith.constant 15 : i32
    %eq3A_215 = arith.cmpi eq, %arg1, %eq3A_214 : i32
    %convert_element_type3A_216 = arith.extui %eq3A_215 : i1 to i32
    %cond3A_217 = arith.constant 0 : i32
    %cond3A_218 = arith.cmpi ne, %convert_element_type3A_216, %cond3A_217 : i32
    scf.if %cond3A_218 {
      "tpu.region"() ({
        %run_scoped3A = tpu.sem_alloc : memref<!tpu.dma_semaphore, #tpu.memory_space<semaphore_mem>>
        %dma_start3A_219 = arith.constant 9984 : i32
        %dma_start3A_220 = arith.constant 0 : i32
        %dma_start3A_221 = tpu.memref_slice %arg5[%arg0, %dma_start3A_219, %dma_start3A_220] : memref<2x10000x128xf32, #tpu.memory_space<hbm>> -> memref<1x16x128xf32, #tpu.memory_space<hbm>>
        %dma_start3A_222 = tpu.memref_squeeze %dma_start3A_221 : memref<1x16x128xf32, #tpu.memory_space<hbm>> -> memref<16x128xf32, #tpu.memory_space<hbm>>
        %dma_start3A_223 = arith.constant 9984 : i32
        %dma_start3A_224 = arith.constant 0 : i32
        %dma_start3A_225 = tpu.memref_slice %arg9[%dma_start3A_223, %dma_start3A_224] : memref<10000x128xf32, #tpu.memory_space<vmem_shared>> -> memref<16x128xf32, #tpu.memory_space<vmem_shared>>
        tpu.enqueue_dma source(%dma_start3A_225 : memref<16x128xf32, #tpu.memory_space<vmem_shared>>) target(%dma_start3A_222 : memref<16x128xf32, #tpu.memory_space<hbm>>) target_semaphore(%run_scoped3A : memref<!tpu.dma_semaphore, #tpu.memory_space<semaphore_mem>>)
        %dma_wait3A_226 = arith.constant 9984 : i32
        %dma_wait3A_227 = arith.constant 0 : i32
        %dma_wait3A_228 = tpu.memref_slice %arg5[%arg0, %dma_wait3A_226, %dma_wait3A_227] : memref<2x10000x128xf32, #tpu.memory_space<hbm>> -> memref<1x16x128xf32, #tpu.memory_space<hbm>>
        %dma_wait3A_229 = tpu.memref_squeeze %dma_wait3A_228 : memref<1x16x128xf32, #tpu.memory_space<hbm>> -> memref<16x128xf32, #tpu.memory_space<hbm>>
        %dma_wait3A_230 = arith.constant 9984 : i32
        %dma_wait3A_231 = arith.constant 0 : i32
        %dma_wait3A_232 = tpu.memref_slice %arg9[%dma_wait3A_230, %dma_wait3A_231] : memref<10000x128xf32, #tpu.memory_space<vmem_shared>> -> memref<16x128xf32, #tpu.memory_space<vmem_shared>>
        tpu.wait_dma2 semaphore(%run_scoped3A : memref<!tpu.dma_semaphore, #tpu.memory_space<semaphore_mem>>) src(%dma_wait3A_232 : memref<16x128xf32, #tpu.memory_space<vmem_shared>>) dst(%dma_wait3A_229 : memref<16x128xf32, #tpu.memory_space<hbm>>)
        tpu.yield
      }) : () -> ()
    } else {
    }
    return
  }
}

#map = affine_map<(d0, d1) -> (0, 0)>
#map1 = affine_map<(d0, d1) -> (0)>
#map2 = affine_map<(d0, d1) -> (0, 0, 0)>
module attributes {stable_mosaic.version = 14 : i64} {
  func.func @_sc_aggregate(%arg0: i32, %arg1: i32, %arg2: memref<10000x128xf32, #tpu.memory_space<hbm>>, %arg3: memref<320000xi32, #tpu.memory_space<hbm>>, %arg4: memref<320000xi32, #tpu.memory_space<hbm>>, %arg5: memref<2x10000x128xf32, #tpu.memory_space<hbm>>, %arg6: memref<4x80xi32, #tpu.memory_space<vmem>>, %arg7: memref<4x80xi32, #tpu.memory_space<vmem>>, %arg8: memref<4x80x128xf32, #tpu.memory_space<vmem>>, %arg9: memref<10000x128xf32, #tpu.memory_space<vmem_shared>>, %arg10: memref<!tpu.dma_semaphore, #tpu.memory_space<semaphore_mem>>, %arg11: memref<!tpu.dma_semaphore, #tpu.memory_space<semaphore_mem>>, %arg12: memref<!tpu.dma_semaphore, #tpu.memory_space<semaphore_mem>>, %arg13: memref<!tpu.dma_semaphore, #tpu.memory_space<semaphore_mem>>, %arg14: memref<!tpu.dma_semaphore, #tpu.memory_space<semaphore_mem>>, %arg15: memref<!tpu.dma_semaphore, #tpu.memory_space<semaphore_mem>>, %arg16: memref<!tpu.dma_semaphore, #tpu.memory_space<semaphore_mem>>, %arg17: memref<!tpu.dma_semaphore, #tpu.memory_space<semaphore_mem>>, %arg18: memref<!tpu.dma_semaphore, #tpu.memory_space<semaphore_mem>>, %arg19: memref<!tpu.dma_semaphore, #tpu.memory_space<semaphore_mem>>, %arg20: memref<!tpu.dma_semaphore, #tpu.memory_space<semaphore_mem>>, %arg21: memref<!tpu.dma_semaphore, #tpu.memory_space<semaphore_mem>>, %arg22: memref<!tpu.dma_semaphore, #tpu.memory_space<semaphore_mem>>, %arg23: memref<!tpu.dma_semaphore, #tpu.memory_space<semaphore_mem>>) attributes {dimension_semantics = [#tpu.dimension_semantics<core_parallel>, #tpu.dimension_semantics<subcore_parallel>], iteration_bounds = array<i64: 2, 16>, scalar_prefetch = 0 : i64, scratch_operands = 18 : i64, tpu.core_type = #tpu.core_type<sc_vector_subcore>, window_params = [{transform_indices = #map}, {transform_indices = #map1}, {transform_indices = #map1}, {transform_indices = #map2}]} {
    %mul3A = arith.constant 624 : i32
    %mul3A_0 = arith.muli %arg1, %mul3A : i32
    %mul3A_1 = arith.constant 624 : i32
    %mul3A_2 = arith.muli %arg1, %mul3A_1 : i32
    "tpu.region"() ({
      %run_scoped3A = tpu.sem_alloc : memref<!tpu.dma_semaphore, #tpu.memory_space<semaphore_mem>>
      %dma_start3A_219 = arith.constant 0 : i32
      %dma_start3A_220 = tpu.memref_slice %arg9[%mul3A_2, %dma_start3A_219] : memref<10000x128xf32, #tpu.memory_space<vmem_shared>> -> memref<624x128xf32, #tpu.memory_space<vmem_shared>>
      %dma_start3A_221 = arith.constant 0 : i32
      %dma_start3A_222 = tpu.memref_slice %arg2[%mul3A_0, %dma_start3A_221] : memref<10000x128xf32, #tpu.memory_space<hbm>> -> memref<624x128xf32, #tpu.memory_space<hbm>>
      tpu.enqueue_dma source(%dma_start3A_222 : memref<624x128xf32, #tpu.memory_space<hbm>>) target(%dma_start3A_220 : memref<624x128xf32, #tpu.memory_space<vmem_shared>>) target_semaphore(%run_scoped3A : memref<!tpu.dma_semaphore, #tpu.memory_space<semaphore_mem>>)
      %dma_wait3A_223 = arith.constant 0 : i32
      %dma_wait3A_224 = tpu.memref_slice %arg9[%mul3A_2, %dma_wait3A_223] : memref<10000x128xf32, #tpu.memory_space<vmem_shared>> -> memref<624x128xf32, #tpu.memory_space<vmem_shared>>
      %dma_wait3A_225 = arith.constant 0 : i32
      %dma_wait3A_226 = tpu.memref_slice %arg2[%mul3A_0, %dma_wait3A_225] : memref<10000x128xf32, #tpu.memory_space<hbm>> -> memref<624x128xf32, #tpu.memory_space<hbm>>
      tpu.wait_dma2 semaphore(%run_scoped3A : memref<!tpu.dma_semaphore, #tpu.memory_space<semaphore_mem>>) src(%dma_wait3A_226 : memref<624x128xf32, #tpu.memory_space<hbm>>) dst(%dma_wait3A_224 : memref<624x128xf32, #tpu.memory_space<vmem_shared>>)
      tpu.yield
    }) : () -> ()
    %eq3A = arith.constant 15 : i32
    %eq3A_3 = arith.cmpi eq, %arg1, %eq3A : i32
    %convert_element_type3A = arith.extui %eq3A_3 : i1 to i32
    %cond3A = arith.constant 0 : i32
    %cond3A_4 = arith.cmpi ne, %convert_element_type3A, %cond3A : i32
    scf.if %cond3A_4 {
      "tpu.region"() ({
        %run_scoped3A = tpu.sem_alloc : memref<!tpu.dma_semaphore, #tpu.memory_space<semaphore_mem>>
        %dma_start3A_219 = arith.constant 9984 : i32
        %dma_start3A_220 = arith.constant 0 : i32
        %dma_start3A_221 = tpu.memref_slice %arg9[%dma_start3A_219, %dma_start3A_220] : memref<10000x128xf32, #tpu.memory_space<vmem_shared>> -> memref<16x128xf32, #tpu.memory_space<vmem_shared>>
        %dma_start3A_222 = arith.constant 9984 : i32
        %dma_start3A_223 = arith.constant 0 : i32
        %dma_start3A_224 = tpu.memref_slice %arg2[%dma_start3A_222, %dma_start3A_223] : memref<10000x128xf32, #tpu.memory_space<hbm>> -> memref<16x128xf32, #tpu.memory_space<hbm>>
        tpu.enqueue_dma source(%dma_start3A_224 : memref<16x128xf32, #tpu.memory_space<hbm>>) target(%dma_start3A_221 : memref<16x128xf32, #tpu.memory_space<vmem_shared>>) target_semaphore(%run_scoped3A : memref<!tpu.dma_semaphore, #tpu.memory_space<semaphore_mem>>)
        %dma_wait3A_225 = arith.constant 9984 : i32
        %dma_wait3A_226 = arith.constant 0 : i32
        %dma_wait3A_227 = tpu.memref_slice %arg9[%dma_wait3A_225, %dma_wait3A_226] : memref<10000x128xf32, #tpu.memory_space<vmem_shared>> -> memref<16x128xf32, #tpu.memory_space<vmem_shared>>
        %dma_wait3A_228 = arith.constant 9984 : i32
        %dma_wait3A_229 = arith.constant 0 : i32
        %dma_wait3A_230 = tpu.memref_slice %arg2[%dma_wait3A_228, %dma_wait3A_229] : memref<10000x128xf32, #tpu.memory_space<hbm>> -> memref<16x128xf32, #tpu.memory_space<hbm>>
        tpu.wait_dma2 semaphore(%run_scoped3A : memref<!tpu.dma_semaphore, #tpu.memory_space<semaphore_mem>>) src(%dma_wait3A_230 : memref<16x128xf32, #tpu.memory_space<hbm>>) dst(%dma_wait3A_227 : memref<16x128xf32, #tpu.memory_space<vmem_shared>>)
        tpu.yield
      }) : () -> ()
    } else {
    }
    %barrier3A = arith.constant 0 : index
    tpu.barrier barrier_id(%barrier3A)
    %mul3A_5 = arith.constant 160000 : i32
    %mul3A_6 = arith.muli %arg0, %mul3A_5 : i32
    %mul3A_7 = arith.constant 10000 : i32
    %mul3A_8 = arith.muli %arg1, %mul3A_7 : i32
    %add3A = arith.addi %mul3A_6, %mul3A_8 : i32
    %add3A_9 = arith.constant 0 : i32
    %add3A_10 = arith.addi %add3A, %add3A_9 : i32
    %dma_start3A = arith.constant 0 : i32
    %dma_start3A_11 = arith.constant 0 : i32
    %dma_start3A_12 = tpu.memref_slice %arg6[%dma_start3A, %dma_start3A_11] : memref<4x80xi32, #tpu.memory_space<vmem>> -> memref<1x80xi32, #tpu.memory_space<vmem>>
    %dma_start3A_13 = tpu.memref_squeeze %dma_start3A_12 : memref<1x80xi32, #tpu.memory_space<vmem>> -> memref<80xi32, #tpu.memory_space<vmem>>
    %dma_start3A_14 = tpu.memref_slice %arg3[%add3A_10] : memref<320000xi32, #tpu.memory_space<hbm>> -> memref<80xi32, #tpu.memory_space<hbm>>
    %dma_start3A_15 = arith.constant 0 : i32
    %dma_start3A_16 = tpu.memref_slice %arg6[%dma_start3A, %dma_start3A_15] : memref<4x80xi32, #tpu.memory_space<vmem>> -> memref<1x80xi32, #tpu.memory_space<vmem>>
    %dma_start3A_17 = tpu.memref_squeeze %dma_start3A_16 : memref<1x80xi32, #tpu.memory_space<vmem>> -> memref<80xi32, #tpu.memory_space<vmem>>
    %dma_start3A_18 = tpu.memref_slice %arg3[%add3A_10] : memref<320000xi32, #tpu.memory_space<hbm>> -> memref<80xi32, #tpu.memory_space<hbm>>
    tpu.enqueue_dma source(%dma_start3A_18 : memref<80xi32, #tpu.memory_space<hbm>>) target(%dma_start3A_17 : memref<80xi32, #tpu.memory_space<vmem>>) target_semaphore(%arg10 : memref<!tpu.dma_semaphore, #tpu.memory_space<semaphore_mem>>)
    %add3A_19 = arith.constant 80 : i32
    %add3A_20 = arith.addi %add3A, %add3A_19 : i32
    %dma_start3A_21 = arith.constant 1 : i32
    %dma_start3A_22 = arith.constant 0 : i32
    %dma_start3A_23 = tpu.memref_slice %arg6[%dma_start3A_21, %dma_start3A_22] : memref<4x80xi32, #tpu.memory_space<vmem>> -> memref<1x80xi32, #tpu.memory_space<vmem>>
    %dma_start3A_24 = tpu.memref_squeeze %dma_start3A_23 : memref<1x80xi32, #tpu.memory_space<vmem>> -> memref<80xi32, #tpu.memory_space<vmem>>
    %dma_start3A_25 = tpu.memref_slice %arg3[%add3A_20] : memref<320000xi32, #tpu.memory_space<hbm>> -> memref<80xi32, #tpu.memory_space<hbm>>
    %dma_start3A_26 = arith.constant 0 : i32
    %dma_start3A_27 = tpu.memref_slice %arg6[%dma_start3A_21, %dma_start3A_26] : memref<4x80xi32, #tpu.memory_space<vmem>> -> memref<1x80xi32, #tpu.memory_space<vmem>>
    %dma_start3A_28 = tpu.memref_squeeze %dma_start3A_27 : memref<1x80xi32, #tpu.memory_space<vmem>> -> memref<80xi32, #tpu.memory_space<vmem>>
    %dma_start3A_29 = tpu.memref_slice %arg3[%add3A_20] : memref<320000xi32, #tpu.memory_space<hbm>> -> memref<80xi32, #tpu.memory_space<hbm>>
    tpu.enqueue_dma source(%dma_start3A_29 : memref<80xi32, #tpu.memory_space<hbm>>) target(%dma_start3A_28 : memref<80xi32, #tpu.memory_space<vmem>>) target_semaphore(%arg11 : memref<!tpu.dma_semaphore, #tpu.memory_space<semaphore_mem>>)
    %add3A_30 = arith.constant 160 : i32
    %add3A_31 = arith.addi %add3A, %add3A_30 : i32
    %dma_start3A_32 = arith.constant 2 : i32
    %dma_start3A_33 = arith.constant 0 : i32
    %dma_start3A_34 = tpu.memref_slice %arg6[%dma_start3A_32, %dma_start3A_33] : memref<4x80xi32, #tpu.memory_space<vmem>> -> memref<1x80xi32, #tpu.memory_space<vmem>>
    %dma_start3A_35 = tpu.memref_squeeze %dma_start3A_34 : memref<1x80xi32, #tpu.memory_space<vmem>> -> memref<80xi32, #tpu.memory_space<vmem>>
    %dma_start3A_36 = tpu.memref_slice %arg3[%add3A_31] : memref<320000xi32, #tpu.memory_space<hbm>> -> memref<80xi32, #tpu.memory_space<hbm>>
    %dma_start3A_37 = arith.constant 0 : i32
    %dma_start3A_38 = tpu.memref_slice %arg6[%dma_start3A_32, %dma_start3A_37] : memref<4x80xi32, #tpu.memory_space<vmem>> -> memref<1x80xi32, #tpu.memory_space<vmem>>
    %dma_start3A_39 = tpu.memref_squeeze %dma_start3A_38 : memref<1x80xi32, #tpu.memory_space<vmem>> -> memref<80xi32, #tpu.memory_space<vmem>>
    %dma_start3A_40 = tpu.memref_slice %arg3[%add3A_31] : memref<320000xi32, #tpu.memory_space<hbm>> -> memref<80xi32, #tpu.memory_space<hbm>>
    tpu.enqueue_dma source(%dma_start3A_40 : memref<80xi32, #tpu.memory_space<hbm>>) target(%dma_start3A_39 : memref<80xi32, #tpu.memory_space<vmem>>) target_semaphore(%arg12 : memref<!tpu.dma_semaphore, #tpu.memory_space<semaphore_mem>>)
    %add3A_41 = arith.constant 240 : i32
    %add3A_42 = arith.addi %add3A, %add3A_41 : i32
    %dma_start3A_43 = arith.constant 3 : i32
    %dma_start3A_44 = arith.constant 0 : i32
    %dma_start3A_45 = tpu.memref_slice %arg6[%dma_start3A_43, %dma_start3A_44] : memref<4x80xi32, #tpu.memory_space<vmem>> -> memref<1x80xi32, #tpu.memory_space<vmem>>
    %dma_start3A_46 = tpu.memref_squeeze %dma_start3A_45 : memref<1x80xi32, #tpu.memory_space<vmem>> -> memref<80xi32, #tpu.memory_space<vmem>>
    %dma_start3A_47 = tpu.memref_slice %arg3[%add3A_42] : memref<320000xi32, #tpu.memory_space<hbm>> -> memref<80xi32, #tpu.memory_space<hbm>>
    %dma_start3A_48 = arith.constant 0 : i32
    %dma_start3A_49 = tpu.memref_slice %arg6[%dma_start3A_43, %dma_start3A_48] : memref<4x80xi32, #tpu.memory_space<vmem>> -> memref<1x80xi32, #tpu.memory_space<vmem>>
    %dma_start3A_50 = tpu.memref_squeeze %dma_start3A_49 : memref<1x80xi32, #tpu.memory_space<vmem>> -> memref<80xi32, #tpu.memory_space<vmem>>
    %dma_start3A_51 = tpu.memref_slice %arg3[%add3A_42] : memref<320000xi32, #tpu.memory_space<hbm>> -> memref<80xi32, #tpu.memory_space<hbm>>
    tpu.enqueue_dma source(%dma_start3A_51 : memref<80xi32, #tpu.memory_space<hbm>>) target(%dma_start3A_50 : memref<80xi32, #tpu.memory_space<vmem>>) target_semaphore(%arg13 : memref<!tpu.dma_semaphore, #tpu.memory_space<semaphore_mem>>)
    %add3A_52 = arith.constant 0 : i32
    %add3A_53 = arith.addi %add3A, %add3A_52 : i32
    %dma_start3A_54 = arith.constant 0 : i32
    %dma_start3A_55 = arith.constant 0 : i32
    %dma_start3A_56 = tpu.memref_slice %arg7[%dma_start3A_54, %dma_start3A_55] : memref<4x80xi32, #tpu.memory_space<vmem>> -> memref<1x80xi32, #tpu.memory_space<vmem>>
    %dma_start3A_57 = tpu.memref_squeeze %dma_start3A_56 : memref<1x80xi32, #tpu.memory_space<vmem>> -> memref<80xi32, #tpu.memory_space<vmem>>
    %dma_start3A_58 = tpu.memref_slice %arg4[%add3A_53] : memref<320000xi32, #tpu.memory_space<hbm>> -> memref<80xi32, #tpu.memory_space<hbm>>
    %dma_start3A_59 = arith.constant 0 : i32
    %dma_start3A_60 = tpu.memref_slice %arg7[%dma_start3A_54, %dma_start3A_59] : memref<4x80xi32, #tpu.memory_space<vmem>> -> memref<1x80xi32, #tpu.memory_space<vmem>>
    %dma_start3A_61 = tpu.memref_squeeze %dma_start3A_60 : memref<1x80xi32, #tpu.memory_space<vmem>> -> memref<80xi32, #tpu.memory_space<vmem>>
    %dma_start3A_62 = tpu.memref_slice %arg4[%add3A_53] : memref<320000xi32, #tpu.memory_space<hbm>> -> memref<80xi32, #tpu.memory_space<hbm>>
    tpu.enqueue_dma source(%dma_start3A_62 : memref<80xi32, #tpu.memory_space<hbm>>) target(%dma_start3A_61 : memref<80xi32, #tpu.memory_space<vmem>>) target_semaphore(%arg14 : memref<!tpu.dma_semaphore, #tpu.memory_space<semaphore_mem>>)
    %add3A_63 = arith.constant 80 : i32
    %add3A_64 = arith.addi %add3A, %add3A_63 : i32
    %dma_start3A_65 = arith.constant 1 : i32
    %dma_start3A_66 = arith.constant 0 : i32
    %dma_start3A_67 = tpu.memref_slice %arg7[%dma_start3A_65, %dma_start3A_66] : memref<4x80xi32, #tpu.memory_space<vmem>> -> memref<1x80xi32, #tpu.memory_space<vmem>>
    %dma_start3A_68 = tpu.memref_squeeze %dma_start3A_67 : memref<1x80xi32, #tpu.memory_space<vmem>> -> memref<80xi32, #tpu.memory_space<vmem>>
    %dma_start3A_69 = tpu.memref_slice %arg4[%add3A_64] : memref<320000xi32, #tpu.memory_space<hbm>> -> memref<80xi32, #tpu.memory_space<hbm>>
    %dma_start3A_70 = arith.constant 0 : i32
    %dma_start3A_71 = tpu.memref_slice %arg7[%dma_start3A_65, %dma_start3A_70] : memref<4x80xi32, #tpu.memory_space<vmem>> -> memref<1x80xi32, #tpu.memory_space<vmem>>
    %dma_start3A_72 = tpu.memref_squeeze %dma_start3A_71 : memref<1x80xi32, #tpu.memory_space<vmem>> -> memref<80xi32, #tpu.memory_space<vmem>>
    %dma_start3A_73 = tpu.memref_slice %arg4[%add3A_64] : memref<320000xi32, #tpu.memory_space<hbm>> -> memref<80xi32, #tpu.memory_space<hbm>>
    tpu.enqueue_dma source(%dma_start3A_73 : memref<80xi32, #tpu.memory_space<hbm>>) target(%dma_start3A_72 : memref<80xi32, #tpu.memory_space<vmem>>) target_semaphore(%arg15 : memref<!tpu.dma_semaphore, #tpu.memory_space<semaphore_mem>>)
    %add3A_74 = arith.constant 160 : i32
    %add3A_75 = arith.addi %add3A, %add3A_74 : i32
    %dma_start3A_76 = arith.constant 2 : i32
    %dma_start3A_77 = arith.constant 0 : i32
    %dma_start3A_78 = tpu.memref_slice %arg7[%dma_start3A_76, %dma_start3A_77] : memref<4x80xi32, #tpu.memory_space<vmem>> -> memref<1x80xi32, #tpu.memory_space<vmem>>
    %dma_start3A_79 = tpu.memref_squeeze %dma_start3A_78 : memref<1x80xi32, #tpu.memory_space<vmem>> -> memref<80xi32, #tpu.memory_space<vmem>>
    %dma_start3A_80 = tpu.memref_slice %arg4[%add3A_75] : memref<320000xi32, #tpu.memory_space<hbm>> -> memref<80xi32, #tpu.memory_space<hbm>>
    %dma_start3A_81 = arith.constant 0 : i32
    %dma_start3A_82 = tpu.memref_slice %arg7[%dma_start3A_76, %dma_start3A_81] : memref<4x80xi32, #tpu.memory_space<vmem>> -> memref<1x80xi32, #tpu.memory_space<vmem>>
    %dma_start3A_83 = tpu.memref_squeeze %dma_start3A_82 : memref<1x80xi32, #tpu.memory_space<vmem>> -> memref<80xi32, #tpu.memory_space<vmem>>
    %dma_start3A_84 = tpu.memref_slice %arg4[%add3A_75] : memref<320000xi32, #tpu.memory_space<hbm>> -> memref<80xi32, #tpu.memory_space<hbm>>
    tpu.enqueue_dma source(%dma_start3A_84 : memref<80xi32, #tpu.memory_space<hbm>>) target(%dma_start3A_83 : memref<80xi32, #tpu.memory_space<vmem>>) target_semaphore(%arg16 : memref<!tpu.dma_semaphore, #tpu.memory_space<semaphore_mem>>)
    %dma_wait3A = arith.constant 0 : i32
    %dma_wait3A_85 = arith.constant 0 : i32
    %dma_wait3A_86 = tpu.memref_slice %arg6[%dma_wait3A, %dma_wait3A_85] : memref<4x80xi32, #tpu.memory_space<vmem>> -> memref<1x80xi32, #tpu.memory_space<vmem>>
    %dma_wait3A_87 = tpu.memref_squeeze %dma_wait3A_86 : memref<1x80xi32, #tpu.memory_space<vmem>> -> memref<80xi32, #tpu.memory_space<vmem>>
    %dma_wait3A_88 = tpu.memref_slice %arg3[%add3A] : memref<320000xi32, #tpu.memory_space<hbm>> -> memref<80xi32, #tpu.memory_space<hbm>>
    %dma_wait3A_89 = arith.constant 0 : i32
    %dma_wait3A_90 = tpu.memref_slice %arg6[%dma_wait3A, %dma_wait3A_89] : memref<4x80xi32, #tpu.memory_space<vmem>> -> memref<1x80xi32, #tpu.memory_space<vmem>>
    %dma_wait3A_91 = tpu.memref_squeeze %dma_wait3A_90 : memref<1x80xi32, #tpu.memory_space<vmem>> -> memref<80xi32, #tpu.memory_space<vmem>>
    %dma_wait3A_92 = tpu.memref_slice %arg3[%add3A] : memref<320000xi32, #tpu.memory_space<hbm>> -> memref<80xi32, #tpu.memory_space<hbm>>
    tpu.wait_dma2 semaphore(%arg10 : memref<!tpu.dma_semaphore, #tpu.memory_space<semaphore_mem>>) src(%dma_wait3A_92 : memref<80xi32, #tpu.memory_space<hbm>>) dst(%dma_wait3A_91 : memref<80xi32, #tpu.memory_space<vmem>>)
    %dma_start3A_93 = arith.constant 0 : i32
    %dma_start3A_94 = arith.constant 0 : i32
    %dma_start3A_95 = arith.constant 0 : i32
    %dma_start3A_96 = arith.constant 0 : i32
    %dma_start3A_97 = tpu.memref_slice %arg8[%dma_start3A_94, %dma_start3A_95, %dma_start3A_96] : memref<4x80x128xf32, #tpu.memory_space<vmem>> -> memref<1x80x128xf32, #tpu.memory_space<vmem>>
    %dma_start3A_98 = tpu.memref_squeeze %dma_start3A_97 : memref<1x80x128xf32, #tpu.memory_space<vmem>> -> memref<80x128xf32, #tpu.memory_space<vmem>>
    %dma_start3A_99 = arith.constant 0 : i32
    %dma_start3A_100 = tpu.memref_slice %arg6[%dma_start3A_93, %dma_start3A_99] : memref<4x80xi32, #tpu.memory_space<vmem>> -> memref<1x80xi32, #tpu.memory_space<vmem>>
    %dma_start3A_101 = tpu.memref_squeeze %dma_start3A_100 : memref<1x80xi32, #tpu.memory_space<vmem>> -> memref<80xi32, #tpu.memory_space<vmem>>
    %dma_start3A_102 = arith.constant 0 : i32
    %dma_start3A_103 = arith.constant 0 : i32
    %dma_start3A_104 = tpu.memref_slice %arg2[%dma_start3A_102, %dma_start3A_103] : memref<10000x128xf32, #tpu.memory_space<hbm>> -> memref<10000x128xf32, #tpu.memory_space<hbm>>
    tpu.enqueue_indirect_dma source(%dma_start3A_104 : memref<10000x128xf32, #tpu.memory_space<hbm>>) target(%dma_start3A_98 : memref<80x128xf32, #tpu.memory_space<vmem>>) offsets(%dma_start3A_101 : memref<80xi32, #tpu.memory_space<vmem>>) semaphore(%arg18 : memref<!tpu.dma_semaphore, #tpu.memory_space<semaphore_mem>>)
    %dma_wait3A_105 = arith.constant 1 : i32
    %dma_wait3A_106 = arith.constant 0 : i32
    %dma_wait3A_107 = tpu.memref_slice %arg6[%dma_wait3A_105, %dma_wait3A_106] : memref<4x80xi32, #tpu.memory_space<vmem>> -> memref<1x80xi32, #tpu.memory_space<vmem>>
    %dma_wait3A_108 = tpu.memref_squeeze %dma_wait3A_107 : memref<1x80xi32, #tpu.memory_space<vmem>> -> memref<80xi32, #tpu.memory_space<vmem>>
    %dma_wait3A_109 = tpu.memref_slice %arg3[%add3A] : memref<320000xi32, #tpu.memory_space<hbm>> -> memref<80xi32, #tpu.memory_space<hbm>>
    %dma_wait3A_110 = arith.constant 0 : i32
    %dma_wait3A_111 = tpu.memref_slice %arg6[%dma_wait3A_105, %dma_wait3A_110] : memref<4x80xi32, #tpu.memory_space<vmem>> -> memref<1x80xi32, #tpu.memory_space<vmem>>
    %dma_wait3A_112 = tpu.memref_squeeze %dma_wait3A_111 : memref<1x80xi32, #tpu.memory_space<vmem>> -> memref<80xi32, #tpu.memory_space<vmem>>
    %dma_wait3A_113 = tpu.memref_slice %arg3[%add3A] : memref<320000xi32, #tpu.memory_space<hbm>> -> memref<80xi32, #tpu.memory_space<hbm>>
    tpu.wait_dma2 semaphore(%arg11 : memref<!tpu.dma_semaphore, #tpu.memory_space<semaphore_mem>>) src(%dma_wait3A_113 : memref<80xi32, #tpu.memory_space<hbm>>) dst(%dma_wait3A_112 : memref<80xi32, #tpu.memory_space<vmem>>)
    %dma_start3A_114 = arith.constant 1 : i32
    %dma_start3A_115 = arith.constant 1 : i32
    %dma_start3A_116 = arith.constant 0 : i32
    %dma_start3A_117 = arith.constant 0 : i32
    %dma_start3A_118 = tpu.memref_slice %arg8[%dma_start3A_115, %dma_start3A_116, %dma_start3A_117] : memref<4x80x128xf32, #tpu.memory_space<vmem>> -> memref<1x80x128xf32, #tpu.memory_space<vmem>>
    %dma_start3A_119 = tpu.memref_squeeze %dma_start3A_118 : memref<1x80x128xf32, #tpu.memory_space<vmem>> -> memref<80x128xf32, #tpu.memory_space<vmem>>
    %dma_start3A_120 = arith.constant 0 : i32
    %dma_start3A_121 = tpu.memref_slice %arg6[%dma_start3A_114, %dma_start3A_120] : memref<4x80xi32, #tpu.memory_space<vmem>> -> memref<1x80xi32, #tpu.memory_space<vmem>>
    %dma_start3A_122 = tpu.memref_squeeze %dma_start3A_121 : memref<1x80xi32, #tpu.memory_space<vmem>> -> memref<80xi32, #tpu.memory_space<vmem>>
    %dma_start3A_123 = arith.constant 0 : i32
    %dma_start3A_124 = arith.constant 0 : i32
    %dma_start3A_125 = tpu.memref_slice %arg2[%dma_start3A_123, %dma_start3A_124] : memref<10000x128xf32, #tpu.memory_space<hbm>> -> memref<10000x128xf32, #tpu.memory_space<hbm>>
    tpu.enqueue_indirect_dma source(%dma_start3A_125 : memref<10000x128xf32, #tpu.memory_space<hbm>>) target(%dma_start3A_119 : memref<80x128xf32, #tpu.memory_space<vmem>>) offsets(%dma_start3A_122 : memref<80xi32, #tpu.memory_space<vmem>>) semaphore(%arg19 : memref<!tpu.dma_semaphore, #tpu.memory_space<semaphore_mem>>)
    %dma_wait3A_126 = arith.constant 2 : i32
    %dma_wait3A_127 = arith.constant 0 : i32
    %dma_wait3A_128 = tpu.memref_slice %arg6[%dma_wait3A_126, %dma_wait3A_127] : memref<4x80xi32, #tpu.memory_space<vmem>> -> memref<1x80xi32, #tpu.memory_space<vmem>>
    %dma_wait3A_129 = tpu.memref_squeeze %dma_wait3A_128 : memref<1x80xi32, #tpu.memory_space<vmem>> -> memref<80xi32, #tpu.memory_space<vmem>>
    %dma_wait3A_130 = tpu.memref_slice %arg3[%add3A] : memref<320000xi32, #tpu.memory_space<hbm>> -> memref<80xi32, #tpu.memory_space<hbm>>
    %dma_wait3A_131 = arith.constant 0 : i32
    %dma_wait3A_132 = tpu.memref_slice %arg6[%dma_wait3A_126, %dma_wait3A_131] : memref<4x80xi32, #tpu.memory_space<vmem>> -> memref<1x80xi32, #tpu.memory_space<vmem>>
    %dma_wait3A_133 = tpu.memref_squeeze %dma_wait3A_132 : memref<1x80xi32, #tpu.memory_space<vmem>> -> memref<80xi32, #tpu.memory_space<vmem>>
    %dma_wait3A_134 = tpu.memref_slice %arg3[%add3A] : memref<320000xi32, #tpu.memory_space<hbm>> -> memref<80xi32, #tpu.memory_space<hbm>>
    tpu.wait_dma2 semaphore(%arg12 : memref<!tpu.dma_semaphore, #tpu.memory_space<semaphore_mem>>) src(%dma_wait3A_134 : memref<80xi32, #tpu.memory_space<hbm>>) dst(%dma_wait3A_133 : memref<80xi32, #tpu.memory_space<vmem>>)
    %dma_start3A_135 = arith.constant 2 : i32
    %dma_start3A_136 = arith.constant 2 : i32
    %dma_start3A_137 = arith.constant 0 : i32
    %dma_start3A_138 = arith.constant 0 : i32
    %dma_start3A_139 = tpu.memref_slice %arg8[%dma_start3A_136, %dma_start3A_137, %dma_start3A_138] : memref<4x80x128xf32, #tpu.memory_space<vmem>> -> memref<1x80x128xf32, #tpu.memory_space<vmem>>
    %dma_start3A_140 = tpu.memref_squeeze %dma_start3A_139 : memref<1x80x128xf32, #tpu.memory_space<vmem>> -> memref<80x128xf32, #tpu.memory_space<vmem>>
    %dma_start3A_141 = arith.constant 0 : i32
    %dma_start3A_142 = tpu.memref_slice %arg6[%dma_start3A_135, %dma_start3A_141] : memref<4x80xi32, #tpu.memory_space<vmem>> -> memref<1x80xi32, #tpu.memory_space<vmem>>
    %dma_start3A_143 = tpu.memref_squeeze %dma_start3A_142 : memref<1x80xi32, #tpu.memory_space<vmem>> -> memref<80xi32, #tpu.memory_space<vmem>>
    %dma_start3A_144 = arith.constant 0 : i32
    %dma_start3A_145 = arith.constant 0 : i32
    %dma_start3A_146 = tpu.memref_slice %arg2[%dma_start3A_144, %dma_start3A_145] : memref<10000x128xf32, #tpu.memory_space<hbm>> -> memref<10000x128xf32, #tpu.memory_space<hbm>>
    tpu.enqueue_indirect_dma source(%dma_start3A_146 : memref<10000x128xf32, #tpu.memory_space<hbm>>) target(%dma_start3A_140 : memref<80x128xf32, #tpu.memory_space<vmem>>) offsets(%dma_start3A_143 : memref<80xi32, #tpu.memory_space<vmem>>) semaphore(%arg20 : memref<!tpu.dma_semaphore, #tpu.memory_space<semaphore_mem>>)
    %scan3A = arith.constant 0 : i32
    %scan3A_147 = arith.constant 0 : i32
    %scan3A_148 = arith.constant 31 : i32
    %scan3A_149 = arith.addi %scan3A_147, %scan3A_148 : i32
    %scan3A_150 = arith.constant 1 : i32
    scf.for %scan3A_219 = %scan3A_147 to %scan3A_149 step %scan3A_150  : i32 {
      %mul3A_220 = arith.constant 4 : i32
      %mul3A_221 = arith.muli %mul3A_220, %scan3A_219 : i32
      %add3A_222 = arith.constant 0 : i32
      %add3A_223 = arith.addi %mul3A_221, %add3A_222 : i32
      %dma_wait3A_224 = arith.constant 0 : i32
      %dma_wait3A_225 = arith.constant 0 : i32
      %dma_wait3A_226 = arith.constant 0 : i32
      %dma_wait3A_227 = arith.constant 0 : i32
      %dma_wait3A_228 = tpu.memref_slice %arg8[%dma_wait3A_225, %dma_wait3A_226, %dma_wait3A_227] : memref<4x80x128xf32, #tpu.memory_space<vmem>> -> memref<1x80x128xf32, #tpu.memory_space<vmem>>
      %dma_wait3A_229 = tpu.memref_squeeze %dma_wait3A_228 : memref<1x80x128xf32, #tpu.memory_space<vmem>> -> memref<80x128xf32, #tpu.memory_space<vmem>>
      %dma_wait3A_230 = arith.constant 0 : i32
      %dma_wait3A_231 = tpu.memref_slice %arg6[%dma_wait3A_224, %dma_wait3A_230] : memref<4x80xi32, #tpu.memory_space<vmem>> -> memref<1x80xi32, #tpu.memory_space<vmem>>
      %dma_wait3A_232 = tpu.memref_squeeze %dma_wait3A_231 : memref<1x80xi32, #tpu.memory_space<vmem>> -> memref<80xi32, #tpu.memory_space<vmem>>
      %dma_wait3A_233 = arith.constant 0 : i32
      %dma_wait3A_234 = arith.constant 0 : i32
      %dma_wait3A_235 = tpu.memref_slice %arg2[%dma_wait3A_233, %dma_wait3A_234] : memref<10000x128xf32, #tpu.memory_space<hbm>> -> memref<10000x128xf32, #tpu.memory_space<hbm>>
      tpu.wait_indirect_dma semaphore(%arg18 : memref<!tpu.dma_semaphore, #tpu.memory_space<semaphore_mem>>) src(%dma_wait3A_235 : memref<10000x128xf32, #tpu.memory_space<hbm>>) dst(%dma_wait3A_229 : memref<80x128xf32, #tpu.memory_space<vmem>>)
      %dma_wait3A_236 = arith.constant 0 : i32
      %dma_wait3A_237 = arith.constant 0 : i32
      %dma_wait3A_238 = tpu.memref_slice %arg7[%dma_wait3A_236, %dma_wait3A_237] : memref<4x80xi32, #tpu.memory_space<vmem>> -> memref<1x80xi32, #tpu.memory_space<vmem>>
      %dma_wait3A_239 = tpu.memref_squeeze %dma_wait3A_238 : memref<1x80xi32, #tpu.memory_space<vmem>> -> memref<80xi32, #tpu.memory_space<vmem>>
      %dma_wait3A_240 = tpu.memref_slice %arg4[%add3A] : memref<320000xi32, #tpu.memory_space<hbm>> -> memref<80xi32, #tpu.memory_space<hbm>>
      %dma_wait3A_241 = arith.constant 0 : i32
      %dma_wait3A_242 = tpu.memref_slice %arg7[%dma_wait3A_236, %dma_wait3A_241] : memref<4x80xi32, #tpu.memory_space<vmem>> -> memref<1x80xi32, #tpu.memory_space<vmem>>
      %dma_wait3A_243 = tpu.memref_squeeze %dma_wait3A_242 : memref<1x80xi32, #tpu.memory_space<vmem>> -> memref<80xi32, #tpu.memory_space<vmem>>
      %dma_wait3A_244 = tpu.memref_slice %arg4[%add3A] : memref<320000xi32, #tpu.memory_space<hbm>> -> memref<80xi32, #tpu.memory_space<hbm>>
      tpu.wait_dma2 semaphore(%arg14 : memref<!tpu.dma_semaphore, #tpu.memory_space<semaphore_mem>>) src(%dma_wait3A_244 : memref<80xi32, #tpu.memory_space<hbm>>) dst(%dma_wait3A_243 : memref<80xi32, #tpu.memory_space<vmem>>)
      %dma_start3A_245 = arith.constant 0 : i32
      %dma_start3A_246 = arith.constant 0 : i32
      %dma_start3A_247 = arith.constant 0 : i32
      %dma_start3A_248 = arith.constant 0 : i32
      %dma_start3A_249 = tpu.memref_slice %arg8[%dma_start3A_245, %dma_start3A_247, %dma_start3A_248] : memref<4x80x128xf32, #tpu.memory_space<vmem>> -> memref<1x80x128xf32, #tpu.memory_space<vmem>>
      %dma_start3A_250 = tpu.memref_squeeze %dma_start3A_249 : memref<1x80x128xf32, #tpu.memory_space<vmem>> -> memref<80x128xf32, #tpu.memory_space<vmem>>
      %dma_start3A_251 = arith.constant 0 : i32
      %dma_start3A_252 = tpu.memref_slice %arg7[%dma_start3A_246, %dma_start3A_251] : memref<4x80xi32, #tpu.memory_space<vmem>> -> memref<1x80xi32, #tpu.memory_space<vmem>>
      %dma_start3A_253 = tpu.memref_squeeze %dma_start3A_252 : memref<1x80xi32, #tpu.memory_space<vmem>> -> memref<80xi32, #tpu.memory_space<vmem>>
      %dma_start3A_254 = arith.constant 0 : i32
      %dma_start3A_255 = arith.constant 0 : i32
      %dma_start3A_256 = tpu.memref_slice %arg9[%dma_start3A_254, %dma_start3A_255] : memref<10000x128xf32, #tpu.memory_space<vmem_shared>> -> memref<10000x128xf32, #tpu.memory_space<vmem_shared>>
      tpu.enqueue_indirect_dma source(%dma_start3A_250 : memref<80x128xf32, #tpu.memory_space<vmem>>) target(%dma_start3A_256 : memref<10000x128xf32, #tpu.memory_space<vmem_shared>>) offsets(%dma_start3A_253 : memref<80xi32, #tpu.memory_space<vmem>>) semaphore(%arg22 : memref<!tpu.dma_semaphore, #tpu.memory_space<semaphore_mem>>) {add = true}
      %ge3A = arith.constant 1 : i32
      %ge3A_257 = arith.cmpi sge, %add3A_223, %ge3A : i32
      %convert_element_type3A_258 = arith.extui %ge3A_257 : i1 to i32
      %cond3A_259 = arith.constant 0 : i32
      %cond3A_260 = arith.cmpi ne, %convert_element_type3A_258, %cond3A_259 : i32
      scf.if %cond3A_260 {
        %dma_wait3A_526 = arith.constant 0 : i32
        %dma_wait3A_527 = arith.constant 0 : i32
        %dma_wait3A_528 = arith.constant 0 : i32
        %dma_wait3A_529 = arith.constant 0 : i32
        %dma_wait3A_530 = tpu.memref_slice %arg8[%dma_wait3A_526, %dma_wait3A_528, %dma_wait3A_529] : memref<4x80x128xf32, #tpu.memory_space<vmem>> -> memref<1x80x128xf32, #tpu.memory_space<vmem>>
        %dma_wait3A_531 = tpu.memref_squeeze %dma_wait3A_530 : memref<1x80x128xf32, #tpu.memory_space<vmem>> -> memref<80x128xf32, #tpu.memory_space<vmem>>
        %dma_wait3A_532 = arith.constant 0 : i32
        %dma_wait3A_533 = tpu.memref_slice %arg7[%dma_wait3A_527, %dma_wait3A_532] : memref<4x80xi32, #tpu.memory_space<vmem>> -> memref<1x80xi32, #tpu.memory_space<vmem>>
        %dma_wait3A_534 = tpu.memref_squeeze %dma_wait3A_533 : memref<1x80xi32, #tpu.memory_space<vmem>> -> memref<80xi32, #tpu.memory_space<vmem>>
        %dma_wait3A_535 = arith.constant 0 : i32
        %dma_wait3A_536 = arith.constant 0 : i32
        %dma_wait3A_537 = tpu.memref_slice %arg9[%dma_wait3A_535, %dma_wait3A_536] : memref<10000x128xf32, #tpu.memory_space<vmem_shared>> -> memref<10000x128xf32, #tpu.memory_space<vmem_shared>>
        tpu.wait_indirect_dma semaphore(%arg23 : memref<!tpu.dma_semaphore, #tpu.memory_space<semaphore_mem>>) src(%dma_wait3A_531 : memref<80x128xf32, #tpu.memory_space<vmem>>) dst(%dma_wait3A_537 : memref<10000x128xf32, #tpu.memory_space<vmem_shared>>)
      } else {
      }
      %add3A_261 = arith.constant 4 : i32
      %add3A_262 = arith.addi %add3A_223, %add3A_261 : i32
      %mul3A_263 = arith.constant 80 : i32
      %mul3A_264 = arith.muli %add3A_262, %mul3A_263 : i32
      %add3A_265 = arith.addi %add3A, %mul3A_264 : i32
      %dma_start3A_266 = arith.constant 0 : i32
      %dma_start3A_267 = arith.constant 0 : i32
      %dma_start3A_268 = tpu.memref_slice %arg6[%dma_start3A_266, %dma_start3A_267] : memref<4x80xi32, #tpu.memory_space<vmem>> -> memref<1x80xi32, #tpu.memory_space<vmem>>
      %dma_start3A_269 = tpu.memref_squeeze %dma_start3A_268 : memref<1x80xi32, #tpu.memory_space<vmem>> -> memref<80xi32, #tpu.memory_space<vmem>>
      %dma_start3A_270 = tpu.memref_slice %arg3[%add3A_265] : memref<320000xi32, #tpu.memory_space<hbm>> -> memref<80xi32, #tpu.memory_space<hbm>>
      %dma_start3A_271 = arith.constant 0 : i32
      %dma_start3A_272 = tpu.memref_slice %arg6[%dma_start3A_266, %dma_start3A_271] : memref<4x80xi32, #tpu.memory_space<vmem>> -> memref<1x80xi32, #tpu.memory_space<vmem>>
      %dma_start3A_273 = tpu.memref_squeeze %dma_start3A_272 : memref<1x80xi32, #tpu.memory_space<vmem>> -> memref<80xi32, #tpu.memory_space<vmem>>
      %dma_start3A_274 = tpu.memref_slice %arg3[%add3A_265] : memref<320000xi32, #tpu.memory_space<hbm>> -> memref<80xi32, #tpu.memory_space<hbm>>
      tpu.enqueue_dma source(%dma_start3A_274 : memref<80xi32, #tpu.memory_space<hbm>>) target(%dma_start3A_273 : memref<80xi32, #tpu.memory_space<vmem>>) target_semaphore(%arg10 : memref<!tpu.dma_semaphore, #tpu.memory_space<semaphore_mem>>)
      %add3A_275 = arith.constant 3 : i32
      %add3A_276 = arith.addi %add3A_223, %add3A_275 : i32
      %mul3A_277 = arith.constant 80 : i32
      %mul3A_278 = arith.muli %add3A_276, %mul3A_277 : i32
      %add3A_279 = arith.addi %add3A, %mul3A_278 : i32
      %dma_start3A_280 = arith.constant 3 : i32
      %dma_start3A_281 = arith.constant 0 : i32
      %dma_start3A_282 = tpu.memref_slice %arg7[%dma_start3A_280, %dma_start3A_281] : memref<4x80xi32, #tpu.memory_space<vmem>> -> memref<1x80xi32, #tpu.memory_space<vmem>>
      %dma_start3A_283 = tpu.memref_squeeze %dma_start3A_282 : memref<1x80xi32, #tpu.memory_space<vmem>> -> memref<80xi32, #tpu.memory_space<vmem>>
      %dma_start3A_284 = tpu.memref_slice %arg4[%add3A_279] : memref<320000xi32, #tpu.memory_space<hbm>> -> memref<80xi32, #tpu.memory_space<hbm>>
      %dma_start3A_285 = arith.constant 0 : i32
      %dma_start3A_286 = tpu.memref_slice %arg7[%dma_start3A_280, %dma_start3A_285] : memref<4x80xi32, #tpu.memory_space<vmem>> -> memref<1x80xi32, #tpu.memory_space<vmem>>
      %dma_start3A_287 = tpu.memref_squeeze %dma_start3A_286 : memref<1x80xi32, #tpu.memory_space<vmem>> -> memref<80xi32, #tpu.memory_space<vmem>>
      %dma_start3A_288 = tpu.memref_slice %arg4[%add3A_279] : memref<320000xi32, #tpu.memory_space<hbm>> -> memref<80xi32, #tpu.memory_space<hbm>>
      tpu.enqueue_dma source(%dma_start3A_288 : memref<80xi32, #tpu.memory_space<hbm>>) target(%dma_start3A_287 : memref<80xi32, #tpu.memory_space<vmem>>) target_semaphore(%arg17 : memref<!tpu.dma_semaphore, #tpu.memory_space<semaphore_mem>>)
      %dma_wait3A_289 = arith.constant 3 : i32
      %dma_wait3A_290 = arith.constant 0 : i32
      %dma_wait3A_291 = tpu.memref_slice %arg6[%dma_wait3A_289, %dma_wait3A_290] : memref<4x80xi32, #tpu.memory_space<vmem>> -> memref<1x80xi32, #tpu.memory_space<vmem>>
      %dma_wait3A_292 = tpu.memref_squeeze %dma_wait3A_291 : memref<1x80xi32, #tpu.memory_space<vmem>> -> memref<80xi32, #tpu.memory_space<vmem>>
      %dma_wait3A_293 = tpu.memref_slice %arg3[%add3A] : memref<320000xi32, #tpu.memory_space<hbm>> -> memref<80xi32, #tpu.memory_space<hbm>>
      %dma_wait3A_294 = arith.constant 0 : i32
      %dma_wait3A_295 = tpu.memref_slice %arg6[%dma_wait3A_289, %dma_wait3A_294] : memref<4x80xi32, #tpu.memory_space<vmem>> -> memref<1x80xi32, #tpu.memory_space<vmem>>
      %dma_wait3A_296 = tpu.memref_squeeze %dma_wait3A_295 : memref<1x80xi32, #tpu.memory_space<vmem>> -> memref<80xi32, #tpu.memory_space<vmem>>
      %dma_wait3A_297 = tpu.memref_slice %arg3[%add3A] : memref<320000xi32, #tpu.memory_space<hbm>> -> memref<80xi32, #tpu.memory_space<hbm>>
      tpu.wait_dma2 semaphore(%arg13 : memref<!tpu.dma_semaphore, #tpu.memory_space<semaphore_mem>>) src(%dma_wait3A_297 : memref<80xi32, #tpu.memory_space<hbm>>) dst(%dma_wait3A_296 : memref<80xi32, #tpu.memory_space<vmem>>)
      %dma_start3A_298 = arith.constant 3 : i32
      %dma_start3A_299 = arith.constant 3 : i32
      %dma_start3A_300 = arith.constant 0 : i32
      %dma_start3A_301 = arith.constant 0 : i32
      %dma_start3A_302 = tpu.memref_slice %arg8[%dma_start3A_299, %dma_start3A_300, %dma_start3A_301] : memref<4x80x128xf32, #tpu.memory_space<vmem>> -> memref<1x80x128xf32, #tpu.memory_space<vmem>>
      %dma_start3A_303 = tpu.memref_squeeze %dma_start3A_302 : memref<1x80x128xf32, #tpu.memory_space<vmem>> -> memref<80x128xf32, #tpu.memory_space<vmem>>
      %dma_start3A_304 = arith.constant 0 : i32
      %dma_start3A_305 = tpu.memref_slice %arg6[%dma_start3A_298, %dma_start3A_304] : memref<4x80xi32, #tpu.memory_space<vmem>> -> memref<1x80xi32, #tpu.memory_space<vmem>>
      %dma_start3A_306 = tpu.memref_squeeze %dma_start3A_305 : memref<1x80xi32, #tpu.memory_space<vmem>> -> memref<80xi32, #tpu.memory_space<vmem>>
      %dma_start3A_307 = arith.constant 0 : i32
      %dma_start3A_308 = arith.constant 0 : i32
      %dma_start3A_309 = tpu.memref_slice %arg2[%dma_start3A_307, %dma_start3A_308] : memref<10000x128xf32, #tpu.memory_space<hbm>> -> memref<10000x128xf32, #tpu.memory_space<hbm>>
      tpu.enqueue_indirect_dma source(%dma_start3A_309 : memref<10000x128xf32, #tpu.memory_space<hbm>>) target(%dma_start3A_303 : memref<80x128xf32, #tpu.memory_space<vmem>>) offsets(%dma_start3A_306 : memref<80xi32, #tpu.memory_space<vmem>>) semaphore(%arg21 : memref<!tpu.dma_semaphore, #tpu.memory_space<semaphore_mem>>)
      %mul3A_310 = arith.constant 4 : i32
      %mul3A_311 = arith.muli %mul3A_310, %scan3A_219 : i32
      %add3A_312 = arith.constant 1 : i32
      %add3A_313 = arith.addi %mul3A_311, %add3A_312 : i32
      %dma_wait3A_314 = arith.constant 1 : i32
      %dma_wait3A_315 = arith.constant 1 : i32
      %dma_wait3A_316 = arith.constant 0 : i32
      %dma_wait3A_317 = arith.constant 0 : i32
      %dma_wait3A_318 = tpu.memref_slice %arg8[%dma_wait3A_315, %dma_wait3A_316, %dma_wait3A_317] : memref<4x80x128xf32, #tpu.memory_space<vmem>> -> memref<1x80x128xf32, #tpu.memory_space<vmem>>
      %dma_wait3A_319 = tpu.memref_squeeze %dma_wait3A_318 : memref<1x80x128xf32, #tpu.memory_space<vmem>> -> memref<80x128xf32, #tpu.memory_space<vmem>>
      %dma_wait3A_320 = arith.constant 0 : i32
      %dma_wait3A_321 = tpu.memref_slice %arg6[%dma_wait3A_314, %dma_wait3A_320] : memref<4x80xi32, #tpu.memory_space<vmem>> -> memref<1x80xi32, #tpu.memory_space<vmem>>
      %dma_wait3A_322 = tpu.memref_squeeze %dma_wait3A_321 : memref<1x80xi32, #tpu.memory_space<vmem>> -> memref<80xi32, #tpu.memory_space<vmem>>
      %dma_wait3A_323 = arith.constant 0 : i32
      %dma_wait3A_324 = arith.constant 0 : i32
      %dma_wait3A_325 = tpu.memref_slice %arg2[%dma_wait3A_323, %dma_wait3A_324] : memref<10000x128xf32, #tpu.memory_space<hbm>> -> memref<10000x128xf32, #tpu.memory_space<hbm>>
      tpu.wait_indirect_dma semaphore(%arg19 : memref<!tpu.dma_semaphore, #tpu.memory_space<semaphore_mem>>) src(%dma_wait3A_325 : memref<10000x128xf32, #tpu.memory_space<hbm>>) dst(%dma_wait3A_319 : memref<80x128xf32, #tpu.memory_space<vmem>>)
      %dma_wait3A_326 = arith.constant 1 : i32
      %dma_wait3A_327 = arith.constant 0 : i32
      %dma_wait3A_328 = tpu.memref_slice %arg7[%dma_wait3A_326, %dma_wait3A_327] : memref<4x80xi32, #tpu.memory_space<vmem>> -> memref<1x80xi32, #tpu.memory_space<vmem>>
      %dma_wait3A_329 = tpu.memref_squeeze %dma_wait3A_328 : memref<1x80xi32, #tpu.memory_space<vmem>> -> memref<80xi32, #tpu.memory_space<vmem>>
      %dma_wait3A_330 = tpu.memref_slice %arg4[%add3A] : memref<320000xi32, #tpu.memory_space<hbm>> -> memref<80xi32, #tpu.memory_space<hbm>>
      %dma_wait3A_331 = arith.constant 0 : i32
      %dma_wait3A_332 = tpu.memref_slice %arg7[%dma_wait3A_326, %dma_wait3A_331] : memref<4x80xi32, #tpu.memory_space<vmem>> -> memref<1x80xi32, #tpu.memory_space<vmem>>
      %dma_wait3A_333 = tpu.memref_squeeze %dma_wait3A_332 : memref<1x80xi32, #tpu.memory_space<vmem>> -> memref<80xi32, #tpu.memory_space<vmem>>
      %dma_wait3A_334 = tpu.memref_slice %arg4[%add3A] : memref<320000xi32, #tpu.memory_space<hbm>> -> memref<80xi32, #tpu.memory_space<hbm>>
      tpu.wait_dma2 semaphore(%arg15 : memref<!tpu.dma_semaphore, #tpu.memory_space<semaphore_mem>>) src(%dma_wait3A_334 : memref<80xi32, #tpu.memory_space<hbm>>) dst(%dma_wait3A_333 : memref<80xi32, #tpu.memory_space<vmem>>)
      %dma_start3A_335 = arith.constant 1 : i32
      %dma_start3A_336 = arith.constant 1 : i32
      %dma_start3A_337 = arith.constant 0 : i32
      %dma_start3A_338 = arith.constant 0 : i32
      %dma_start3A_339 = tpu.memref_slice %arg8[%dma_start3A_335, %dma_start3A_337, %dma_start3A_338] : memref<4x80x128xf32, #tpu.memory_space<vmem>> -> memref<1x80x128xf32, #tpu.memory_space<vmem>>
      %dma_start3A_340 = tpu.memref_squeeze %dma_start3A_339 : memref<1x80x128xf32, #tpu.memory_space<vmem>> -> memref<80x128xf32, #tpu.memory_space<vmem>>
      %dma_start3A_341 = arith.constant 0 : i32
      %dma_start3A_342 = tpu.memref_slice %arg7[%dma_start3A_336, %dma_start3A_341] : memref<4x80xi32, #tpu.memory_space<vmem>> -> memref<1x80xi32, #tpu.memory_space<vmem>>
      %dma_start3A_343 = tpu.memref_squeeze %dma_start3A_342 : memref<1x80xi32, #tpu.memory_space<vmem>> -> memref<80xi32, #tpu.memory_space<vmem>>
      %dma_start3A_344 = arith.constant 0 : i32
      %dma_start3A_345 = arith.constant 0 : i32
      %dma_start3A_346 = tpu.memref_slice %arg9[%dma_start3A_344, %dma_start3A_345] : memref<10000x128xf32, #tpu.memory_space<vmem_shared>> -> memref<10000x128xf32, #tpu.memory_space<vmem_shared>>
      tpu.enqueue_indirect_dma source(%dma_start3A_340 : memref<80x128xf32, #tpu.memory_space<vmem>>) target(%dma_start3A_346 : memref<10000x128xf32, #tpu.memory_space<vmem_shared>>) offsets(%dma_start3A_343 : memref<80xi32, #tpu.memory_space<vmem>>) semaphore(%arg23 : memref<!tpu.dma_semaphore, #tpu.memory_space<semaphore_mem>>) {add = true}
      %dma_wait3A_347 = arith.constant 0 : i32
      %dma_wait3A_348 = arith.constant 0 : i32
      %dma_wait3A_349 = arith.constant 0 : i32
      %dma_wait3A_350 = arith.constant 0 : i32
      %dma_wait3A_351 = tpu.memref_slice %arg8[%dma_wait3A_347, %dma_wait3A_349, %dma_wait3A_350] : memref<4x80x128xf32, #tpu.memory_space<vmem>> -> memref<1x80x128xf32, #tpu.memory_space<vmem>>
      %dma_wait3A_352 = tpu.memref_squeeze %dma_wait3A_351 : memref<1x80x128xf32, #tpu.memory_space<vmem>> -> memref<80x128xf32, #tpu.memory_space<vmem>>
      %dma_wait3A_353 = arith.constant 0 : i32
      %dma_wait3A_354 = tpu.memref_slice %arg7[%dma_wait3A_348, %dma_wait3A_353] : memref<4x80xi32, #tpu.memory_space<vmem>> -> memref<1x80xi32, #tpu.memory_space<vmem>>
      %dma_wait3A_355 = tpu.memref_squeeze %dma_wait3A_354 : memref<1x80xi32, #tpu.memory_space<vmem>> -> memref<80xi32, #tpu.memory_space<vmem>>
      %dma_wait3A_356 = arith.constant 0 : i32
      %dma_wait3A_357 = arith.constant 0 : i32
      %dma_wait3A_358 = tpu.memref_slice %arg9[%dma_wait3A_356, %dma_wait3A_357] : memref<10000x128xf32, #tpu.memory_space<vmem_shared>> -> memref<10000x128xf32, #tpu.memory_space<vmem_shared>>
      tpu.wait_indirect_dma semaphore(%arg22 : memref<!tpu.dma_semaphore, #tpu.memory_space<semaphore_mem>>) src(%dma_wait3A_352 : memref<80x128xf32, #tpu.memory_space<vmem>>) dst(%dma_wait3A_358 : memref<10000x128xf32, #tpu.memory_space<vmem_shared>>)
      %add3A_359 = arith.constant 4 : i32
      %add3A_360 = arith.addi %add3A_313, %add3A_359 : i32
      %lt3A = arith.constant 125 : i32
      %lt3A_361 = arith.cmpi slt, %add3A_360, %lt3A : i32
      %convert_element_type3A_362 = arith.extui %lt3A_361 : i1 to i32
      %cond3A_363 = arith.constant 0 : i32
      %cond3A_364 = arith.cmpi ne, %convert_element_type3A_362, %cond3A_363 : i32
      scf.if %cond3A_364 {
        %add3A_526 = arith.constant 4 : i32
        %add3A_527 = arith.addi %add3A_313, %add3A_526 : i32
        %mul3A_528 = arith.constant 80 : i32
        %mul3A_529 = arith.muli %add3A_527, %mul3A_528 : i32
        %add3A_530 = arith.addi %add3A, %mul3A_529 : i32
        %dma_start3A_531 = arith.constant 1 : i32
        %dma_start3A_532 = arith.constant 0 : i32
        %dma_start3A_533 = tpu.memref_slice %arg6[%dma_start3A_531, %dma_start3A_532] : memref<4x80xi32, #tpu.memory_space<vmem>> -> memref<1x80xi32, #tpu.memory_space<vmem>>
        %dma_start3A_534 = tpu.memref_squeeze %dma_start3A_533 : memref<1x80xi32, #tpu.memory_space<vmem>> -> memref<80xi32, #tpu.memory_space<vmem>>
        %dma_start3A_535 = tpu.memref_slice %arg3[%add3A_530] : memref<320000xi32, #tpu.memory_space<hbm>> -> memref<80xi32, #tpu.memory_space<hbm>>
        %dma_start3A_536 = arith.constant 0 : i32
        %dma_start3A_537 = tpu.memref_slice %arg6[%dma_start3A_531, %dma_start3A_536] : memref<4x80xi32, #tpu.memory_space<vmem>> -> memref<1x80xi32, #tpu.memory_space<vmem>>
        %dma_start3A_538 = tpu.memref_squeeze %dma_start3A_537 : memref<1x80xi32, #tpu.memory_space<vmem>> -> memref<80xi32, #tpu.memory_space<vmem>>
        %dma_start3A_539 = tpu.memref_slice %arg3[%add3A_530] : memref<320000xi32, #tpu.memory_space<hbm>> -> memref<80xi32, #tpu.memory_space<hbm>>
        tpu.enqueue_dma source(%dma_start3A_539 : memref<80xi32, #tpu.memory_space<hbm>>) target(%dma_start3A_538 : memref<80xi32, #tpu.memory_space<vmem>>) target_semaphore(%arg11 : memref<!tpu.dma_semaphore, #tpu.memory_space<semaphore_mem>>)
      } else {
      }
      %add3A_365 = arith.constant 3 : i32
      %add3A_366 = arith.addi %add3A_313, %add3A_365 : i32
      %mul3A_367 = arith.constant 80 : i32
      %mul3A_368 = arith.muli %add3A_366, %mul3A_367 : i32
      %add3A_369 = arith.addi %add3A, %mul3A_368 : i32
      %dma_start3A_370 = arith.constant 0 : i32
      %dma_start3A_371 = arith.constant 0 : i32
      %dma_start3A_372 = tpu.memref_slice %arg7[%dma_start3A_370, %dma_start3A_371] : memref<4x80xi32, #tpu.memory_space<vmem>> -> memref<1x80xi32, #tpu.memory_space<vmem>>
      %dma_start3A_373 = tpu.memref_squeeze %dma_start3A_372 : memref<1x80xi32, #tpu.memory_space<vmem>> -> memref<80xi32, #tpu.memory_space<vmem>>
      %dma_start3A_374 = tpu.memref_slice %arg4[%add3A_369] : memref<320000xi32, #tpu.memory_space<hbm>> -> memref<80xi32, #tpu.memory_space<hbm>>
      %dma_start3A_375 = arith.constant 0 : i32
      %dma_start3A_376 = tpu.memref_slice %arg7[%dma_start3A_370, %dma_start3A_375] : memref<4x80xi32, #tpu.memory_space<vmem>> -> memref<1x80xi32, #tpu.memory_space<vmem>>
      %dma_start3A_377 = tpu.memref_squeeze %dma_start3A_376 : memref<1x80xi32, #tpu.memory_space<vmem>> -> memref<80xi32, #tpu.memory_space<vmem>>
      %dma_start3A_378 = tpu.memref_slice %arg4[%add3A_369] : memref<320000xi32, #tpu.memory_space<hbm>> -> memref<80xi32, #tpu.memory_space<hbm>>
      tpu.enqueue_dma source(%dma_start3A_378 : memref<80xi32, #tpu.memory_space<hbm>>) target(%dma_start3A_377 : memref<80xi32, #tpu.memory_space<vmem>>) target_semaphore(%arg14 : memref<!tpu.dma_semaphore, #tpu.memory_space<semaphore_mem>>)
      %dma_wait3A_379 = arith.constant 0 : i32
      %dma_wait3A_380 = arith.constant 0 : i32
      %dma_wait3A_381 = tpu.memref_slice %arg6[%dma_wait3A_379, %dma_wait3A_380] : memref<4x80xi32, #tpu.memory_space<vmem>> -> memref<1x80xi32, #tpu.memory_space<vmem>>
      %dma_wait3A_382 = tpu.memref_squeeze %dma_wait3A_381 : memref<1x80xi32, #tpu.memory_space<vmem>> -> memref<80xi32, #tpu.memory_space<vmem>>
      %dma_wait3A_383 = tpu.memref_slice %arg3[%add3A] : memref<320000xi32, #tpu.memory_space<hbm>> -> memref<80xi32, #tpu.memory_space<hbm>>
      %dma_wait3A_384 = arith.constant 0 : i32
      %dma_wait3A_385 = tpu.memref_slice %arg6[%dma_wait3A_379, %dma_wait3A_384] : memref<4x80xi32, #tpu.memory_space<vmem>> -> memref<1x80xi32, #tpu.memory_space<vmem>>
      %dma_wait3A_386 = tpu.memref_squeeze %dma_wait3A_385 : memref<1x80xi32, #tpu.memory_space<vmem>> -> memref<80xi32, #tpu.memory_space<vmem>>
      %dma_wait3A_387 = tpu.memref_slice %arg3[%add3A] : memref<320000xi32, #tpu.memory_space<hbm>> -> memref<80xi32, #tpu.memory_space<hbm>>
      tpu.wait_dma2 semaphore(%arg10 : memref<!tpu.dma_semaphore, #tpu.memory_space<semaphore_mem>>) src(%dma_wait3A_387 : memref<80xi32, #tpu.memory_space<hbm>>) dst(%dma_wait3A_386 : memref<80xi32, #tpu.memory_space<vmem>>)
      %dma_start3A_388 = arith.constant 0 : i32
      %dma_start3A_389 = arith.constant 0 : i32
      %dma_start3A_390 = arith.constant 0 : i32
      %dma_start3A_391 = arith.constant 0 : i32
      %dma_start3A_392 = tpu.memref_slice %arg8[%dma_start3A_389, %dma_start3A_390, %dma_start3A_391] : memref<4x80x128xf32, #tpu.memory_space<vmem>> -> memref<1x80x128xf32, #tpu.memory_space<vmem>>
      %dma_start3A_393 = tpu.memref_squeeze %dma_start3A_392 : memref<1x80x128xf32, #tpu.memory_space<vmem>> -> memref<80x128xf32, #tpu.memory_space<vmem>>
      %dma_start3A_394 = arith.constant 0 : i32
      %dma_start3A_395 = tpu.memref_slice %arg6[%dma_start3A_388, %dma_start3A_394] : memref<4x80xi32, #tpu.memory_space<vmem>> -> memref<1x80xi32, #tpu.memory_space<vmem>>
      %dma_start3A_396 = tpu.memref_squeeze %dma_start3A_395 : memref<1x80xi32, #tpu.memory_space<vmem>> -> memref<80xi32, #tpu.memory_space<vmem>>
      %dma_start3A_397 = arith.constant 0 : i32
      %dma_start3A_398 = arith.constant 0 : i32
      %dma_start3A_399 = tpu.memref_slice %arg2[%dma_start3A_397, %dma_start3A_398] : memref<10000x128xf32, #tpu.memory_space<hbm>> -> memref<10000x128xf32, #tpu.memory_space<hbm>>
      tpu.enqueue_indirect_dma source(%dma_start3A_399 : memref<10000x128xf32, #tpu.memory_space<hbm>>) target(%dma_start3A_393 : memref<80x128xf32, #tpu.memory_space<vmem>>) offsets(%dma_start3A_396 : memref<80xi32, #tpu.memory_space<vmem>>) semaphore(%arg18 : memref<!tpu.dma_semaphore, #tpu.memory_space<semaphore_mem>>)
      %mul3A_400 = arith.constant 4 : i32
      %mul3A_401 = arith.muli %mul3A_400, %scan3A_219 : i32
      %add3A_402 = arith.constant 2 : i32
      %add3A_403 = arith.addi %mul3A_401, %add3A_402 : i32
      %dma_wait3A_404 = arith.constant 2 : i32
      %dma_wait3A_405 = arith.constant 2 : i32
      %dma_wait3A_406 = arith.constant 0 : i32
      %dma_wait3A_407 = arith.constant 0 : i32
      %dma_wait3A_408 = tpu.memref_slice %arg8[%dma_wait3A_405, %dma_wait3A_406, %dma_wait3A_407] : memref<4x80x128xf32, #tpu.memory_space<vmem>> -> memref<1x80x128xf32, #tpu.memory_space<vmem>>
      %dma_wait3A_409 = tpu.memref_squeeze %dma_wait3A_408 : memref<1x80x128xf32, #tpu.memory_space<vmem>> -> memref<80x128xf32, #tpu.memory_space<vmem>>
      %dma_wait3A_410 = arith.constant 0 : i32
      %dma_wait3A_411 = tpu.memref_slice %arg6[%dma_wait3A_404, %dma_wait3A_410] : memref<4x80xi32, #tpu.memory_space<vmem>> -> memref<1x80xi32, #tpu.memory_space<vmem>>
      %dma_wait3A_412 = tpu.memref_squeeze %dma_wait3A_411 : memref<1x80xi32, #tpu.memory_space<vmem>> -> memref<80xi32, #tpu.memory_space<vmem>>
      %dma_wait3A_413 = arith.constant 0 : i32
      %dma_wait3A_414 = arith.constant 0 : i32
      %dma_wait3A_415 = tpu.memref_slice %arg2[%dma_wait3A_413, %dma_wait3A_414] : memref<10000x128xf32, #tpu.memory_space<hbm>> -> memref<10000x128xf32, #tpu.memory_space<hbm>>
      tpu.wait_indirect_dma semaphore(%arg20 : memref<!tpu.dma_semaphore, #tpu.memory_space<semaphore_mem>>) src(%dma_wait3A_415 : memref<10000x128xf32, #tpu.memory_space<hbm>>) dst(%dma_wait3A_409 : memref<80x128xf32, #tpu.memory_space<vmem>>)
      %dma_wait3A_416 = arith.constant 2 : i32
      %dma_wait3A_417 = arith.constant 0 : i32
      %dma_wait3A_418 = tpu.memref_slice %arg7[%dma_wait3A_416, %dma_wait3A_417] : memref<4x80xi32, #tpu.memory_space<vmem>> -> memref<1x80xi32, #tpu.memory_space<vmem>>
      %dma_wait3A_419 = tpu.memref_squeeze %dma_wait3A_418 : memref<1x80xi32, #tpu.memory_space<vmem>> -> memref<80xi32, #tpu.memory_space<vmem>>
      %dma_wait3A_420 = tpu.memref_slice %arg4[%add3A] : memref<320000xi32, #tpu.memory_space<hbm>> -> memref<80xi32, #tpu.memory_space<hbm>>
      %dma_wait3A_421 = arith.constant 0 : i32
      %dma_wait3A_422 = tpu.memref_slice %arg7[%dma_wait3A_416, %dma_wait3A_421] : memref<4x80xi32, #tpu.memory_space<vmem>> -> memref<1x80xi32, #tpu.memory_space<vmem>>
      %dma_wait3A_423 = tpu.memref_squeeze %dma_wait3A_422 : memref<1x80xi32, #tpu.memory_space<vmem>> -> memref<80xi32, #tpu.memory_space<vmem>>
      %dma_wait3A_424 = tpu.memref_slice %arg4[%add3A] : memref<320000xi32, #tpu.memory_space<hbm>> -> memref<80xi32, #tpu.memory_space<hbm>>
      tpu.wait_dma2 semaphore(%arg16 : memref<!tpu.dma_semaphore, #tpu.memory_space<semaphore_mem>>) src(%dma_wait3A_424 : memref<80xi32, #tpu.memory_space<hbm>>) dst(%dma_wait3A_423 : memref<80xi32, #tpu.memory_space<vmem>>)
      %dma_start3A_425 = arith.constant 2 : i32
      %dma_start3A_426 = arith.constant 2 : i32
      %dma_start3A_427 = arith.constant 0 : i32
      %dma_start3A_428 = arith.constant 0 : i32
      %dma_start3A_429 = tpu.memref_slice %arg8[%dma_start3A_425, %dma_start3A_427, %dma_start3A_428] : memref<4x80x128xf32, #tpu.memory_space<vmem>> -> memref<1x80x128xf32, #tpu.memory_space<vmem>>
      %dma_start3A_430 = tpu.memref_squeeze %dma_start3A_429 : memref<1x80x128xf32, #tpu.memory_space<vmem>> -> memref<80x128xf32, #tpu.memory_space<vmem>>
      %dma_start3A_431 = arith.constant 0 : i32
      %dma_start3A_432 = tpu.memref_slice %arg7[%dma_start3A_426, %dma_start3A_431] : memref<4x80xi32, #tpu.memory_space<vmem>> -> memref<1x80xi32, #tpu.memory_space<vmem>>
      %dma_start3A_433 = tpu.memref_squeeze %dma_start3A_432 : memref<1x80xi32, #tpu.memory_space<vmem>> -> memref<80xi32, #tpu.memory_space<vmem>>
      %dma_start3A_434 = arith.constant 0 : i32
      %dma_start3A_435 = arith.constant 0 : i32
      %dma_start3A_436 = tpu.memref_slice %arg9[%dma_start3A_434, %dma_start3A_435] : memref<10000x128xf32, #tpu.memory_space<vmem_shared>> -> memref<10000x128xf32, #tpu.memory_space<vmem_shared>>
      tpu.enqueue_indirect_dma source(%dma_start3A_430 : memref<80x128xf32, #tpu.memory_space<vmem>>) target(%dma_start3A_436 : memref<10000x128xf32, #tpu.memory_space<vmem_shared>>) offsets(%dma_start3A_433 : memref<80xi32, #tpu.memory_space<vmem>>) semaphore(%arg22 : memref<!tpu.dma_semaphore, #tpu.memory_space<semaphore_mem>>) {add = true}
      %dma_wait3A_437 = arith.constant 0 : i32
      %dma_wait3A_438 = arith.constant 0 : i32
      %dma_wait3A_439 = arith.constant 0 : i32
      %dma_wait3A_440 = arith.constant 0 : i32
      %dma_wait3A_441 = tpu.memref_slice %arg8[%dma_wait3A_437, %dma_wait3A_439, %dma_wait3A_440] : memref<4x80x128xf32, #tpu.memory_space<vmem>> -> memref<1x80x128xf32, #tpu.memory_space<vmem>>
      %dma_wait3A_442 = tpu.memref_squeeze %dma_wait3A_441 : memref<1x80x128xf32, #tpu.memory_space<vmem>> -> memref<80x128xf32, #tpu.memory_space<vmem>>
      %dma_wait3A_443 = arith.constant 0 : i32
      %dma_wait3A_444 = tpu.memref_slice %arg7[%dma_wait3A_438, %dma_wait3A_443] : memref<4x80xi32, #tpu.memory_space<vmem>> -> memref<1x80xi32, #tpu.memory_space<vmem>>
      %dma_wait3A_445 = tpu.memref_squeeze %dma_wait3A_444 : memref<1x80xi32, #tpu.memory_space<vmem>> -> memref<80xi32, #tpu.memory_space<vmem>>
      %dma_wait3A_446 = arith.constant 0 : i32
      %dma_wait3A_447 = arith.constant 0 : i32
      %dma_wait3A_448 = tpu.memref_slice %arg9[%dma_wait3A_446, %dma_wait3A_447] : memref<10000x128xf32, #tpu.memory_space<vmem_shared>> -> memref<10000x128xf32, #tpu.memory_space<vmem_shared>>
      tpu.wait_indirect_dma semaphore(%arg23 : memref<!tpu.dma_semaphore, #tpu.memory_space<semaphore_mem>>) src(%dma_wait3A_442 : memref<80x128xf32, #tpu.memory_space<vmem>>) dst(%dma_wait3A_448 : memref<10000x128xf32, #tpu.memory_space<vmem_shared>>)
      %add3A_449 = arith.constant 4 : i32
      %add3A_450 = arith.addi %add3A_403, %add3A_449 : i32
      %lt3A_451 = arith.constant 125 : i32
      %lt3A_452 = arith.cmpi slt, %add3A_450, %lt3A_451 : i32
      %convert_element_type3A_453 = arith.extui %lt3A_452 : i1 to i32
      %cond3A_454 = arith.constant 0 : i32
      %cond3A_455 = arith.cmpi ne, %convert_element_type3A_453, %cond3A_454 : i32
      scf.if %cond3A_455 {
        %add3A_526 = arith.constant 4 : i32
        %add3A_527 = arith.addi %add3A_403, %add3A_526 : i32
        %mul3A_528 = arith.constant 80 : i32
        %mul3A_529 = arith.muli %add3A_527, %mul3A_528 : i32
        %add3A_530 = arith.addi %add3A, %mul3A_529 : i32
        %dma_start3A_531 = arith.constant 2 : i32
        %dma_start3A_532 = arith.constant 0 : i32
        %dma_start3A_533 = tpu.memref_slice %arg6[%dma_start3A_531, %dma_start3A_532] : memref<4x80xi32, #tpu.memory_space<vmem>> -> memref<1x80xi32, #tpu.memory_space<vmem>>
        %dma_start3A_534 = tpu.memref_squeeze %dma_start3A_533 : memref<1x80xi32, #tpu.memory_space<vmem>> -> memref<80xi32, #tpu.memory_space<vmem>>
        %dma_start3A_535 = tpu.memref_slice %arg3[%add3A_530] : memref<320000xi32, #tpu.memory_space<hbm>> -> memref<80xi32, #tpu.memory_space<hbm>>
        %dma_start3A_536 = arith.constant 0 : i32
        %dma_start3A_537 = tpu.memref_slice %arg6[%dma_start3A_531, %dma_start3A_536] : memref<4x80xi32, #tpu.memory_space<vmem>> -> memref<1x80xi32, #tpu.memory_space<vmem>>
        %dma_start3A_538 = tpu.memref_squeeze %dma_start3A_537 : memref<1x80xi32, #tpu.memory_space<vmem>> -> memref<80xi32, #tpu.memory_space<vmem>>
        %dma_start3A_539 = tpu.memref_slice %arg3[%add3A_530] : memref<320000xi32, #tpu.memory_space<hbm>> -> memref<80xi32, #tpu.memory_space<hbm>>
        tpu.enqueue_dma source(%dma_start3A_539 : memref<80xi32, #tpu.memory_space<hbm>>) target(%dma_start3A_538 : memref<80xi32, #tpu.memory_space<vmem>>) target_semaphore(%arg12 : memref<!tpu.dma_semaphore, #tpu.memory_space<semaphore_mem>>)
      } else {
      }
      %add3A_456 = arith.constant 3 : i32
      %add3A_457 = arith.addi %add3A_403, %add3A_456 : i32
      %lt3A_458 = arith.constant 125 : i32
      %lt3A_459 = arith.cmpi slt, %add3A_457, %lt3A_458 : i32
      %convert_element_type3A_460 = arith.extui %lt3A_459 : i1 to i32
      %cond3A_461 = arith.constant 0 : i32
      %cond3A_462 = arith.cmpi ne, %convert_element_type3A_460, %cond3A_461 : i32
      scf.if %cond3A_462 {
        %add3A_526 = arith.constant 3 : i32
        %add3A_527 = arith.addi %add3A_403, %add3A_526 : i32
        %mul3A_528 = arith.constant 80 : i32
        %mul3A_529 = arith.muli %add3A_527, %mul3A_528 : i32
        %add3A_530 = arith.addi %add3A, %mul3A_529 : i32
        %dma_start3A_531 = arith.constant 1 : i32
        %dma_start3A_532 = arith.constant 0 : i32
        %dma_start3A_533 = tpu.memref_slice %arg7[%dma_start3A_531, %dma_start3A_532] : memref<4x80xi32, #tpu.memory_space<vmem>> -> memref<1x80xi32, #tpu.memory_space<vmem>>
        %dma_start3A_534 = tpu.memref_squeeze %dma_start3A_533 : memref<1x80xi32, #tpu.memory_space<vmem>> -> memref<80xi32, #tpu.memory_space<vmem>>
        %dma_start3A_535 = tpu.memref_slice %arg4[%add3A_530] : memref<320000xi32, #tpu.memory_space<hbm>> -> memref<80xi32, #tpu.memory_space<hbm>>
        %dma_start3A_536 = arith.constant 0 : i32
        %dma_start3A_537 = tpu.memref_slice %arg7[%dma_start3A_531, %dma_start3A_536] : memref<4x80xi32, #tpu.memory_space<vmem>> -> memref<1x80xi32, #tpu.memory_space<vmem>>
        %dma_start3A_538 = tpu.memref_squeeze %dma_start3A_537 : memref<1x80xi32, #tpu.memory_space<vmem>> -> memref<80xi32, #tpu.memory_space<vmem>>
        %dma_start3A_539 = tpu.memref_slice %arg4[%add3A_530] : memref<320000xi32, #tpu.memory_space<hbm>> -> memref<80xi32, #tpu.memory_space<hbm>>
        tpu.enqueue_dma source(%dma_start3A_539 : memref<80xi32, #tpu.memory_space<hbm>>) target(%dma_start3A_538 : memref<80xi32, #tpu.memory_space<vmem>>) target_semaphore(%arg15 : memref<!tpu.dma_semaphore, #tpu.memory_space<semaphore_mem>>)
        %dma_wait3A_540 = arith.constant 1 : i32
        %dma_wait3A_541 = arith.constant 0 : i32
        %dma_wait3A_542 = tpu.memref_slice %arg6[%dma_wait3A_540, %dma_wait3A_541] : memref<4x80xi32, #tpu.memory_space<vmem>> -> memref<1x80xi32, #tpu.memory_space<vmem>>
        %dma_wait3A_543 = tpu.memref_squeeze %dma_wait3A_542 : memref<1x80xi32, #tpu.memory_space<vmem>> -> memref<80xi32, #tpu.memory_space<vmem>>
        %dma_wait3A_544 = tpu.memref_slice %arg3[%add3A] : memref<320000xi32, #tpu.memory_space<hbm>> -> memref<80xi32, #tpu.memory_space<hbm>>
        %dma_wait3A_545 = arith.constant 0 : i32
        %dma_wait3A_546 = tpu.memref_slice %arg6[%dma_wait3A_540, %dma_wait3A_545] : memref<4x80xi32, #tpu.memory_space<vmem>> -> memref<1x80xi32, #tpu.memory_space<vmem>>
        %dma_wait3A_547 = tpu.memref_squeeze %dma_wait3A_546 : memref<1x80xi32, #tpu.memory_space<vmem>> -> memref<80xi32, #tpu.memory_space<vmem>>
        %dma_wait3A_548 = tpu.memref_slice %arg3[%add3A] : memref<320000xi32, #tpu.memory_space<hbm>> -> memref<80xi32, #tpu.memory_space<hbm>>
        tpu.wait_dma2 semaphore(%arg11 : memref<!tpu.dma_semaphore, #tpu.memory_space<semaphore_mem>>) src(%dma_wait3A_548 : memref<80xi32, #tpu.memory_space<hbm>>) dst(%dma_wait3A_547 : memref<80xi32, #tpu.memory_space<vmem>>)
        %dma_start3A_549 = arith.constant 1 : i32
        %dma_start3A_550 = arith.constant 1 : i32
        %dma_start3A_551 = arith.constant 0 : i32
        %dma_start3A_552 = arith.constant 0 : i32
        %dma_start3A_553 = tpu.memref_slice %arg8[%dma_start3A_550, %dma_start3A_551, %dma_start3A_552] : memref<4x80x128xf32, #tpu.memory_space<vmem>> -> memref<1x80x128xf32, #tpu.memory_space<vmem>>
        %dma_start3A_554 = tpu.memref_squeeze %dma_start3A_553 : memref<1x80x128xf32, #tpu.memory_space<vmem>> -> memref<80x128xf32, #tpu.memory_space<vmem>>
        %dma_start3A_555 = arith.constant 0 : i32
        %dma_start3A_556 = tpu.memref_slice %arg6[%dma_start3A_549, %dma_start3A_555] : memref<4x80xi32, #tpu.memory_space<vmem>> -> memref<1x80xi32, #tpu.memory_space<vmem>>
        %dma_start3A_557 = tpu.memref_squeeze %dma_start3A_556 : memref<1x80xi32, #tpu.memory_space<vmem>> -> memref<80xi32, #tpu.memory_space<vmem>>
        %dma_start3A_558 = arith.constant 0 : i32
        %dma_start3A_559 = arith.constant 0 : i32
        %dma_start3A_560 = tpu.memref_slice %arg2[%dma_start3A_558, %dma_start3A_559] : memref<10000x128xf32, #tpu.memory_space<hbm>> -> memref<10000x128xf32, #tpu.memory_space<hbm>>
        tpu.enqueue_indirect_dma source(%dma_start3A_560 : memref<10000x128xf32, #tpu.memory_space<hbm>>) target(%dma_start3A_554 : memref<80x128xf32, #tpu.memory_space<vmem>>) offsets(%dma_start3A_557 : memref<80xi32, #tpu.memory_space<vmem>>) semaphore(%arg19 : memref<!tpu.dma_semaphore, #tpu.memory_space<semaphore_mem>>)
      } else {
      }
      %mul3A_463 = arith.constant 4 : i32
      %mul3A_464 = arith.muli %mul3A_463, %scan3A_219 : i32
      %add3A_465 = arith.constant 3 : i32
      %add3A_466 = arith.addi %mul3A_464, %add3A_465 : i32
      %dma_wait3A_467 = arith.constant 3 : i32
      %dma_wait3A_468 = arith.constant 3 : i32
      %dma_wait3A_469 = arith.constant 0 : i32
      %dma_wait3A_470 = arith.constant 0 : i32
      %dma_wait3A_471 = tpu.memref_slice %arg8[%dma_wait3A_468, %dma_wait3A_469, %dma_wait3A_470] : memref<4x80x128xf32, #tpu.memory_space<vmem>> -> memref<1x80x128xf32, #tpu.memory_space<vmem>>
      %dma_wait3A_472 = tpu.memref_squeeze %dma_wait3A_471 : memref<1x80x128xf32, #tpu.memory_space<vmem>> -> memref<80x128xf32, #tpu.memory_space<vmem>>
      %dma_wait3A_473 = arith.constant 0 : i32
      %dma_wait3A_474 = tpu.memref_slice %arg6[%dma_wait3A_467, %dma_wait3A_473] : memref<4x80xi32, #tpu.memory_space<vmem>> -> memref<1x80xi32, #tpu.memory_space<vmem>>
      %dma_wait3A_475 = tpu.memref_squeeze %dma_wait3A_474 : memref<1x80xi32, #tpu.memory_space<vmem>> -> memref<80xi32, #tpu.memory_space<vmem>>
      %dma_wait3A_476 = arith.constant 0 : i32
      %dma_wait3A_477 = arith.constant 0 : i32
      %dma_wait3A_478 = tpu.memref_slice %arg2[%dma_wait3A_476, %dma_wait3A_477] : memref<10000x128xf32, #tpu.memory_space<hbm>> -> memref<10000x128xf32, #tpu.memory_space<hbm>>
      tpu.wait_indirect_dma semaphore(%arg21 : memref<!tpu.dma_semaphore, #tpu.memory_space<semaphore_mem>>) src(%dma_wait3A_478 : memref<10000x128xf32, #tpu.memory_space<hbm>>) dst(%dma_wait3A_472 : memref<80x128xf32, #tpu.memory_space<vmem>>)
      %dma_wait3A_479 = arith.constant 3 : i32
      %dma_wait3A_480 = arith.constant 0 : i32
      %dma_wait3A_481 = tpu.memref_slice %arg7[%dma_wait3A_479, %dma_wait3A_480] : memref<4x80xi32, #tpu.memory_space<vmem>> -> memref<1x80xi32, #tpu.memory_space<vmem>>
      %dma_wait3A_482 = tpu.memref_squeeze %dma_wait3A_481 : memref<1x80xi32, #tpu.memory_space<vmem>> -> memref<80xi32, #tpu.memory_space<vmem>>
      %dma_wait3A_483 = tpu.memref_slice %arg4[%add3A] : memref<320000xi32, #tpu.memory_space<hbm>> -> memref<80xi32, #tpu.memory_space<hbm>>
      %dma_wait3A_484 = arith.constant 0 : i32
      %dma_wait3A_485 = tpu.memref_slice %arg7[%dma_wait3A_479, %dma_wait3A_484] : memref<4x80xi32, #tpu.memory_space<vmem>> -> memref<1x80xi32, #tpu.memory_space<vmem>>
      %dma_wait3A_486 = tpu.memref_squeeze %dma_wait3A_485 : memref<1x80xi32, #tpu.memory_space<vmem>> -> memref<80xi32, #tpu.memory_space<vmem>>
      %dma_wait3A_487 = tpu.memref_slice %arg4[%add3A] : memref<320000xi32, #tpu.memory_space<hbm>> -> memref<80xi32, #tpu.memory_space<hbm>>
      tpu.wait_dma2 semaphore(%arg17 : memref<!tpu.dma_semaphore, #tpu.memory_space<semaphore_mem>>) src(%dma_wait3A_487 : memref<80xi32, #tpu.memory_space<hbm>>) dst(%dma_wait3A_486 : memref<80xi32, #tpu.memory_space<vmem>>)
      %dma_start3A_488 = arith.constant 3 : i32
      %dma_start3A_489 = arith.constant 3 : i32
      %dma_start3A_490 = arith.constant 0 : i32
      %dma_start3A_491 = arith.constant 0 : i32
      %dma_start3A_492 = tpu.memref_slice %arg8[%dma_start3A_488, %dma_start3A_490, %dma_start3A_491] : memref<4x80x128xf32, #tpu.memory_space<vmem>> -> memref<1x80x128xf32, #tpu.memory_space<vmem>>
      %dma_start3A_493 = tpu.memref_squeeze %dma_start3A_492 : memref<1x80x128xf32, #tpu.memory_space<vmem>> -> memref<80x128xf32, #tpu.memory_space<vmem>>
      %dma_start3A_494 = arith.constant 0 : i32
      %dma_start3A_495 = tpu.memref_slice %arg7[%dma_start3A_489, %dma_start3A_494] : memref<4x80xi32, #tpu.memory_space<vmem>> -> memref<1x80xi32, #tpu.memory_space<vmem>>
      %dma_start3A_496 = tpu.memref_squeeze %dma_start3A_495 : memref<1x80xi32, #tpu.memory_space<vmem>> -> memref<80xi32, #tpu.memory_space<vmem>>
      %dma_start3A_497 = arith.constant 0 : i32
      %dma_start3A_498 = arith.constant 0 : i32
      %dma_start3A_499 = tpu.memref_slice %arg9[%dma_start3A_497, %dma_start3A_498] : memref<10000x128xf32, #tpu.memory_space<vmem_shared>> -> memref<10000x128xf32, #tpu.memory_space<vmem_shared>>
      tpu.enqueue_indirect_dma source(%dma_start3A_493 : memref<80x128xf32, #tpu.memory_space<vmem>>) target(%dma_start3A_499 : memref<10000x128xf32, #tpu.memory_space<vmem_shared>>) offsets(%dma_start3A_496 : memref<80xi32, #tpu.memory_space<vmem>>) semaphore(%arg23 : memref<!tpu.dma_semaphore, #tpu.memory_space<semaphore_mem>>) {add = true}
      %dma_wait3A_500 = arith.constant 0 : i32
      %dma_wait3A_501 = arith.constant 0 : i32
      %dma_wait3A_502 = arith.constant 0 : i32
      %dma_wait3A_503 = arith.constant 0 : i32
      %dma_wait3A_504 = tpu.memref_slice %arg8[%dma_wait3A_500, %dma_wait3A_502, %dma_wait3A_503] : memref<4x80x128xf32, #tpu.memory_space<vmem>> -> memref<1x80x128xf32, #tpu.memory_space<vmem>>
      %dma_wait3A_505 = tpu.memref_squeeze %dma_wait3A_504 : memref<1x80x128xf32, #tpu.memory_space<vmem>> -> memref<80x128xf32, #tpu.memory_space<vmem>>
      %dma_wait3A_506 = arith.constant 0 : i32
      %dma_wait3A_507 = tpu.memref_slice %arg7[%dma_wait3A_501, %dma_wait3A_506] : memref<4x80xi32, #tpu.memory_space<vmem>> -> memref<1x80xi32, #tpu.memory_space<vmem>>
      %dma_wait3A_508 = tpu.memref_squeeze %dma_wait3A_507 : memref<1x80xi32, #tpu.memory_space<vmem>> -> memref<80xi32, #tpu.memory_space<vmem>>
      %dma_wait3A_509 = arith.constant 0 : i32
      %dma_wait3A_510 = arith.constant 0 : i32
      %dma_wait3A_511 = tpu.memref_slice %arg9[%dma_wait3A_509, %dma_wait3A_510] : memref<10000x128xf32, #tpu.memory_space<vmem_shared>> -> memref<10000x128xf32, #tpu.memory_space<vmem_shared>>
      tpu.wait_indirect_dma semaphore(%arg22 : memref<!tpu.dma_semaphore, #tpu.memory_space<semaphore_mem>>) src(%dma_wait3A_505 : memref<80x128xf32, #tpu.memory_space<vmem>>) dst(%dma_wait3A_511 : memref<10000x128xf32, #tpu.memory_space<vmem_shared>>)
      %add3A_512 = arith.constant 4 : i32
      %add3A_513 = arith.addi %add3A_466, %add3A_512 : i32
      %lt3A_514 = arith.constant 125 : i32
      %lt3A_515 = arith.cmpi slt, %add3A_513, %lt3A_514 : i32
      %convert_element_type3A_516 = arith.extui %lt3A_515 : i1 to i32
      %cond3A_517 = arith.constant 0 : i32
      %cond3A_518 = arith.cmpi ne, %convert_element_type3A_516, %cond3A_517 : i32
      scf.if %cond3A_518 {
        %add3A_526 = arith.constant 4 : i32
        %add3A_527 = arith.addi %add3A_466, %add3A_526 : i32
        %mul3A_528 = arith.constant 80 : i32
        %mul3A_529 = arith.muli %add3A_527, %mul3A_528 : i32
        %add3A_530 = arith.addi %add3A, %mul3A_529 : i32
        %dma_start3A_531 = arith.constant 3 : i32
        %dma_start3A_532 = arith.constant 0 : i32
        %dma_start3A_533 = tpu.memref_slice %arg6[%dma_start3A_531, %dma_start3A_532] : memref<4x80xi32, #tpu.memory_space<vmem>> -> memref<1x80xi32, #tpu.memory_space<vmem>>
        %dma_start3A_534 = tpu.memref_squeeze %dma_start3A_533 : memref<1x80xi32, #tpu.memory_space<vmem>> -> memref<80xi32, #tpu.memory_space<vmem>>
        %dma_start3A_535 = tpu.memref_slice %arg3[%add3A_530] : memref<320000xi32, #tpu.memory_space<hbm>> -> memref<80xi32, #tpu.memory_space<hbm>>
        %dma_start3A_536 = arith.constant 0 : i32
        %dma_start3A_537 = tpu.memref_slice %arg6[%dma_start3A_531, %dma_start3A_536] : memref<4x80xi32, #tpu.memory_space<vmem>> -> memref<1x80xi32, #tpu.memory_space<vmem>>
        %dma_start3A_538 = tpu.memref_squeeze %dma_start3A_537 : memref<1x80xi32, #tpu.memory_space<vmem>> -> memref<80xi32, #tpu.memory_space<vmem>>
        %dma_start3A_539 = tpu.memref_slice %arg3[%add3A_530] : memref<320000xi32, #tpu.memory_space<hbm>> -> memref<80xi32, #tpu.memory_space<hbm>>
        tpu.enqueue_dma source(%dma_start3A_539 : memref<80xi32, #tpu.memory_space<hbm>>) target(%dma_start3A_538 : memref<80xi32, #tpu.memory_space<vmem>>) target_semaphore(%arg13 : memref<!tpu.dma_semaphore, #tpu.memory_space<semaphore_mem>>)
      } else {
      }
      %add3A_519 = arith.constant 3 : i32
      %add3A_520 = arith.addi %add3A_466, %add3A_519 : i32
      %lt3A_521 = arith.constant 125 : i32
      %lt3A_522 = arith.cmpi slt, %add3A_520, %lt3A_521 : i32
      %convert_element_type3A_523 = arith.extui %lt3A_522 : i1 to i32
      %cond3A_524 = arith.constant 0 : i32
      %cond3A_525 = arith.cmpi ne, %convert_element_type3A_523, %cond3A_524 : i32
      scf.if %cond3A_525 {
        %add3A_526 = arith.constant 3 : i32
        %add3A_527 = arith.addi %add3A_466, %add3A_526 : i32
        %mul3A_528 = arith.constant 80 : i32
        %mul3A_529 = arith.muli %add3A_527, %mul3A_528 : i32
        %add3A_530 = arith.addi %add3A, %mul3A_529 : i32
        %dma_start3A_531 = arith.constant 2 : i32
        %dma_start3A_532 = arith.constant 0 : i32
        %dma_start3A_533 = tpu.memref_slice %arg7[%dma_start3A_531, %dma_start3A_532] : memref<4x80xi32, #tpu.memory_space<vmem>> -> memref<1x80xi32, #tpu.memory_space<vmem>>
        %dma_start3A_534 = tpu.memref_squeeze %dma_start3A_533 : memref<1x80xi32, #tpu.memory_space<vmem>> -> memref<80xi32, #tpu.memory_space<vmem>>
        %dma_start3A_535 = tpu.memref_slice %arg4[%add3A_530] : memref<320000xi32, #tpu.memory_space<hbm>> -> memref<80xi32, #tpu.memory_space<hbm>>
        %dma_start3A_536 = arith.constant 0 : i32
        %dma_start3A_537 = tpu.memref_slice %arg7[%dma_start3A_531, %dma_start3A_536] : memref<4x80xi32, #tpu.memory_space<vmem>> -> memref<1x80xi32, #tpu.memory_space<vmem>>
        %dma_start3A_538 = tpu.memref_squeeze %dma_start3A_537 : memref<1x80xi32, #tpu.memory_space<vmem>> -> memref<80xi32, #tpu.memory_space<vmem>>
        %dma_start3A_539 = tpu.memref_slice %arg4[%add3A_530] : memref<320000xi32, #tpu.memory_space<hbm>> -> memref<80xi32, #tpu.memory_space<hbm>>
        tpu.enqueue_dma source(%dma_start3A_539 : memref<80xi32, #tpu.memory_space<hbm>>) target(%dma_start3A_538 : memref<80xi32, #tpu.memory_space<vmem>>) target_semaphore(%arg16 : memref<!tpu.dma_semaphore, #tpu.memory_space<semaphore_mem>>)
        %dma_wait3A_540 = arith.constant 2 : i32
        %dma_wait3A_541 = arith.constant 0 : i32
        %dma_wait3A_542 = tpu.memref_slice %arg6[%dma_wait3A_540, %dma_wait3A_541] : memref<4x80xi32, #tpu.memory_space<vmem>> -> memref<1x80xi32, #tpu.memory_space<vmem>>
        %dma_wait3A_543 = tpu.memref_squeeze %dma_wait3A_542 : memref<1x80xi32, #tpu.memory_space<vmem>> -> memref<80xi32, #tpu.memory_space<vmem>>
        %dma_wait3A_544 = tpu.memref_slice %arg3[%add3A] : memref<320000xi32, #tpu.memory_space<hbm>> -> memref<80xi32, #tpu.memory_space<hbm>>
        %dma_wait3A_545 = arith.constant 0 : i32
        %dma_wait3A_546 = tpu.memref_slice %arg6[%dma_wait3A_540, %dma_wait3A_545] : memref<4x80xi32, #tpu.memory_space<vmem>> -> memref<1x80xi32, #tpu.memory_space<vmem>>
        %dma_wait3A_547 = tpu.memref_squeeze %dma_wait3A_546 : memref<1x80xi32, #tpu.memory_space<vmem>> -> memref<80xi32, #tpu.memory_space<vmem>>
        %dma_wait3A_548 = tpu.memref_slice %arg3[%add3A] : memref<320000xi32, #tpu.memory_space<hbm>> -> memref<80xi32, #tpu.memory_space<hbm>>
        tpu.wait_dma2 semaphore(%arg12 : memref<!tpu.dma_semaphore, #tpu.memory_space<semaphore_mem>>) src(%dma_wait3A_548 : memref<80xi32, #tpu.memory_space<hbm>>) dst(%dma_wait3A_547 : memref<80xi32, #tpu.memory_space<vmem>>)
        %dma_start3A_549 = arith.constant 2 : i32
        %dma_start3A_550 = arith.constant 2 : i32
        %dma_start3A_551 = arith.constant 0 : i32
        %dma_start3A_552 = arith.constant 0 : i32
        %dma_start3A_553 = tpu.memref_slice %arg8[%dma_start3A_550, %dma_start3A_551, %dma_start3A_552] : memref<4x80x128xf32, #tpu.memory_space<vmem>> -> memref<1x80x128xf32, #tpu.memory_space<vmem>>
        %dma_start3A_554 = tpu.memref_squeeze %dma_start3A_553 : memref<1x80x128xf32, #tpu.memory_space<vmem>> -> memref<80x128xf32, #tpu.memory_space<vmem>>
        %dma_start3A_555 = arith.constant 0 : i32
        %dma_start3A_556 = tpu.memref_slice %arg6[%dma_start3A_549, %dma_start3A_555] : memref<4x80xi32, #tpu.memory_space<vmem>> -> memref<1x80xi32, #tpu.memory_space<vmem>>
        %dma_start3A_557 = tpu.memref_squeeze %dma_start3A_556 : memref<1x80xi32, #tpu.memory_space<vmem>> -> memref<80xi32, #tpu.memory_space<vmem>>
        %dma_start3A_558 = arith.constant 0 : i32
        %dma_start3A_559 = arith.constant 0 : i32
        %dma_start3A_560 = tpu.memref_slice %arg2[%dma_start3A_558, %dma_start3A_559] : memref<10000x128xf32, #tpu.memory_space<hbm>> -> memref<10000x128xf32, #tpu.memory_space<hbm>>
        tpu.enqueue_indirect_dma source(%dma_start3A_560 : memref<10000x128xf32, #tpu.memory_space<hbm>>) target(%dma_start3A_554 : memref<80x128xf32, #tpu.memory_space<vmem>>) offsets(%dma_start3A_557 : memref<80xi32, #tpu.memory_space<vmem>>) semaphore(%arg20 : memref<!tpu.dma_semaphore, #tpu.memory_space<semaphore_mem>>)
      } else {
      }
    }
    %scan3A_151 = arith.constant 31 : i32
    %dma_wait3A_152 = arith.constant 0 : i32
    %dma_wait3A_153 = arith.constant 0 : i32
    %dma_wait3A_154 = arith.constant 0 : i32
    %dma_wait3A_155 = arith.constant 0 : i32
    %dma_wait3A_156 = tpu.memref_slice %arg8[%dma_wait3A_153, %dma_wait3A_154, %dma_wait3A_155] : memref<4x80x128xf32, #tpu.memory_space<vmem>> -> memref<1x80x128xf32, #tpu.memory_space<vmem>>
    %dma_wait3A_157 = tpu.memref_squeeze %dma_wait3A_156 : memref<1x80x128xf32, #tpu.memory_space<vmem>> -> memref<80x128xf32, #tpu.memory_space<vmem>>
    %dma_wait3A_158 = arith.constant 0 : i32
    %dma_wait3A_159 = tpu.memref_slice %arg6[%dma_wait3A_152, %dma_wait3A_158] : memref<4x80xi32, #tpu.memory_space<vmem>> -> memref<1x80xi32, #tpu.memory_space<vmem>>
    %dma_wait3A_160 = tpu.memref_squeeze %dma_wait3A_159 : memref<1x80xi32, #tpu.memory_space<vmem>> -> memref<80xi32, #tpu.memory_space<vmem>>
    %dma_wait3A_161 = arith.constant 0 : i32
    %dma_wait3A_162 = arith.constant 0 : i32
    %dma_wait3A_163 = tpu.memref_slice %arg2[%dma_wait3A_161, %dma_wait3A_162] : memref<10000x128xf32, #tpu.memory_space<hbm>> -> memref<10000x128xf32, #tpu.memory_space<hbm>>
    tpu.wait_indirect_dma semaphore(%arg18 : memref<!tpu.dma_semaphore, #tpu.memory_space<semaphore_mem>>) src(%dma_wait3A_163 : memref<10000x128xf32, #tpu.memory_space<hbm>>) dst(%dma_wait3A_157 : memref<80x128xf32, #tpu.memory_space<vmem>>)
    %dma_wait3A_164 = arith.constant 0 : i32
    %dma_wait3A_165 = arith.constant 0 : i32
    %dma_wait3A_166 = tpu.memref_slice %arg7[%dma_wait3A_164, %dma_wait3A_165] : memref<4x80xi32, #tpu.memory_space<vmem>> -> memref<1x80xi32, #tpu.memory_space<vmem>>
    %dma_wait3A_167 = tpu.memref_squeeze %dma_wait3A_166 : memref<1x80xi32, #tpu.memory_space<vmem>> -> memref<80xi32, #tpu.memory_space<vmem>>
    %dma_wait3A_168 = tpu.memref_slice %arg4[%add3A] : memref<320000xi32, #tpu.memory_space<hbm>> -> memref<80xi32, #tpu.memory_space<hbm>>
    %dma_wait3A_169 = arith.constant 0 : i32
    %dma_wait3A_170 = tpu.memref_slice %arg7[%dma_wait3A_164, %dma_wait3A_169] : memref<4x80xi32, #tpu.memory_space<vmem>> -> memref<1x80xi32, #tpu.memory_space<vmem>>
    %dma_wait3A_171 = tpu.memref_squeeze %dma_wait3A_170 : memref<1x80xi32, #tpu.memory_space<vmem>> -> memref<80xi32, #tpu.memory_space<vmem>>
    %dma_wait3A_172 = tpu.memref_slice %arg4[%add3A] : memref<320000xi32, #tpu.memory_space<hbm>> -> memref<80xi32, #tpu.memory_space<hbm>>
    tpu.wait_dma2 semaphore(%arg14 : memref<!tpu.dma_semaphore, #tpu.memory_space<semaphore_mem>>) src(%dma_wait3A_172 : memref<80xi32, #tpu.memory_space<hbm>>) dst(%dma_wait3A_171 : memref<80xi32, #tpu.memory_space<vmem>>)
    %dma_start3A_173 = arith.constant 0 : i32
    %dma_start3A_174 = arith.constant 0 : i32
    %dma_start3A_175 = arith.constant 0 : i32
    %dma_start3A_176 = arith.constant 0 : i32
    %dma_start3A_177 = tpu.memref_slice %arg8[%dma_start3A_173, %dma_start3A_175, %dma_start3A_176] : memref<4x80x128xf32, #tpu.memory_space<vmem>> -> memref<1x80x128xf32, #tpu.memory_space<vmem>>
    %dma_start3A_178 = tpu.memref_squeeze %dma_start3A_177 : memref<1x80x128xf32, #tpu.memory_space<vmem>> -> memref<80x128xf32, #tpu.memory_space<vmem>>
    %dma_start3A_179 = arith.constant 0 : i32
    %dma_start3A_180 = tpu.memref_slice %arg7[%dma_start3A_174, %dma_start3A_179] : memref<4x80xi32, #tpu.memory_space<vmem>> -> memref<1x80xi32, #tpu.memory_space<vmem>>
    %dma_start3A_181 = tpu.memref_squeeze %dma_start3A_180 : memref<1x80xi32, #tpu.memory_space<vmem>> -> memref<80xi32, #tpu.memory_space<vmem>>
    %dma_start3A_182 = arith.constant 0 : i32
    %dma_start3A_183 = arith.constant 0 : i32
    %dma_start3A_184 = tpu.memref_slice %arg9[%dma_start3A_182, %dma_start3A_183] : memref<10000x128xf32, #tpu.memory_space<vmem_shared>> -> memref<10000x128xf32, #tpu.memory_space<vmem_shared>>
    tpu.enqueue_indirect_dma source(%dma_start3A_178 : memref<80x128xf32, #tpu.memory_space<vmem>>) target(%dma_start3A_184 : memref<10000x128xf32, #tpu.memory_space<vmem_shared>>) offsets(%dma_start3A_181 : memref<80xi32, #tpu.memory_space<vmem>>) semaphore(%arg22 : memref<!tpu.dma_semaphore, #tpu.memory_space<semaphore_mem>>) {add = true}
    %dma_wait3A_185 = arith.constant 0 : i32
    %dma_wait3A_186 = arith.constant 0 : i32
    %dma_wait3A_187 = arith.constant 0 : i32
    %dma_wait3A_188 = arith.constant 0 : i32
    %dma_wait3A_189 = tpu.memref_slice %arg8[%dma_wait3A_185, %dma_wait3A_187, %dma_wait3A_188] : memref<4x80x128xf32, #tpu.memory_space<vmem>> -> memref<1x80x128xf32, #tpu.memory_space<vmem>>
    %dma_wait3A_190 = tpu.memref_squeeze %dma_wait3A_189 : memref<1x80x128xf32, #tpu.memory_space<vmem>> -> memref<80x128xf32, #tpu.memory_space<vmem>>
    %dma_wait3A_191 = arith.constant 0 : i32
    %dma_wait3A_192 = tpu.memref_slice %arg7[%dma_wait3A_186, %dma_wait3A_191] : memref<4x80xi32, #tpu.memory_space<vmem>> -> memref<1x80xi32, #tpu.memory_space<vmem>>
    %dma_wait3A_193 = tpu.memref_squeeze %dma_wait3A_192 : memref<1x80xi32, #tpu.memory_space<vmem>> -> memref<80xi32, #tpu.memory_space<vmem>>
    %dma_wait3A_194 = arith.constant 0 : i32
    %dma_wait3A_195 = arith.constant 0 : i32
    %dma_wait3A_196 = tpu.memref_slice %arg9[%dma_wait3A_194, %dma_wait3A_195] : memref<10000x128xf32, #tpu.memory_space<vmem_shared>> -> memref<10000x128xf32, #tpu.memory_space<vmem_shared>>
    tpu.wait_indirect_dma semaphore(%arg23 : memref<!tpu.dma_semaphore, #tpu.memory_space<semaphore_mem>>) src(%dma_wait3A_190 : memref<80x128xf32, #tpu.memory_space<vmem>>) dst(%dma_wait3A_196 : memref<10000x128xf32, #tpu.memory_space<vmem_shared>>)
    %dma_wait3A_197 = arith.constant 0 : i32
    %dma_wait3A_198 = arith.constant 0 : i32
    %dma_wait3A_199 = arith.constant 0 : i32
    %dma_wait3A_200 = arith.constant 0 : i32
    %dma_wait3A_201 = tpu.memref_slice %arg8[%dma_wait3A_197, %dma_wait3A_199, %dma_wait3A_200] : memref<4x80x128xf32, #tpu.memory_space<vmem>> -> memref<1x80x128xf32, #tpu.memory_space<vmem>>
    %dma_wait3A_202 = tpu.memref_squeeze %dma_wait3A_201 : memref<1x80x128xf32, #tpu.memory_space<vmem>> -> memref<80x128xf32, #tpu.memory_space<vmem>>
    %dma_wait3A_203 = arith.constant 0 : i32
    %dma_wait3A_204 = tpu.memref_slice %arg7[%dma_wait3A_198, %dma_wait3A_203] : memref<4x80xi32, #tpu.memory_space<vmem>> -> memref<1x80xi32, #tpu.memory_space<vmem>>
    %dma_wait3A_205 = tpu.memref_squeeze %dma_wait3A_204 : memref<1x80xi32, #tpu.memory_space<vmem>> -> memref<80xi32, #tpu.memory_space<vmem>>
    %dma_wait3A_206 = arith.constant 0 : i32
    %dma_wait3A_207 = arith.constant 0 : i32
    %dma_wait3A_208 = tpu.memref_slice %arg9[%dma_wait3A_206, %dma_wait3A_207] : memref<10000x128xf32, #tpu.memory_space<vmem_shared>> -> memref<10000x128xf32, #tpu.memory_space<vmem_shared>>
    tpu.wait_indirect_dma semaphore(%arg22 : memref<!tpu.dma_semaphore, #tpu.memory_space<semaphore_mem>>) src(%dma_wait3A_202 : memref<80x128xf32, #tpu.memory_space<vmem>>) dst(%dma_wait3A_208 : memref<10000x128xf32, #tpu.memory_space<vmem_shared>>)
    %barrier3A_209 = arith.constant 0 : index
    tpu.barrier barrier_id(%barrier3A_209)
    %mul3A_210 = arith.constant 624 : i32
    %mul3A_211 = arith.muli %arg1, %mul3A_210 : i32
    %mul3A_212 = arith.constant 624 : i32
    %mul3A_213 = arith.muli %arg1, %mul3A_212 : i32
    "tpu.region"() ({
      %run_scoped3A = tpu.sem_alloc : memref<!tpu.dma_semaphore, #tpu.memory_space<semaphore_mem>>
      %dma_start3A_219 = arith.constant 0 : i32
      %dma_start3A_220 = tpu.memref_slice %arg5[%arg0, %mul3A_213, %dma_start3A_219] : memref<2x10000x128xf32, #tpu.memory_space<hbm>> -> memref<1x624x128xf32, #tpu.memory_space<hbm>>
      %dma_start3A_221 = tpu.memref_squeeze %dma_start3A_220 : memref<1x624x128xf32, #tpu.memory_space<hbm>> -> memref<624x128xf32, #tpu.memory_space<hbm>>
      %dma_start3A_222 = arith.constant 0 : i32
      %dma_start3A_223 = tpu.memref_slice %arg9[%mul3A_211, %dma_start3A_222] : memref<10000x128xf32, #tpu.memory_space<vmem_shared>> -> memref<624x128xf32, #tpu.memory_space<vmem_shared>>
      tpu.enqueue_dma source(%dma_start3A_223 : memref<624x128xf32, #tpu.memory_space<vmem_shared>>) target(%dma_start3A_221 : memref<624x128xf32, #tpu.memory_space<hbm>>) target_semaphore(%run_scoped3A : memref<!tpu.dma_semaphore, #tpu.memory_space<semaphore_mem>>)
      %dma_wait3A_224 = arith.constant 0 : i32
      %dma_wait3A_225 = tpu.memref_slice %arg5[%arg0, %mul3A_213, %dma_wait3A_224] : memref<2x10000x128xf32, #tpu.memory_space<hbm>> -> memref<1x624x128xf32, #tpu.memory_space<hbm>>
      %dma_wait3A_226 = tpu.memref_squeeze %dma_wait3A_225 : memref<1x624x128xf32, #tpu.memory_space<hbm>> -> memref<624x128xf32, #tpu.memory_space<hbm>>
      %dma_wait3A_227 = arith.constant 0 : i32
      %dma_wait3A_228 = tpu.memref_slice %arg9[%mul3A_211, %dma_wait3A_227] : memref<10000x128xf32, #tpu.memory_space<vmem_shared>> -> memref<624x128xf32, #tpu.memory_space<vmem_shared>>
      tpu.wait_dma2 semaphore(%run_scoped3A : memref<!tpu.dma_semaphore, #tpu.memory_space<semaphore_mem>>) src(%dma_wait3A_228 : memref<624x128xf32, #tpu.memory_space<vmem_shared>>) dst(%dma_wait3A_226 : memref<624x128xf32, #tpu.memory_space<hbm>>)
      tpu.yield
    }) : () -> ()
    %eq3A_214 = arith.constant 15 : i32
    %eq3A_215 = arith.cmpi eq, %arg1, %eq3A_214 : i32
    %convert_element_type3A_216 = arith.extui %eq3A_215 : i1 to i32
    %cond3A_217 = arith.constant 0 : i32
    %cond3A_218 = arith.cmpi ne, %convert_element_type3A_216, %cond3A_217 : i32
    scf.if %cond3A_218 {
      "tpu.region"() ({
        %run_scoped3A = tpu.sem_alloc : memref<!tpu.dma_semaphore, #tpu.memory_space<semaphore_mem>>
        %dma_start3A_219 = arith.constant 9984 : i32
        %dma_start3A_220 = arith.constant 0 : i32
        %dma_start3A_221 = tpu.memref_slice %arg5[%arg0, %dma_start3A_219, %dma_start3A_220] : memref<2x10000x128xf32, #tpu.memory_space<hbm>> -> memref<1x16x128xf32, #tpu.memory_space<hbm>>
        %dma_start3A_222 = tpu.memref_squeeze %dma_start3A_221 : memref<1x16x128xf32, #tpu.memory_space<hbm>> -> memref<16x128xf32, #tpu.memory_space<hbm>>
        %dma_start3A_223 = arith.constant 9984 : i32
        %dma_start3A_224 = arith.constant 0 : i32
        %dma_start3A_225 = tpu.memref_slice %arg9[%dma_start3A_223, %dma_start3A_224] : memref<10000x128xf32, #tpu.memory_space<vmem_shared>> -> memref<16x128xf32, #tpu.memory_space<vmem_shared>>
        tpu.enqueue_dma source(%dma_start3A_225 : memref<16x128xf32, #tpu.memory_space<vmem_shared>>) target(%dma_start3A_222 : memref<16x128xf32, #tpu.memory_space<hbm>>) target_semaphore(%run_scoped3A : memref<!tpu.dma_semaphore, #tpu.memory_space<semaphore_mem>>)
        %dma_wait3A_226 = arith.constant 9984 : i32
        %dma_wait3A_227 = arith.constant 0 : i32
        %dma_wait3A_228 = tpu.memref_slice %arg5[%arg0, %dma_wait3A_226, %dma_wait3A_227] : memref<2x10000x128xf32, #tpu.memory_space<hbm>> -> memref<1x16x128xf32, #tpu.memory_space<hbm>>
        %dma_wait3A_229 = tpu.memref_squeeze %dma_wait3A_228 : memref<1x16x128xf32, #tpu.memory_space<hbm>> -> memref<16x128xf32, #tpu.memory_space<hbm>>
        %dma_wait3A_230 = arith.constant 9984 : i32
        %dma_wait3A_231 = arith.constant 0 : i32
        %dma_wait3A_232 = tpu.memref_slice %arg9[%dma_wait3A_230, %dma_wait3A_231] : memref<10000x128xf32, #tpu.memory_space<vmem_shared>> -> memref<16x128xf32, #tpu.memory_space<vmem_shared>>
        tpu.wait_dma2 semaphore(%run_scoped3A : memref<!tpu.dma_semaphore, #tpu.memory_space<semaphore_mem>>) src(%dma_wait3A_232 : memref<16x128xf32, #tpu.memory_space<vmem_shared>>) dst(%dma_wait3A_229 : memref<16x128xf32, #tpu.memory_space<hbm>>)
        tpu.yield
      }) : () -> ()
    } else {
    }
    return
  }
}

module attributes {stable_mosaic.version = 14 : i64} {
  func.func @_tc_first_body(%arg0: i32, %arg1: memref<2000x128xf32, #tpu.memory_space<vmem>>, %arg2: memref<128x128xf32, #tpu.memory_space<vmem>>, %arg3: memref<2000x8xf32, #tpu.memory_space<vmem>>, %arg4: memref<2000x8xf32, #tpu.memory_space<vmem>>, %arg5: memref<2000x128xf32, #tpu.memory_space<vmem>>) attributes {dimension_semantics = [#tpu.dimension_semantics<arbitrary>], iteration_bounds = array<i64: 5>, scalar_prefetch = 0 : i64, scratch_operands = 0 : i64, tpu.core_type = #tpu.core_type<tc>, window_params = [{transform_indices = @transform_0, window_bounds = array<i64: 2000, 128>}, {pipeline_mode = #tpu.pipeline_mode<synchronous>, transform_indices = @transform_1, window_bounds = array<i64: 128, 128>}, {transform_indices = @transform_2, window_bounds = array<i64: 2000, 8>}, {transform_indices = @transform_3, window_bounds = array<i64: 2000, 8>}, {transform_indices = @transform_4, window_bounds = array<i64: 2000, 128>}]} {
    %get3A = arith.constant 0 : index
    %get3A_0 = arith.constant 0 : index
    %get3A_1 = vector.load %arg3[%get3A, %get3A_0] : memref<2000x8xf32, #tpu.memory_space<vmem>>, vector<2000x8xf32>
    %get3A_2 = arith.constant 0 : index
    %get3A_3 = arith.constant 0 : index
    %get3A_4 = vector.load %arg4[%get3A_2, %get3A_3] : memref<2000x8xf32, #tpu.memory_space<vmem>>, vector<2000x8xf32>
    %slice3A = vector.extract_strided_slice %get3A_1 {offsets = [0, 0], sizes = [2000, 1], strides = [1, 1]} : vector<2000x8xf32> to vector<2000x1xf32>
    %slice3A_5 = vector.extract_strided_slice %get3A_4 {offsets = [0, 0], sizes = [2000, 1], strides = [1, 1]} : vector<2000x8xf32> to vector<2000x1xf32>
    %add3A = arith.addf %slice3A, %slice3A_5 : vector<2000x1xf32>
    %sub3A = arith.constant 1.000000e+00 : f32
    %sub3A_6 = vector.broadcast %sub3A : f32 to vector<2000x1xf32>
    %sub3A_7 = arith.subf %add3A, %sub3A_6 : vector<2000x1xf32>
    %rsqrt3A = math.rsqrt %sub3A_7 : vector<2000x1xf32>
    %get3A_8 = arith.constant 0 : index
    %get3A_9 = arith.constant 0 : index
    %get3A_10 = vector.load %arg1[%get3A_8, %get3A_9] : memref<2000x128xf32, #tpu.memory_space<vmem>>, vector<2000x128xf32>
    %get3A_11 = arith.constant 0 : index
    %get3A_12 = arith.constant 0 : index
    %get3A_13 = vector.load %arg2[%get3A_11, %get3A_12] : memref<128x128xf32, #tpu.memory_space<vmem>>, vector<128x128xf32>
    %dot_general3A = arith.constant dense<0.000000e+00> : vector<2000x128xf32>
    %dot_general3A_14 = tpu.matmul %get3A_10, %get3A_13, %dot_general3A {dimension_numbers = #tpu.dot_dimension_numbers<[1], [0], [0], [1], [0, 0, 1, 1], [], []>, transpose_lhs_hint = false} : vector<2000x128xf32>, vector<128x128xf32>, vector<2000x128xf32> -> vector<2000x128xf32>
    %mul3A = vector.broadcast %rsqrt3A : vector<2000x1xf32> to vector<2000x128xf32>
    %mul3A_15 = arith.mulf %dot_general3A_14, %mul3A : vector<2000x128xf32>
    %swap3A = arith.constant 0 : index
    %swap3A_16 = arith.constant 0 : index
    %swap3A_17 = vector.load %arg5[%swap3A, %swap3A_16] : memref<2000x128xf32, #tpu.memory_space<vmem>>, vector<2000x128xf32>
    tpu.vector_store %arg5[%swap3A, %swap3A_16], %mul3A_15 {strides = array<i32>} : memref<2000x128xf32, #tpu.memory_space<vmem>>, vector<2000x128xf32>,
    return
  }
  func.func @transform_0(%arg0: i32) -> (i32, i32) {
    %c0_i32 = arith.constant 0 : i32
    %c0_i32_0 = arith.constant 0 : i32
    return %arg0, %c0_i32 : i32, i32
  }
  func.func @transform_1(%arg0: i32) -> (i32, i32) {
    %c0_i32 = arith.constant 0 : i32
    %c0_i32_0 = arith.constant 0 : i32
    %c0_i32_1 = arith.constant 0 : i32
    return %c0_i32, %c0_i32_0 : i32, i32
  }
  func.func @transform_2(%arg0: i32) -> (i32, i32) {
    %c0_i32 = arith.constant 0 : i32
    %c0_i32_0 = arith.constant 0 : i32
    return %arg0, %c0_i32 : i32, i32
  }
  func.func @transform_3(%arg0: i32) -> (i32, i32) {
    %add3A = arith.constant 5 : i32
    %add3A_0 = arith.addi %arg0, %add3A : i32
    %c0_i32 = arith.constant 0 : i32
    %c0_i32_1 = arith.constant 0 : i32
    return %add3A_0, %c0_i32 : i32, i32
  }
  func.func @transform_4(%arg0: i32) -> (i32, i32) {
    %c0_i32 = arith.constant 0 : i32
    %c0_i32_0 = arith.constant 0 : i32
    return %arg0, %c0_i32 : i32, i32
  }
}

module attributes {stable_mosaic.version = 14 : i64} {
  func.func @_tc_mid_body(%arg0: i32, %arg1: memref<2000x128xf32, #tpu.memory_space<vmem>>, %arg2: memref<2000x128xf32, #tpu.memory_space<vmem>>, %arg3: memref<2000x128xf32, #tpu.memory_space<vmem>>, %arg4: memref<2000x8xf32, #tpu.memory_space<vmem>>, %arg5: memref<2000x8xf32, #tpu.memory_space<vmem>>, %arg6: memref<1x128xf32, #tpu.memory_space<vmem>>, %arg7: memref<128x128xf32, #tpu.memory_space<vmem>>, %arg8: memref<2000x128xf32, #tpu.memory_space<vmem>>) attributes {dimension_semantics = [#tpu.dimension_semantics<arbitrary>], iteration_bounds = array<i64: 5>, scalar_prefetch = 0 : i64, scratch_operands = 0 : i64, tpu.core_type = #tpu.core_type<tc>, window_params = [{transform_indices = @transform_0, window_bounds = array<i64: 2000, 128>}, {transform_indices = @transform_1, window_bounds = array<i64: 2000, 128>}, {transform_indices = @transform_2, window_bounds = array<i64: 2000, 128>}, {transform_indices = @transform_3, window_bounds = array<i64: 2000, 8>}, {transform_indices = @transform_4, window_bounds = array<i64: 2000, 8>}, {pipeline_mode = #tpu.pipeline_mode<synchronous>, transform_indices = @transform_5, window_bounds = array<i64: 1, 128>}, {pipeline_mode = #tpu.pipeline_mode<synchronous>, transform_indices = @transform_6, window_bounds = array<i64: 128, 128>}, {transform_indices = @transform_7, window_bounds = array<i64: 2000, 128>}]} {
    %get3A = arith.constant 0 : index
    %get3A_0 = arith.constant 0 : index
    %get3A_1 = vector.load %arg4[%get3A, %get3A_0] : memref<2000x8xf32, #tpu.memory_space<vmem>>, vector<2000x8xf32>
    %get3A_2 = arith.constant 0 : index
    %get3A_3 = arith.constant 0 : index
    %get3A_4 = vector.load %arg5[%get3A_2, %get3A_3] : memref<2000x8xf32, #tpu.memory_space<vmem>>, vector<2000x8xf32>
    %slice3A = vector.extract_strided_slice %get3A_1 {offsets = [0, 0], sizes = [2000, 1], strides = [1, 1]} : vector<2000x8xf32> to vector<2000x1xf32>
    %slice3A_5 = vector.extract_strided_slice %get3A_4 {offsets = [0, 0], sizes = [2000, 1], strides = [1, 1]} : vector<2000x8xf32> to vector<2000x1xf32>
    %add3A = arith.addf %slice3A, %slice3A_5 : vector<2000x1xf32>
    %sub3A = arith.constant 1.000000e+00 : f32
    %sub3A_6 = vector.broadcast %sub3A : f32 to vector<2000x1xf32>
    %sub3A_7 = arith.subf %add3A, %sub3A_6 : vector<2000x1xf32>
    %rsqrt3A = math.rsqrt %sub3A_7 : vector<2000x1xf32>
    %get3A_8 = arith.constant 0 : index
    %get3A_9 = arith.constant 0 : index
    %get3A_10 = vector.load %arg3[%get3A_8, %get3A_9] : memref<2000x128xf32, #tpu.memory_space<vmem>>, vector<2000x128xf32>
    %get3A_11 = arith.constant 0 : index
    %get3A_12 = arith.constant 0 : index
    %get3A_13 = vector.load %arg1[%get3A_11, %get3A_12] : memref<2000x128xf32, #tpu.memory_space<vmem>>, vector<2000x128xf32>
    %get3A_14 = arith.constant 0 : index
    %get3A_15 = arith.constant 0 : index
    %get3A_16 = vector.load %arg2[%get3A_14, %get3A_15] : memref<2000x128xf32, #tpu.memory_space<vmem>>, vector<2000x128xf32>
    %add3A_17 = arith.addf %get3A_13, %get3A_16 : vector<2000x128xf32>
    %sub3A_18 = arith.subf %add3A_17, %get3A_10 : vector<2000x128xf32>
    %mul3A = vector.broadcast %rsqrt3A : vector<2000x1xf32> to vector<2000x128xf32>
    %mul3A_19 = arith.mulf %mul3A, %sub3A_18 : vector<2000x128xf32>
    %get3A_20 = arith.constant 0 : index
    %get3A_21 = arith.constant 0 : index
    %get3A_22 = vector.load %arg6[%get3A_20, %get3A_21] : memref<1x128xf32, #tpu.memory_space<vmem>>, vector<1x128xf32>
    %add3A_23 = vector.broadcast %get3A_22 : vector<1x128xf32> to vector<2000x128xf32>
    %add3A_24 = arith.addf %mul3A_19, %add3A_23 : vector<2000x128xf32>
    %max3A = arith.constant 0.000000e+00 : f32
    %max3A_25 = vector.broadcast %max3A : f32 to vector<2000x128xf32>
    %max3A_26 = arith.maximumf %add3A_24, %max3A_25 : vector<2000x128xf32>
    %get3A_27 = arith.constant 0 : index
    %get3A_28 = arith.constant 0 : index
    %get3A_29 = vector.load %arg7[%get3A_27, %get3A_28] : memref<128x128xf32, #tpu.memory_space<vmem>>, vector<128x128xf32>
    %dot_general3A = arith.constant dense<0.000000e+00> : vector<2000x128xf32>
    %dot_general3A_30 = tpu.matmul %max3A_26, %get3A_29, %dot_general3A {dimension_numbers = #tpu.dot_dimension_numbers<[1], [0], [0], [1], [0, 0, 1, 1], [], []>, transpose_lhs_hint = false} : vector<2000x128xf32>, vector<128x128xf32>, vector<2000x128xf32> -> vector<2000x128xf32>
    %mul3A_31 = vector.broadcast %rsqrt3A : vector<2000x1xf32> to vector<2000x128xf32>
    %mul3A_32 = arith.mulf %dot_general3A_30, %mul3A_31 : vector<2000x128xf32>
    %swap3A = arith.constant 0 : index
    %swap3A_33 = arith.constant 0 : index
    %swap3A_34 = vector.load %arg8[%swap3A, %swap3A_33] : memref<2000x128xf32, #tpu.memory_space<vmem>>, vector<2000x128xf32>
    tpu.vector_store %arg8[%swap3A, %swap3A_33], %mul3A_32 {strides = array<i32>} : memref<2000x128xf32, #tpu.memory_space<vmem>>, vector<2000x128xf32>,
    return
  }
  func.func @transform_0(%arg0: i32) -> (i32, i32) {
    %c0_i32 = arith.constant 0 : i32
    %c0_i32_0 = arith.constant 0 : i32
    return %arg0, %c0_i32 : i32, i32
  }
  func.func @transform_1(%arg0: i32) -> (i32, i32) {
    %add3A = arith.constant 5 : i32
    %add3A_0 = arith.addi %arg0, %add3A : i32
    %c0_i32 = arith.constant 0 : i32
    %c0_i32_1 = arith.constant 0 : i32
    return %add3A_0, %c0_i32 : i32, i32
  }
  func.func @transform_2(%arg0: i32) -> (i32, i32) {
    %c0_i32 = arith.constant 0 : i32
    %c0_i32_0 = arith.constant 0 : i32
    return %arg0, %c0_i32 : i32, i32
  }
  func.func @transform_3(%arg0: i32) -> (i32, i32) {
    %c0_i32 = arith.constant 0 : i32
    %c0_i32_0 = arith.constant 0 : i32
    return %arg0, %c0_i32 : i32, i32
  }
  func.func @transform_4(%arg0: i32) -> (i32, i32) {
    %add3A = arith.constant 5 : i32
    %add3A_0 = arith.addi %arg0, %add3A : i32
    %c0_i32 = arith.constant 0 : i32
    %c0_i32_1 = arith.constant 0 : i32
    return %add3A_0, %c0_i32 : i32, i32
  }
  func.func @transform_5(%arg0: i32) -> (i32, i32) {
    %c0_i32 = arith.constant 0 : i32
    %c0_i32_0 = arith.constant 0 : i32
    %c0_i32_1 = arith.constant 0 : i32
    return %c0_i32, %c0_i32_0 : i32, i32
  }
  func.func @transform_6(%arg0: i32) -> (i32, i32) {
    %c0_i32 = arith.constant 0 : i32
    %c0_i32_0 = arith.constant 0 : i32
    %c0_i32_1 = arith.constant 0 : i32
    return %c0_i32, %c0_i32_0 : i32, i32
  }
  func.func @transform_7(%arg0: i32) -> (i32, i32) {
    %c0_i32 = arith.constant 0 : i32
    %c0_i32_0 = arith.constant 0 : i32
    return %arg0, %c0_i32 : i32, i32
  }
}

module attributes {stable_mosaic.version = 14 : i64} {
  func.func @_tc_final_body(%arg0: i32, %arg1: memref<2000x128xf32, #tpu.memory_space<vmem>>, %arg2: memref<2000x128xf32, #tpu.memory_space<vmem>>, %arg3: memref<2000x128xf32, #tpu.memory_space<vmem>>, %arg4: memref<2000x8xf32, #tpu.memory_space<vmem>>, %arg5: memref<2000x8xf32, #tpu.memory_space<vmem>>, %arg6: memref<1x128xf32, #tpu.memory_space<vmem>>, %arg7: memref<2000x1xi32, #tpu.memory_space<vmem>>, %arg8: memref<128x40xf32, #tpu.memory_space<vmem>>, %arg9: memref<1x40xf32, #tpu.memory_space<vmem>>, %arg10: memref<16x40xf32, #tpu.memory_space<vmem>>, %arg11: memref<16x128xf32, #tpu.memory_space<vmem>>, %arg12: memref<16x128xf32, #tpu.memory_space<vmem>>) attributes {dimension_semantics = [#tpu.dimension_semantics<arbitrary>], iteration_bounds = array<i64: 5>, scalar_prefetch = 0 : i64, scratch_operands = 2 : i64, tpu.core_type = #tpu.core_type<tc>, window_params = [{transform_indices = @transform_0, window_bounds = array<i64: 2000, 128>}, {transform_indices = @transform_1, window_bounds = array<i64: 2000, 128>}, {transform_indices = @transform_2, window_bounds = array<i64: 2000, 128>}, {transform_indices = @transform_3, window_bounds = array<i64: 2000, 8>}, {transform_indices = @transform_4, window_bounds = array<i64: 2000, 8>}, {pipeline_mode = #tpu.pipeline_mode<synchronous>, transform_indices = @transform_5, window_bounds = array<i64: 1, 128>}, {transform_indices = @transform_6, window_bounds = array<i64: 2000, 1>}, {pipeline_mode = #tpu.pipeline_mode<synchronous>, transform_indices = @transform_7, window_bounds = array<i64: 128, 40>}, {pipeline_mode = #tpu.pipeline_mode<synchronous>, transform_indices = @transform_8, window_bounds = array<i64: 1, 40>}, {pipeline_mode = #tpu.pipeline_mode<synchronous>, transform_indices = @transform_9, window_bounds = array<i64: 16, 40>}]} {
    %eq3A = arith.constant 0 : i32
    %eq3A_0 = arith.cmpi eq, %arg0, %eq3A : i32
    %convert_element_type3A = arith.extui %eq3A_0 : i1 to i32
    %cond3A = arith.constant 0 : i32
    %cond3A_1 = arith.cmpi ne, %convert_element_type3A, %cond3A : i32
    scf.if %cond3A_1 {
      %broadcast_in_dim3A_58 = arith.constant 0.000000e+00 : f32
      %broadcast_in_dim3A_59 = vector.broadcast %broadcast_in_dim3A_58 : f32 to vector<16x128xf32>
      %swap3A_60 = arith.constant 0 : index
      %swap3A_61 = arith.constant 0 : index
      %swap3A_62 = vector.load %arg11[%swap3A_60, %swap3A_61] : memref<16x128xf32, #tpu.memory_space<vmem>>, vector<16x128xf32>
      tpu.vector_store %arg11[%swap3A_60, %swap3A_61], %broadcast_in_dim3A_59 {strides = array<i32>} : memref<16x128xf32, #tpu.memory_space<vmem>>, vector<16x128xf32>,
      %broadcast_in_dim3A_63 = arith.constant 0.000000e+00 : f32
      %broadcast_in_dim3A_64 = vector.broadcast %broadcast_in_dim3A_63 : f32 to vector<16x128xf32>
      %swap3A_65 = arith.constant 0 : index
      %swap3A_66 = arith.constant 0 : index
      %swap3A_67 = vector.load %arg12[%swap3A_65, %swap3A_66] : memref<16x128xf32, #tpu.memory_space<vmem>>, vector<16x128xf32>
      tpu.vector_store %arg12[%swap3A_65, %swap3A_66], %broadcast_in_dim3A_64 {strides = array<i32>} : memref<16x128xf32, #tpu.memory_space<vmem>>, vector<16x128xf32>,
    } else {
    }
    %get3A = arith.constant 0 : index
    %get3A_2 = arith.constant 0 : index
    %get3A_3 = vector.load %arg4[%get3A, %get3A_2] : memref<2000x8xf32, #tpu.memory_space<vmem>>, vector<2000x8xf32>
    %get3A_4 = arith.constant 0 : index
    %get3A_5 = arith.constant 0 : index
    %get3A_6 = vector.load %arg5[%get3A_4, %get3A_5] : memref<2000x8xf32, #tpu.memory_space<vmem>>, vector<2000x8xf32>
    %slice3A = vector.extract_strided_slice %get3A_3 {offsets = [0, 0], sizes = [2000, 1], strides = [1, 1]} : vector<2000x8xf32> to vector<2000x1xf32>
    %slice3A_7 = vector.extract_strided_slice %get3A_6 {offsets = [0, 0], sizes = [2000, 1], strides = [1, 1]} : vector<2000x8xf32> to vector<2000x1xf32>
    %add3A = arith.addf %slice3A, %slice3A_7 : vector<2000x1xf32>
    %sub3A = arith.constant 1.000000e+00 : f32
    %sub3A_8 = vector.broadcast %sub3A : f32 to vector<2000x1xf32>
    %sub3A_9 = arith.subf %add3A, %sub3A_8 : vector<2000x1xf32>
    %rsqrt3A = math.rsqrt %sub3A_9 : vector<2000x1xf32>
    %get3A_10 = arith.constant 0 : index
    %get3A_11 = arith.constant 0 : index
    %get3A_12 = vector.load %arg3[%get3A_10, %get3A_11] : memref<2000x128xf32, #tpu.memory_space<vmem>>, vector<2000x128xf32>
    %get3A_13 = arith.constant 0 : index
    %get3A_14 = arith.constant 0 : index
    %get3A_15 = vector.load %arg1[%get3A_13, %get3A_14] : memref<2000x128xf32, #tpu.memory_space<vmem>>, vector<2000x128xf32>
    %get3A_16 = arith.constant 0 : index
    %get3A_17 = arith.constant 0 : index
    %get3A_18 = vector.load %arg2[%get3A_16, %get3A_17] : memref<2000x128xf32, #tpu.memory_space<vmem>>, vector<2000x128xf32>
    %add3A_19 = arith.addf %get3A_15, %get3A_18 : vector<2000x128xf32>
    %sub3A_20 = arith.subf %add3A_19, %get3A_12 : vector<2000x128xf32>
    %mul3A = vector.broadcast %rsqrt3A : vector<2000x1xf32> to vector<2000x128xf32>
    %mul3A_21 = arith.mulf %mul3A, %sub3A_20 : vector<2000x128xf32>
    %get3A_22 = arith.constant 0 : index
    %get3A_23 = arith.constant 0 : index
    %get3A_24 = vector.load %arg6[%get3A_22, %get3A_23] : memref<1x128xf32, #tpu.memory_space<vmem>>, vector<1x128xf32>
    %add3A_25 = vector.broadcast %get3A_24 : vector<1x128xf32> to vector<2000x128xf32>
    %add3A_26 = arith.addf %mul3A_21, %add3A_25 : vector<2000x128xf32>
    %max3A = arith.constant 0.000000e+00 : f32
    %max3A_27 = vector.broadcast %max3A : f32 to vector<2000x128xf32>
    %max3A_28 = arith.maximumf %add3A_26, %max3A_27 : vector<2000x128xf32>
    %get3A_29 = arith.constant 0 : index
    %get3A_30 = arith.constant 0 : index
    %get3A_31 = vector.load %arg7[%get3A_29, %get3A_30] : memref<2000x1xi32, #tpu.memory_space<vmem>>, vector<2000x1xi32>
    %reshape3A = vector.shape_cast %get3A_31 : vector<2000x1xi32> to vector<1x2000xi32>
    %iota3A = tpu.iota {dimensions = array<i32: 0>} : vector<16x2000xi32>
    %eq3A_32 = vector.broadcast %reshape3A : vector<1x2000xi32> to vector<16x2000xi32>
    %eq3A_33 = arith.cmpi eq, %iota3A, %eq3A_32 : vector<16x2000xi32>
    %convert_element_type3A_34 = arith.extui %eq3A_33 : vector<16x2000xi1> to vector<16x2000xi32>
    %convert_element_type3A_35 = arith.sitofp %convert_element_type3A_34 : vector<16x2000xi32> to vector<16x2000xf32>
    %get3A_36 = arith.constant 0 : index
    %get3A_37 = arith.constant 0 : index
    %get3A_38 = vector.load %arg11[%get3A_36, %get3A_37] : memref<16x128xf32, #tpu.memory_space<vmem>>, vector<16x128xf32>
    %dot_general3A = arith.constant dense<0.000000e+00> : vector<16x128xf32>
    %dot_general3A_39 = tpu.matmul %convert_element_type3A_35, %max3A_28, %dot_general3A {dimension_numbers = #tpu.dot_dimension_numbers<[1], [0], [0], [1], [0, 0, 1, 1], [], []>, transpose_lhs_hint = false} : vector<16x2000xf32>, vector<2000x128xf32>, vector<16x128xf32> -> vector<16x128xf32>
    %add3A_40 = arith.addf %get3A_38, %dot_general3A_39 : vector<16x128xf32>
    %swap3A = arith.constant 0 : index
    %swap3A_41 = arith.constant 0 : index
    %swap3A_42 = vector.load %arg11[%swap3A, %swap3A_41] : memref<16x128xf32, #tpu.memory_space<vmem>>, vector<16x128xf32>
    tpu.vector_store %arg11[%swap3A, %swap3A_41], %add3A_40 {strides = array<i32>} : memref<16x128xf32, #tpu.memory_space<vmem>>, vector<16x128xf32>,
    %get3A_43 = arith.constant 0 : index
    %get3A_44 = arith.constant 0 : index
    %get3A_45 = vector.load %arg12[%get3A_43, %get3A_44] : memref<16x128xf32, #tpu.memory_space<vmem>>, vector<16x128xf32>
    %reduce_sum3A = arith.constant dense<0.000000e+00> : vector<16xf32>
    %reduce_sum3A_46 = vector.multi_reduction <add>, %convert_element_type3A_35, %reduce_sum3A [1] : vector<16x2000xf32> to vector<16xf32>
    %broadcast_in_dim3A = vector.shape_cast %reduce_sum3A_46 : vector<16xf32> to vector<16x1xf32>
    %broadcast_in_dim3A_47 = vector.shape_cast %broadcast_in_dim3A : vector<16x1xf32> to vector<16x1xf32>
    %broadcast_in_dim3A_48 = vector.broadcast %broadcast_in_dim3A_47 : vector<16x1xf32> to vector<16x128xf32>
    %add3A_49 = arith.addf %get3A_45, %broadcast_in_dim3A_48 : vector<16x128xf32>
    %swap3A_50 = arith.constant 0 : index
    %swap3A_51 = arith.constant 0 : index
    %swap3A_52 = vector.load %arg12[%swap3A_50, %swap3A_51] : memref<16x128xf32, #tpu.memory_space<vmem>>, vector<16x128xf32>
    tpu.vector_store %arg12[%swap3A_50, %swap3A_51], %add3A_49 {strides = array<i32>} : memref<16x128xf32, #tpu.memory_space<vmem>>, vector<16x128xf32>,
    %eq3A_53 = arith.constant 4 : i32
    %eq3A_54 = arith.cmpi eq, %arg0, %eq3A_53 : i32
    %convert_element_type3A_55 = arith.extui %eq3A_54 : i1 to i32
    %cond3A_56 = arith.constant 0 : i32
    %cond3A_57 = arith.cmpi ne, %convert_element_type3A_55, %cond3A_56 : i32
    scf.if %cond3A_57 {
      %get3A_58 = arith.constant 0 : index
      %get3A_59 = arith.constant 0 : index
      %get3A_60 = vector.load %arg11[%get3A_58, %get3A_59] : memref<16x128xf32, #tpu.memory_space<vmem>>, vector<16x128xf32>
      %get3A_61 = arith.constant 0 : index
      %get3A_62 = arith.constant 0 : index
      %get3A_63 = vector.load %arg12[%get3A_61, %get3A_62] : memref<16x128xf32, #tpu.memory_space<vmem>>, vector<16x128xf32>
      %max3A_64 = arith.constant 1.000000e+00 : f32
      %max3A_65 = vector.broadcast %max3A_64 : f32 to vector<16x128xf32>
      %max3A_66 = arith.maximumf %get3A_63, %max3A_65 : vector<16x128xf32>
      %div3A = arith.divf %get3A_60, %max3A_66 : vector<16x128xf32>
      %get3A_67 = arith.constant 0 : index
      %get3A_68 = arith.constant 0 : index
      %get3A_69 = vector.load %arg8[%get3A_67, %get3A_68] : memref<128x40xf32, #tpu.memory_space<vmem>>, vector<128x40xf32>
      %dot_general3A_70 = arith.constant dense<0.000000e+00> : vector<16x40xf32>
      %dot_general3A_71 = tpu.matmul %div3A, %get3A_69, %dot_general3A_70 {dimension_numbers = #tpu.dot_dimension_numbers<[1], [0], [0], [1], [0, 0, 1, 1], [], []>, transpose_lhs_hint = false} : vector<16x128xf32>, vector<128x40xf32>, vector<16x40xf32> -> vector<16x40xf32>
      %get3A_72 = arith.constant 0 : index
      %get3A_73 = arith.constant 0 : index
      %get3A_74 = vector.load %arg9[%get3A_72, %get3A_73] : memref<1x40xf32, #tpu.memory_space<vmem>>, vector<1x40xf32>
      %add3A_75 = vector.broadcast %get3A_74 : vector<1x40xf32> to vector<16x40xf32>
      %add3A_76 = arith.addf %dot_general3A_71, %add3A_75 : vector<16x40xf32>
      %swap3A_77 = arith.constant 0 : index
      %swap3A_78 = arith.constant 0 : index
      %swap3A_79 = vector.load %arg10[%swap3A_77, %swap3A_78] : memref<16x40xf32, #tpu.memory_space<vmem>>, vector<16x40xf32>
      tpu.vector_store %arg10[%swap3A_77, %swap3A_78], %add3A_76 {strides = array<i32>} : memref<16x40xf32, #tpu.memory_space<vmem>>, vector<16x40xf32>,
    } else {
    }
    return
  }
  func.func @transform_0(%arg0: i32) -> (i32, i32) {
    %c0_i32 = arith.constant 0 : i32
    %c0_i32_0 = arith.constant 0 : i32
    return %arg0, %c0_i32 : i32, i32
  }
  func.func @transform_1(%arg0: i32) -> (i32, i32) {
    %add3A = arith.constant 5 : i32
    %add3A_0 = arith.addi %arg0, %add3A : i32
    %c0_i32 = arith.constant 0 : i32
    %c0_i32_1 = arith.constant 0 : i32
    return %add3A_0, %c0_i32 : i32, i32
  }
  func.func @transform_2(%arg0: i32) -> (i32, i32) {
    %c0_i32 = arith.constant 0 : i32
    %c0_i32_0 = arith.constant 0 : i32
    return %arg0, %c0_i32 : i32, i32
  }
  func.func @transform_3(%arg0: i32) -> (i32, i32) {
    %c0_i32 = arith.constant 0 : i32
    %c0_i32_0 = arith.constant 0 : i32
    return %arg0, %c0_i32 : i32, i32
  }
  func.func @transform_4(%arg0: i32) -> (i32, i32) {
    %add3A = arith.constant 5 : i32
    %add3A_0 = arith.addi %arg0, %add3A : i32
    %c0_i32 = arith.constant 0 : i32
    %c0_i32_1 = arith.constant 0 : i32
    return %add3A_0, %c0_i32 : i32, i32
  }
  func.func @transform_5(%arg0: i32) -> (i32, i32) {
    %c0_i32 = arith.constant 0 : i32
    %c0_i32_0 = arith.constant 0 : i32
    %c0_i32_1 = arith.constant 0 : i32
    return %c0_i32, %c0_i32_0 : i32, i32
  }
  func.func @transform_6(%arg0: i32) -> (i32, i32) {
    %c0_i32 = arith.constant 0 : i32
    %c0_i32_0 = arith.constant 0 : i32
    return %arg0, %c0_i32 : i32, i32
  }
  func.func @transform_7(%arg0: i32) -> (i32, i32) {
    %c0_i32 = arith.constant 0 : i32
    %c0_i32_0 = arith.constant 0 : i32
    %c0_i32_1 = arith.constant 0 : i32
    return %c0_i32, %c0_i32_0 : i32, i32
  }
  func.func @transform_8(%arg0: i32) -> (i32, i32) {
    %c0_i32 = arith.constant 0 : i32
    %c0_i32_0 = arith.constant 0 : i32
    %c0_i32_1 = arith.constant 0 : i32
    return %c0_i32, %c0_i32_0 : i32, i32
  }
  func.func @transform_9(%arg0: i32) -> (i32, i32) {
    %c0_i32 = arith.constant 0 : i32
    %c0_i32_0 = arith.constant 0 : i32
    %c0_i32_1 = arith.constant 0 : i32
    return %c0_i32, %c0_i32_0 : i32, i32
  }
}

</mosaic_0001>

<sc_bundles>
// kernel: kernel.11.cloned.1.call-start
scs
__scs_entry_jumppad:
0x0: {  	(pc) =	sbr.rel $0x88, $3  }
0x1: {  	(tag) =	ssettag $0x0;
	lr =	simm.s32 $0x1  }
0x2: {  	[smem:$0x3F98] =	sst lr;
	_ =	strace $0xD0000000  }
0x3: {  	_ = 	snop  }
0x4: {  	_ = 	snop  }
0x5: {  	_ = 	snop  }
0x6: {  	_ = 	snop  }
0x7: {  	_ = 	snop  }
__scs_overlays_trampoline_lowered:
0x8: {  	[smem:$0x3FA7] =	sst s0  }
0x9: {  	[smem:$0x3FA8] =	sst s1  }
0xa: {  	[smem:$0x3FA9] =	sst s2  }
0xb: {  	[smem:$0x3FAA] =	sst s3  }
0xc: {  	[smem:$0x3FAB] =	sst s4  }
0xd: {  	[smem:$0x3FAC] =	sst s5  }
0xe: {  	[smem:$0x3FAD] =	sst s6  }
0xf: {  	[smem:$0x3FAE] =	sst s7  }
0x10: {  	[smem:$0x3FAF] =	sst s8  }
0x11: {  	[smem:$0x3FB0] =	sst s9;
	s0 =	simm.s32 @!p0 $0x0  }
0x12: {  	s1 =	sld [smem:$0x3F96];
	s0 =	simm.s32 @p0 $0x1  }
0x13: {  	[smem:$0x3FB1] =	sst s0;
	s0 =	simm.s32 @!p1 $0x0  }
0x14: {  	s2 =	sld [smem:$0x3F95];
	s0 =	simm.s32 @p1 $0x1  }
0x15: {  	[smem:$0x3FB2] =	sst s0;
	s0 =	simm.s32 @!p2 $0x0  }
0x16: {  	s3 =	sld [smem:$0x3FDB];
	s0 =	simm.s32 @p2 $0x1  }
0x17: {  	s4 =	simm.s32 $0x1BF5;
	[smem:$0x3FB4] =	sst s0  }
0x18: {  	s0 =	sld [smem:$0x3F97];
	_ =	swait.ge [sflag:s4], $0x0  }
0x19: {  	s7 =	sld [smem:$0x3F98]  }
0x1a: {  	s8 =	sadd.s32 $0xFFFFE003, lr  }
0x1b: {  	s9 =	sadd.s32 $0xFFFFFEF7, lr;
	s5 =	simm.s32 $0xFFFFFFFF;
	p2 =	slt.u32 s8, $0xFFFFF086  }
0x1c: {  	p1 =	slt.u32 s9, $0xF7A;
	s5 =	simm.s32 @!p2 $0x0  }
0x1d: {  	s5 =	simm.s32 @p1 $0x1;
	p0 =	seq.s32 s7, s2  }
0x1e: {  	s7 =	smul.u32 @!p0 $0xF7A, s2;
	p2 =	seq.s32 @!p0 s5, $0x0  }
0x1f: {  	s9 =	smul.u32 $0xF7A, s1;
	s8 =	simm.s32 @!p0 $0x1BF5;
	p2 =	por !p2, p0  }
0x20: {  	[sflag:s8] =	ssyncset.s32 @!p0 $0xFFFFF086;
	s6 =	sadd.s32 @!p0 s3, s7;
	s7 =	simm.s32 @!p0 $0x108  }
0x21: {  	s3 =	sadd.s32 s3, s9;
	s6 =	sadd.s32 @!p0 $0x88, s6;
	s7 =	simm.s32 @p2 $0x1082  }
0x22: {  	[simem:s7], [sflag:s8] =	dma.local @!p0 [hbm:s6], $0xF7A  }
0x23: {  	s9 =	sor.u32 $0xD0000000, s2;
	s6 =	simm.s32 $0x108;
	_ =	swait.ge @!p0 [sflag:s8], $0x0  }
0x24: {  	s3 =	sadd.s32 $0x88, s3;
	s6 =	simm.s32 @!p1 $0x1082;
	[sflag:s4] =	ssyncset.s32 $0xFFFFF086  }
0x25: {  	[simem:s6], [sflag:s4] =	dma.local [hbm:s3], $0xF7A  }
0x26: {  	[smem:$0x3F98] =	sst s1;
	(tag) =	ssettag s2;
	_ =	strace s9  }
0x27: {  	s1 =	sld [smem:$0x3FA8]  }
0x28: {  	s2 =	sld [smem:$0x3FA9]  }
0x29: {  	s4 =	sld [smem:$0x3FAB]  }
0x2a: {  	p0 =	seq.s32 s5, $0x0;
	s5 =	sld [smem:$0x3FAC]  }
0x2b: {  	s6 =	sld [smem:$0x3FAD]  }
0x2c: {  	s7 =	sld [smem:$0x3FAE]  }
0x2d: {  	s3 =	simm.s32 $0x108;
	s8 =	sld [smem:$0x3FAF]  }
0x2e: {  	s3 =	simm.s32 @!p0 $0x1082;
	s9 =	sld [smem:$0x3FB0]  }
0x2f: {  	lr =	sadd.s32 s0, s3;
	s0 =	sld [smem:$0x3FA7]  }
0x30: {  	s3 =	sld [smem:$0x3FAA]  }
0x31: {  	[smem:$0x3FB3] =	sst s10  }
0x32: {  	s10 =	sld [smem:$0x3FB1];
	_ =	sdelay $0x3  }
0x33: {  	p0 =	seq.s32 s10, $0x1;
	s10 =	sld [smem:$0x3FB3];
	_ =	sdelay $0x3  }
0x34: {  	[smem:$0x3FB3] =	sst s10  }
0x35: {  	s10 =	sld [smem:$0x3FB2];
	_ =	sdelay $0x3  }
0x36: {  	p1 =	seq.s32 s10, $0x1;
	s10 =	sld [smem:$0x3FB3];
	_ =	sdelay $0x3  }
0x37: {  	[smem:$0x3FB3] =	sst s10  }
0x38: {  	s10 =	sld [smem:$0x3FB4]  }
0x39: {  	_ = 	snop;
	(pc) =	sbr.ind lr, $3  }
0x3a: {  	_ = 	snop  }
0x3b: {  	_ = 	snop  }
0x3c: {  	p2 =	seq.s32 s10, $0x1;
	s10 =	sld [smem:$0x3FB3]  }
0x3d: {  	_ =	shalt  }
0x3e: {  	_ =	shalt  }
0x3f: {  	_ =	shalt  }
0x40: {  	_ =	shalt  }
0x41: {  	_ =	shalt  }
0x42: {  	_ =	shalt  }
0x43: {  	_ =	shalt  }
0x44: {  	_ =	shalt  }
0x45: {  	_ =	shalt  }
0x46: {  	_ =	shalt  }
0x47: {  	_ =	shalt  }
0x48: {  	_ =	shalt  }
0x49: {  	_ =	shalt  }
0x4a: {  	_ =	shalt  }
0x4b: {  	_ =	shalt  }
0x4c: {  	_ =	shalt  }
0x4d: {  	_ =	shalt  }
0x4e: {  	_ =	shalt  }
0x4f: {  	_ =	shalt  }
0x50: {  	_ =	shalt  }
0x51: {  	_ =	shalt  }
0x52: {  	_ =	shalt  }
0x53: {  	_ =	shalt  }
0x54: {  	_ =	shalt  }
0x55: {  	_ =	shalt  }
0x56: {  	_ =	shalt  }
0x57: {  	_ =	shalt  }
0x58: {  	_ =	shalt  }
0x59: {  	_ =	shalt  }
0x5a: {  	_ =	shalt  }
0x5b: {  	_ =	shalt  }
0x5c: {  	_ =	shalt  }
0x5d: {  	_ =	shalt  }
0x5e: {  	_ =	shalt  }
0x5f: {  	_ =	shalt  }
0x60: {  	_ =	shalt  }
0x61: {  	_ =	shalt  }
0x62: {  	_ =	shalt  }
0x63: {  	_ =	shalt  }
0x64: {  	_ =	shalt  }
0x65: {  	_ =	shalt  }
0x66: {  	_ =	shalt  }
0x67: {  	_ =	shalt  }
0x68: {  	_ =	shalt  }
0x69: {  	_ =	shalt  }
0x6a: {  	_ =	shalt  }
0x6b: {  	_ =	shalt  }
0x6c: {  	_ =	shalt  }
0x6d: {  	_ =	shalt  }
0x6e: {  	_ =	shalt  }
0x6f: {  	_ =	shalt  }
0x70: {  	_ =	shalt  }
0x71: {  	_ =	shalt  }
0x72: {  	_ =	shalt  }
0x73: {  	_ =	shalt  }
0x74: {  	_ =	shalt  }
0x75: {  	_ =	shalt  }
0x76: {  	_ =	shalt  }
0x77: {  	_ =	shalt  }
0x78: {  	_ =	shalt  }
0x79: {  	_ =	shalt  }
0x7a: {  	_ =	shalt  }
0x7b: {  	_ =	shalt  }
0x7c: {  	_ =	shalt  }
0x7d: {  	_ =	shalt  }
0x7e: {  	_ =	shalt  }
0x7f: {  	_ =	shalt  }
0x80: {  	_ =	shalt  }
0x81: {  	_ =	shalt  }
0x82: {  	_ =	shalt  }
0x83: {  	_ =	shalt  }
0x84: {  	_ =	shalt  }
0x85: {  	_ =	shalt  }
0x86: {  	_ =	shalt  }
0x87: {  	_ =	shalt  }
.Lfunc_end0:
.L_simem_size_0:
called_computation.1_lowered:
.L_overlay_start_0:
0x88: {  	s2 =	sld [smem:$0x3FD9]  }
0x89: {  	s3 =	sld [smem:$0x3FFE];
	_ =	sdelay $0x1  }
0x8a: {  	s1 =	srdreg.scid  }
0x8b: {  	s0 =	sand.u32 $0x1, s1  }
0x8c: {  	s16 =	sshll.u32 s0, $0xA;
	s2 =	sadd.s32 s3, s2  }
0x8d: {  	s2 =	sadd.s32 s2, s16  }
0x8e: {  	[smem:$0x3FBF] =	sst s2  }
0x8f: {  	_ = 	snop  }
0x90: {  	(tm) =	ssettm $0x1  }
0x91: {  	s17 =	sld [smem:$0x3FFB];
	_ =	sdelay $0x3  }
0x92: {  	_ =	strace s17  }
0x93: {  	s2 =	sld [smem:$0x3FFC];
	_ =	sdelay $0x3  }
0x94: {  	_ =	strace s2  }
0x95: {  	s2 =	sld [smem:$0x3FFD];
	_ =	sdelay $0x3  }
0x96: {  	_ =	strace s2  }
0x97: {  	_ =	strace $0x8FFFFFFF  }
0x98: {  	s18 =	sld [smem:$0x3FDB];
	_ =	sdelay $0x1  }
0x99: {  	s19 =	simm.s32 $_scs_section_size  }
0x9a: {  	s4 =	simm.s32 $_size__tile_overlayer_lowered;
	s5 =	simm.s32 $_tile_overlayer_lowered  }
0x9b: {  	s22 =	simm.s32 $0x1BFF;
	s21 =	sshll.u32 s5, $0x1;
	s2 =	sadd.s32 s19, s18  }
0x9c: {  	s6 =	simm.s32 $0x0;
	s20 =	sshll.u32 s4, $0x1;
	s4 =	sadd.s32 s21, s2  }
0x9d: {  	[timem:s6], [sflag:s22] =	dma.local [hbm:s4], s20  }
0x9e: {  	_ =	swait.ge [sflag:s22], s20  }
0x9f: {  	s3 =	ssub.s32 $0x0, s20;
	[sflag:s22] =	ssyncset.done $0x0  }
0xa0: {  	[sflag:s22] =	ssyncadd.s32 s3;
	_ =	sdelay $0x1  }
0xa1: {  	s23 =	simm.s32 $0x1B8B  }
0xa2: {  	_ =	swait.ge [sflag:s23], $0x1  }
0xa3: {  	[sflag:s23] =	ssyncset.done $0x0  }
0xa4: {  	s25 =	simm.s32 $0x1B8E;
	s24 =	sld [smem:$0x3FFE];
	[sflag:s23] =	ssyncadd.s32 $0xFFFFFFFF  }
0xa5: {  	s26 =	simm.s32 $execute0_lowered;
	[smem:$0x3FD2] =	sst s25  }
0xa6: {  	s4 =	sshll.u32 s26, $0x1;
	_ =	strace $0x80000049;
	[dreg:$0x1] =	wrdreg $0xFFFFFFFF  }
0xa7: {  	s28 =	simm.s32 $_size_execute0_lowered;
	s2 =	sadd.s32 s2, s4;
	[dreg:$0x0] =	wrdreg $0x0  }
0xa8: {  	s4 =	sshll.u32 s28, $0x1;
	[dreg:$0x2] =	wrdreg s2  }
0xa9: {  	[dreg:$0x3] =	wrdreg s4  }
0xaa: {  	[dreg:$0x4] =	wrdreg $0xC0  }
0xab: {  	_ =	task [dreg:s6], $0x5FFFF  }
0xac: {  	[dreg:$0x1] =	wrdreg $0xFFFFFFFF  }
0xad: {  	[dreg:$0x0] =	wrdreg $0x60  }
0xae: {  	[dreg:$0x2] =	wrdreg s24  }
0xaf: {  	[dreg:$0x3] =	wrdreg $0xA4000  }
0xb0: {  	[dreg:$0x4] =	wrdreg $0x9  }
0xb1: {  	_ =	task.clear_ibuf [dreg:s6], $0x5FFFF;
	_ =	strace $0x90000049  }
0xb2: {  	s29 =	simm.s32 $0x9;
	_ =	strace $0x8000004B  }
0xb3: {  	_ =	swait.ge [sflag:s29], $0x1  }
0xb4: {  	[sflag:s29] =	ssyncadd.s32 $0xFFFFFFFF  }
0xb5: {  	_ =	strace $0x9000004B  }
0xb6: {  	_ =	sfence  }
0xb7: {  	s30 =	sld [smem:$0x0];
	_ =	sdelay $0x2  }
0xb8: {  	s31 =	sshll.u32 s1, $0xD;
	s1 =	sshrl.u32 s1, $0x2  }
0xb9: {  	s3 =	sand.u32 $0x4000, s31;
	s1 =	sadd.s32 s1, s30  }
0xba: {  	s0 =	sor.u32 s3, s0;
	s1 =	sshll.u32 s1, $0x11  }
0xbb: {  	s0 =	sor.u32 s1, s0  }
0xbc: {  	s0 =	sadd.s32 $0x8F2B, s0  }
0xbd: {  	[sflag:s0] =	ssyncadd.remote.s32 $0x1  }
0xbe: {  	_ =	sfence.sel $0xFFFF  }
0xbf: {  	[dreg:$0x0] =	wrdreg $0xFFFFFFFF;
	(pc) =	sbr.abs _section_cstart, $3  }
0xc0: {  	[dreg:$0x1] =	wrdreg $0xFFFFFFFF  }
0xc1: {  	_ =	task.clear_ibuf [dreg:s6], $0x2FFFF;
	_ =	strace $0x9FFFFFFF  }
0xc2: {  	(tm) =	ssettm $0x7FFFFFFF  }
0xc3: {  	_ =	shalt  }
tec
execute0_lowered:
.L_overlay_start_1:
0x0: {  	(tag) =	ssettag $0x1  }
0x1: {  	s0 =	rddreg [dreg:$0x0]  }
0x2: {  	s2 =	rddreg [dreg:$0x1];
	s3 =	simm.s32 $0x0  }
0x3: {  	s12 =	stileid.u32;
	s1 =	srdreg.scid;
	s28 =	simm.s32 $0x200  }
0x4: {  	s29 =	simm.s32 $0x7C00;
	s30 =	simm.s32 $0xA;
	s31 =	simm.s32 $0xD  }
0x5: {  	[smem:$0x7FF] =	sst s3;
	s5 =	smul.u32 $0x4E000, s12;
	s4 =	sadd.s32 $0x16400, s0  }
0x6: {  	s1 =	sand.u32 $0x1, s1;
	s6 =	smul.u32 $0x13800, s12;
	s13 =	sadd.s32 $0x2800, s0  }
0x7: {  	s14 =	sadd.s32 $0xC600, s0;
	s10 =	smul.u32 $0x2710, s12;
	s11 =	sadd.s32 $0x8B800, s0  }
0x8: {  	s18 =	sshll.u32 s12, $0x6;
	s0 =	sadd.s32 $0x3D400, s0;
	p0 =	sne.s32 s12, $0xF  }
0x9: {  	s12 =	simm.s32 $0x50;
	_ =	strace $0x8000004A;
	[dreg:$0x8] =	wrdreg s0  }
0xa: {  	s7 =	ssub.s32 $0x2, s1;
	s8 =	smul.u32 $0x27100, s1;
	[dreg:$0x4] =	wrdreg s14  }
0xb: {  	s24 =	sor.u32 $0x1C0F, s18;
	s1 =	smul.u32 $0x138800, s1;
	[dreg:$0x3] =	wrdreg s13  }
0xc: {  	s9 =	sshrl.u32 s7, $0x1;
	s5 =	sshrl.u32 s5, $0x2;
	s17 =	sshrl.u32 s6, $0x3  }
0xd: {  	[dreg:$0x7] =	wrdreg s24;
	s7 =	ssub.s32 s7, s9;
	s5 =	sadd.s32 s5, s2  }
0xe: {  	s8 =	sadd.s32 s10, s8;
	s6 =	sadd.s32 s6, s1;
	s1 =	sshrl.u32 s1, $0x3  }
0xf: {  	s9 =	simm.s32 $0x6;
	[dreg:$0x5] =	wrdreg s5;
	s5 =	sadd.s32 s4, s17  }
0x10: {  	s19 =	sshrl.u32 s8, $0x3;
	s26 =	sadd.s32 $0xF0, s8;
	s6 =	sshrl.u32 s6, $0x3  }
0x11: {  	s16 =	sadd.s32 $0x230, s8;
	s17 =	smax.u32 s7, $0x1;
	s7 =	simm.s32 $0x2C00  }
0x12: {  	[dreg:$0x6] =	wrdreg s5;
	s20 =	sadd.s32 s13, s19;
	s21 =	sadd.s32 $0xA, s19  }
0x13: {  	s22 =	sadd.s32 $0x14, s19;
	s10 =	sshrl.u32 s26, $0x3;
	[dreg:$0x11] =	wrdreg s17  }
0x14: {  	s15 =	sadd.s32 s14, s19;
	s26 =	sadd.s32 $0x138000, s2;
	[dreg:$0x9] =	wrdreg s20  }
0x15: {  	s17 =	simm.s32 $0x400;
	s23 =	sadd.s32 s13, s21;
	[dreg:$0xc] =	wrdreg s15  }
0x16: {  	s25 =	sadd.s32 s13, s22;
	s0 =	sadd.s32 s14, s21;
	[dreg:$0x1a] =	wrdreg s26  }
0x17: {  	s5 =	sadd.s32 s14, s22;
	s15 =	sadd.s32 $0x3C, s19;
	[dreg:$0xa] =	wrdreg s23  }
0x18: {  	s20 =	sadd.s32 $0x190, s8;
	s21 =	sadd.s32 s13, s10;
	[dreg:$0xb] =	wrdreg s25  }
0x19: {  	s22 =	sadd.s32 s10, s14;
	s10 =	simm.s32 $0x0;
	[dreg:$0xd] =	wrdreg s0  }
0x1a: {  	[dreg:$0xe] =	wrdreg s5;
	s0 =	sadd.s32 s11, s6;
	s11 =	sadd.s32 s11, s1  }
0x1b: {  	s18 =	sadd.s32 s15, s14;
	s1 =	sshrl.u32 s16, $0x3;
	[dreg:$0x15] =	wrdreg s21  }
0x1c: {  	[dreg:$0x16] =	wrdreg s22;
	s23 =	sadd.s32 $0x140, s8;
	s8 =	simm.s32 $0xF  }
0x1d: {  	s16 =	simm.s32 $0x3;
	s5 =	simm.s32 $0xB;
	s6 =	simm.s32 $0x7  }
0x1e: {  	s21 =	simm.s32 $0xC;
	s22 =	simm.s32 $0x8;
	[dreg:$0xf] =	wrdreg s0  }
0x1f: {  	s0 =	sadd.s32 $0x27000, s11;
	[dreg:$0x12] =	wrdreg s18;
	s19 =	sadd.s32 s1, s13  }
0x20: {  	[dreg:$0x17] =	wrdreg s23;
	s11 =	simm.s32 $0x1;
	s18 =	simm.s32 $0x9  }
.Ltmp0:
0x21: {  	[dreg:$0x10] =	wrdreg s0;
	s0 =	sadd.s32 s15, s13;
	(pc) =	sbr.rel .LBB2_1-.Ltmp0, $4  }
0x22: {  	s23 =	simm.s32 $0x400;
	[dreg:$0x13] =	wrdreg s0;
	s0 =	sshrl.u32 s20, $0x3  }
0x23: {  	[dreg:$0x14] =	wrdreg s19;
	s19 =	simm.s32 $0x5;
	s25 =	sadd.s32 s0, s14  }
0x24: {  	s20 =	simm.s32 $0xE;
	s0 =	sadd.s32 s0, s13;
	[dreg:$0x18] =	wrdreg s25  }
0x25: {  	s14 =	simm.s32 $0x7C00;
	[dreg:$0x19] =	wrdreg s0;
	s25 =	simm.s32 $0x4  }
.LBB2_4:
0x26: {  	_ =	swait.ge [sflag:s21], $0x2800  }
0x27: {  	[sflag:s21] =	ssyncset.done $0x0  }
0x28: {  	[sflag:s21] =	ssyncadd.s32 $0xFFFFD800  }
0x29: {  	_ =	swait.ge [sflag:s22], $0x50  }
0x2a: {  	[sflag:s22] =	ssyncset.done $0x0  }
0x2b: {  	[sflag:s22] =	ssyncadd.s32 $0xFFFFFFB0  }
0x2c: {  	[spmem:s2] =	stream.indirect.scatter.add.f32 [tilespmem:s14], [sflag:$0xE], $0x80, s29, s12, $0xb8;
	[tilespmem:$0x1DC80] =	vst v63  }
0x2d: {  	_ =	swait.ge [sflag:s31], $0x2800  }
0x2e: {  	[sflag:s31] =	ssyncset.done $0x0  }
0x2f: {  	[sflag:s31] =	ssyncadd.s32 $0xFFFFD800  }
0x30: {  	_ =	swait.ge [sflag:s18], $0x2800  }
0x31: {  	[sflag:s18] =	ssyncset.done $0x0  }
0x32: {  	[sflag:s18] =	ssyncadd.s32 $0xFFFFD800  }
0x33: {  	_ =	swait.ge [sflag:s19], $0x50  }
0x34: {  	[sflag:s19] =	ssyncset.done $0x0  }
0x35: {  	s17 =	simm.s32 $0x400;
	[sflag:s19] =	ssyncadd.s32 $0xFFFFFFB0  }
0x36: {  	[spmem:s2] =	stream.indirect.scatter.add.f32 [tilespmem:s17], [sflag:$0xD], $0x80, s28, s12, $0xb8;
	[tilespmem:$0x1DC80] =	vst v63  }
0x37: {  	_ =	swait.ge [sflag:s20], $0x2800  }
0x38: {  	[sflag:s20] =	ssyncset.done $0x0  }
0x39: {  	[sflag:s20] =	ssyncadd.s32 $0xFFFFD800  }
0x3a: {  	_ =	swait.ge [sflag:s31], $0x2800  }
0x3b: {  	[sflag:s31] =	ssyncset.done $0x0  }
0x3c: {  	[sflag:s31] =	ssyncadd.s32 $0xFFFFD800  }
0x3d: {  	[bflag:$0x0] =	sbarrier.arrive $0xFFFF  }
0x3e: {  	s24 =	rddreg [dreg:$0x7]  }
0x3f: {  	s0 =	rddreg [dreg:$0xf]  }
0x40: {  	s8 =	simm.s32 $0xF;
	s1 =	rddreg [dreg:$0x1c]  }
0x41: {  	[hbm:s0], [sflag:s24] =	dma.local [spmem:s1], $0x2700  }
0x42: {  	_ =	swait.ge [sflag:s8], $0x2700  }
0x43: {  	[sflag:s8] =	ssyncset.done $0x0;
	s0 =	rddreg [dreg:$0x10]  }
0x44: {  	s1 =	rddreg [dreg:$0x1d];
	[sflag:s8] =	ssyncadd.s32 $0xFFFFD900  }
0x45: {  	[hbm:s0], [sflag:s24] =	dma.local @!p0 [spmem:s1], $0x100  }
0x46: {  	s0 =	simm.s32 @!p0 $0xF  }
0x47: {  	_ =	swait.ge @!p0 [sflag:s0], $0x100  }
0x48: {  	s10 =	rddreg [dreg:$0x1b]  }
0x49: {  	s26 =	rddreg [dreg:$0x11];
	s10 =	sadd.s32 $0x1, s10  }
0x4a: {  	p1 =	sne.s32 s10, s26  }
.Ltmp1:
0x4b: {  	_ = 	snop;
	(pc) =	sbr.rel @!p1 .LBB2_5-.Ltmp1, $3  }
0x4c: {  	_ =	sdelay $0x1  }
0x4d: {  	[sflag:s0] =	ssyncset.done @!p0 $0x0  }
0x4e: {  	s7 =	simm.s32 $0x2C00;
	s29 =	simm.s32 $0x7C00;
	[sflag:s0] =	ssyncadd.s32 @!p0 $0xFFFFFF00  }
.LBB2_1:
0x4f: {  	[dreg:$0x1b] =	wrdreg s10  }
0x50: {  	s0 =	rddreg [dreg:$0x5]  }
0x51: {  	s26 =	rddreg [dreg:$0x6];
	s1 =	sshrl.u32 s0, $0x3  }
0x52: {  	[dreg:$0x1c] =	wrdreg s1  }
0x53: {  	[spmem:s1], [sflag:s24] =	dma.local [hbm:s26], $0x2700  }
0x54: {  	_ =	swait.ge [sflag:s8], $0x2700  }
0x55: {  	s0 =	rddreg [dreg:$0x1a]  }
0x56: {  	[sflag:s8] =	ssyncset.done $0x0;
	s1 =	sshrl.u32 @!p0 s0, $0x3;
	s0 =	rddreg [dreg:$0x8]  }
0x57: {  	[sflag:s8] =	ssyncadd.s32 $0xFFFFD900;
	[dreg:$0x1d] =	wrdreg s1  }
0x58: {  	[spmem:s1], [sflag:s24] =	dma.local @!p0 [hbm:s0], $0x100  }
0x59: {  	s24 =	simm.s32 @!p0 $0xF  }
0x5a: {  	_ =	swait.ge @!p0 [sflag:s24], $0x100  }
0x5b: {  	[sflag:s24] =	ssyncset.done @!p0 $0x0  }
0x5c: {  	[sflag:s24] =	ssyncadd.s32 @!p0 $0xFFFFFF00  }
0x5d: {  	[bflag:$0x0] =	sbarrier.arrive $0xFFFF  }
0x5e: {  	s10 =	rddreg [dreg:$0x9]  }
0x5f: {  	[tilespmem:s3], [sflag:$0x1] =	stream.linear.gather [hbm4b:s10+s3], $0x50, $0x38;
	[tilespmem:$0x1DC80] =	vst v63  }
0x60: {  	s1 =	simm.s32 $0x80;
	s13 =	rddreg [dreg:$0xa]  }
0x61: {  	[tilespmem:s1], [sflag:$0x2] =	stream.linear.gather [hbm4b:s13+s3], $0x50, $0x38;
	[tilespmem:$0x1DC80] =	vst v63  }
0x62: {  	s8 =	simm.s32 $0x100;
	s15 =	rddreg [dreg:$0xb]  }
0x63: {  	[tilespmem:s8], [sflag:$0x3] =	stream.linear.gather [hbm4b:s15+s3], $0x50, $0x38;
	[tilespmem:$0x1DC80] =	vst v63  }
0x64: {  	s26 =	simm.s32 $0x180;
	s24 =	rddreg [dreg:$0x15]  }
0x65: {  	[tilespmem:s26], [sflag:$0x4] =	stream.linear.gather [hbm4b:s24+s3], $0x50, $0x38;
	[tilespmem:$0x1DC80] =	vst v63  }
0x66: {  	s13 =	rddreg [dreg:$0xc]  }
0x67: {  	[tilespmem:s28], [sflag:$0x5] =	stream.linear.gather [hbm4b:s13+s3], $0x50, $0x38;
	[tilespmem:$0x1DC80] =	vst v63  }
0x68: {  	s10 =	simm.s32 $0x280;
	s15 =	rddreg [dreg:$0xd]  }
0x69: {  	[tilespmem:s10], [sflag:$0x6] =	stream.linear.gather [hbm4b:s15+s3], $0x50, $0x38;
	[tilespmem:$0x1DC80] =	vst v63  }
0x6a: {  	s24 =	rddreg [dreg:$0xe];
	s15 =	simm.s32 $0x300  }
0x6b: {  	[tilespmem:s15], [sflag:$0x7] =	stream.linear.gather [hbm4b:s24+s3], $0x50, $0x38;
	[tilespmem:$0x1DC80] =	vst v63  }
0x6c: {  	_ =	swait.ge [sflag:s11], $0x50  }
0x6d: {  	[sflag:s11] =	ssyncset.done $0x0  }
0x6e: {  	s26 =	simm.s32 $0x2;
	[sflag:s11] =	ssyncadd.s32 $0xFFFFFFB0  }
0x6f: {  	[tilespmem:s17], [sflag:$0x9] =	stream.indirect.gather [hbm4b:s4+s12], $0x80, s3, s12, $0xb8;
	[tilespmem:$0x1DC80] =	vst v63  }
0x70: {  	_ =	swait.ge [sflag:s26], $0x50  }
0x71: {  	[sflag:s26] =	ssyncset.done $0x0  }
0x72: {  	[sflag:s26] =	ssyncadd.s32 $0xFFFFFFB0  }
0x73: {  	[tilespmem:s7], [sflag:$0xA] =	stream.indirect.gather [hbm4b:s4+s12], $0x80, s1, s12, $0xb8;
	[tilespmem:$0x1DC80] =	vst v63  }
0x74: {  	_ =	swait.ge [sflag:s16], $0x50  }
0x75: {  	[sflag:s16] =	ssyncset.done $0x0  }
0x76: {  	s13 =	simm.s32 $0x5400;
	s24 =	simm.s32 $0x0;
	[sflag:s16] =	ssyncadd.s32 $0xFFFFFFB0  }
0x77: {  	[tilespmem:s13], [sflag:$0xB] =	stream.indirect.gather [hbm4b:s4+s12], $0x80, s8, s12, $0xb8;
	[tilespmem:$0x1DC80] =	vst v63  }
0x78: {  	s17 =	simm.s32 $0x380;
	s26 =	rddreg [dreg:$0x17];
	s8 =	simm.s32 $0x180  }
.LBB2_2:
0x79: {  	_ =	swait.ge [sflag:s18], $0x2800  }
0x7a: {  	[sflag:s18] =	ssyncset.done $0x0  }
0x7b: {  	[sflag:s18] =	ssyncadd.s32 $0xFFFFD800  }
0x7c: {  	_ =	swait.ge [sflag:s19], $0x50  }
0x7d: {  	[sflag:s19] =	ssyncset.done $0x0  }
0x7e: {  	p1 =	seq.s32 s24, $0x0;
	[sflag:s19] =	ssyncadd.s32 $0xFFFFFFB0  }
0x7f: {  	[spmem:s2] =	stream.indirect.scatter.add.f32 [tilespmem:s23], [sflag:$0xD], $0x80, s28, s12, $0xb8;
	[tilespmem:$0x1DC80] =	vst v63  }
0x80: {  	s28 =	simm.s32 @!p1 $0xE  }
0x81: {  	_ =	swait.ge @!p1 [sflag:s28], $0x2800  }
0x82: {  	s0 =	sshrl.u32 s26, $0x3;
	[sflag:s28] =	ssyncset.done @!p1 $0x0;
	s1 =	rddreg [dreg:$0x3]  }
0x83: {  	[sflag:s28] =	ssyncadd.s32 @!p1 $0xFFFFD800;
	s28 =	sadd.s32 s1, s0;
	s1 =	rddreg [dreg:$0x16]  }
0x84: {  	[tilespmem:s3], [sflag:$0x1] =	stream.linear.gather [hbm4b:s28+s3], $0x50, $0x38;
	[tilespmem:$0x1DC80] =	vst v63  }
0x85: {  	s28 =	sadd.s32 s24, s1  }
0x86: {  	[tilespmem:s17], [sflag:$0x8] =	stream.linear.gather [hbm4b:s28+s3], $0x50, $0x38;
	[tilespmem:$0x1DC80] =	vst v63  }
0x87: {  	_ =	swait.ge [sflag:s25], $0x50  }
0x88: {  	[sflag:s25] =	ssyncset.done $0x0  }
0x89: {  	[sflag:s25] =	ssyncadd.s32 $0xFFFFFFB0  }
0x8a: {  	[tilespmem:s29], [sflag:$0xC] =	stream.indirect.gather [hbm4b:s4+s12], $0x80, s8, s12, $0xb8;
	[tilespmem:$0x1DC80] =	vst v63  }
0x8b: {  	_ =	swait.ge [sflag:s30], $0x2800  }
0x8c: {  	[sflag:s30] =	ssyncset.done $0x0  }
0x8d: {  	[sflag:s30] =	ssyncadd.s32 $0xFFFFD800  }
0x8e: {  	_ =	swait.ge [sflag:s9], $0x50  }
0x8f: {  	[sflag:s9] =	ssyncset.done $0x0  }
0x90: {  	[sflag:s9] =	ssyncadd.s32 $0xFFFFFFB0  }
0x91: {  	[spmem:s2] =	stream.indirect.scatter.add.f32 [tilespmem:s7], [sflag:$0xE], $0x80, s10, s12, $0xb8;
	[tilespmem:$0x1DC80] =	vst v63  }
0x92: {  	p1 =	seq.s32 s24, $0x4B0;
	_ =	swait.ge [sflag:s31], $0x2800  }
0x93: {  	s8 =	simm.s32 @!p1 $0x80;
	[sflag:s31] =	ssyncset.done $0x0;
	s1 =	rddreg [dreg:$0x19]  }
0x94: {  	[sflag:s31] =	ssyncadd.s32 $0xFFFFD800;
	s28 =	sadd.s32 @!p1 s24, s1;
	s1 =	simm.s32 @!p1 $0x0  }
0x95: {  	[tilespmem:s8], [sflag:$0x2] =	stream.linear.gather @!p1 [hbm4b:s28+s1], $0x50, $0x38;
	[tilespmem:$0x1DC80] =	vst v63  }
0x96: {  	s8 =	rddreg [dreg:$0x4]  }
0x97: {  	s28 =	simm.s32 $0x200;
	s0 =	sadd.s32 s8, s0  }
0x98: {  	[tilespmem:s28], [sflag:$0x5] =	stream.linear.gather [hbm4b:s0+s3], $0x50, $0x38;
	[tilespmem:$0x1DC80] =	vst v63  }
0x99: {  	_ =	swait.ge [sflag:s11], $0x50  }
0x9a: {  	[sflag:s11] =	ssyncset.done $0x0  }
0x9b: {  	[sflag:s11] =	ssyncadd.s32 $0xFFFFFFB0  }
0x9c: {  	[tilespmem:s23], [sflag:$0x9] =	stream.indirect.gather [hbm4b:s4+s12], $0x80, s3, s12, $0xb8;
	[tilespmem:$0x1DC80] =	vst v63  }
0x9d: {  	_ =	swait.ge [sflag:s5], $0x2800  }
0x9e: {  	[sflag:s5] =	ssyncset.done $0x0  }
0x9f: {  	[sflag:s5] =	ssyncadd.s32 $0xFFFFD800  }
0xa0: {  	_ =	swait.ge [sflag:s6], $0x50  }
0xa1: {  	[sflag:s6] =	ssyncset.done $0x0  }
.Ltmp2:
0xa2: {  	[sflag:s6] =	ssyncadd.s32 $0xFFFFFFB0;
	(pc) =	sbr.rel @p1 .LBB2_4-.Ltmp2, $4  }
0xa3: {  	[spmem:s2] =	stream.indirect.scatter.add.f32 [tilespmem:s13], [sflag:$0xD], $0x80, s15, s12, $0xb8;
	[tilespmem:$0x1DC80] =	vst v63  }
0xa4: {  	s17 =	simm.s32 $0x2C00;
	s29 =	simm.s32 $0x380;
	_ =	swait.ge [sflag:s20], $0x2800  }
0xa5: {  	s7 =	simm.s32 $0x280;
	s10 =	simm.s32 $0x180;
	[sflag:s20] =	ssyncset.done $0x0  }
0xa6: {  	s8 =	simm.s32 $0x300;
	s13 =	simm.s32 $0x5400;
	[sflag:s20] =	ssyncadd.s32 $0xFFFFD800  }
0xa7: {  	s0 =	rddreg [dreg:$0x13]  }
0xa8: {  	s1 =	simm.s32 $0x100;
	s15 =	rddreg [dreg:$0x18];
	s0 =	sadd.s32 s24, s0  }
0xa9: {  	[tilespmem:s1], [sflag:$0x3] =	stream.linear.gather [hbm4b:s0+s3], $0x50, $0x38;
	[tilespmem:$0x1DC80] =	vst v63  }
0xaa: {  	s0 =	sadd.s32 s24, s15;
	s15 =	simm.s32 $0x2  }
0xab: {  	[tilespmem:s7], [sflag:$0x6] =	stream.linear.gather [hbm4b:s0+s3], $0x50, $0x38;
	[tilespmem:$0x1DC80] =	vst v63  }
0xac: {  	_ =	swait.ge [sflag:s15], $0x50  }
0xad: {  	[sflag:s15] =	ssyncset.done $0x0  }
0xae: {  	s7 =	simm.s32 $0x80;
	[sflag:s15] =	ssyncadd.s32 $0xFFFFFFB0  }
0xaf: {  	[tilespmem:s17], [sflag:$0xA] =	stream.indirect.gather [hbm4b:s4+s12], $0x80, s7, s12, $0xb8;
	[tilespmem:$0x1DC80] =	vst v63  }
0xb0: {  	_ =	swait.ge [sflag:s21], $0x2800  }
0xb1: {  	[sflag:s21] =	ssyncset.done $0x0  }
0xb2: {  	[sflag:s21] =	ssyncadd.s32 $0xFFFFD800  }
0xb3: {  	_ =	swait.ge [sflag:s22], $0x50  }
0xb4: {  	[sflag:s22] =	ssyncset.done $0x0  }
0xb5: {  	[sflag:s22] =	ssyncadd.s32 $0xFFFFFFB0  }
0xb6: {  	[spmem:s2] =	stream.indirect.scatter.add.f32 [tilespmem:s14], [sflag:$0xE], $0x80, s29, s12, $0xb8;
	[tilespmem:$0x1DC80] =	vst v63  }
0xb7: {  	_ =	swait.ge [sflag:s31], $0x2800  }
0xb8: {  	[sflag:s31] =	ssyncset.done $0x0;
	s15 =	rddreg [dreg:$0x14]  }
0xb9: {  	s17 =	rddreg [dreg:$0x12];
	[sflag:s31] =	ssyncadd.s32 $0xFFFFD800;
	s0 =	sadd.s32 s24, s15  }
0xba: {  	[tilespmem:s10], [sflag:$0x4] =	stream.linear.gather [hbm4b:s0+s3], $0x50, $0x38;
	[tilespmem:$0x1DC80] =	vst v63  }
0xbb: {  	s26 =	sadd.s32 $0x140, s26;
	s0 =	sadd.s32 s24, s17  }
0xbc: {  	[tilespmem:s8], [sflag:$0x7] =	stream.linear.gather [hbm4b:s0+s3], $0x50, $0x38;
	[tilespmem:$0x1DC80] =	vst v63  }
.Ltmp3:
0xbd: {  	s7 =	simm.s32 $0x2C00;
	_ =	swait.ge [sflag:s16], $0x50;
	(pc) =	sbr.rel .LBB2_2-.Ltmp3, $4  }
0xbe: {  	s29 =	simm.s32 $0x7C00;
	s15 =	simm.s32 $0x300;
	[sflag:s16] =	ssyncset.done $0x0  }
0xbf: {  	s24 =	sadd.s32 $0x28, s24;
	s10 =	simm.s32 $0x280;
	[sflag:s16] =	ssyncadd.s32 $0xFFFFFFB0  }
0xc0: {  	[tilespmem:s13], [sflag:$0xB] =	stream.indirect.gather [hbm4b:s4+s12], $0x80, s1, s12, $0xb8;
	[tilespmem:$0x1DC80] =	vst v63  }
0xc1: {  	s17 =	simm.s32 $0x380;
	s8 =	simm.s32 $0x180;
	s13 =	simm.s32 $0x5400  }
.LBB2_5:
0xc2: {  	_ =	sfence.sel $0x180000  }
0xc3: {  	[bflag:$0x0] =	sbarrier.arrive $0xFFFF  }
0xc4: {  	_ =	strace $0x9000004A  }
0xc5: {  	s0 =	stileid.u32;
	[bflag:$0x2] =	sbarrier.arrive $0xFFFF  }
0xc6: {  	p0 =	sne.s32 s0, $0x0;
	s0 =	rddreg [dreg:$0x2]  }
0xc7: {  	s0 =	sadd.s32 @!p0 $0x100000, s0  }
0xc8: {  	[sflag:s0] =	ssyncadd.tile.s32 @!p0 $0x1;
	_ =	shalt  }
.Lfunc_end2:
_tile_overlayer_lowered:
.L_overlay_start_2:
0xc9: {  	(tag) =	ssettag $0x2  }
0xca: {  	s0 =	rddreg [dreg:$0x0];
	s2 =	stileid.u32  }
0xcb: {  	s1 =	rddreg [dreg:$0x1];
	p0 =	sne.s32 s2, $0x0  }
0xcc: {  	s3 =	rddreg [dreg:$0x2];
	[bflag:$0x3] =	sbarrier.arrive $0xFFFF;
	s2 =	simm.s32 @!p0 $0x1C0F  }
0xcd: {  	[timem:s3], [sflag:s2] =	dma.local @!p0 [hbm:s0], s1  }
0xce: {  	s0 =	simm.s32 @!p0 $0xF  }
0xcf: {  	_ =	swait.ge @!p0 [sflag:s0], s1  }
0xd0: {  	s1 =	ssub.s32 @!p0 $0x0, s1;
	[sflag:s0] =	ssyncset.done @!p0 $0x0  }
0xd1: {  	[sflag:s0] =	ssyncadd.s32 @!p0 s1  }
0xd2: {  	[bflag:$0x3] =	sbarrier.arrive $0xFFFF  }
0xd3: {  	_ =	shalt  }

// kernel: kernel.14.cloned.1.call-start
scs
__scs_entry_jumppad:
0x0: {  	(pc) =	sbr.rel $0x88, $3  }
0x1: {  	(tag) =	ssettag $0x0;
	lr =	simm.s32 $0x1  }
0x2: {  	[smem:$0x3F98] =	sst lr;
	_ =	strace $0xD0000000  }
0x3: {  	_ = 	snop  }
0x4: {  	_ = 	snop  }
0x5: {  	_ = 	snop  }
0x6: {  	_ = 	snop  }
0x7: {  	_ = 	snop  }
__scs_overlays_trampoline_lowered:
0x8: {  	[smem:$0x3FA7] =	sst s0  }
0x9: {  	[smem:$0x3FA8] =	sst s1  }
0xa: {  	[smem:$0x3FA9] =	sst s2  }
0xb: {  	[smem:$0x3FAA] =	sst s3  }
0xc: {  	[smem:$0x3FAB] =	sst s4  }
0xd: {  	[smem:$0x3FAC] =	sst s5  }
0xe: {  	[smem:$0x3FAD] =	sst s6  }
0xf: {  	[smem:$0x3FAE] =	sst s7  }
0x10: {  	[smem:$0x3FAF] =	sst s8  }
0x11: {  	[smem:$0x3FB0] =	sst s9;
	s0 =	simm.s32 @!p0 $0x0  }
0x12: {  	s1 =	sld [smem:$0x3F96];
	s0 =	simm.s32 @p0 $0x1  }
0x13: {  	[smem:$0x3FB1] =	sst s0;
	s0 =	simm.s32 @!p1 $0x0  }
0x14: {  	s2 =	sld [smem:$0x3F95];
	s0 =	simm.s32 @p1 $0x1  }
0x15: {  	[smem:$0x3FB2] =	sst s0;
	s0 =	simm.s32 @!p2 $0x0  }
0x16: {  	s3 =	sld [smem:$0x3FDB];
	s0 =	simm.s32 @p2 $0x1  }
0x17: {  	s4 =	simm.s32 $0x1BF5;
	[smem:$0x3FB4] =	sst s0  }
0x18: {  	s0 =	sld [smem:$0x3F97];
	_ =	swait.ge [sflag:s4], $0x0  }
0x19: {  	s7 =	sld [smem:$0x3F98]  }
0x1a: {  	s8 =	sadd.s32 $0xFFFFE003, lr  }
0x1b: {  	s9 =	sadd.s32 $0xFFFFFEF7, lr;
	s5 =	simm.s32 $0xFFFFFFFF;
	p2 =	slt.u32 s8, $0xFFFFF086  }
0x1c: {  	p1 =	slt.u32 s9, $0xF7A;
	s5 =	simm.s32 @!p2 $0x0  }
0x1d: {  	s5 =	simm.s32 @p1 $0x1;
	p0 =	seq.s32 s7, s2  }
0x1e: {  	s7 =	smul.u32 @!p0 $0xF7A, s2;
	p2 =	seq.s32 @!p0 s5, $0x0  }
0x1f: {  	s9 =	smul.u32 $0xF7A, s1;
	s8 =	simm.s32 @!p0 $0x1BF5;
	p2 =	por !p2, p0  }
0x20: {  	[sflag:s8] =	ssyncset.s32 @!p0 $0xFFFFF086;
	s6 =	sadd.s32 @!p0 s3, s7;
	s7 =	simm.s32 @!p0 $0x108  }
0x21: {  	s3 =	sadd.s32 s3, s9;
	s6 =	sadd.s32 @!p0 $0x88, s6;
	s7 =	simm.s32 @p2 $0x1082  }
0x22: {  	[simem:s7], [sflag:s8] =	dma.local @!p0 [hbm:s6], $0xF7A  }
0x23: {  	s9 =	sor.u32 $0xD0000000, s2;
	s6 =	simm.s32 $0x108;
	_ =	swait.ge @!p0 [sflag:s8], $0x0  }
0x24: {  	s3 =	sadd.s32 $0x88, s3;
	s6 =	simm.s32 @!p1 $0x1082;
	[sflag:s4] =	ssyncset.s32 $0xFFFFF086  }
0x25: {  	[simem:s6], [sflag:s4] =	dma.local [hbm:s3], $0xF7A  }
0x26: {  	[smem:$0x3F98] =	sst s1;
	(tag) =	ssettag s2;
	_ =	strace s9  }
0x27: {  	s1 =	sld [smem:$0x3FA8]  }
0x28: {  	s2 =	sld [smem:$0x3FA9]  }
0x29: {  	s4 =	sld [smem:$0x3FAB]  }
0x2a: {  	p0 =	seq.s32 s5, $0x0;
	s5 =	sld [smem:$0x3FAC]  }
0x2b: {  	s6 =	sld [smem:$0x3FAD]  }
0x2c: {  	s7 =	sld [smem:$0x3FAE]  }
0x2d: {  	s3 =	simm.s32 $0x108;
	s8 =	sld [smem:$0x3FAF]  }
0x2e: {  	s3 =	simm.s32 @!p0 $0x1082;
	s9 =	sld [smem:$0x3FB0]  }
0x2f: {  	lr =	sadd.s32 s0, s3;
	s0 =	sld [smem:$0x3FA7]  }
0x30: {  	s3 =	sld [smem:$0x3FAA]  }
0x31: {  	[smem:$0x3FB3] =	sst s10  }
0x32: {  	s10 =	sld [smem:$0x3FB1];
	_ =	sdelay $0x3  }
0x33: {  	p0 =	seq.s32 s10, $0x1;
	s10 =	sld [smem:$0x3FB3];
	_ =	sdelay $0x3  }
0x34: {  	[smem:$0x3FB3] =	sst s10  }
0x35: {  	s10 =	sld [smem:$0x3FB2];
	_ =	sdelay $0x3  }
0x36: {  	p1 =	seq.s32 s10, $0x1;
	s10 =	sld [smem:$0x3FB3];
	_ =	sdelay $0x3  }
0x37: {  	[smem:$0x3FB3] =	sst s10  }
0x38: {  	s10 =	sld [smem:$0x3FB4]  }
0x39: {  	_ = 	snop;
	(pc) =	sbr.ind lr, $3  }
0x3a: {  	_ = 	snop  }
0x3b: {  	_ = 	snop  }
0x3c: {  	p2 =	seq.s32 s10, $0x1;
	s10 =	sld [smem:$0x3FB3]  }
0x3d: {  	_ =	shalt  }
0x3e: {  	_ =	shalt  }
0x3f: {  	_ =	shalt  }
0x40: {  	_ =	shalt  }
0x41: {  	_ =	shalt  }
0x42: {  	_ =	shalt  }
0x43: {  	_ =	shalt  }
0x44: {  	_ =	shalt  }
0x45: {  	_ =	shalt  }
0x46: {  	_ =	shalt  }
0x47: {  	_ =	shalt  }
0x48: {  	_ =	shalt  }
0x49: {  	_ =	shalt  }
0x4a: {  	_ =	shalt  }
0x4b: {  	_ =	shalt  }
0x4c: {  	_ =	shalt  }
0x4d: {  	_ =	shalt  }
0x4e: {  	_ =	shalt  }
0x4f: {  	_ =	shalt  }
0x50: {  	_ =	shalt  }
0x51: {  	_ =	shalt  }
0x52: {  	_ =	shalt  }
0x53: {  	_ =	shalt  }
0x54: {  	_ =	shalt  }
0x55: {  	_ =	shalt  }
0x56: {  	_ =	shalt  }
0x57: {  	_ =	shalt  }
0x58: {  	_ =	shalt  }
0x59: {  	_ =	shalt  }
0x5a: {  	_ =	shalt  }
0x5b: {  	_ =	shalt  }
0x5c: {  	_ =	shalt  }
0x5d: {  	_ =	shalt  }
0x5e: {  	_ =	shalt  }
0x5f: {  	_ =	shalt  }
0x60: {  	_ =	shalt  }
0x61: {  	_ =	shalt  }
0x62: {  	_ =	shalt  }
0x63: {  	_ =	shalt  }
0x64: {  	_ =	shalt  }
0x65: {  	_ =	shalt  }
0x66: {  	_ =	shalt  }
0x67: {  	_ =	shalt  }
0x68: {  	_ =	shalt  }
0x69: {  	_ =	shalt  }
0x6a: {  	_ =	shalt  }
0x6b: {  	_ =	shalt  }
0x6c: {  	_ =	shalt  }
0x6d: {  	_ =	shalt  }
0x6e: {  	_ =	shalt  }
0x6f: {  	_ =	shalt  }
0x70: {  	_ =	shalt  }
0x71: {  	_ =	shalt  }
0x72: {  	_ =	shalt  }
0x73: {  	_ =	shalt  }
0x74: {  	_ =	shalt  }
0x75: {  	_ =	shalt  }
0x76: {  	_ =	shalt  }
0x77: {  	_ =	shalt  }
0x78: {  	_ =	shalt  }
0x79: {  	_ =	shalt  }
0x7a: {  	_ =	shalt  }
0x7b: {  	_ =	shalt  }
0x7c: {  	_ =	shalt  }
0x7d: {  	_ =	shalt  }
0x7e: {  	_ =	shalt  }
0x7f: {  	_ =	shalt  }
0x80: {  	_ =	shalt  }
0x81: {  	_ =	shalt  }
0x82: {  	_ =	shalt  }
0x83: {  	_ =	shalt  }
0x84: {  	_ =	shalt  }
0x85: {  	_ =	shalt  }
0x86: {  	_ =	shalt  }
0x87: {  	_ =	shalt  }
.Lfunc_end0:
.L_simem_size_0:
called_computation.2_lowered:
.L_overlay_start_0:
0x88: {  	s2 =	sld [smem:$0x3FD9]  }
0x89: {  	s3 =	sld [smem:$0x3FFE];
	_ =	sdelay $0x1  }
0x8a: {  	s1 =	srdreg.scid  }
0x8b: {  	s0 =	sand.u32 $0x1, s1  }
0x8c: {  	s16 =	sshll.u32 s0, $0xA;
	s2 =	sadd.s32 s3, s2  }
0x8d: {  	s2 =	sadd.s32 s2, s16  }
0x8e: {  	[smem:$0x3FBF] =	sst s2  }
0x8f: {  	_ = 	snop  }
0x90: {  	(tm) =	ssettm $0x1  }
0x91: {  	s17 =	sld [smem:$0x3FFB];
	_ =	sdelay $0x3  }
0x92: {  	_ =	strace s17  }
0x93: {  	s2 =	sld [smem:$0x3FFC];
	_ =	sdelay $0x3  }
0x94: {  	_ =	strace s2  }
0x95: {  	s2 =	sld [smem:$0x3FFD];
	_ =	sdelay $0x3  }
0x96: {  	_ =	strace s2  }
0x97: {  	_ =	strace $0x8FFFFFFF  }
0x98: {  	s18 =	sld [smem:$0x3FDB];
	_ =	sdelay $0x1  }
0x99: {  	s19 =	simm.s32 $_scs_section_size  }
0x9a: {  	s4 =	simm.s32 $_size__tile_overlayer_lowered;
	s5 =	simm.s32 $_tile_overlayer_lowered  }
0x9b: {  	s22 =	simm.s32 $0x1BFF;
	s21 =	sshll.u32 s5, $0x1;
	s2 =	sadd.s32 s19, s18  }
0x9c: {  	s6 =	simm.s32 $0x0;
	s20 =	sshll.u32 s4, $0x1;
	s4 =	sadd.s32 s21, s2  }
0x9d: {  	[timem:s6], [sflag:s22] =	dma.local [hbm:s4], s20  }
0x9e: {  	_ =	swait.ge [sflag:s22], s20  }
0x9f: {  	s3 =	ssub.s32 $0x0, s20;
	[sflag:s22] =	ssyncset.done $0x0  }
0xa0: {  	[sflag:s22] =	ssyncadd.s32 s3;
	_ =	sdelay $0x1  }
0xa1: {  	s23 =	simm.s32 $0x1B8B  }
0xa2: {  	_ =	swait.ge [sflag:s23], $0x1  }
0xa3: {  	[sflag:s23] =	ssyncset.done $0x0  }
0xa4: {  	s25 =	simm.s32 $0x1B8E;
	s24 =	sld [smem:$0x3FFE];
	[sflag:s23] =	ssyncadd.s32 $0xFFFFFFFF  }
0xa5: {  	s26 =	simm.s32 $execute0_lowered;
	[smem:$0x3FD2] =	sst s25  }
0xa6: {  	s4 =	sshll.u32 s26, $0x1;
	_ =	strace $0x8000004C;
	[dreg:$0x1] =	wrdreg $0xFFFFFFFF  }
0xa7: {  	s28 =	simm.s32 $_size_execute0_lowered;
	s2 =	sadd.s32 s2, s4;
	[dreg:$0x0] =	wrdreg $0x0  }
0xa8: {  	s4 =	sshll.u32 s28, $0x1;
	[dreg:$0x2] =	wrdreg s2  }
0xa9: {  	[dreg:$0x3] =	wrdreg s4  }
0xaa: {  	[dreg:$0x4] =	wrdreg $0xC0  }
0xab: {  	_ =	task [dreg:s6], $0x5FFFF  }
0xac: {  	[dreg:$0x1] =	wrdreg $0xFFFFFFFF  }
0xad: {  	[dreg:$0x0] =	wrdreg $0x60  }
0xae: {  	[dreg:$0x2] =	wrdreg s24  }
0xaf: {  	[dreg:$0x3] =	wrdreg $0xA4000  }
0xb0: {  	[dreg:$0x4] =	wrdreg $0x9  }
0xb1: {  	_ =	task.clear_ibuf [dreg:s6], $0x5FFFF;
	_ =	strace $0x9000004C  }
0xb2: {  	s29 =	simm.s32 $0x9;
	_ =	strace $0x8000004E  }
0xb3: {  	_ =	swait.ge [sflag:s29], $0x1  }
0xb4: {  	[sflag:s29] =	ssyncadd.s32 $0xFFFFFFFF  }
0xb5: {  	_ =	strace $0x9000004E  }
0xb6: {  	_ =	sfence  }
0xb7: {  	s30 =	sld [smem:$0x0];
	_ =	sdelay $0x2  }
0xb8: {  	s31 =	sshll.u32 s1, $0xD;
	s1 =	sshrl.u32 s1, $0x2  }
0xb9: {  	s3 =	sand.u32 $0x4000, s31;
	s1 =	sadd.s32 s1, s30  }
0xba: {  	s0 =	sor.u32 s3, s0;
	s1 =	sshll.u32 s1, $0x11  }
0xbb: {  	s0 =	sor.u32 s1, s0  }
0xbc: {  	s0 =	sadd.s32 $0x8F2B, s0  }
0xbd: {  	[sflag:s0] =	ssyncadd.remote.s32 $0x1  }
0xbe: {  	_ =	sfence.sel $0xFFFF  }
0xbf: {  	[dreg:$0x0] =	wrdreg $0xFFFFFFFF;
	(pc) =	sbr.abs _section_cstart, $3  }
0xc0: {  	[dreg:$0x1] =	wrdreg $0xFFFFFFFF  }
0xc1: {  	_ =	task.clear_ibuf [dreg:s6], $0x2FFFF;
	_ =	strace $0x9FFFFFFF  }
0xc2: {  	(tm) =	ssettm $0x7FFFFFFF  }
0xc3: {  	_ =	shalt  }
tec
execute0_lowered:
.L_overlay_start_1:
0x0: {  	(tag) =	ssettag $0x1  }
0x1: {  	s0 =	rddreg [dreg:$0x0]  }
0x2: {  	s2 =	rddreg [dreg:$0x1];
	s3 =	simm.s32 $0x0  }
0x3: {  	s12 =	stileid.u32;
	s1 =	srdreg.scid;
	s28 =	simm.s32 $0x200  }
0x4: {  	s29 =	simm.s32 $0x7C00;
	s30 =	simm.s32 $0xA;
	s31 =	simm.s32 $0xD  }
0x5: {  	[smem:$0x7FF] =	sst s3;
	s5 =	smul.u32 $0x4E000, s12;
	s4 =	sadd.s32 $0x16400, s0  }
0x6: {  	s1 =	sand.u32 $0x1, s1;
	s6 =	smul.u32 $0x13800, s12;
	s13 =	sadd.s32 $0x2800, s0  }
0x7: {  	s14 =	sadd.s32 $0xC600, s0;
	s10 =	smul.u32 $0x2710, s12;
	s11 =	sadd.s32 $0x8B800, s0  }
0x8: {  	s18 =	sshll.u32 s12, $0x6;
	s0 =	sadd.s32 $0x3D400, s0;
	p0 =	sne.s32 s12, $0xF  }
0x9: {  	s12 =	simm.s32 $0x50;
	_ =	strace $0x8000004D;
	[dreg:$0x8] =	wrdreg s0  }
0xa: {  	s7 =	ssub.s32 $0x2, s1;
	s8 =	smul.u32 $0x27100, s1;
	[dreg:$0x4] =	wrdreg s14  }
0xb: {  	s24 =	sor.u32 $0x1C0F, s18;
	s1 =	smul.u32 $0x138800, s1;
	[dreg:$0x3] =	wrdreg s13  }
0xc: {  	s9 =	sshrl.u32 s7, $0x1;
	s5 =	sshrl.u32 s5, $0x2;
	s17 =	sshrl.u32 s6, $0x3  }
0xd: {  	[dreg:$0x7] =	wrdreg s24;
	s7 =	ssub.s32 s7, s9;
	s5 =	sadd.s32 s5, s2  }
0xe: {  	s8 =	sadd.s32 s10, s8;
	s6 =	sadd.s32 s6, s1;
	s1 =	sshrl.u32 s1, $0x3  }
0xf: {  	s9 =	simm.s32 $0x6;
	[dreg:$0x5] =	wrdreg s5;
	s5 =	sadd.s32 s4, s17  }
0x10: {  	s19 =	sshrl.u32 s8, $0x3;
	s26 =	sadd.s32 $0xF0, s8;
	s6 =	sshrl.u32 s6, $0x3  }
0x11: {  	s16 =	sadd.s32 $0x230, s8;
	s17 =	smax.u32 s7, $0x1;
	s7 =	simm.s32 $0x2C00  }
0x12: {  	[dreg:$0x6] =	wrdreg s5;
	s20 =	sadd.s32 s13, s19;
	s21 =	sadd.s32 $0xA, s19  }
0x13: {  	s22 =	sadd.s32 $0x14, s19;
	s10 =	sshrl.u32 s26, $0x3;
	[dreg:$0x11] =	wrdreg s17  }
0x14: {  	s15 =	sadd.s32 s14, s19;
	s26 =	sadd.s32 $0x138000, s2;
	[dreg:$0x9] =	wrdreg s20  }
0x15: {  	s17 =	simm.s32 $0x400;
	s23 =	sadd.s32 s13, s21;
	[dreg:$0xc] =	wrdreg s15  }
0x16: {  	s25 =	sadd.s32 s13, s22;
	s0 =	sadd.s32 s14, s21;
	[dreg:$0x1a] =	wrdreg s26  }
0x17: {  	s5 =	sadd.s32 s14, s22;
	s15 =	sadd.s32 $0x3C, s19;
	[dreg:$0xa] =	wrdreg s23  }
0x18: {  	s20 =	sadd.s32 $0x190, s8;
	s21 =	sadd.s32 s13, s10;
	[dreg:$0xb] =	wrdreg s25  }
0x19: {  	s22 =	sadd.s32 s10, s14;
	s10 =	simm.s32 $0x0;
	[dreg:$0xd] =	wrdreg s0  }
0x1a: {  	[dreg:$0xe] =	wrdreg s5;
	s0 =	sadd.s32 s11, s6;
	s11 =	sadd.s32 s11, s1  }
0x1b: {  	s18 =	sadd.s32 s15, s14;
	s1 =	sshrl.u32 s16, $0x3;
	[dreg:$0x15] =	wrdreg s21  }
0x1c: {  	[dreg:$0x16] =	wrdreg s22;
	s23 =	sadd.s32 $0x140, s8;
	s8 =	simm.s32 $0xF  }
0x1d: {  	s16 =	simm.s32 $0x3;
	s5 =	simm.s32 $0xB;
	s6 =	simm.s32 $0x7  }
0x1e: {  	s21 =	simm.s32 $0xC;
	s22 =	simm.s32 $0x8;
	[dreg:$0xf] =	wrdreg s0  }
0x1f: {  	s0 =	sadd.s32 $0x27000, s11;
	[dreg:$0x12] =	wrdreg s18;
	s19 =	sadd.s32 s1, s13  }
0x20: {  	[dreg:$0x17] =	wrdreg s23;
	s11 =	simm.s32 $0x1;
	s18 =	simm.s32 $0x9  }
.Ltmp0:
0x21: {  	[dreg:$0x10] =	wrdreg s0;
	s0 =	sadd.s32 s15, s13;
	(pc) =	sbr.rel .LBB2_1-.Ltmp0, $4  }
0x22: {  	s23 =	simm.s32 $0x400;
	[dreg:$0x13] =	wrdreg s0;
	s0 =	sshrl.u32 s20, $0x3  }
0x23: {  	[dreg:$0x14] =	wrdreg s19;
	s19 =	simm.s32 $0x5;
	s25 =	sadd.s32 s0, s14  }
0x24: {  	s20 =	simm.s32 $0xE;
	s0 =	sadd.s32 s0, s13;
	[dreg:$0x18] =	wrdreg s25  }
0x25: {  	s14 =	simm.s32 $0x7C00;
	[dreg:$0x19] =	wrdreg s0;
	s25 =	simm.s32 $0x4  }
.LBB2_4:
0x26: {  	_ =	swait.ge [sflag:s21], $0x2800  }
0x27: {  	[sflag:s21] =	ssyncset.done $0x0  }
0x28: {  	[sflag:s21] =	ssyncadd.s32 $0xFFFFD800  }
0x29: {  	_ =	swait.ge [sflag:s22], $0x50  }
0x2a: {  	[sflag:s22] =	ssyncset.done $0x0  }
0x2b: {  	[sflag:s22] =	ssyncadd.s32 $0xFFFFFFB0  }
0x2c: {  	[spmem:s2] =	stream.indirect.scatter.add.f32 [tilespmem:s14], [sflag:$0xE], $0x80, s29, s12, $0xb8;
	[tilespmem:$0x1DC80] =	vst v63  }
0x2d: {  	_ =	swait.ge [sflag:s31], $0x2800  }
0x2e: {  	[sflag:s31] =	ssyncset.done $0x0  }
0x2f: {  	[sflag:s31] =	ssyncadd.s32 $0xFFFFD800  }
0x30: {  	_ =	swait.ge [sflag:s18], $0x2800  }
0x31: {  	[sflag:s18] =	ssyncset.done $0x0  }
0x32: {  	[sflag:s18] =	ssyncadd.s32 $0xFFFFD800  }
0x33: {  	_ =	swait.ge [sflag:s19], $0x50  }
0x34: {  	[sflag:s19] =	ssyncset.done $0x0  }
0x35: {  	s17 =	simm.s32 $0x400;
	[sflag:s19] =	ssyncadd.s32 $0xFFFFFFB0  }
0x36: {  	[spmem:s2] =	stream.indirect.scatter.add.f32 [tilespmem:s17], [sflag:$0xD], $0x80, s28, s12, $0xb8;
	[tilespmem:$0x1DC80] =	vst v63  }
0x37: {  	_ =	swait.ge [sflag:s20], $0x2800  }
0x38: {  	[sflag:s20] =	ssyncset.done $0x0  }
0x39: {  	[sflag:s20] =	ssyncadd.s32 $0xFFFFD800  }
0x3a: {  	_ =	swait.ge [sflag:s31], $0x2800  }
0x3b: {  	[sflag:s31] =	ssyncset.done $0x0  }
0x3c: {  	[sflag:s31] =	ssyncadd.s32 $0xFFFFD800  }
0x3d: {  	[bflag:$0x0] =	sbarrier.arrive $0xFFFF  }
0x3e: {  	s24 =	rddreg [dreg:$0x7]  }
0x3f: {  	s0 =	rddreg [dreg:$0xf]  }
0x40: {  	s8 =	simm.s32 $0xF;
	s1 =	rddreg [dreg:$0x1c]  }
0x41: {  	[hbm:s0], [sflag:s24] =	dma.local [spmem:s1], $0x2700  }
0x42: {  	_ =	swait.ge [sflag:s8], $0x2700  }
0x43: {  	[sflag:s8] =	ssyncset.done $0x0;
	s0 =	rddreg [dreg:$0x10]  }
0x44: {  	s1 =	rddreg [dreg:$0x1d];
	[sflag:s8] =	ssyncadd.s32 $0xFFFFD900  }
0x45: {  	[hbm:s0], [sflag:s24] =	dma.local @!p0 [spmem:s1], $0x100  }
0x46: {  	s0 =	simm.s32 @!p0 $0xF  }
0x47: {  	_ =	swait.ge @!p0 [sflag:s0], $0x100  }
0x48: {  	s10 =	rddreg [dreg:$0x1b]  }
0x49: {  	s26 =	rddreg [dreg:$0x11];
	s10 =	sadd.s32 $0x1, s10  }
0x4a: {  	p1 =	sne.s32 s10, s26  }
.Ltmp1:
0x4b: {  	_ = 	snop;
	(pc) =	sbr.rel @!p1 .LBB2_5-.Ltmp1, $3  }
0x4c: {  	_ =	sdelay $0x1  }
0x4d: {  	[sflag:s0] =	ssyncset.done @!p0 $0x0  }
0x4e: {  	s7 =	simm.s32 $0x2C00;
	s29 =	simm.s32 $0x7C00;
	[sflag:s0] =	ssyncadd.s32 @!p0 $0xFFFFFF00  }
.LBB2_1:
0x4f: {  	[dreg:$0x1b] =	wrdreg s10  }
0x50: {  	s0 =	rddreg [dreg:$0x5]  }
0x51: {  	s26 =	rddreg [dreg:$0x6];
	s1 =	sshrl.u32 s0, $0x3  }
0x52: {  	[dreg:$0x1c] =	wrdreg s1  }
0x53: {  	[spmem:s1], [sflag:s24] =	dma.local [hbm:s26], $0x2700  }
0x54: {  	_ =	swait.ge [sflag:s8], $0x2700  }
0x55: {  	s0 =	rddreg [dreg:$0x1a]  }
0x56: {  	[sflag:s8] =	ssyncset.done $0x0;
	s1 =	sshrl.u32 @!p0 s0, $0x3;
	s0 =	rddreg [dreg:$0x8]  }
0x57: {  	[sflag:s8] =	ssyncadd.s32 $0xFFFFD900;
	[dreg:$0x1d] =	wrdreg s1  }
0x58: {  	[spmem:s1], [sflag:s24] =	dma.local @!p0 [hbm:s0], $0x100  }
0x59: {  	s24 =	simm.s32 @!p0 $0xF  }
0x5a: {  	_ =	swait.ge @!p0 [sflag:s24], $0x100  }
0x5b: {  	[sflag:s24] =	ssyncset.done @!p0 $0x0  }
0x5c: {  	[sflag:s24] =	ssyncadd.s32 @!p0 $0xFFFFFF00  }
0x5d: {  	[bflag:$0x0] =	sbarrier.arrive $0xFFFF  }
0x5e: {  	s10 =	rddreg [dreg:$0x9]  }
0x5f: {  	[tilespmem:s3], [sflag:$0x1] =	stream.linear.gather [hbm4b:s10+s3], $0x50, $0x38;
	[tilespmem:$0x1DC80] =	vst v63  }
0x60: {  	s1 =	simm.s32 $0x80;
	s13 =	rddreg [dreg:$0xa]  }
0x61: {  	[tilespmem:s1], [sflag:$0x2] =	stream.linear.gather [hbm4b:s13+s3], $0x50, $0x38;
	[tilespmem:$0x1DC80] =	vst v63  }
0x62: {  	s8 =	simm.s32 $0x100;
	s15 =	rddreg [dreg:$0xb]  }
0x63: {  	[tilespmem:s8], [sflag:$0x3] =	stream.linear.gather [hbm4b:s15+s3], $0x50, $0x38;
	[tilespmem:$0x1DC80] =	vst v63  }
0x64: {  	s26 =	simm.s32 $0x180;
	s24 =	rddreg [dreg:$0x15]  }
0x65: {  	[tilespmem:s26], [sflag:$0x4] =	stream.linear.gather [hbm4b:s24+s3], $0x50, $0x38;
	[tilespmem:$0x1DC80] =	vst v63  }
0x66: {  	s13 =	rddreg [dreg:$0xc]  }
0x67: {  	[tilespmem:s28], [sflag:$0x5] =	stream.linear.gather [hbm4b:s13+s3], $0x50, $0x38;
	[tilespmem:$0x1DC80] =	vst v63  }
0x68: {  	s10 =	simm.s32 $0x280;
	s15 =	rddreg [dreg:$0xd]  }
0x69: {  	[tilespmem:s10], [sflag:$0x6] =	stream.linear.gather [hbm4b:s15+s3], $0x50, $0x38;
	[tilespmem:$0x1DC80] =	vst v63  }
0x6a: {  	s24 =	rddreg [dreg:$0xe];
	s15 =	simm.s32 $0x300  }
0x6b: {  	[tilespmem:s15], [sflag:$0x7] =	stream.linear.gather [hbm4b:s24+s3], $0x50, $0x38;
	[tilespmem:$0x1DC80] =	vst v63  }
0x6c: {  	_ =	swait.ge [sflag:s11], $0x50  }
0x6d: {  	[sflag:s11] =	ssyncset.done $0x0  }
0x6e: {  	s26 =	simm.s32 $0x2;
	[sflag:s11] =	ssyncadd.s32 $0xFFFFFFB0  }
0x6f: {  	[tilespmem:s17], [sflag:$0x9] =	stream.indirect.gather [hbm4b:s4+s12], $0x80, s3, s12, $0xb8;
	[tilespmem:$0x1DC80] =	vst v63  }
0x70: {  	_ =	swait.ge [sflag:s26], $0x50  }
0x71: {  	[sflag:s26] =	ssyncset.done $0x0  }
0x72: {  	[sflag:s26] =	ssyncadd.s32 $0xFFFFFFB0  }
0x73: {  	[tilespmem:s7], [sflag:$0xA] =	stream.indirect.gather [hbm4b:s4+s12], $0x80, s1, s12, $0xb8;
	[tilespmem:$0x1DC80] =	vst v63  }
0x74: {  	_ =	swait.ge [sflag:s16], $0x50  }
0x75: {  	[sflag:s16] =	ssyncset.done $0x0  }
0x76: {  	s13 =	simm.s32 $0x5400;
	s24 =	simm.s32 $0x0;
	[sflag:s16] =	ssyncadd.s32 $0xFFFFFFB0  }
0x77: {  	[tilespmem:s13], [sflag:$0xB] =	stream.indirect.gather [hbm4b:s4+s12], $0x80, s8, s12, $0xb8;
	[tilespmem:$0x1DC80] =	vst v63  }
0x78: {  	s17 =	simm.s32 $0x380;
	s26 =	rddreg [dreg:$0x17];
	s8 =	simm.s32 $0x180  }
.LBB2_2:
0x79: {  	_ =	swait.ge [sflag:s18], $0x2800  }
0x7a: {  	[sflag:s18] =	ssyncset.done $0x0  }
0x7b: {  	[sflag:s18] =	ssyncadd.s32 $0xFFFFD800  }
0x7c: {  	_ =	swait.ge [sflag:s19], $0x50  }
0x7d: {  	[sflag:s19] =	ssyncset.done $0x0  }
0x7e: {  	p1 =	seq.s32 s24, $0x0;
	[sflag:s19] =	ssyncadd.s32 $0xFFFFFFB0  }
0x7f: {  	[spmem:s2] =	stream.indirect.scatter.add.f32 [tilespmem:s23], [sflag:$0xD], $0x80, s28, s12, $0xb8;
	[tilespmem:$0x1DC80] =	vst v63  }
0x80: {  	s28 =	simm.s32 @!p1 $0xE  }
0x81: {  	_ =	swait.ge @!p1 [sflag:s28], $0x2800  }
0x82: {  	s0 =	sshrl.u32 s26, $0x3;
	[sflag:s28] =	ssyncset.done @!p1 $0x0;
	s1 =	rddreg [dreg:$0x3]  }
0x83: {  	[sflag:s28] =	ssyncadd.s32 @!p1 $0xFFFFD800;
	s28 =	sadd.s32 s1, s0;
	s1 =	rddreg [dreg:$0x16]  }
0x84: {  	[tilespmem:s3], [sflag:$0x1] =	stream.linear.gather [hbm4b:s28+s3], $0x50, $0x38;
	[tilespmem:$0x1DC80] =	vst v63  }
0x85: {  	s28 =	sadd.s32 s24, s1  }
0x86: {  	[tilespmem:s17], [sflag:$0x8] =	stream.linear.gather [hbm4b:s28+s3], $0x50, $0x38;
	[tilespmem:$0x1DC80] =	vst v63  }
0x87: {  	_ =	swait.ge [sflag:s25], $0x50  }
0x88: {  	[sflag:s25] =	ssyncset.done $0x0  }
0x89: {  	[sflag:s25] =	ssyncadd.s32 $0xFFFFFFB0  }
0x8a: {  	[tilespmem:s29], [sflag:$0xC] =	stream.indirect.gather [hbm4b:s4+s12], $0x80, s8, s12, $0xb8;
	[tilespmem:$0x1DC80] =	vst v63  }
0x8b: {  	_ =	swait.ge [sflag:s30], $0x2800  }
0x8c: {  	[sflag:s30] =	ssyncset.done $0x0  }
0x8d: {  	[sflag:s30] =	ssyncadd.s32 $0xFFFFD800  }
0x8e: {  	_ =	swait.ge [sflag:s9], $0x50  }
0x8f: {  	[sflag:s9] =	ssyncset.done $0x0  }
0x90: {  	[sflag:s9] =	ssyncadd.s32 $0xFFFFFFB0  }
0x91: {  	[spmem:s2] =	stream.indirect.scatter.add.f32 [tilespmem:s7], [sflag:$0xE], $0x80, s10, s12, $0xb8;
	[tilespmem:$0x1DC80] =	vst v63  }
0x92: {  	p1 =	seq.s32 s24, $0x4B0;
	_ =	swait.ge [sflag:s31], $0x2800  }
0x93: {  	s8 =	simm.s32 @!p1 $0x80;
	[sflag:s31] =	ssyncset.done $0x0;
	s1 =	rddreg [dreg:$0x19]  }
0x94: {  	[sflag:s31] =	ssyncadd.s32 $0xFFFFD800;
	s28 =	sadd.s32 @!p1 s24, s1;
	s1 =	simm.s32 @!p1 $0x0  }
0x95: {  	[tilespmem:s8], [sflag:$0x2] =	stream.linear.gather @!p1 [hbm4b:s28+s1], $0x50, $0x38;
	[tilespmem:$0x1DC80] =	vst v63  }
0x96: {  	s8 =	rddreg [dreg:$0x4]  }
0x97: {  	s28 =	simm.s32 $0x200;
	s0 =	sadd.s32 s8, s0  }
0x98: {  	[tilespmem:s28], [sflag:$0x5] =	stream.linear.gather [hbm4b:s0+s3], $0x50, $0x38;
	[tilespmem:$0x1DC80] =	vst v63  }
0x99: {  	_ =	swait.ge [sflag:s11], $0x50  }
0x9a: {  	[sflag:s11] =	ssyncset.done $0x0  }
0x9b: {  	[sflag:s11] =	ssyncadd.s32 $0xFFFFFFB0  }
0x9c: {  	[tilespmem:s23], [sflag:$0x9] =	stream.indirect.gather [hbm4b:s4+s12], $0x80, s3, s12, $0xb8;
	[tilespmem:$0x1DC80] =	vst v63  }
0x9d: {  	_ =	swait.ge [sflag:s5], $0x2800  }
0x9e: {  	[sflag:s5] =	ssyncset.done $0x0  }
0x9f: {  	[sflag:s5] =	ssyncadd.s32 $0xFFFFD800  }
0xa0: {  	_ =	swait.ge [sflag:s6], $0x50  }
0xa1: {  	[sflag:s6] =	ssyncset.done $0x0  }
.Ltmp2:
0xa2: {  	[sflag:s6] =	ssyncadd.s32 $0xFFFFFFB0;
	(pc) =	sbr.rel @p1 .LBB2_4-.Ltmp2, $4  }
0xa3: {  	[spmem:s2] =	stream.indirect.scatter.add.f32 [tilespmem:s13], [sflag:$0xD], $0x80, s15, s12, $0xb8;
	[tilespmem:$0x1DC80] =	vst v63  }
0xa4: {  	s17 =	simm.s32 $0x2C00;
	s29 =	simm.s32 $0x380;
	_ =	swait.ge [sflag:s20], $0x2800  }
0xa5: {  	s7 =	simm.s32 $0x280;
	s10 =	simm.s32 $0x180;
	[sflag:s20] =	ssyncset.done $0x0  }
0xa6: {  	s8 =	simm.s32 $0x300;
	s13 =	simm.s32 $0x5400;
	[sflag:s20] =	ssyncadd.s32 $0xFFFFD800  }
0xa7: {  	s0 =	rddreg [dreg:$0x13]  }
0xa8: {  	s1 =	simm.s32 $0x100;
	s15 =	rddreg [dreg:$0x18];
	s0 =	sadd.s32 s24, s0  }
0xa9: {  	[tilespmem:s1], [sflag:$0x3] =	stream.linear.gather [hbm4b:s0+s3], $0x50, $0x38;
	[tilespmem:$0x1DC80] =	vst v63  }
0xaa: {  	s0 =	sadd.s32 s24, s15;
	s15 =	simm.s32 $0x2  }
0xab: {  	[tilespmem:s7], [sflag:$0x6] =	stream.linear.gather [hbm4b:s0+s3], $0x50, $0x38;
	[tilespmem:$0x1DC80] =	vst v63  }
0xac: {  	_ =	swait.ge [sflag:s15], $0x50  }
0xad: {  	[sflag:s15] =	ssyncset.done $0x0  }
0xae: {  	s7 =	simm.s32 $0x80;
	[sflag:s15] =	ssyncadd.s32 $0xFFFFFFB0  }
0xaf: {  	[tilespmem:s17], [sflag:$0xA] =	stream.indirect.gather [hbm4b:s4+s12], $0x80, s7, s12, $0xb8;
	[tilespmem:$0x1DC80] =	vst v63  }
0xb0: {  	_ =	swait.ge [sflag:s21], $0x2800  }
0xb1: {  	[sflag:s21] =	ssyncset.done $0x0  }
0xb2: {  	[sflag:s21] =	ssyncadd.s32 $0xFFFFD800  }
0xb3: {  	_ =	swait.ge [sflag:s22], $0x50  }
0xb4: {  	[sflag:s22] =	ssyncset.done $0x0  }
0xb5: {  	[sflag:s22] =	ssyncadd.s32 $0xFFFFFFB0  }
0xb6: {  	[spmem:s2] =	stream.indirect.scatter.add.f32 [tilespmem:s14], [sflag:$0xE], $0x80, s29, s12, $0xb8;
	[tilespmem:$0x1DC80] =	vst v63  }
0xb7: {  	_ =	swait.ge [sflag:s31], $0x2800  }
0xb8: {  	[sflag:s31] =	ssyncset.done $0x0;
	s15 =	rddreg [dreg:$0x14]  }
0xb9: {  	s17 =	rddreg [dreg:$0x12];
	[sflag:s31] =	ssyncadd.s32 $0xFFFFD800;
	s0 =	sadd.s32 s24, s15  }
0xba: {  	[tilespmem:s10], [sflag:$0x4] =	stream.linear.gather [hbm4b:s0+s3], $0x50, $0x38;
	[tilespmem:$0x1DC80] =	vst v63  }
0xbb: {  	s26 =	sadd.s32 $0x140, s26;
	s0 =	sadd.s32 s24, s17  }
0xbc: {  	[tilespmem:s8], [sflag:$0x7] =	stream.linear.gather [hbm4b:s0+s3], $0x50, $0x38;
	[tilespmem:$0x1DC80] =	vst v63  }
.Ltmp3:
0xbd: {  	s7 =	simm.s32 $0x2C00;
	_ =	swait.ge [sflag:s16], $0x50;
	(pc) =	sbr.rel .LBB2_2-.Ltmp3, $4  }
0xbe: {  	s29 =	simm.s32 $0x7C00;
	s15 =	simm.s32 $0x300;
	[sflag:s16] =	ssyncset.done $0x0  }
0xbf: {  	s24 =	sadd.s32 $0x28, s24;
	s10 =	simm.s32 $0x280;
	[sflag:s16] =	ssyncadd.s32 $0xFFFFFFB0  }
0xc0: {  	[tilespmem:s13], [sflag:$0xB] =	stream.indirect.gather [hbm4b:s4+s12], $0x80, s1, s12, $0xb8;
	[tilespmem:$0x1DC80] =	vst v63  }
0xc1: {  	s17 =	simm.s32 $0x380;
	s8 =	simm.s32 $0x180;
	s13 =	simm.s32 $0x5400  }
.LBB2_5:
0xc2: {  	_ =	sfence.sel $0x180000  }
0xc3: {  	[bflag:$0x0] =	sbarrier.arrive $0xFFFF  }
0xc4: {  	_ =	strace $0x9000004D  }
0xc5: {  	s0 =	stileid.u32;
	[bflag:$0x2] =	sbarrier.arrive $0xFFFF  }
0xc6: {  	p0 =	sne.s32 s0, $0x0;
	s0 =	rddreg [dreg:$0x2]  }
0xc7: {  	s0 =	sadd.s32 @!p0 $0x100000, s0  }
0xc8: {  	[sflag:s0] =	ssyncadd.tile.s32 @!p0 $0x1;
	_ =	shalt  }
.Lfunc_end2:
_tile_overlayer_lowered:
.L_overlay_start_2:
0xc9: {  	(tag) =	ssettag $0x2  }
0xca: {  	s0 =	rddreg [dreg:$0x0];
	s2 =	stileid.u32  }
0xcb: {  	s1 =	rddreg [dreg:$0x1];
	p0 =	sne.s32 s2, $0x0  }
0xcc: {  	s3 =	rddreg [dreg:$0x2];
	[bflag:$0x3] =	sbarrier.arrive $0xFFFF;
	s2 =	simm.s32 @!p0 $0x1C0F  }
0xcd: {  	[timem:s3], [sflag:s2] =	dma.local @!p0 [hbm:s0], s1  }
0xce: {  	s0 =	simm.s32 @!p0 $0xF  }
0xcf: {  	_ =	swait.ge @!p0 [sflag:s0], s1  }
0xd0: {  	s1 =	ssub.s32 @!p0 $0x0, s1;
	[sflag:s0] =	ssyncset.done @!p0 $0x0  }
0xd1: {  	[sflag:s0] =	ssyncadd.s32 @!p0 s1  }
0xd2: {  	[bflag:$0x3] =	sbarrier.arrive $0xFFFF  }
0xd3: {  	_ =	shalt  }

// kernel: kernel.8.cloned.1.call-start
scs
__scs_entry_jumppad:
0x0: {  	(pc) =	sbr.rel $0x88, $3  }
0x1: {  	(tag) =	ssettag $0x0;
	lr =	simm.s32 $0x1  }
0x2: {  	[smem:$0x3F98] =	sst lr;
	_ =	strace $0xD0000000  }
0x3: {  	_ = 	snop  }
0x4: {  	_ = 	snop  }
0x5: {  	_ = 	snop  }
0x6: {  	_ = 	snop  }
0x7: {  	_ = 	snop  }
__scs_overlays_trampoline_lowered:
0x8: {  	[smem:$0x3FA7] =	sst s0  }
0x9: {  	[smem:$0x3FA8] =	sst s1  }
0xa: {  	[smem:$0x3FA9] =	sst s2  }
0xb: {  	[smem:$0x3FAA] =	sst s3  }
0xc: {  	[smem:$0x3FAB] =	sst s4  }
0xd: {  	[smem:$0x3FAC] =	sst s5  }
0xe: {  	[smem:$0x3FAD] =	sst s6  }
0xf: {  	[smem:$0x3FAE] =	sst s7  }
0x10: {  	[smem:$0x3FAF] =	sst s8  }
0x11: {  	[smem:$0x3FB0] =	sst s9;
	s0 =	simm.s32 @!p0 $0x0  }
0x12: {  	s1 =	sld [smem:$0x3F96];
	s0 =	simm.s32 @p0 $0x1  }
0x13: {  	[smem:$0x3FB1] =	sst s0;
	s0 =	simm.s32 @!p1 $0x0  }
0x14: {  	s2 =	sld [smem:$0x3F95];
	s0 =	simm.s32 @p1 $0x1  }
0x15: {  	[smem:$0x3FB2] =	sst s0;
	s0 =	simm.s32 @!p2 $0x0  }
0x16: {  	s3 =	sld [smem:$0x3FDB];
	s0 =	simm.s32 @p2 $0x1  }
0x17: {  	s4 =	simm.s32 $0x1BF5;
	[smem:$0x3FB4] =	sst s0  }
0x18: {  	s0 =	sld [smem:$0x3F97];
	_ =	swait.ge [sflag:s4], $0x0  }
0x19: {  	s7 =	sld [smem:$0x3F98]  }
0x1a: {  	s8 =	sadd.s32 $0xFFFFE003, lr  }
0x1b: {  	s9 =	sadd.s32 $0xFFFFFEF7, lr;
	s5 =	simm.s32 $0xFFFFFFFF;
	p2 =	slt.u32 s8, $0xFFFFF086  }
0x1c: {  	p1 =	slt.u32 s9, $0xF7A;
	s5 =	simm.s32 @!p2 $0x0  }
0x1d: {  	s5 =	simm.s32 @p1 $0x1;
	p0 =	seq.s32 s7, s2  }
0x1e: {  	s7 =	smul.u32 @!p0 $0xF7A, s2;
	p2 =	seq.s32 @!p0 s5, $0x0  }
0x1f: {  	s9 =	smul.u32 $0xF7A, s1;
	s8 =	simm.s32 @!p0 $0x1BF5;
	p2 =	por !p2, p0  }
0x20: {  	[sflag:s8] =	ssyncset.s32 @!p0 $0xFFFFF086;
	s6 =	sadd.s32 @!p0 s3, s7;
	s7 =	simm.s32 @!p0 $0x108  }
0x21: {  	s3 =	sadd.s32 s3, s9;
	s6 =	sadd.s32 @!p0 $0x88, s6;
	s7 =	simm.s32 @p2 $0x1082  }
0x22: {  	[simem:s7], [sflag:s8] =	dma.local @!p0 [hbm:s6], $0xF7A  }
0x23: {  	s9 =	sor.u32 $0xD0000000, s2;
	s6 =	simm.s32 $0x108;
	_ =	swait.ge @!p0 [sflag:s8], $0x0  }
0x24: {  	s3 =	sadd.s32 $0x88, s3;
	s6 =	simm.s32 @!p1 $0x1082;
	[sflag:s4] =	ssyncset.s32 $0xFFFFF086  }
0x25: {  	[simem:s6], [sflag:s4] =	dma.local [hbm:s3], $0xF7A  }
0x26: {  	[smem:$0x3F98] =	sst s1;
	(tag) =	ssettag s2;
	_ =	strace s9  }
0x27: {  	s1 =	sld [smem:$0x3FA8]  }
0x28: {  	s2 =	sld [smem:$0x3FA9]  }
0x29: {  	s4 =	sld [smem:$0x3FAB]  }
0x2a: {  	p0 =	seq.s32 s5, $0x0;
	s5 =	sld [smem:$0x3FAC]  }
0x2b: {  	s6 =	sld [smem:$0x3FAD]  }
0x2c: {  	s7 =	sld [smem:$0x3FAE]  }
0x2d: {  	s3 =	simm.s32 $0x108;
	s8 =	sld [smem:$0x3FAF]  }
0x2e: {  	s3 =	simm.s32 @!p0 $0x1082;
	s9 =	sld [smem:$0x3FB0]  }
0x2f: {  	lr =	sadd.s32 s0, s3;
	s0 =	sld [smem:$0x3FA7]  }
0x30: {  	s3 =	sld [smem:$0x3FAA]  }
0x31: {  	[smem:$0x3FB3] =	sst s10  }
0x32: {  	s10 =	sld [smem:$0x3FB1];
	_ =	sdelay $0x3  }
0x33: {  	p0 =	seq.s32 s10, $0x1;
	s10 =	sld [smem:$0x3FB3];
	_ =	sdelay $0x3  }
0x34: {  	[smem:$0x3FB3] =	sst s10  }
0x35: {  	s10 =	sld [smem:$0x3FB2];
	_ =	sdelay $0x3  }
0x36: {  	p1 =	seq.s32 s10, $0x1;
	s10 =	sld [smem:$0x3FB3];
	_ =	sdelay $0x3  }
0x37: {  	[smem:$0x3FB3] =	sst s10  }
0x38: {  	s10 =	sld [smem:$0x3FB4]  }
0x39: {  	_ = 	snop;
	(pc) =	sbr.ind lr, $3  }
0x3a: {  	_ = 	snop  }
0x3b: {  	_ = 	snop  }
0x3c: {  	p2 =	seq.s32 s10, $0x1;
	s10 =	sld [smem:$0x3FB3]  }
0x3d: {  	_ =	shalt  }
0x3e: {  	_ =	shalt  }
0x3f: {  	_ =	shalt  }
0x40: {  	_ =	shalt  }
0x41: {  	_ =	shalt  }
0x42: {  	_ =	shalt  }
0x43: {  	_ =	shalt  }
0x44: {  	_ =	shalt  }
0x45: {  	_ =	shalt  }
0x46: {  	_ =	shalt  }
0x47: {  	_ =	shalt  }
0x48: {  	_ =	shalt  }
0x49: {  	_ =	shalt  }
0x4a: {  	_ =	shalt  }
0x4b: {  	_ =	shalt  }
0x4c: {  	_ =	shalt  }
0x4d: {  	_ =	shalt  }
0x4e: {  	_ =	shalt  }
0x4f: {  	_ =	shalt  }
0x50: {  	_ =	shalt  }
0x51: {  	_ =	shalt  }
0x52: {  	_ =	shalt  }
0x53: {  	_ =	shalt  }
0x54: {  	_ =	shalt  }
0x55: {  	_ =	shalt  }
0x56: {  	_ =	shalt  }
0x57: {  	_ =	shalt  }
0x58: {  	_ =	shalt  }
0x59: {  	_ =	shalt  }
0x5a: {  	_ =	shalt  }
0x5b: {  	_ =	shalt  }
0x5c: {  	_ =	shalt  }
0x5d: {  	_ =	shalt  }
0x5e: {  	_ =	shalt  }
0x5f: {  	_ =	shalt  }
0x60: {  	_ =	shalt  }
0x61: {  	_ =	shalt  }
0x62: {  	_ =	shalt  }
0x63: {  	_ =	shalt  }
0x64: {  	_ =	shalt  }
0x65: {  	_ =	shalt  }
0x66: {  	_ =	shalt  }
0x67: {  	_ =	shalt  }
0x68: {  	_ =	shalt  }
0x69: {  	_ =	shalt  }
0x6a: {  	_ =	shalt  }
0x6b: {  	_ =	shalt  }
0x6c: {  	_ =	shalt  }
0x6d: {  	_ =	shalt  }
0x6e: {  	_ =	shalt  }
0x6f: {  	_ =	shalt  }
0x70: {  	_ =	shalt  }
0x71: {  	_ =	shalt  }
0x72: {  	_ =	shalt  }
0x73: {  	_ =	shalt  }
0x74: {  	_ =	shalt  }
0x75: {  	_ =	shalt  }
0x76: {  	_ =	shalt  }
0x77: {  	_ =	shalt  }
0x78: {  	_ =	shalt  }
0x79: {  	_ =	shalt  }
0x7a: {  	_ =	shalt  }
0x7b: {  	_ =	shalt  }
0x7c: {  	_ =	shalt  }
0x7d: {  	_ =	shalt  }
0x7e: {  	_ =	shalt  }
0x7f: {  	_ =	shalt  }
0x80: {  	_ =	shalt  }
0x81: {  	_ =	shalt  }
0x82: {  	_ =	shalt  }
0x83: {  	_ =	shalt  }
0x84: {  	_ =	shalt  }
0x85: {  	_ =	shalt  }
0x86: {  	_ =	shalt  }
0x87: {  	_ =	shalt  }
.Lfunc_end0:
.L_simem_size_0:
called_computation_lowered:
.L_overlay_start_0:
0x88: {  	s2 =	sld [smem:$0x3FD9]  }
0x89: {  	s3 =	sld [smem:$0x3FFE];
	_ =	sdelay $0x1  }
0x8a: {  	s1 =	srdreg.scid  }
0x8b: {  	s0 =	sand.u32 $0x1, s1  }
0x8c: {  	s16 =	sshll.u32 s0, $0xA;
	s2 =	sadd.s32 s3, s2  }
0x8d: {  	s2 =	sadd.s32 s2, s16  }
0x8e: {  	[smem:$0x3FBF] =	sst s2  }
0x8f: {  	_ = 	snop  }
0x90: {  	(tm) =	ssettm $0x1  }
0x91: {  	s17 =	sld [smem:$0x3FFB];
	_ =	sdelay $0x3  }
0x92: {  	_ =	strace s17  }
0x93: {  	s2 =	sld [smem:$0x3FFC];
	_ =	sdelay $0x3  }
0x94: {  	_ =	strace s2  }
0x95: {  	s2 =	sld [smem:$0x3FFD];
	_ =	sdelay $0x3  }
0x96: {  	_ =	strace s2  }
0x97: {  	_ =	strace $0x8FFFFFFF  }
0x98: {  	s18 =	sld [smem:$0x3FDB];
	_ =	sdelay $0x1  }
0x99: {  	s19 =	simm.s32 $_scs_section_size  }
0x9a: {  	s4 =	simm.s32 $_size__tile_overlayer_lowered;
	s5 =	simm.s32 $_tile_overlayer_lowered  }
0x9b: {  	s22 =	simm.s32 $0x1BFF;
	s21 =	sshll.u32 s5, $0x1;
	s2 =	sadd.s32 s19, s18  }
0x9c: {  	s6 =	simm.s32 $0x0;
	s20 =	sshll.u32 s4, $0x1;
	s4 =	sadd.s32 s21, s2  }
0x9d: {  	[timem:s6], [sflag:s22] =	dma.local [hbm:s4], s20  }
0x9e: {  	_ =	swait.ge [sflag:s22], s20  }
0x9f: {  	s3 =	ssub.s32 $0x0, s20;
	[sflag:s22] =	ssyncset.done $0x0  }
0xa0: {  	[sflag:s22] =	ssyncadd.s32 s3;
	_ =	sdelay $0x1  }
0xa1: {  	s23 =	simm.s32 $0x1B8B  }
0xa2: {  	_ =	swait.ge [sflag:s23], $0x1  }
0xa3: {  	[sflag:s23] =	ssyncset.done $0x0  }
0xa4: {  	s25 =	simm.s32 $0x1B8E;
	s24 =	sld [smem:$0x3FFE];
	[sflag:s23] =	ssyncadd.s32 $0xFFFFFFFF  }
0xa5: {  	s26 =	simm.s32 $execute0_lowered;
	[smem:$0x3FD2] =	sst s25  }
0xa6: {  	s4 =	sshll.u32 s26, $0x1;
	_ =	strace $0x80000046;
	[dreg:$0x1] =	wrdreg $0xFFFFFFFF  }
0xa7: {  	s28 =	simm.s32 $_size_execute0_lowered;
	s2 =	sadd.s32 s2, s4;
	[dreg:$0x0] =	wrdreg $0x0  }
0xa8: {  	s4 =	sshll.u32 s28, $0x1;
	[dreg:$0x2] =	wrdreg s2  }
0xa9: {  	[dreg:$0x3] =	wrdreg s4  }
0xaa: {  	[dreg:$0x4] =	wrdreg $0xC0  }
0xab: {  	_ =	task [dreg:s6], $0x5FFFF  }
0xac: {  	[dreg:$0x1] =	wrdreg $0xFFFFFFFF  }
0xad: {  	[dreg:$0x0] =	wrdreg $0x60  }
0xae: {  	[dreg:$0x2] =	wrdreg s24  }
0xaf: {  	[dreg:$0x3] =	wrdreg $0x42800  }
0xb0: {  	[dreg:$0x4] =	wrdreg $0x9  }
0xb1: {  	_ =	task.clear_ibuf [dreg:s6], $0x5FFFF;
	_ =	strace $0x90000046  }
0xb2: {  	s29 =	simm.s32 $0x9;
	_ =	strace $0x80000048  }
0xb3: {  	_ =	swait.ge [sflag:s29], $0x1  }
0xb4: {  	[sflag:s29] =	ssyncadd.s32 $0xFFFFFFFF  }
0xb5: {  	_ =	strace $0x90000048  }
0xb6: {  	_ =	sfence  }
0xb7: {  	s30 =	sld [smem:$0x0];
	_ =	sdelay $0x2  }
0xb8: {  	s31 =	sshll.u32 s1, $0xD;
	s1 =	sshrl.u32 s1, $0x2  }
0xb9: {  	s3 =	sand.u32 $0x4000, s31;
	s1 =	sadd.s32 s1, s30  }
0xba: {  	s0 =	sor.u32 s3, s0;
	s1 =	sshll.u32 s1, $0x11  }
0xbb: {  	s0 =	sor.u32 s1, s0  }
0xbc: {  	s0 =	sadd.s32 $0x8F2B, s0  }
0xbd: {  	[sflag:s0] =	ssyncadd.remote.s32 $0x1  }
0xbe: {  	_ =	sfence.sel $0xFFFF  }
0xbf: {  	[dreg:$0x0] =	wrdreg $0xFFFFFFFF;
	(pc) =	sbr.abs _section_cstart, $3  }
0xc0: {  	[dreg:$0x1] =	wrdreg $0xFFFFFFFF  }
0xc1: {  	_ =	task.clear_ibuf [dreg:s6], $0x2FFFF;
	_ =	strace $0x9FFFFFFF  }
0xc2: {  	(tm) =	ssettm $0x7FFFFFFF  }
0xc3: {  	_ =	shalt  }
tec
execute0_lowered:
.L_overlay_start_1:
0x0: {  	(tag) =	ssettag $0x1  }
0x1: {  	s0 =	rddreg [dreg:$0x0]  }
0x2: {  	s2 =	rddreg [dreg:$0x1]  }
0x3: {  	s3 =	simm.s32 $0x0;
	s13 =	stileid.u32;
	s1 =	srdreg.scid  }
0x4: {  	s28 =	simm.s32 $0x80;
	s29 =	simm.s32 $0x100;
	s30 =	simm.s32 $0x1  }
0x5: {  	s31 =	simm.s32 $0x180;
	[smem:$0x7FF] =	sst s3;
	s4 =	smul.u32 $0x4E000, s13  }
0x6: {  	s5 =	sadd.s32 $0xC600, s0;
	s1 =	sand.u32 $0x1, s1;
	s6 =	smul.u32 $0x13800, s13  }
0x7: {  	s14 =	sadd.s32 $0x16400, s0;
	s10 =	sadd.s32 $0x3D600, s0;
	s11 =	smul.u32 $0x2710, s13  }
0x8: {  	s17 =	sshll.u32 s13, $0x6;
	s18 =	sadd.s32 $0x138000, s2;
	s0 =	sadd.s32 $0x3D400, s0  }
0x9: {  	p0 =	sne.s32 s13, $0xF;
	_ =	strace $0x80000047;
	[dreg:$0x3] =	wrdreg s14  }
0xa: {  	s7 =	ssub.s32 $0x2, s1;
	s8 =	smul.u32 $0x27100, s1;
	[dreg:$0x6] =	wrdreg s18  }
0xb: {  	s1 =	smul.u32 $0x138800, s1;
	[dreg:$0x7] =	wrdreg s0;
	s9 =	sshrl.u32 s7, $0x1  }
0xc: {  	s4 =	sshrl.u32 s4, $0x2;
	s26 =	sshrl.u32 s6, $0x3;
	s12 =	ssub.s32 s7, s9  }
0xd: {  	s4 =	sadd.s32 s4, s2;
	s9 =	sadd.s32 s14, s26;
	s14 =	sadd.s32 s11, s8  }
0xe: {  	s7 =	sor.u32 $0x1C07, s17;
	s20 =	sadd.s32 s6, s1;
	[dreg:$0x4] =	wrdreg s4  }
0xf: {  	s1 =	sshrl.u32 s1, $0x3;
	s6 =	simm.s32 $0x4;
	[dreg:$0x5] =	wrdreg s9  }
0x10: {  	s8 =	sshrl.u32 s14, $0x3;
	s0 =	sshrl.u32 s20, $0x3;
	s23 =	sadd.s32 s10, s1  }
0x11: {  	s16 =	smax.u32 s12, $0x1;
	s24 =	sadd.s32 $0x500, s14;
	s25 =	sadd.s32 $0x480, s14  }
0x12: {  	s26 =	sadd.s32 $0x400, s14;
	s4 =	sadd.s32 $0x380, s14;
	s9 =	sadd.s32 s5, s8  }
0x13: {  	s0 =	sadd.s32 s10, s0;
	s15 =	sadd.s32 $0x27000, s23;
	s1 =	sshrl.u32 s26, $0x3  }
0x14: {  	s4 =	sshrl.u32 s4, $0x3;
	s26 =	simm.s32 $0x200;
	s8 =	simm.s32 $0x4200  }
0x15: {  	s10 =	simm.s32 $0x0;
	s19 =	sadd.s32 $0x10, s9;
	s21 =	sadd.s32 $0x20, s9  }
0x16: {  	s22 =	sadd.s32 $0x4E0, s9;
	[dreg:$0xb] =	wrdreg s0;
	s17 =	sadd.s32 $0x30, s9  }
0x17: {  	s18 =	sadd.s32 $0x40, s9;
	s0 =	sshrl.u32 s24, $0x3;
	s20 =	sadd.s32 $0x60, s9  }
.Ltmp0:
0x18: {  	s23 =	sadd.s32 s1, s5;
	[dreg:$0x8] =	wrdreg s19;
	(pc) =	sbr.rel .LBB2_1-.Ltmp0, $4  }
0x19: {  	s24 =	sadd.s32 s4, s5;
	s1 =	simm.s32 $0x5;
	[dreg:$0x9] =	wrdreg s21  }
0x1a: {  	s4 =	simm.s32 $0x3;
	[dreg:$0xa] =	wrdreg s22;
	s19 =	sadd.s32 $0x50, s9  }
0x1b: {  	s21 =	sadd.s32 s0, s5;
	s0 =	sshrl.u32 s25, $0x3;
	s25 =	simm.s32 $0x7  }
0x1c: {  	s22 =	sadd.s32 s0, s5;
	s0 =	simm.s32 $0x2;
	s5 =	simm.s32 $0x6  }
.LBB2_4:
0x1d: {  	_ =	swait.ge [sflag:s30], $0x80  }
0x1e: {  	[sflag:s30] =	ssyncset.done $0x0  }
0x1f: {  	[sflag:s30] =	ssyncadd.s32 $0xFFFFFF80  }
0x20: {  	[spmem:s2] =	stream.indirect.scatter.add.f32 [tilespmem:s26], [sflag:$0x5], $0x8, s3, s28, $0xb8;
	[tilespmem:$0x5608] =	vst v63  }
0x21: {  	_ =	swait.ge [sflag:s5], $0x400  }
0x22: {  	[sflag:s5] =	ssyncset.done $0x0  }
0x23: {  	[sflag:s5] =	ssyncadd.s32 $0xFFFFFC00  }
0x24: {  	_ =	swait.ge [sflag:s0], $0x80  }
0x25: {  	[sflag:s0] =	ssyncset.done $0x0  }
0x26: {  	[sflag:s0] =	ssyncadd.s32 $0xFFFFFF80  }
0x27: {  	[spmem:s2] =	stream.indirect.scatter.add.f32 [tilespmem:s26], [sflag:$0x6], $0x8, s28, s28, $0xb8;
	[tilespmem:$0x5608] =	vst v63  }
0x28: {  	_ =	swait.ge [sflag:s1], $0x400  }
0x29: {  	[sflag:s1] =	ssyncset.done $0x0  }
0x2a: {  	[sflag:s1] =	ssyncadd.s32 $0xFFFFFC00  }
0x2b: {  	_ =	swait.ge [sflag:s5], $0x400  }
0x2c: {  	[sflag:s5] =	ssyncset.done $0x0  }
0x2d: {  	s13 =	rddreg [dreg:$0xa];
	[sflag:s5] =	ssyncadd.s32 $0xFFFFFC00  }
0x2e: {  	[tilespmem:s8], [sflag:$0x7] =	stream.linear.gather [hbm4b:s13+s3], $0x10, $0x38;
	[tilespmem:$0x5608] =	vst v63  }
0x2f: {  	_ =	swait.ge [sflag:s25], $0x10  }
0x30: {  	[sflag:s25] =	ssyncset.done $0x0  }
0x31: {  	s14 =	simm.s32 $0x10;
	[sflag:s25] =	ssyncadd.s32 $0xFFFFFFF0  }
0x32: {  	[spmem:s2] =	stream.indirect.scatter.add.f32 [tilespmem:s26], [sflag:$0x7], $0x8, s8, s14, $0xb8;
	[tilespmem:$0x5608] =	vst v63  }
0x33: {  	_ =	swait.ge [sflag:s25], $0x80  }
0x34: {  	[sflag:s25] =	ssyncset.done $0x0  }
0x35: {  	[sflag:s25] =	ssyncadd.s32 $0xFFFFFF80  }
0x36: {  	[bflag:$0x0] =	sbarrier.arrive $0xFFFF  }
0x37: {  	s14 =	rddreg [dreg:$0xb]  }
0x38: {  	[hbm:s14], [sflag:s7] =	dma.local [spmem:s11], $0x2700  }
0x39: {  	s10 =	sadd.s32 $0x1, s10;
	_ =	swait.ge [sflag:s25], $0x2700  }
0x3a: {  	p1 =	sne.s32 s10, s16;
	[sflag:s25] =	ssyncset.done $0x0  }
.Ltmp1:
0x3b: {  	s11 =	simm.s32 @!p0 $0x7;
	[sflag:s25] =	ssyncadd.s32 $0xFFFFD900;
	(pc) =	sbr.rel @!p1 .LBB2_5-.Ltmp1, $4  }
0x3c: {  	[hbm:s15], [sflag:s7] =	dma.local @!p0 [spmem:s12], $0x100  }
0x3d: {  	_ =	swait.ge @!p0 [sflag:s11], $0x100  }
0x3e: {  	[sflag:s11] =	ssyncset.done @!p0 $0x0  }
0x3f: {  	[sflag:s11] =	ssyncadd.s32 @!p0 $0xFFFFFF00  }
.LBB2_1:
0x40: {  	s11 =	rddreg [dreg:$0x4]  }
0x41: {  	s12 =	rddreg [dreg:$0x5];
	s11 =	sshrl.u32 s11, $0x3  }
0x42: {  	[spmem:s11], [sflag:s7] =	dma.local [hbm:s12], $0x2700  }
0x43: {  	_ =	swait.ge [sflag:s25], $0x2700  }
0x44: {  	[sflag:s25] =	ssyncset.done $0x0;
	s12 =	rddreg [dreg:$0x6]  }
0x45: {  	s13 =	rddreg [dreg:$0x7];
	[sflag:s25] =	ssyncadd.s32 $0xFFFFD900;
	s12 =	sshrl.u32 @!p0 s12, $0x3  }
0x46: {  	[spmem:s12], [sflag:s7] =	dma.local @!p0 [hbm:s13], $0x100  }
0x47: {  	s13 =	simm.s32 @!p0 $0x7  }
0x48: {  	_ =	swait.ge @!p0 [sflag:s13], $0x100  }
0x49: {  	[sflag:s13] =	ssyncset.done @!p0 $0x0  }
0x4a: {  	s14 =	rddreg [dreg:$0x3];
	[sflag:s13] =	ssyncadd.s32 @!p0 $0xFFFFFF00  }
0x4b: {  	[tilespmem:s26], [sflag:$0x7] =	stream.linear.gather [hbm4b:s14+s3], $0x4000, $0x38;
	[tilespmem:$0x5608] =	vst v63  }
0x4c: {  	_ =	swait.ge [sflag:s25], $0x4000  }
0x4d: {  	[sflag:s25] =	ssyncset.done $0x0  }
0x4e: {  	[sflag:s25] =	ssyncadd.s32 $0xFFFFC000  }
0x4f: {  	[bflag:$0x0] =	sbarrier.arrive $0xFFFF  }
0x50: {  	[tilespmem:s3], [sflag:$0x1] =	stream.linear.gather [hbm4b:s9+s3], $0x80, $0x38;
	[tilespmem:$0x5608] =	vst v63  }
0x51: {  	s14 =	rddreg [dreg:$0x8]  }
0x52: {  	[tilespmem:s28], [sflag:$0x2] =	stream.linear.gather [hbm4b:s14+s3], $0x80, $0x38;
	[tilespmem:$0x5608] =	vst v63  }
0x53: {  	s14 =	rddreg [dreg:$0x9]  }
0x54: {  	[tilespmem:s29], [sflag:$0x3] =	stream.linear.gather [hbm4b:s14+s3], $0x80, $0x38;
	[tilespmem:$0x5608] =	vst v63  }
0x55: {  	_ =	swait.ge [sflag:s30], $0x80  }
0x56: {  	[sflag:s30] =	ssyncset.done $0x0  }
0x57: {  	[sflag:s30] =	ssyncadd.s32 $0xFFFFFF80  }
0x58: {  	[spmem:s2] =	stream.indirect.scatter.add.f32 [tilespmem:s26], [sflag:$0x5], $0x8, s3, s28, $0xb8;
	[tilespmem:$0x5608] =	vst v63  }
0x59: {  	_ = 	snop  }
0x5a: {  	[tilespmem:s31], [sflag:$0x4] =	stream.linear.gather [hbm4b:s17+s3], $0x80, $0x38;
	[tilespmem:$0x5608] =	vst v63  }
0x5b: {  	_ =	swait.ge [sflag:s0], $0x80  }
0x5c: {  	[sflag:s0] =	ssyncset.done $0x0  }
0x5d: {  	[sflag:s0] =	ssyncadd.s32 $0xFFFFFF80  }
0x5e: {  	[spmem:s2] =	stream.indirect.scatter.add.f32 [tilespmem:s26], [sflag:$0x6], $0x8, s28, s28, $0xb8;
	[tilespmem:$0x5608] =	vst v63  }
0x5f: {  	_ =	swait.ge [sflag:s1], $0x400  }
0x60: {  	[sflag:s1] =	ssyncset.done $0x0  }
0x61: {  	[sflag:s1] =	ssyncadd.s32 $0xFFFFFC00  }
0x62: {  	[tilespmem:s3], [sflag:$0x1] =	stream.linear.gather [hbm4b:s18+s3], $0x80, $0x38;
	[tilespmem:$0x5608] =	vst v63  }
0x63: {  	_ =	swait.ge [sflag:s4], $0x80  }
0x64: {  	[sflag:s4] =	ssyncset.done $0x0  }
0x65: {  	[sflag:s4] =	ssyncadd.s32 $0xFFFFFF80  }
0x66: {  	[spmem:s2] =	stream.indirect.scatter.add.f32 [tilespmem:s26], [sflag:$0x5], $0x8, s29, s28, $0xb8;
	[tilespmem:$0x5608] =	vst v63  }
0x67: {  	_ =	swait.ge [sflag:s5], $0x400  }
0x68: {  	[sflag:s5] =	ssyncset.done $0x0  }
0x69: {  	[sflag:s5] =	ssyncadd.s32 $0xFFFFFC00  }
0x6a: {  	[tilespmem:s28], [sflag:$0x2] =	stream.linear.gather [hbm4b:s19+s3], $0x80, $0x38;
	[tilespmem:$0x5608] =	vst v63  }
0x6b: {  	_ =	swait.ge [sflag:s6], $0x80  }
0x6c: {  	[sflag:s6] =	ssyncset.done $0x0  }
0x6d: {  	[sflag:s6] =	ssyncadd.s32 $0xFFFFFF80  }
0x6e: {  	[spmem:s2] =	stream.indirect.scatter.add.f32 [tilespmem:s26], [sflag:$0x6], $0x8, s31, s28, $0xb8;
	[tilespmem:$0x5608] =	vst v63  }
0x6f: {  	_ =	swait.ge [sflag:s1], $0x400  }
0x70: {  	[sflag:s1] =	ssyncset.done $0x0  }
0x71: {  	s13 =	simm.s32 $0x0;
	[sflag:s1] =	ssyncadd.s32 $0xFFFFFC00  }
0x72: {  	[tilespmem:s29], [sflag:$0x3] =	stream.linear.gather [hbm4b:s20+s3], $0x80, $0x38;
	[tilespmem:$0x5608] =	vst v63  }
.LBB2_2:
0x73: {  	_ =	swait.ge [sflag:s30], $0x80  }
0x74: {  	[sflag:s30] =	ssyncset.done $0x0  }
0x75: {  	[sflag:s30] =	ssyncadd.s32 $0xFFFFFF80  }
0x76: {  	[spmem:s2] =	stream.indirect.scatter.add.f32 [tilespmem:s26], [sflag:$0x5], $0x8, s3, s28, $0xb8;
	[tilespmem:$0x5608] =	vst v63  }
0x77: {  	_ =	swait.ge [sflag:s5], $0x400  }
0x78: {  	[sflag:s5] =	ssyncset.done $0x0  }
0x79: {  	s14 =	sadd.s32 s13, s24;
	[sflag:s5] =	ssyncadd.s32 $0xFFFFFC00  }
0x7a: {  	[tilespmem:s31], [sflag:$0x4] =	stream.linear.gather [hbm4b:s14+s3], $0x80, $0x38;
	[tilespmem:$0x5608] =	vst v63  }
0x7b: {  	_ =	swait.ge [sflag:s0], $0x80  }
0x7c: {  	[sflag:s0] =	ssyncset.done $0x0  }
0x7d: {  	[sflag:s0] =	ssyncadd.s32 $0xFFFFFF80  }
0x7e: {  	[spmem:s2] =	stream.indirect.scatter.add.f32 [tilespmem:s26], [sflag:$0x6], $0x8, s28, s28, $0xb8;
	[tilespmem:$0x5608] =	vst v63  }
0x7f: {  	_ =	swait.ge [sflag:s1], $0x400  }
0x80: {  	[sflag:s1] =	ssyncset.done $0x0  }
0x81: {  	s14 =	sadd.s32 s13, s23;
	[sflag:s1] =	ssyncadd.s32 $0xFFFFFC00  }
0x82: {  	[tilespmem:s3], [sflag:$0x1] =	stream.linear.gather [hbm4b:s14+s3], $0x80, $0x38;
	[tilespmem:$0x5608] =	vst v63  }
0x83: {  	_ =	swait.ge [sflag:s4], $0x80  }
0x84: {  	[sflag:s4] =	ssyncset.done $0x0  }
0x85: {  	[sflag:s4] =	ssyncadd.s32 $0xFFFFFF80  }
0x86: {  	[spmem:s2] =	stream.indirect.scatter.add.f32 [tilespmem:s26], [sflag:$0x5], $0x8, s29, s28, $0xb8;
	[tilespmem:$0x5608] =	vst v63  }
0x87: {  	_ =	swait.ge [sflag:s5], $0x400  }
0x88: {  	[sflag:s5] =	ssyncset.done $0x0  }
0x89: {  	s14 =	sadd.s32 s13, s22;
	[sflag:s5] =	ssyncadd.s32 $0xFFFFFC00  }
0x8a: {  	[tilespmem:s28], [sflag:$0x2] =	stream.linear.gather [hbm4b:s14+s3], $0x80, $0x38;
	[tilespmem:$0x5608] =	vst v63  }
0x8b: {  	_ =	swait.ge [sflag:s6], $0x80  }
0x8c: {  	p1 =	seq.s32 s13, $0x440;
	[sflag:s6] =	ssyncset.done $0x0  }
.Ltmp2:
0x8d: {  	[sflag:s6] =	ssyncadd.s32 $0xFFFFFF80;
	(pc) =	sbr.rel @p1 .LBB2_4-.Ltmp2, $4  }
0x8e: {  	[spmem:s2] =	stream.indirect.scatter.add.f32 [tilespmem:s26], [sflag:$0x6], $0x8, s31, s28, $0xb8;
	[tilespmem:$0x5608] =	vst v63  }
0x8f: {  	_ =	swait.ge [sflag:s1], $0x400  }
0x90: {  	[sflag:s1] =	ssyncset.done $0x0  }
0x91: {  	[sflag:s1] =	ssyncadd.s32 $0xFFFFFC00  }
.Ltmp3:
0x92: {  	(pc) =	sbr.rel .LBB2_2-.Ltmp3, $3  }
0x93: {  	_ =	sdelay $0x1  }
0x94: {  	s14 =	sadd.s32 s13, s21;
	s13 =	sadd.s32 $0x40, s13  }
0x95: {  	[tilespmem:s29], [sflag:$0x3] =	stream.linear.gather [hbm4b:s14+s3], $0x80, $0x38;
	[tilespmem:$0x5608] =	vst v63  }
.LBB2_5:
0x96: {  	_ =	sfence.sel $0x180000  }
0x97: {  	[bflag:$0x0] =	sbarrier.arrive $0xFFFF  }
0x98: {  	_ =	strace $0x90000047  }
0x99: {  	s0 =	stileid.u32;
	[bflag:$0x2] =	sbarrier.arrive $0xFFFF  }
0x9a: {  	p0 =	sne.s32 s0, $0x0;
	s0 =	rddreg [dreg:$0x2]  }
0x9b: {  	s0 =	sadd.s32 @!p0 $0x100000, s0  }
0x9c: {  	[sflag:s0] =	ssyncadd.tile.s32 @!p0 $0x1;
	_ =	shalt  }
.Lfunc_end2:
_tile_overlayer_lowered:
.L_overlay_start_2:
0x9d: {  	(tag) =	ssettag $0x2  }
0x9e: {  	s0 =	rddreg [dreg:$0x0];
	s2 =	stileid.u32  }
0x9f: {  	s1 =	rddreg [dreg:$0x1];
	p0 =	sne.s32 s2, $0x0  }
0xa0: {  	s3 =	rddreg [dreg:$0x2];
	[bflag:$0x3] =	sbarrier.arrive $0xFFFF;
	s2 =	simm.s32 @!p0 $0x1C07  }
0xa1: {  	[timem:s3], [sflag:s2] =	dma.local @!p0 [hbm:s0], s1  }
0xa2: {  	s0 =	simm.s32 @!p0 $0x7  }
0xa3: {  	_ =	swait.ge @!p0 [sflag:s0], s1  }
0xa4: {  	s1 =	ssub.s32 @!p0 $0x0, s1;
	[sflag:s0] =	ssyncset.done @!p0 $0x0  }
0xa5: {  	[sflag:s0] =	ssyncadd.s32 @!p0 s1  }
0xa6: {  	[bflag:$0x3] =	sbarrier.arrive $0xFFFF  }
0xa7: {  	_ =	shalt  }

</sc_bundles>
